<compile_context>
chip_gen: v7x
topology: tpu7x:2x2x1
jax: 0.10.2.dev20260603
libtpu: 0.0.44.dev20260713+nightly
codegen_flags: <defaults>
</compile_context>

<pallas_src>
import jax
import jax.numpy as jnp
from jax import lax
from jax.experimental import pallas as pl
from jax.experimental.pallas import tpu as pltpu
from jax.experimental.pallas import tpu_sc as plsc

B, L, D, N, TOPK = 2, 4096, 1024, 4, 2
T = B * L
NW = 32
TPW = T // NW
C = 16
NCH = TPW // C
GBLK = 2048


def _gate_body(x_ref, w_ref, b_ref, ia_ref, ib_ref, wa_ref, wb_ref):
    g0 = pl.program_id(0)
    x = x_ref[...]
    logits = lax.dot_general(x, w_ref[...], (((1,), (0,)), ((), ())),
                             preferred_element_type=jnp.float32)
    logits = logits + b_ref[...]
    lt = logits.T
    l0, l1, l2, l3 = lt[0:1], lt[1:2], lt[2:3], lt[3:4]
    one, zero = jnp.int32(1), jnp.int32(0)
    two, three = jnp.int32(2), jnp.int32(3)
    c01 = l1 > l0
    v01 = jnp.where(c01, l1, l0)
    i01 = jnp.where(c01, one, zero)
    u01 = jnp.where(c01, l0, l1)
    j01 = jnp.where(c01, zero, one)
    c23 = l3 > l2
    v23 = jnp.where(c23, l3, l2)
    i23 = jnp.where(c23, three, two)
    u23 = jnp.where(c23, l2, l3)
    j23 = jnp.where(c23, two, three)
    cw = v23 > v01
    m1 = jnp.where(cw, v23, v01)
    i1 = jnp.where(cw, i23, i01)
    cs_a = u23 > v01
    m2_a = jnp.where(cs_a, u23, v01)
    i2_a = jnp.where(cs_a, j23, i01)
    cs_b = v23 > u01
    m2_b = jnp.where(cs_b, v23, u01)
    i2_b = jnp.where(cs_b, i23, j01)
    m2 = jnp.where(cw, m2_a, m2_b)
    i2 = jnp.where(cw, i2_a, i2_b)
    e = jnp.exp(m2 - m1)
    s = 1.0 + e
    tvec = g0 * GBLK + lax.broadcasted_iota(jnp.int32, (1, GBLK), 1)
    ia_ref[...] = i1 * T + tvec
    ib_ref[...] = i2 * T + tvec
    wa_ref[...] = 1.0 / s
    wb_ref[...] = e / s


def _gate(xf, W_gate, bg):
    return pl.pallas_call(
        _gate_body,
        grid=(T // GBLK,),
        in_specs=[
            pl.BlockSpec((GBLK, D), lambda i: (i, 0)),
            pl.BlockSpec((D, N), lambda i: (0, 0)),
            pl.BlockSpec((1, N), lambda i: (0, 0)),
        ],
        out_specs=[
            pl.BlockSpec((1, GBLK), lambda i: (0, i)),
            pl.BlockSpec((1, GBLK), lambda i: (0, i)),
            pl.BlockSpec((1, GBLK), lambda i: (0, i)),
            pl.BlockSpec((1, GBLK), lambda i: (0, i)),
        ],
        out_shape=[
            jax.ShapeDtypeStruct((1, T), jnp.int32),
            jax.ShapeDtypeStruct((1, T), jnp.int32),
            jax.ShapeDtypeStruct((1, T), jnp.float32),
            jax.ShapeDtypeStruct((1, T), jnp.float32),
        ],
    )(xf, W_gate, bg)


def _sc_body(br_ref, ia_ref, ib_ref, wa_ref, wb_ref, out_ref,
             idxa_v, idxb_v, wal_v, wbl_v,
             rows0, rows1, outs0, outs1,
             semp, semg0, semg1, semo0, semo1):
    cid = lax.axis_index("c")
    sid = lax.axis_index("s")
    wid = sid * 2 + cid
    tok0 = wid * TPW

    rows = (rows0, rows1)
    outs = (outs0, outs1)
    semg = (semg0, semg1)
    semo = (semo0, semo1)

    pltpu.async_copy(ia_ref.at[pl.ds(tok0, TPW)], idxa_v, semp)
    pltpu.async_copy(ib_ref.at[pl.ds(tok0, TPW)], idxb_v, semp)
    pltpu.async_copy(wa_ref.at[pl.ds(tok0, TPW)], wal_v, semp)
    pltpu.async_copy(wb_ref.at[pl.ds(tok0, TPW)], wbl_v, semp)
    pltpu.make_async_copy(ia_ref.at[pl.ds(0, TPW)], idxa_v, semp).wait()
    pltpu.make_async_copy(ib_ref.at[pl.ds(0, TPW)], idxb_v, semp).wait()

    def issue(ci, b):
        pltpu.async_copy(br_ref.at[idxa_v.at[pl.ds(C * ci, C)]],
                         rows[b].at[pl.ds(0, C)], semg[b])
        pltpu.async_copy(br_ref.at[idxb_v.at[pl.ds(C * ci, C)]],
                         rows[b].at[pl.ds(C, C)], semg[b])

    issue(0, 0)
    pltpu.make_async_copy(wa_ref.at[pl.ds(0, TPW)], wal_v, semp).wait()
    pltpu.make_async_copy(wb_ref.at[pl.ds(0, TPW)], wbl_v, semp).wait()

    def outer(oi, carry):
        for b in range(2):
            ci = oi * 2 + b

            @pl.when(ci + 1 < NCH)
            def _():
                issue(ci + 1, 1 - b)

            pltpu.make_async_copy(br_ref.at[pl.ds(0, 2 * C)], rows[b],
                                  semg[b]).wait()

            @pl.when(oi > 0)
            def _():
                pltpu.make_async_copy(outs[b], out_ref.at[pl.ds(0, C)],
                                      semo[b]).wait()

            wva = wal_v[pl.ds(ci * C, 16)]
            wvb = wbl_v[pl.ds(ci * C, 16)]

            @plsc.parallel_loop(0, C, unroll=4)
            def tok(j):
                jj = jnp.full((16,), j, jnp.int32)
                w0 = wva.at[jj].get(mode="promise_in_bounds")
                w1 = wvb.at[jj].get(mode="promise_in_bounds")
                for k in range(D // 16):
                    r0 = rows[b][j, pl.ds(k * 16, 16)]
                    r1 = rows[b][C + j, pl.ds(k * 16, 16)]
                    outs[b][j, pl.ds(k * 16, 16)] = r0 * w0 + r1 * w1
            pltpu.async_copy(outs[b], out_ref.at[pl.ds(tok0 + ci * C, C)],
                             semo[b])
        return carry

    lax.fori_loop(0, NCH // 2, outer, 0)
    pltpu.make_async_copy(outs[0], out_ref.at[pl.ds(0, C)], semo[0]).wait()
    pltpu.make_async_copy(outs[1], out_ref.at[pl.ds(0, C)], semo[1]).wait()


def _sc_fused(brf, ia, ib, wa, wb):
    mesh = plsc.VectorSubcoreMesh(core_axis_name="c", subcore_axis_name="s")
    return pl.kernel(
        _sc_body,
        out_type=jax.ShapeDtypeStruct((T, D), jnp.float32),
        mesh=mesh,
        scratch_types=[
            pltpu.VMEM((TPW,), jnp.int32),
            pltpu.VMEM((TPW,), jnp.int32),
            pltpu.VMEM((TPW,), jnp.float32),
            pltpu.VMEM((TPW,), jnp.float32),
            pltpu.VMEM((2 * C, D), jnp.float32),
            pltpu.VMEM((2 * C, D), jnp.float32),
            pltpu.VMEM((C, D), jnp.float32),
            pltpu.VMEM((C, D), jnp.float32),
            pltpu.SemaphoreType.DMA,
            pltpu.SemaphoreType.DMA,
            pltpu.SemaphoreType.DMA,
            pltpu.SemaphoreType.DMA,
            pltpu.SemaphoreType.DMA,
        ],
    )(brf, ia, ib, wa, wb)


def kernel(x, branches, W_gate, b_gate):
    xf = x.reshape(T, D)
    brf = branches.reshape(N * T, D)
    bg = b_gate.reshape(1, N)
    ia, ib, wa, wb = _gate(xf, W_gate, bg)
    fused = _sc_fused(brf, ia.reshape(T), ib.reshape(T),
                      wa.reshape(T), wb.reshape(T))
    return fused.reshape(B, L, D)

# --- scband reference (transcript-rebuilt; emitter-appended) ---
"""Pipeline reference for scband-titan-fusion-18597208392430 (READ-ONLY COPY).

The authoritative reference and input builder live on the scoring server;
editing this copy changes nothing except your own understanding.
"""

import jax, jax.numpy as jnp
import numpy as np

B, L, D, N_BRANCHES, TOPK = 2, 4096, 1024, 4, 2

def setup_inputs(seed: int = 0) -> dict:
    key = jax.random.key(seed)
    k1, k2, k3 = jax.random.split(key, 3)
    x = jax.random.normal(k1, (B, L, D), dtype=jnp.float32)
    # branches is a List[Tensor] of length N_BRANCHES in torch; packed here as [N, B, L, D]
    branches = jax.random.normal(k2, (N_BRANCHES, B, L, D), dtype=jnp.float32)
    # gate = nn.Linear(d_model, n_branches, bias=True)
    bound = 1.0 / np.sqrt(D)
    W_gate = jax.random.uniform(k3, (D, N_BRANCHES), dtype=jnp.float32, minval=-bound, maxval=bound)
    b_gate = jnp.zeros((N_BRANCHES,), dtype=jnp.float32)
    return {"x": x, "branches": branches, "W_gate": W_gate, "b_gate": b_gate}

def reference(x, branches, W_gate, b_gate):
    # H = torch.stack(branches, dim=-2) -> [B, L, N, D]
    H = jnp.moveaxis(branches, 0, -2)
    logits = x @ W_gate + b_gate  # [B, L, N]
    n = logits.shape[-1]
    if TOPK and TOPK < n:
        topk_vals, topk_idx = jax.lax.top_k(logits, TOPK)
        # scatter topk values into a full(-inf) mask (equivalent via one-hot keep mask)
        keep = jnp.sum(jax.nn.one_hot(topk_idx, n, dtype=logits.dtype), axis=-2)
        logits = jnp.where(keep > 0, logits, jnp.full_like(logits, -jnp.inf))
    w = jax.nn.softmax(logits, axis=-1)[..., None]  # [B, L, N, 1]
    fused = jnp.sum(w * H, axis=-2)  # [B, L, D]
    # dropout p=0.0 -> identity
    return fused

if __name__ == "__main__":
    import jax
    _d = setup_inputs()
    print(jax.jit(kernel)(*tuple(_d.values())))

</pallas_src>

<mosaic_0001>
#map = affine_map<(d0, d1) -> (0, 0)>
#map1 = affine_map<(d0, d1) -> (0)>
module attributes {stable_mosaic.version = 14 : i64} {
  func.func @_sc_body(%arg0: i32, %arg1: i32, %arg2: memref<32768x1024xf32, #tpu.memory_space<hbm>>, %arg3: memref<8192xi32, #tpu.memory_space<hbm>>, %arg4: memref<8192xi32, #tpu.memory_space<hbm>>, %arg5: memref<8192xf32, #tpu.memory_space<hbm>>, %arg6: memref<8192xf32, #tpu.memory_space<hbm>>, %arg7: memref<8192x1024xf32, #tpu.memory_space<hbm>>, %arg8: memref<256xi32, #tpu.memory_space<vmem>>, %arg9: memref<256xi32, #tpu.memory_space<vmem>>, %arg10: memref<256xf32, #tpu.memory_space<vmem>>, %arg11: memref<256xf32, #tpu.memory_space<vmem>>, %arg12: memref<32x1024xf32, #tpu.memory_space<vmem>>, %arg13: memref<32x1024xf32, #tpu.memory_space<vmem>>, %arg14: memref<16x1024xf32, #tpu.memory_space<vmem>>, %arg15: memref<16x1024xf32, #tpu.memory_space<vmem>>, %arg16: memref<!tpu.dma_semaphore, #tpu.memory_space<semaphore_mem>>, %arg17: memref<!tpu.dma_semaphore, #tpu.memory_space<semaphore_mem>>, %arg18: memref<!tpu.dma_semaphore, #tpu.memory_space<semaphore_mem>>, %arg19: memref<!tpu.dma_semaphore, #tpu.memory_space<semaphore_mem>>, %arg20: memref<!tpu.dma_semaphore, #tpu.memory_space<semaphore_mem>>) attributes {dimension_semantics = [#tpu.dimension_semantics<core_parallel>, #tpu.dimension_semantics<subcore_parallel>], iteration_bounds = array<i64: 2, 16>, scalar_prefetch = 0 : i64, scratch_operands = 13 : i64, tpu.core_type = #tpu.core_type<sc_vector_subcore>, window_params = [{transform_indices = #map}, {transform_indices = #map1}, {transform_indices = #map1}, {transform_indices = #map1}, {transform_indices = #map1}, {transform_indices = #map}]} {
    %mul3A = arith.constant 2 : i32
    %mul3A_0 = arith.muli %arg1, %mul3A : i32
    %add3A = arith.addi %mul3A_0, %arg0 : i32
    %mul3A_1 = arith.constant 256 : i32
    %mul3A_2 = arith.muli %add3A, %mul3A_1 : i32
    %dma_start3A = tpu.memref_slice %arg3[%mul3A_2] : memref<8192xi32, #tpu.memory_space<hbm>> -> memref<256xi32, #tpu.memory_space<hbm>>
    %dma_start3A_3 = tpu.memref_slice %arg3[%mul3A_2] : memref<8192xi32, #tpu.memory_space<hbm>> -> memref<256xi32, #tpu.memory_space<hbm>>
    tpu.enqueue_dma source(%dma_start3A_3 : memref<256xi32, #tpu.memory_space<hbm>>) target(%arg8 : memref<256xi32, #tpu.memory_space<vmem>>) target_semaphore(%arg16 : memref<!tpu.dma_semaphore, #tpu.memory_space<semaphore_mem>>)
    %dma_start3A_4 = tpu.memref_slice %arg4[%mul3A_2] : memref<8192xi32, #tpu.memory_space<hbm>> -> memref<256xi32, #tpu.memory_space<hbm>>
    %dma_start3A_5 = tpu.memref_slice %arg4[%mul3A_2] : memref<8192xi32, #tpu.memory_space<hbm>> -> memref<256xi32, #tpu.memory_space<hbm>>
    tpu.enqueue_dma source(%dma_start3A_5 : memref<256xi32, #tpu.memory_space<hbm>>) target(%arg9 : memref<256xi32, #tpu.memory_space<vmem>>) target_semaphore(%arg16 : memref<!tpu.dma_semaphore, #tpu.memory_space<semaphore_mem>>)
    %dma_start3A_6 = tpu.memref_slice %arg5[%mul3A_2] : memref<8192xf32, #tpu.memory_space<hbm>> -> memref<256xf32, #tpu.memory_space<hbm>>
    %dma_start3A_7 = tpu.memref_slice %arg5[%mul3A_2] : memref<8192xf32, #tpu.memory_space<hbm>> -> memref<256xf32, #tpu.memory_space<hbm>>
    tpu.enqueue_dma source(%dma_start3A_7 : memref<256xf32, #tpu.memory_space<hbm>>) target(%arg10 : memref<256xf32, #tpu.memory_space<vmem>>) target_semaphore(%arg16 : memref<!tpu.dma_semaphore, #tpu.memory_space<semaphore_mem>>)
    %dma_start3A_8 = tpu.memref_slice %arg6[%mul3A_2] : memref<8192xf32, #tpu.memory_space<hbm>> -> memref<256xf32, #tpu.memory_space<hbm>>
    %dma_start3A_9 = tpu.memref_slice %arg6[%mul3A_2] : memref<8192xf32, #tpu.memory_space<hbm>> -> memref<256xf32, #tpu.memory_space<hbm>>
    tpu.enqueue_dma source(%dma_start3A_9 : memref<256xf32, #tpu.memory_space<hbm>>) target(%arg11 : memref<256xf32, #tpu.memory_space<vmem>>) target_semaphore(%arg16 : memref<!tpu.dma_semaphore, #tpu.memory_space<semaphore_mem>>)
    %dma_wait3A = arith.constant 0 : i32
    %dma_wait3A_10 = tpu.memref_slice %arg3[%dma_wait3A] : memref<8192xi32, #tpu.memory_space<hbm>> -> memref<256xi32, #tpu.memory_space<hbm>>
    %dma_wait3A_11 = arith.constant 0 : i32
    %dma_wait3A_12 = tpu.memref_slice %arg3[%dma_wait3A_11] : memref<8192xi32, #tpu.memory_space<hbm>> -> memref<256xi32, #tpu.memory_space<hbm>>
    tpu.wait_dma2 semaphore(%arg16 : memref<!tpu.dma_semaphore, #tpu.memory_space<semaphore_mem>>) src(%dma_wait3A_12 : memref<256xi32, #tpu.memory_space<hbm>>) dst(%arg8 : memref<256xi32, #tpu.memory_space<vmem>>)
    %dma_wait3A_13 = arith.constant 0 : i32
    %dma_wait3A_14 = tpu.memref_slice %arg4[%dma_wait3A_13] : memref<8192xi32, #tpu.memory_space<hbm>> -> memref<256xi32, #tpu.memory_space<hbm>>
    %dma_wait3A_15 = arith.constant 0 : i32
    %dma_wait3A_16 = tpu.memref_slice %arg4[%dma_wait3A_15] : memref<8192xi32, #tpu.memory_space<hbm>> -> memref<256xi32, #tpu.memory_space<hbm>>
    tpu.wait_dma2 semaphore(%arg16 : memref<!tpu.dma_semaphore, #tpu.memory_space<semaphore_mem>>) src(%dma_wait3A_16 : memref<256xi32, #tpu.memory_space<hbm>>) dst(%arg9 : memref<256xi32, #tpu.memory_space<vmem>>)
    %dma_start3A_17 = arith.constant 0 : i32
    %dma_start3A_18 = arith.constant 0 : i32
    %dma_start3A_19 = tpu.memref_slice %arg12[%dma_start3A_17, %dma_start3A_18] : memref<32x1024xf32, #tpu.memory_space<vmem>> -> memref<16x1024xf32, #tpu.memory_space<vmem>>
    %dma_start3A_20 = arith.constant 0 : i32
    %dma_start3A_21 = tpu.memref_slice %arg8[%dma_start3A_20] : memref<256xi32, #tpu.memory_space<vmem>> -> memref<16xi32, #tpu.memory_space<vmem>>
    %dma_start3A_22 = arith.constant 0 : i32
    %dma_start3A_23 = arith.constant 0 : i32
    %dma_start3A_24 = tpu.memref_slice %arg2[%dma_start3A_22, %dma_start3A_23] : memref<32768x1024xf32, #tpu.memory_space<hbm>> -> memref<32768x1024xf32, #tpu.memory_space<hbm>>
    tpu.enqueue_indirect_dma source(%dma_start3A_24 : memref<32768x1024xf32, #tpu.memory_space<hbm>>) target(%dma_start3A_19 : memref<16x1024xf32, #tpu.memory_space<vmem>>) offsets(%dma_start3A_21 : memref<16xi32, #tpu.memory_space<vmem>>) semaphore(%arg17 : memref<!tpu.dma_semaphore, #tpu.memory_space<semaphore_mem>>)
    %dma_start3A_25 = arith.constant 16 : i32
    %dma_start3A_26 = arith.constant 0 : i32
    %dma_start3A_27 = tpu.memref_slice %arg12[%dma_start3A_25, %dma_start3A_26] : memref<32x1024xf32, #tpu.memory_space<vmem>> -> memref<16x1024xf32, #tpu.memory_space<vmem>>
    %dma_start3A_28 = arith.constant 0 : i32
    %dma_start3A_29 = tpu.memref_slice %arg9[%dma_start3A_28] : memref<256xi32, #tpu.memory_space<vmem>> -> memref<16xi32, #tpu.memory_space<vmem>>
    %dma_start3A_30 = arith.constant 0 : i32
    %dma_start3A_31 = arith.constant 0 : i32
    %dma_start3A_32 = tpu.memref_slice %arg2[%dma_start3A_30, %dma_start3A_31] : memref<32768x1024xf32, #tpu.memory_space<hbm>> -> memref<32768x1024xf32, #tpu.memory_space<hbm>>
    tpu.enqueue_indirect_dma source(%dma_start3A_32 : memref<32768x1024xf32, #tpu.memory_space<hbm>>) target(%dma_start3A_27 : memref<16x1024xf32, #tpu.memory_space<vmem>>) offsets(%dma_start3A_29 : memref<16xi32, #tpu.memory_space<vmem>>) semaphore(%arg17 : memref<!tpu.dma_semaphore, #tpu.memory_space<semaphore_mem>>)
    %dma_wait3A_33 = arith.constant 0 : i32
    %dma_wait3A_34 = tpu.memref_slice %arg5[%dma_wait3A_33] : memref<8192xf32, #tpu.memory_space<hbm>> -> memref<256xf32, #tpu.memory_space<hbm>>
    %dma_wait3A_35 = arith.constant 0 : i32
    %dma_wait3A_36 = tpu.memref_slice %arg5[%dma_wait3A_35] : memref<8192xf32, #tpu.memory_space<hbm>> -> memref<256xf32, #tpu.memory_space<hbm>>
    tpu.wait_dma2 semaphore(%arg16 : memref<!tpu.dma_semaphore, #tpu.memory_space<semaphore_mem>>) src(%dma_wait3A_36 : memref<256xf32, #tpu.memory_space<hbm>>) dst(%arg10 : memref<256xf32, #tpu.memory_space<vmem>>)
    %dma_wait3A_37 = arith.constant 0 : i32
    %dma_wait3A_38 = tpu.memref_slice %arg6[%dma_wait3A_37] : memref<8192xf32, #tpu.memory_space<hbm>> -> memref<256xf32, #tpu.memory_space<hbm>>
    %dma_wait3A_39 = arith.constant 0 : i32
    %dma_wait3A_40 = tpu.memref_slice %arg6[%dma_wait3A_39] : memref<8192xf32, #tpu.memory_space<hbm>> -> memref<256xf32, #tpu.memory_space<hbm>>
    tpu.wait_dma2 semaphore(%arg16 : memref<!tpu.dma_semaphore, #tpu.memory_space<semaphore_mem>>) src(%dma_wait3A_40 : memref<256xf32, #tpu.memory_space<hbm>>) dst(%arg11 : memref<256xf32, #tpu.memory_space<vmem>>)
    %scan3A = arith.constant 0 : i32
    %scan3A_41 = arith.constant 0 : i32
    %scan3A_42 = arith.constant 8 : i32
    %scan3A_43 = arith.addi %scan3A_41, %scan3A_42 : i32
    %scan3A_44 = arith.constant 1 : i32
    scf.for %scan3A_58 = %scan3A_41 to %scan3A_43 step %scan3A_44  : i32 {
      %mul3A_59 = arith.constant 2 : i32
      %mul3A_60 = arith.muli %scan3A_58, %mul3A_59 : i32
      %add3A_61 = arith.constant 0 : i32
      %add3A_62 = arith.addi %mul3A_60, %add3A_61 : i32
      %add3A_63 = arith.constant 1 : i32
      %add3A_64 = arith.addi %add3A_62, %add3A_63 : i32
      %lt3A = arith.constant 16 : i32
      %lt3A_65 = arith.cmpi slt, %add3A_64, %lt3A : i32
      %convert_element_type3A = arith.extui %lt3A_65 : i1 to i32
      %cond3A = arith.constant 0 : i32
      %cond3A_66 = arith.cmpi ne, %convert_element_type3A, %cond3A : i32
      scf.if %cond3A_66 {
        %add3A_137 = arith.constant 1 : i32
        %add3A_138 = arith.addi %add3A_62, %add3A_137 : i32
        %mul3A_139 = arith.constant 16 : i32
        %mul3A_140 = arith.muli %mul3A_139, %add3A_138 : i32
        %dma_start3A_141 = arith.constant 0 : i32
        %dma_start3A_142 = arith.constant 0 : i32
        %dma_start3A_143 = tpu.memref_slice %arg13[%dma_start3A_141, %dma_start3A_142] : memref<32x1024xf32, #tpu.memory_space<vmem>> -> memref<16x1024xf32, #tpu.memory_space<vmem>>
        %dma_start3A_144 = tpu.memref_slice %arg8[%mul3A_140] : memref<256xi32, #tpu.memory_space<vmem>> -> memref<16xi32, #tpu.memory_space<vmem>>
        %dma_start3A_145 = arith.constant 0 : i32
        %dma_start3A_146 = arith.constant 0 : i32
        %dma_start3A_147 = tpu.memref_slice %arg2[%dma_start3A_145, %dma_start3A_146] : memref<32768x1024xf32, #tpu.memory_space<hbm>> -> memref<32768x1024xf32, #tpu.memory_space<hbm>>
        tpu.enqueue_indirect_dma source(%dma_start3A_147 : memref<32768x1024xf32, #tpu.memory_space<hbm>>) target(%dma_start3A_143 : memref<16x1024xf32, #tpu.memory_space<vmem>>) offsets(%dma_start3A_144 : memref<16xi32, #tpu.memory_space<vmem>>) semaphore(%arg18 : memref<!tpu.dma_semaphore, #tpu.memory_space<semaphore_mem>>)
        %mul3A_148 = arith.constant 16 : i32
        %mul3A_149 = arith.muli %mul3A_148, %add3A_138 : i32
        %dma_start3A_150 = arith.constant 16 : i32
        %dma_start3A_151 = arith.constant 0 : i32
        %dma_start3A_152 = tpu.memref_slice %arg13[%dma_start3A_150, %dma_start3A_151] : memref<32x1024xf32, #tpu.memory_space<vmem>> -> memref<16x1024xf32, #tpu.memory_space<vmem>>
        %dma_start3A_153 = tpu.memref_slice %arg9[%mul3A_149] : memref<256xi32, #tpu.memory_space<vmem>> -> memref<16xi32, #tpu.memory_space<vmem>>
        %dma_start3A_154 = arith.constant 0 : i32
        %dma_start3A_155 = arith.constant 0 : i32
        %dma_start3A_156 = tpu.memref_slice %arg2[%dma_start3A_154, %dma_start3A_155] : memref<32768x1024xf32, #tpu.memory_space<hbm>> -> memref<32768x1024xf32, #tpu.memory_space<hbm>>
        tpu.enqueue_indirect_dma source(%dma_start3A_156 : memref<32768x1024xf32, #tpu.memory_space<hbm>>) target(%dma_start3A_152 : memref<16x1024xf32, #tpu.memory_space<vmem>>) offsets(%dma_start3A_153 : memref<16xi32, #tpu.memory_space<vmem>>) semaphore(%arg18 : memref<!tpu.dma_semaphore, #tpu.memory_space<semaphore_mem>>)
      } else {
      }
      %dma_wait3A_67 = arith.constant 0 : i32
      %dma_wait3A_68 = arith.constant 0 : i32
      %dma_wait3A_69 = tpu.memref_slice %arg2[%dma_wait3A_67, %dma_wait3A_68] : memref<32768x1024xf32, #tpu.memory_space<hbm>> -> memref<32x1024xf32, #tpu.memory_space<hbm>>
      %dma_wait3A_70 = arith.constant 0 : i32
      %dma_wait3A_71 = arith.constant 0 : i32
      %dma_wait3A_72 = tpu.memref_slice %arg2[%dma_wait3A_70, %dma_wait3A_71] : memref<32768x1024xf32, #tpu.memory_space<hbm>> -> memref<32x1024xf32, #tpu.memory_space<hbm>>
      tpu.wait_dma2 semaphore(%arg17 : memref<!tpu.dma_semaphore, #tpu.memory_space<semaphore_mem>>) src(%dma_wait3A_72 : memref<32x1024xf32, #tpu.memory_space<hbm>>) dst(%arg12 : memref<32x1024xf32, #tpu.memory_space<vmem>>)
      %gt3A = arith.constant 0 : i32
      %gt3A_73 = arith.cmpi sgt, %scan3A_58, %gt3A : i32
      %convert_element_type3A_74 = arith.extui %gt3A_73 : i1 to i32
      %cond3A_75 = arith.constant 0 : i32
      %cond3A_76 = arith.cmpi ne, %convert_element_type3A_74, %cond3A_75 : i32
      scf.if %cond3A_76 {
        %dma_wait3A_137 = arith.constant 0 : i32
        %dma_wait3A_138 = arith.constant 0 : i32
        %dma_wait3A_139 = tpu.memref_slice %arg7[%dma_wait3A_137, %dma_wait3A_138] : memref<8192x1024xf32, #tpu.memory_space<hbm>> -> memref<16x1024xf32, #tpu.memory_space<hbm>>
        %dma_wait3A_140 = arith.constant 0 : i32
        %dma_wait3A_141 = arith.constant 0 : i32
        %dma_wait3A_142 = tpu.memref_slice %arg7[%dma_wait3A_140, %dma_wait3A_141] : memref<8192x1024xf32, #tpu.memory_space<hbm>> -> memref<16x1024xf32, #tpu.memory_space<hbm>>
        tpu.wait_dma2 semaphore(%arg19 : memref<!tpu.dma_semaphore, #tpu.memory_space<semaphore_mem>>) src(%arg14 : memref<16x1024xf32, #tpu.memory_space<vmem>>) dst(%dma_wait3A_142 : memref<16x1024xf32, #tpu.memory_space<hbm>>)
      } else {
      }
      %mul3A_77 = arith.constant 16 : i32
      %mul3A_78 = arith.muli %add3A_62, %mul3A_77 : i32
      %get3A = arith.index_cast %mul3A_78 : i32 to index
      %get3A_79 = tpu.vector_load %arg10[%get3A] {strides = array<i32>} : memref<256xf32, #tpu.memory_space<vmem>>, vector<16xf32>,
      %get3A_80 = vector.shape_cast %get3A_79 : vector<16xf32> to vector<16xf32>
      %mul3A_81 = arith.constant 16 : i32
      %mul3A_82 = arith.muli %add3A_62, %mul3A_81 : i32
      %get3A_83 = arith.index_cast %mul3A_82 : i32 to index
      %get3A_84 = tpu.vector_load %arg11[%get3A_83] {strides = array<i32>} : memref<256xf32, #tpu.memory_space<vmem>>, vector<16xf32>,
      %get3A_85 = vector.shape_cast %get3A_84 : vector<16xf32> to vector<16xf32>
      %parallel_loop3A = arith.constant 0 : i32
      %parallel_loop3A_86 = arith.constant 16 : i32
      %parallel_loop3A_87 = arith.constant 1 : i32
      scf.for %parallel_loop3A_137 = %parallel_loop3A to %parallel_loop3A_86 step %parallel_loop3A_87  : i32 {
        %parallel_loop3A_138 = vector.broadcast %parallel_loop3A_137 : i32 to vector<16xi32>
        %parallel_loop3A_139 = arith.constant 0 : i32
        %parallel_loop3A_140 = vector.broadcast %parallel_loop3A_139 : i32 to vector<16xi32>
        %parallel_loop3A_141 = arith.cmpi slt, %parallel_loop3A_138, %parallel_loop3A_140 : vector<16xi32>
        %parallel_loop3A_142 = arith.constant 16 : i32
        %parallel_loop3A_143 = vector.broadcast %parallel_loop3A_142 : i32 to vector<16xi32>
        %parallel_loop3A_144 = arith.addi %parallel_loop3A_138, %parallel_loop3A_143 : vector<16xi32>
        %parallel_loop3A_145 = arith.select %parallel_loop3A_141, %parallel_loop3A_144, %parallel_loop3A_138 : vector<16xi1>, vector<16xi32>
        %parallel_loop3A_146 = vector.shape_cast %parallel_loop3A_145 : vector<16xi32> to vector<16x1xi32>
        %parallel_loop3A_147 = vector.shape_cast %parallel_loop3A_146 : vector<16x1xi32> to vector<16xi32>
        %parallel_loop3A_148 = tpu.dynamic_gather %get3A_80[%parallel_loop3A_147] in [0] : vector<16xf32>, vector<16xi32> -> vector<16xf32>
        %parallel_loop3A_149 = arith.constant 0 : i32
        %parallel_loop3A_150 = vector.broadcast %parallel_loop3A_149 : i32 to vector<16xi32>
        %parallel_loop3A_151 = arith.cmpi slt, %parallel_loop3A_138, %parallel_loop3A_150 : vector<16xi32>
        %parallel_loop3A_152 = arith.constant 16 : i32
        %parallel_loop3A_153 = vector.broadcast %parallel_loop3A_152 : i32 to vector<16xi32>
        %parallel_loop3A_154 = arith.addi %parallel_loop3A_138, %parallel_loop3A_153 : vector<16xi32>
        %parallel_loop3A_155 = arith.select %parallel_loop3A_151, %parallel_loop3A_154, %parallel_loop3A_138 : vector<16xi1>, vector<16xi32>
        %parallel_loop3A_156 = vector.shape_cast %parallel_loop3A_155 : vector<16xi32> to vector<16x1xi32>
        %parallel_loop3A_157 = vector.shape_cast %parallel_loop3A_156 : vector<16x1xi32> to vector<16xi32>
        %parallel_loop3A_158 = tpu.dynamic_gather %get3A_85[%parallel_loop3A_157] in [0] : vector<16xf32>, vector<16xi32> -> vector<16xf32>
        %parallel_loop3A_159 = arith.index_cast %parallel_loop3A_137 : i32 to index
        %parallel_loop3A_160 = arith.constant 0 : index
        %parallel_loop3A_161 = tpu.vector_load %arg12[%parallel_loop3A_159, %parallel_loop3A_160] {strides = array<i32>} : memref<32x1024xf32, #tpu.memory_space<vmem>>, vector<1x16xf32>,
        %parallel_loop3A_162 = vector.shape_cast %parallel_loop3A_161 : vector<1x16xf32> to vector<16xf32>
        %parallel_loop3A_163 = arith.constant 16 : i32
        %parallel_loop3A_164 = arith.addi %parallel_loop3A_163, %parallel_loop3A_137 : i32
        %parallel_loop3A_165 = arith.index_cast %parallel_loop3A_164 : i32 to index
        %parallel_loop3A_166 = arith.constant 0 : index
        %parallel_loop3A_167 = tpu.vector_load %arg12[%parallel_loop3A_165, %parallel_loop3A_166] {strides = array<i32>} : memref<32x1024xf32, #tpu.memory_space<vmem>>, vector<1x16xf32>,
        %parallel_loop3A_168 = vector.shape_cast %parallel_loop3A_167 : vector<1x16xf32> to vector<16xf32>
        %parallel_loop3A_169 = arith.mulf %parallel_loop3A_162, %parallel_loop3A_148 : vector<16xf32>
        %parallel_loop3A_170 = arith.mulf %parallel_loop3A_168, %parallel_loop3A_158 : vector<16xf32>
        %parallel_loop3A_171 = arith.addf %parallel_loop3A_169, %parallel_loop3A_170 : vector<16xf32>
        %parallel_loop3A_172 = arith.index_cast %parallel_loop3A_137 : i32 to index
        %parallel_loop3A_173 = arith.constant 0 : index
        %parallel_loop3A_174 = tpu.vector_load %arg14[%parallel_loop3A_172, %parallel_loop3A_173] {strides = array<i32>} : memref<16x1024xf32, #tpu.memory_space<vmem>>, vector<1x16xf32>,
        %parallel_loop3A_175 = vector.shape_cast %parallel_loop3A_174 : vector<1x16xf32> to vector<16xf32>
        %parallel_loop3A_176 = vector.shape_cast %parallel_loop3A_171 : vector<16xf32> to vector<1x16xf32>
        tpu.vector_store %arg14[%parallel_loop3A_172, %parallel_loop3A_173], %parallel_loop3A_176 {strides = array<i32>} : memref<16x1024xf32, #tpu.memory_space<vmem>>, vector<1x16xf32>,
        %parallel_loop3A_177 = arith.index_cast %parallel_loop3A_137 : i32 to index
        %parallel_loop3A_178 = arith.constant 16 : index
        %parallel_loop3A_179 = tpu.vector_load %arg12[%parallel_loop3A_177, %parallel_loop3A_178] {strides = array<i32>} : memref<32x1024xf32, #tpu.memory_space<vmem>>, vector<1x16xf32>,
        %parallel_loop3A_180 = vector.shape_cast %parallel_loop3A_179 : vector<1x16xf32> to vector<16xf32>
        %parallel_loop3A_181 = arith.constant 16 : i32
        %parallel_loop3A_182 = arith.addi %parallel_loop3A_181, %parallel_loop3A_137 : i32
        %parallel_loop3A_183 = arith.index_cast %parallel_loop3A_182 : i32 to index
        %parallel_loop3A_184 = arith.constant 16 : index
        %parallel_loop3A_185 = tpu.vector_load %arg12[%parallel_loop3A_183, %parallel_loop3A_184] {strides = array<i32>} : memref<32x1024xf32, #tpu.memory_space<vmem>>, vector<1x16xf32>,
        %parallel_loop3A_186 = vector.shape_cast %parallel_loop3A_185 : vector<1x16xf32> to vector<16xf32>
        %parallel_loop3A_187 = arith.mulf %parallel_loop3A_180, %parallel_loop3A_148 : vector<16xf32>
        %parallel_loop3A_188 = arith.mulf %parallel_loop3A_186, %parallel_loop3A_158 : vector<16xf32>
        %parallel_loop3A_189 = arith.addf %parallel_loop3A_187, %parallel_loop3A_188 : vector<16xf32>
        %parallel_loop3A_190 = arith.index_cast %parallel_loop3A_137 : i32 to index
        %parallel_loop3A_191 = arith.constant 16 : index
        %parallel_loop3A_192 = tpu.vector_load %arg14[%parallel_loop3A_190, %parallel_loop3A_191] {strides = array<i32>} : memref<16x1024xf32, #tpu.memory_space<vmem>>, vector<1x16xf32>,
        %parallel_loop3A_193 = vector.shape_cast %parallel_loop3A_192 : vector<1x16xf32> to vector<16xf32>
        %parallel_loop3A_194 = vector.shape_cast %parallel_loop3A_189 : vector<16xf32> to vector<1x16xf32>
        tpu.vector_store %arg14[%parallel_loop3A_190, %parallel_loop3A_191], %parallel_loop3A_194 {strides = array<i32>} : memref<16x1024xf32, #tpu.memory_space<vmem>>, vector<1x16xf32>,
        %parallel_loop3A_195 = arith.index_cast %parallel_loop3A_137 : i32 to index
        %parallel_loop3A_196 = arith.constant 32 : index
        %parallel_loop3A_197 = tpu.vector_load %arg12[%parallel_loop3A_195, %parallel_loop3A_196] {strides = array<i32>} : memref<32x1024xf32, #tpu.memory_space<vmem>>, vector<1x16xf32>,
        %parallel_loop3A_198 = vector.shape_cast %parallel_loop3A_197 : vector<1x16xf32> to vector<16xf32>
        %parallel_loop3A_199 = arith.constant 16 : i32
        %parallel_loop3A_200 = arith.addi %parallel_loop3A_199, %parallel_loop3A_137 : i32
        %parallel_loop3A_201 = arith.index_cast %parallel_loop3A_200 : i32 to index
        %parallel_loop3A_202 = arith.constant 32 : index
        %parallel_loop3A_203 = tpu.vector_load %arg12[%parallel_loop3A_201, %parallel_loop3A_202] {strides = array<i32>} : memref<32x1024xf32, #tpu.memory_space<vmem>>, vector<1x16xf32>,
        %parallel_loop3A_204 = vector.shape_cast %parallel_loop3A_203 : vector<1x16xf32> to vector<16xf32>
        %parallel_loop3A_205 = arith.mulf %parallel_loop3A_198, %parallel_loop3A_148 : vector<16xf32>
        %parallel_loop3A_206 = arith.mulf %parallel_loop3A_204, %parallel_loop3A_158 : vector<16xf32>
        %parallel_loop3A_207 = arith.addf %parallel_loop3A_205, %parallel_loop3A_206 : vector<16xf32>
        %parallel_loop3A_208 = arith.index_cast %parallel_loop3A_137 : i32 to index
        %parallel_loop3A_209 = arith.constant 32 : index
        %parallel_loop3A_210 = tpu.vector_load %arg14[%parallel_loop3A_208, %parallel_loop3A_209] {strides = array<i32>} : memref<16x1024xf32, #tpu.memory_space<vmem>>, vector<1x16xf32>,
        %parallel_loop3A_211 = vector.shape_cast %parallel_loop3A_210 : vector<1x16xf32> to vector<16xf32>
        %parallel_loop3A_212 = vector.shape_cast %parallel_loop3A_207 : vector<16xf32> to vector<1x16xf32>
        tpu.vector_store %arg14[%parallel_loop3A_208, %parallel_loop3A_209], %parallel_loop3A_212 {strides = array<i32>} : memref<16x1024xf32, #tpu.memory_space<vmem>>, vector<1x16xf32>,
        %parallel_loop3A_213 = arith.index_cast %parallel_loop3A_137 : i32 to index
        %parallel_loop3A_214 = arith.constant 48 : index
        %parallel_loop3A_215 = tpu.vector_load %arg12[%parallel_loop3A_213, %parallel_loop3A_214] {strides = array<i32>} : memref<32x1024xf32, #tpu.memory_space<vmem>>, vector<1x16xf32>,
        %parallel_loop3A_216 = vector.shape_cast %parallel_loop3A_215 : vector<1x16xf32> to vector<16xf32>
        %parallel_loop3A_217 = arith.constant 16 : i32
        %parallel_loop3A_218 = arith.addi %parallel_loop3A_217, %parallel_loop3A_137 : i32
        %parallel_loop3A_219 = arith.index_cast %parallel_loop3A_218 : i32 to index
        %parallel_loop3A_220 = arith.constant 48 : index
        %parallel_loop3A_221 = tpu.vector_load %arg12[%parallel_loop3A_219, %parallel_loop3A_220] {strides = array<i32>} : memref<32x1024xf32, #tpu.memory_space<vmem>>, vector<1x16xf32>,
        %parallel_loop3A_222 = vector.shape_cast %parallel_loop3A_221 : vector<1x16xf32> to vector<16xf32>
        %parallel_loop3A_223 = arith.mulf %parallel_loop3A_216, %parallel_loop3A_148 : vector<16xf32>
        %parallel_loop3A_224 = arith.mulf %parallel_loop3A_222, %parallel_loop3A_158 : vector<16xf32>
        %parallel_loop3A_225 = arith.addf %parallel_loop3A_223, %parallel_loop3A_224 : vector<16xf32>
        %parallel_loop3A_226 = arith.index_cast %parallel_loop3A_137 : i32 to index
        %parallel_loop3A_227 = arith.constant 48 : index
        %parallel_loop3A_228 = tpu.vector_load %arg14[%parallel_loop3A_226, %parallel_loop3A_227] {strides = array<i32>} : memref<16x1024xf32, #tpu.memory_space<vmem>>, vector<1x16xf32>,
        %parallel_loop3A_229 = vector.shape_cast %parallel_loop3A_228 : vector<1x16xf32> to vector<16xf32>
        %parallel_loop3A_230 = vector.shape_cast %parallel_loop3A_225 : vector<16xf32> to vector<1x16xf32>
        tpu.vector_store %arg14[%parallel_loop3A_226, %parallel_loop3A_227], %parallel_loop3A_230 {strides = array<i32>} : memref<16x1024xf32, #tpu.memory_space<vmem>>, vector<1x16xf32>,
        %parallel_loop3A_231 = arith.index_cast %parallel_loop3A_137 : i32 to index
        %parallel_loop3A_232 = arith.constant 64 : index
        %parallel_loop3A_233 = tpu.vector_load %arg12[%parallel_loop3A_231, %parallel_loop3A_232] {strides = array<i32>} : memref<32x1024xf32, #tpu.memory_space<vmem>>, vector<1x16xf32>,
        %parallel_loop3A_234 = vector.shape_cast %parallel_loop3A_233 : vector<1x16xf32> to vector<16xf32>
        %parallel_loop3A_235 = arith.constant 16 : i32
        %parallel_loop3A_236 = arith.addi %parallel_loop3A_235, %parallel_loop3A_137 : i32
        %parallel_loop3A_237 = arith.index_cast %parallel_loop3A_236 : i32 to index
        %parallel_loop3A_238 = arith.constant 64 : index
        %parallel_loop3A_239 = tpu.vector_load %arg12[%parallel_loop3A_237, %parallel_loop3A_238] {strides = array<i32>} : memref<32x1024xf32, #tpu.memory_space<vmem>>, vector<1x16xf32>,
        %parallel_loop3A_240 = vector.shape_cast %parallel_loop3A_239 : vector<1x16xf32> to vector<16xf32>
        %parallel_loop3A_241 = arith.mulf %parallel_loop3A_234, %parallel_loop3A_148 : vector<16xf32>
        %parallel_loop3A_242 = arith.mulf %parallel_loop3A_240, %parallel_loop3A_158 : vector<16xf32>
        %parallel_loop3A_243 = arith.addf %parallel_loop3A_241, %parallel_loop3A_242 : vector<16xf32>
        %parallel_loop3A_244 = arith.index_cast %parallel_loop3A_137 : i32 to index
        %parallel_loop3A_245 = arith.constant 64 : index
        %parallel_loop3A_246 = tpu.vector_load %arg14[%parallel_loop3A_244, %parallel_loop3A_245] {strides = array<i32>} : memref<16x1024xf32, #tpu.memory_space<vmem>>, vector<1x16xf32>,
        %parallel_loop3A_247 = vector.shape_cast %parallel_loop3A_246 : vector<1x16xf32> to vector<16xf32>
        %parallel_loop3A_248 = vector.shape_cast %parallel_loop3A_243 : vector<16xf32> to vector<1x16xf32>
        tpu.vector_store %arg14[%parallel_loop3A_244, %parallel_loop3A_245], %parallel_loop3A_248 {strides = array<i32>} : memref<16x1024xf32, #tpu.memory_space<vmem>>, vector<1x16xf32>,
        %parallel_loop3A_249 = arith.index_cast %parallel_loop3A_137 : i32 to index
        %parallel_loop3A_250 = arith.constant 80 : index
        %parallel_loop3A_251 = tpu.vector_load %arg12[%parallel_loop3A_249, %parallel_loop3A_250] {strides = array<i32>} : memref<32x1024xf32, #tpu.memory_space<vmem>>, vector<1x16xf32>,
        %parallel_loop3A_252 = vector.shape_cast %parallel_loop3A_251 : vector<1x16xf32> to vector<16xf32>
        %parallel_loop3A_253 = arith.constant 16 : i32
        %parallel_loop3A_254 = arith.addi %parallel_loop3A_253, %parallel_loop3A_137 : i32
        %parallel_loop3A_255 = arith.index_cast %parallel_loop3A_254 : i32 to index
        %parallel_loop3A_256 = arith.constant 80 : index
        %parallel_loop3A_257 = tpu.vector_load %arg12[%parallel_loop3A_255, %parallel_loop3A_256] {strides = array<i32>} : memref<32x1024xf32, #tpu.memory_space<vmem>>, vector<1x16xf32>,
        %parallel_loop3A_258 = vector.shape_cast %parallel_loop3A_257 : vector<1x16xf32> to vector<16xf32>
        %parallel_loop3A_259 = arith.mulf %parallel_loop3A_252, %parallel_loop3A_148 : vector<16xf32>
        %parallel_loop3A_260 = arith.mulf %parallel_loop3A_258, %parallel_loop3A_158 : vector<16xf32>
        %parallel_loop3A_261 = arith.addf %parallel_loop3A_259, %parallel_loop3A_260 : vector<16xf32>
        %parallel_loop3A_262 = arith.index_cast %parallel_loop3A_137 : i32 to index
        %parallel_loop3A_263 = arith.constant 80 : index
        %parallel_loop3A_264 = tpu.vector_load %arg14[%parallel_loop3A_262, %parallel_loop3A_263] {strides = array<i32>} : memref<16x1024xf32, #tpu.memory_space<vmem>>, vector<1x16xf32>,
        %parallel_loop3A_265 = vector.shape_cast %parallel_loop3A_264 : vector<1x16xf32> to vector<16xf32>
        %parallel_loop3A_266 = vector.shape_cast %parallel_loop3A_261 : vector<16xf32> to vector<1x16xf32>
        tpu.vector_store %arg14[%parallel_loop3A_262, %parallel_loop3A_263], %parallel_loop3A_266 {strides = array<i32>} : memref<16x1024xf32, #tpu.memory_space<vmem>>, vector<1x16xf32>,
        %parallel_loop3A_267 = arith.index_cast %parallel_loop3A_137 : i32 to index
        %parallel_loop3A_268 = arith.constant 96 : index
        %parallel_loop3A_269 = tpu.vector_load %arg12[%parallel_loop3A_267, %parallel_loop3A_268] {strides = array<i32>} : memref<32x1024xf32, #tpu.memory_space<vmem>>, vector<1x16xf32>,
        %parallel_loop3A_270 = vector.shape_cast %parallel_loop3A_269 : vector<1x16xf32> to vector<16xf32>
        %parallel_loop3A_271 = arith.constant 16 : i32
        %parallel_loop3A_272 = arith.addi %parallel_loop3A_271, %parallel_loop3A_137 : i32
        %parallel_loop3A_273 = arith.index_cast %parallel_loop3A_272 : i32 to index
        %parallel_loop3A_274 = arith.constant 96 : index
        %parallel_loop3A_275 = tpu.vector_load %arg12[%parallel_loop3A_273, %parallel_loop3A_274] {strides = array<i32>} : memref<32x1024xf32, #tpu.memory_space<vmem>>, vector<1x16xf32>,
        %parallel_loop3A_276 = vector.shape_cast %parallel_loop3A_275 : vector<1x16xf32> to vector<16xf32>
        %parallel_loop3A_277 = arith.mulf %parallel_loop3A_270, %parallel_loop3A_148 : vector<16xf32>
        %parallel_loop3A_278 = arith.mulf %parallel_loop3A_276, %parallel_loop3A_158 : vector<16xf32>
        %parallel_loop3A_279 = arith.addf %parallel_loop3A_277, %parallel_loop3A_278 : vector<16xf32>
        %parallel_loop3A_280 = arith.index_cast %parallel_loop3A_137 : i32 to index
        %parallel_loop3A_281 = arith.constant 96 : index
        %parallel_loop3A_282 = tpu.vector_load %arg14[%parallel_loop3A_280, %parallel_loop3A_281] {strides = array<i32>} : memref<16x1024xf32, #tpu.memory_space<vmem>>, vector<1x16xf32>,
        %parallel_loop3A_283 = vector.shape_cast %parallel_loop3A_282 : vector<1x16xf32> to vector<16xf32>
        %parallel_loop3A_284 = vector.shape_cast %parallel_loop3A_279 : vector<16xf32> to vector<1x16xf32>
        tpu.vector_store %arg14[%parallel_loop3A_280, %parallel_loop3A_281], %parallel_loop3A_284 {strides = array<i32>} : memref<16x1024xf32, #tpu.memory_space<vmem>>, vector<1x16xf32>,
        %parallel_loop3A_285 = arith.index_cast %parallel_loop3A_137 : i32 to index
        %parallel_loop3A_286 = arith.constant 112 : index
        %parallel_loop3A_287 = tpu.vector_load %arg12[%parallel_loop3A_285, %parallel_loop3A_286] {strides = array<i32>} : memref<32x1024xf32, #tpu.memory_space<vmem>>, vector<1x16xf32>,
        %parallel_loop3A_288 = vector.shape_cast %parallel_loop3A_287 : vector<1x16xf32> to vector<16xf32>
        %parallel_loop3A_289 = arith.constant 16 : i32
        %parallel_loop3A_290 = arith.addi %parallel_loop3A_289, %parallel_loop3A_137 : i32
        %parallel_loop3A_291 = arith.index_cast %parallel_loop3A_290 : i32 to index
        %parallel_loop3A_292 = arith.constant 112 : index
        %parallel_loop3A_293 = tpu.vector_load %arg12[%parallel_loop3A_291, %parallel_loop3A_292] {strides = array<i32>} : memref<32x1024xf32, #tpu.memory_space<vmem>>, vector<1x16xf32>,
        %parallel_loop3A_294 = vector.shape_cast %parallel_loop3A_293 : vector<1x16xf32> to vector<16xf32>
        %parallel_loop3A_295 = arith.mulf %parallel_loop3A_288, %parallel_loop3A_148 : vector<16xf32>
        %parallel_loop3A_296 = arith.mulf %parallel_loop3A_294, %parallel_loop3A_158 : vector<16xf32>
        %parallel_loop3A_297 = arith.addf %parallel_loop3A_295, %parallel_loop3A_296 : vector<16xf32>
        %parallel_loop3A_298 = arith.index_cast %parallel_loop3A_137 : i32 to index
        %parallel_loop3A_299 = arith.constant 112 : index
        %parallel_loop3A_300 = tpu.vector_load %arg14[%parallel_loop3A_298, %parallel_loop3A_299] {strides = array<i32>} : memref<16x1024xf32, #tpu.memory_space<vmem>>, vector<1x16xf32>,
        %parallel_loop3A_301 = vector.shape_cast %parallel_loop3A_300 : vector<1x16xf32> to vector<16xf32>
        %parallel_loop3A_302 = vector.shape_cast %parallel_loop3A_297 : vector<16xf32> to vector<1x16xf32>
        tpu.vector_store %arg14[%parallel_loop3A_298, %parallel_loop3A_299], %parallel_loop3A_302 {strides = array<i32>} : memref<16x1024xf32, #tpu.memory_space<vmem>>, vector<1x16xf32>,
        %parallel_loop3A_303 = arith.index_cast %parallel_loop3A_137 : i32 to index
        %parallel_loop3A_304 = arith.constant 128 : index
        %parallel_loop3A_305 = tpu.vector_load %arg12[%parallel_loop3A_303, %parallel_loop3A_304] {strides = array<i32>} : memref<32x1024xf32, #tpu.memory_space<vmem>>, vector<1x16xf32>,
        %parallel_loop3A_306 = vector.shape_cast %parallel_loop3A_305 : vector<1x16xf32> to vector<16xf32>
        %parallel_loop3A_307 = arith.constant 16 : i32
        %parallel_loop3A_308 = arith.addi %parallel_loop3A_307, %parallel_loop3A_137 : i32
        %parallel_loop3A_309 = arith.index_cast %parallel_loop3A_308 : i32 to index
        %parallel_loop3A_310 = arith.constant 128 : index
        %parallel_loop3A_311 = tpu.vector_load %arg12[%parallel_loop3A_309, %parallel_loop3A_310] {strides = array<i32>} : memref<32x1024xf32, #tpu.memory_space<vmem>>, vector<1x16xf32>,
        %parallel_loop3A_312 = vector.shape_cast %parallel_loop3A_311 : vector<1x16xf32> to vector<16xf32>
        %parallel_loop3A_313 = arith.mulf %parallel_loop3A_306, %parallel_loop3A_148 : vector<16xf32>
        %parallel_loop3A_314 = arith.mulf %parallel_loop3A_312, %parallel_loop3A_158 : vector<16xf32>
        %parallel_loop3A_315 = arith.addf %parallel_loop3A_313, %parallel_loop3A_314 : vector<16xf32>
        %parallel_loop3A_316 = arith.index_cast %parallel_loop3A_137 : i32 to index
        %parallel_loop3A_317 = arith.constant 128 : index
        %parallel_loop3A_318 = tpu.vector_load %arg14[%parallel_loop3A_316, %parallel_loop3A_317] {strides = array<i32>} : memref<16x1024xf32, #tpu.memory_space<vmem>>, vector<1x16xf32>,
        %parallel_loop3A_319 = vector.shape_cast %parallel_loop3A_318 : vector<1x16xf32> to vector<16xf32>
        %parallel_loop3A_320 = vector.shape_cast %parallel_loop3A_315 : vector<16xf32> to vector<1x16xf32>
        tpu.vector_store %arg14[%parallel_loop3A_316, %parallel_loop3A_317], %parallel_loop3A_320 {strides = array<i32>} : memref<16x1024xf32, #tpu.memory_space<vmem>>, vector<1x16xf32>,
        %parallel_loop3A_321 = arith.index_cast %parallel_loop3A_137 : i32 to index
        %parallel_loop3A_322 = arith.constant 144 : index
        %parallel_loop3A_323 = tpu.vector_load %arg12[%parallel_loop3A_321, %parallel_loop3A_322] {strides = array<i32>} : memref<32x1024xf32, #tpu.memory_space<vmem>>, vector<1x16xf32>,
        %parallel_loop3A_324 = vector.shape_cast %parallel_loop3A_323 : vector<1x16xf32> to vector<16xf32>
        %parallel_loop3A_325 = arith.constant 16 : i32
        %parallel_loop3A_326 = arith.addi %parallel_loop3A_325, %parallel_loop3A_137 : i32
        %parallel_loop3A_327 = arith.index_cast %parallel_loop3A_326 : i32 to index
        %parallel_loop3A_328 = arith.constant 144 : index
        %parallel_loop3A_329 = tpu.vector_load %arg12[%parallel_loop3A_327, %parallel_loop3A_328] {strides = array<i32>} : memref<32x1024xf32, #tpu.memory_space<vmem>>, vector<1x16xf32>,
        %parallel_loop3A_330 = vector.shape_cast %parallel_loop3A_329 : vector<1x16xf32> to vector<16xf32>
        %parallel_loop3A_331 = arith.mulf %parallel_loop3A_324, %parallel_loop3A_148 : vector<16xf32>
        %parallel_loop3A_332 = arith.mulf %parallel_loop3A_330, %parallel_loop3A_158 : vector<16xf32>
        %parallel_loop3A_333 = arith.addf %parallel_loop3A_331, %parallel_loop3A_332 : vector<16xf32>
        %parallel_loop3A_334 = arith.index_cast %parallel_loop3A_137 : i32 to index
        %parallel_loop3A_335 = arith.constant 144 : index
        %parallel_loop3A_336 = tpu.vector_load %arg14[%parallel_loop3A_334, %parallel_loop3A_335] {strides = array<i32>} : memref<16x1024xf32, #tpu.memory_space<vmem>>, vector<1x16xf32>,
        %parallel_loop3A_337 = vector.shape_cast %parallel_loop3A_336 : vector<1x16xf32> to vector<16xf32>
        %parallel_loop3A_338 = vector.shape_cast %parallel_loop3A_333 : vector<16xf32> to vector<1x16xf32>
        tpu.vector_store %arg14[%parallel_loop3A_334, %parallel_loop3A_335], %parallel_loop3A_338 {strides = array<i32>} : memref<16x1024xf32, #tpu.memory_space<vmem>>, vector<1x16xf32>,
        %parallel_loop3A_339 = arith.index_cast %parallel_loop3A_137 : i32 to index
        %parallel_loop3A_340 = arith.constant 160 : index
        %parallel_loop3A_341 = tpu.vector_load %arg12[%parallel_loop3A_339, %parallel_loop3A_340] {strides = array<i32>} : memref<32x1024xf32, #tpu.memory_space<vmem>>, vector<1x16xf32>,
        %parallel_loop3A_342 = vector.shape_cast %parallel_loop3A_341 : vector<1x16xf32> to vector<16xf32>
        %parallel_loop3A_343 = arith.constant 16 : i32
        %parallel_loop3A_344 = arith.addi %parallel_loop3A_343, %parallel_loop3A_137 : i32
        %parallel_loop3A_345 = arith.index_cast %parallel_loop3A_344 : i32 to index
        %parallel_loop3A_346 = arith.constant 160 : index
        %parallel_loop3A_347 = tpu.vector_load %arg12[%parallel_loop3A_345, %parallel_loop3A_346] {strides = array<i32>} : memref<32x1024xf32, #tpu.memory_space<vmem>>, vector<1x16xf32>,
        %parallel_loop3A_348 = vector.shape_cast %parallel_loop3A_347 : vector<1x16xf32> to vector<16xf32>
        %parallel_loop3A_349 = arith.mulf %parallel_loop3A_342, %parallel_loop3A_148 : vector<16xf32>
        %parallel_loop3A_350 = arith.mulf %parallel_loop3A_348, %parallel_loop3A_158 : vector<16xf32>
        %parallel_loop3A_351 = arith.addf %parallel_loop3A_349, %parallel_loop3A_350 : vector<16xf32>
        %parallel_loop3A_352 = arith.index_cast %parallel_loop3A_137 : i32 to index
        %parallel_loop3A_353 = arith.constant 160 : index
        %parallel_loop3A_354 = tpu.vector_load %arg14[%parallel_loop3A_352, %parallel_loop3A_353] {strides = array<i32>} : memref<16x1024xf32, #tpu.memory_space<vmem>>, vector<1x16xf32>,
        %parallel_loop3A_355 = vector.shape_cast %parallel_loop3A_354 : vector<1x16xf32> to vector<16xf32>
        %parallel_loop3A_356 = vector.shape_cast %parallel_loop3A_351 : vector<16xf32> to vector<1x16xf32>
        tpu.vector_store %arg14[%parallel_loop3A_352, %parallel_loop3A_353], %parallel_loop3A_356 {strides = array<i32>} : memref<16x1024xf32, #tpu.memory_space<vmem>>, vector<1x16xf32>,
        %parallel_loop3A_357 = arith.index_cast %parallel_loop3A_137 : i32 to index
        %parallel_loop3A_358 = arith.constant 176 : index
        %parallel_loop3A_359 = tpu.vector_load %arg12[%parallel_loop3A_357, %parallel_loop3A_358] {strides = array<i32>} : memref<32x1024xf32, #tpu.memory_space<vmem>>, vector<1x16xf32>,
        %parallel_loop3A_360 = vector.shape_cast %parallel_loop3A_359 : vector<1x16xf32> to vector<16xf32>
        %parallel_loop3A_361 = arith.constant 16 : i32
        %parallel_loop3A_362 = arith.addi %parallel_loop3A_361, %parallel_loop3A_137 : i32
        %parallel_loop3A_363 = arith.index_cast %parallel_loop3A_362 : i32 to index
        %parallel_loop3A_364 = arith.constant 176 : index
        %parallel_loop3A_365 = tpu.vector_load %arg12[%parallel_loop3A_363, %parallel_loop3A_364] {strides = array<i32>} : memref<32x1024xf32, #tpu.memory_space<vmem>>, vector<1x16xf32>,
        %parallel_loop3A_366 = vector.shape_cast %parallel_loop3A_365 : vector<1x16xf32> to vector<16xf32>
        %parallel_loop3A_367 = arith.mulf %parallel_loop3A_360, %parallel_loop3A_148 : vector<16xf32>
        %parallel_loop3A_368 = arith.mulf %parallel_loop3A_366, %parallel_loop3A_158 : vector<16xf32>
        %parallel_loop3A_369 = arith.addf %parallel_loop3A_367, %parallel_loop3A_368 : vector<16xf32>
        %parallel_loop3A_370 = arith.index_cast %parallel_loop3A_137 : i32 to index
        %parallel_loop3A_371 = arith.constant 176 : index
        %parallel_loop3A_372 = tpu.vector_load %arg14[%parallel_loop3A_370, %parallel_loop3A_371] {strides = array<i32>} : memref<16x1024xf32, #tpu.memory_space<vmem>>, vector<1x16xf32>,
        %parallel_loop3A_373 = vector.shape_cast %parallel_loop3A_372 : vector<1x16xf32> to vector<16xf32>
        %parallel_loop3A_374 = vector.shape_cast %parallel_loop3A_369 : vector<16xf32> to vector<1x16xf32>
        tpu.vector_store %arg14[%parallel_loop3A_370, %parallel_loop3A_371], %parallel_loop3A_374 {strides = array<i32>} : memref<16x1024xf32, #tpu.memory_space<vmem>>, vector<1x16xf32>,
        %parallel_loop3A_375 = arith.index_cast %parallel_loop3A_137 : i32 to index
        %parallel_loop3A_376 = arith.constant 192 : index
        %parallel_loop3A_377 = tpu.vector_load %arg12[%parallel_loop3A_375, %parallel_loop3A_376] {strides = array<i32>} : memref<32x1024xf32, #tpu.memory_space<vmem>>, vector<1x16xf32>,
        %parallel_loop3A_378 = vector.shape_cast %parallel_loop3A_377 : vector<1x16xf32> to vector<16xf32>
        %parallel_loop3A_379 = arith.constant 16 : i32
        %parallel_loop3A_380 = arith.addi %parallel_loop3A_379, %parallel_loop3A_137 : i32
        %parallel_loop3A_381 = arith.index_cast %parallel_loop3A_380 : i32 to index
        %parallel_loop3A_382 = arith.constant 192 : index
        %parallel_loop3A_383 = tpu.vector_load %arg12[%parallel_loop3A_381, %parallel_loop3A_382] {strides = array<i32>} : memref<32x1024xf32, #tpu.memory_space<vmem>>, vector<1x16xf32>,
        %parallel_loop3A_384 = vector.shape_cast %parallel_loop3A_383 : vector<1x16xf32> to vector<16xf32>
        %parallel_loop3A_385 = arith.mulf %parallel_loop3A_378, %parallel_loop3A_148 : vector<16xf32>
        %parallel_loop3A_386 = arith.mulf %parallel_loop3A_384, %parallel_loop3A_158 : vector<16xf32>
        %parallel_loop3A_387 = arith.addf %parallel_loop3A_385, %parallel_loop3A_386 : vector<16xf32>
        %parallel_loop3A_388 = arith.index_cast %parallel_loop3A_137 : i32 to index
        %parallel_loop3A_389 = arith.constant 192 : index
        %parallel_loop3A_390 = tpu.vector_load %arg14[%parallel_loop3A_388, %parallel_loop3A_389] {strides = array<i32>} : memref<16x1024xf32, #tpu.memory_space<vmem>>, vector<1x16xf32>,
        %parallel_loop3A_391 = vector.shape_cast %parallel_loop3A_390 : vector<1x16xf32> to vector<16xf32>
        %parallel_loop3A_392 = vector.shape_cast %parallel_loop3A_387 : vector<16xf32> to vector<1x16xf32>
        tpu.vector_store %arg14[%parallel_loop3A_388, %parallel_loop3A_389], %parallel_loop3A_392 {strides = array<i32>} : memref<16x1024xf32, #tpu.memory_space<vmem>>, vector<1x16xf32>,
        %parallel_loop3A_393 = arith.index_cast %parallel_loop3A_137 : i32 to index
        %parallel_loop3A_394 = arith.constant 208 : index
        %parallel_loop3A_395 = tpu.vector_load %arg12[%parallel_loop3A_393, %parallel_loop3A_394] {strides = array<i32>} : memref<32x1024xf32, #tpu.memory_space<vmem>>, vector<1x16xf32>,
        %parallel_loop3A_396 = vector.shape_cast %parallel_loop3A_395 : vector<1x16xf32> to vector<16xf32>
        %parallel_loop3A_397 = arith.constant 16 : i32
        %parallel_loop3A_398 = arith.addi %parallel_loop3A_397, %parallel_loop3A_137 : i32
        %parallel_loop3A_399 = arith.index_cast %parallel_loop3A_398 : i32 to index
        %parallel_loop3A_400 = arith.constant 208 : index
        %parallel_loop3A_401 = tpu.vector_load %arg12[%parallel_loop3A_399, %parallel_loop3A_400] {strides = array<i32>} : memref<32x1024xf32, #tpu.memory_space<vmem>>, vector<1x16xf32>,
        %parallel_loop3A_402 = vector.shape_cast %parallel_loop3A_401 : vector<1x16xf32> to vector<16xf32>
        %parallel_loop3A_403 = arith.mulf %parallel_loop3A_396, %parallel_loop3A_148 : vector<16xf32>
        %parallel_loop3A_404 = arith.mulf %parallel_loop3A_402, %parallel_loop3A_158 : vector<16xf32>
        %parallel_loop3A_405 = arith.addf %parallel_loop3A_403, %parallel_loop3A_404 : vector<16xf32>
        %parallel_loop3A_406 = arith.index_cast %parallel_loop3A_137 : i32 to index
        %parallel_loop3A_407 = arith.constant 208 : index
        %parallel_loop3A_408 = tpu.vector_load %arg14[%parallel_loop3A_406, %parallel_loop3A_407] {strides = array<i32>} : memref<16x1024xf32, #tpu.memory_space<vmem>>, vector<1x16xf32>,
        %parallel_loop3A_409 = vector.shape_cast %parallel_loop3A_408 : vector<1x16xf32> to vector<16xf32>
        %parallel_loop3A_410 = vector.shape_cast %parallel_loop3A_405 : vector<16xf32> to vector<1x16xf32>
        tpu.vector_store %arg14[%parallel_loop3A_406, %parallel_loop3A_407], %parallel_loop3A_410 {strides = array<i32>} : memref<16x1024xf32, #tpu.memory_space<vmem>>, vector<1x16xf32>,
        %parallel_loop3A_411 = arith.index_cast %parallel_loop3A_137 : i32 to index
        %parallel_loop3A_412 = arith.constant 224 : index
        %parallel_loop3A_413 = tpu.vector_load %arg12[%parallel_loop3A_411, %parallel_loop3A_412] {strides = array<i32>} : memref<32x1024xf32, #tpu.memory_space<vmem>>, vector<1x16xf32>,
        %parallel_loop3A_414 = vector.shape_cast %parallel_loop3A_413 : vector<1x16xf32> to vector<16xf32>
        %parallel_loop3A_415 = arith.constant 16 : i32
        %parallel_loop3A_416 = arith.addi %parallel_loop3A_415, %parallel_loop3A_137 : i32
        %parallel_loop3A_417 = arith.index_cast %parallel_loop3A_416 : i32 to index
        %parallel_loop3A_418 = arith.constant 224 : index
        %parallel_loop3A_419 = tpu.vector_load %arg12[%parallel_loop3A_417, %parallel_loop3A_418] {strides = array<i32>} : memref<32x1024xf32, #tpu.memory_space<vmem>>, vector<1x16xf32>,
        %parallel_loop3A_420 = vector.shape_cast %parallel_loop3A_419 : vector<1x16xf32> to vector<16xf32>
        %parallel_loop3A_421 = arith.mulf %parallel_loop3A_414, %parallel_loop3A_148 : vector<16xf32>
        %parallel_loop3A_422 = arith.mulf %parallel_loop3A_420, %parallel_loop3A_158 : vector<16xf32>
        %parallel_loop3A_423 = arith.addf %parallel_loop3A_421, %parallel_loop3A_422 : vector<16xf32>
        %parallel_loop3A_424 = arith.index_cast %parallel_loop3A_137 : i32 to index
        %parallel_loop3A_425 = arith.constant 224 : index
        %parallel_loop3A_426 = tpu.vector_load %arg14[%parallel_loop3A_424, %parallel_loop3A_425] {strides = array<i32>} : memref<16x1024xf32, #tpu.memory_space<vmem>>, vector<1x16xf32>,
        %parallel_loop3A_427 = vector.shape_cast %parallel_loop3A_426 : vector<1x16xf32> to vector<16xf32>
        %parallel_loop3A_428 = vector.shape_cast %parallel_loop3A_423 : vector<16xf32> to vector<1x16xf32>
        tpu.vector_store %arg14[%parallel_loop3A_424, %parallel_loop3A_425], %parallel_loop3A_428 {strides = array<i32>} : memref<16x1024xf32, #tpu.memory_space<vmem>>, vector<1x16xf32>,
        %parallel_loop3A_429 = arith.index_cast %parallel_loop3A_137 : i32 to index
        %parallel_loop3A_430 = arith.constant 240 : index
        %parallel_loop3A_431 = tpu.vector_load %arg12[%parallel_loop3A_429, %parallel_loop3A_430] {strides = array<i32>} : memref<32x1024xf32, #tpu.memory_space<vmem>>, vector<1x16xf32>,
        %parallel_loop3A_432 = vector.shape_cast %parallel_loop3A_431 : vector<1x16xf32> to vector<16xf32>
        %parallel_loop3A_433 = arith.constant 16 : i32
        %parallel_loop3A_434 = arith.addi %parallel_loop3A_433, %parallel_loop3A_137 : i32
        %parallel_loop3A_435 = arith.index_cast %parallel_loop3A_434 : i32 to index
        %parallel_loop3A_436 = arith.constant 240 : index
        %parallel_loop3A_437 = tpu.vector_load %arg12[%parallel_loop3A_435, %parallel_loop3A_436] {strides = array<i32>} : memref<32x1024xf32, #tpu.memory_space<vmem>>, vector<1x16xf32>,
        %parallel_loop3A_438 = vector.shape_cast %parallel_loop3A_437 : vector<1x16xf32> to vector<16xf32>
        %parallel_loop3A_439 = arith.mulf %parallel_loop3A_432, %parallel_loop3A_148 : vector<16xf32>
        %parallel_loop3A_440 = arith.mulf %parallel_loop3A_438, %parallel_loop3A_158 : vector<16xf32>
        %parallel_loop3A_441 = arith.addf %parallel_loop3A_439, %parallel_loop3A_440 : vector<16xf32>
        %parallel_loop3A_442 = arith.index_cast %parallel_loop3A_137 : i32 to index
        %parallel_loop3A_443 = arith.constant 240 : index
        %parallel_loop3A_444 = tpu.vector_load %arg14[%parallel_loop3A_442, %parallel_loop3A_443] {strides = array<i32>} : memref<16x1024xf32, #tpu.memory_space<vmem>>, vector<1x16xf32>,
        %parallel_loop3A_445 = vector.shape_cast %parallel_loop3A_444 : vector<1x16xf32> to vector<16xf32>
        %parallel_loop3A_446 = vector.shape_cast %parallel_loop3A_441 : vector<16xf32> to vector<1x16xf32>
        tpu.vector_store %arg14[%parallel_loop3A_442, %parallel_loop3A_443], %parallel_loop3A_446 {strides = array<i32>} : memref<16x1024xf32, #tpu.memory_space<vmem>>, vector<1x16xf32>,
        %parallel_loop3A_447 = arith.index_cast %parallel_loop3A_137 : i32 to index
        %parallel_loop3A_448 = arith.constant 256 : index
        %parallel_loop3A_449 = tpu.vector_load %arg12[%parallel_loop3A_447, %parallel_loop3A_448] {strides = array<i32>} : memref<32x1024xf32, #tpu.memory_space<vmem>>, vector<1x16xf32>,
        %parallel_loop3A_450 = vector.shape_cast %parallel_loop3A_449 : vector<1x16xf32> to vector<16xf32>
        %parallel_loop3A_451 = arith.constant 16 : i32
        %parallel_loop3A_452 = arith.addi %parallel_loop3A_451, %parallel_loop3A_137 : i32
        %parallel_loop3A_453 = arith.index_cast %parallel_loop3A_452 : i32 to index
        %parallel_loop3A_454 = arith.constant 256 : index
        %parallel_loop3A_455 = tpu.vector_load %arg12[%parallel_loop3A_453, %parallel_loop3A_454] {strides = array<i32>} : memref<32x1024xf32, #tpu.memory_space<vmem>>, vector<1x16xf32>,
        %parallel_loop3A_456 = vector.shape_cast %parallel_loop3A_455 : vector<1x16xf32> to vector<16xf32>
        %parallel_loop3A_457 = arith.mulf %parallel_loop3A_450, %parallel_loop3A_148 : vector<16xf32>
        %parallel_loop3A_458 = arith.mulf %parallel_loop3A_456, %parallel_loop3A_158 : vector<16xf32>
        %parallel_loop3A_459 = arith.addf %parallel_loop3A_457, %parallel_loop3A_458 : vector<16xf32>
        %parallel_loop3A_460 = arith.index_cast %parallel_loop3A_137 : i32 to index
        %parallel_loop3A_461 = arith.constant 256 : index
        %parallel_loop3A_462 = tpu.vector_load %arg14[%parallel_loop3A_460, %parallel_loop3A_461] {strides = array<i32>} : memref<16x1024xf32, #tpu.memory_space<vmem>>, vector<1x16xf32>,
        %parallel_loop3A_463 = vector.shape_cast %parallel_loop3A_462 : vector<1x16xf32> to vector<16xf32>
        %parallel_loop3A_464 = vector.shape_cast %parallel_loop3A_459 : vector<16xf32> to vector<1x16xf32>
        tpu.vector_store %arg14[%parallel_loop3A_460, %parallel_loop3A_461], %parallel_loop3A_464 {strides = array<i32>} : memref<16x1024xf32, #tpu.memory_space<vmem>>, vector<1x16xf32>,
        %parallel_loop3A_465 = arith.index_cast %parallel_loop3A_137 : i32 to index
        %parallel_loop3A_466 = arith.constant 272 : index
        %parallel_loop3A_467 = tpu.vector_load %arg12[%parallel_loop3A_465, %parallel_loop3A_466] {strides = array<i32>} : memref<32x1024xf32, #tpu.memory_space<vmem>>, vector<1x16xf32>,
        %parallel_loop3A_468 = vector.shape_cast %parallel_loop3A_467 : vector<1x16xf32> to vector<16xf32>
        %parallel_loop3A_469 = arith.constant 16 : i32
        %parallel_loop3A_470 = arith.addi %parallel_loop3A_469, %parallel_loop3A_137 : i32
        %parallel_loop3A_471 = arith.index_cast %parallel_loop3A_470 : i32 to index
        %parallel_loop3A_472 = arith.constant 272 : index
        %parallel_loop3A_473 = tpu.vector_load %arg12[%parallel_loop3A_471, %parallel_loop3A_472] {strides = array<i32>} : memref<32x1024xf32, #tpu.memory_space<vmem>>, vector<1x16xf32>,
        %parallel_loop3A_474 = vector.shape_cast %parallel_loop3A_473 : vector<1x16xf32> to vector<16xf32>
        %parallel_loop3A_475 = arith.mulf %parallel_loop3A_468, %parallel_loop3A_148 : vector<16xf32>
        %parallel_loop3A_476 = arith.mulf %parallel_loop3A_474, %parallel_loop3A_158 : vector<16xf32>
        %parallel_loop3A_477 = arith.addf %parallel_loop3A_475, %parallel_loop3A_476 : vector<16xf32>
        %parallel_loop3A_478 = arith.index_cast %parallel_loop3A_137 : i32 to index
        %parallel_loop3A_479 = arith.constant 272 : index
        %parallel_loop3A_480 = tpu.vector_load %arg14[%parallel_loop3A_478, %parallel_loop3A_479] {strides = array<i32>} : memref<16x1024xf32, #tpu.memory_space<vmem>>, vector<1x16xf32>,
        %parallel_loop3A_481 = vector.shape_cast %parallel_loop3A_480 : vector<1x16xf32> to vector<16xf32>
        %parallel_loop3A_482 = vector.shape_cast %parallel_loop3A_477 : vector<16xf32> to vector<1x16xf32>
        tpu.vector_store %arg14[%parallel_loop3A_478, %parallel_loop3A_479], %parallel_loop3A_482 {strides = array<i32>} : memref<16x1024xf32, #tpu.memory_space<vmem>>, vector<1x16xf32>,
        %parallel_loop3A_483 = arith.index_cast %parallel_loop3A_137 : i32 to index
        %parallel_loop3A_484 = arith.constant 288 : index
        %parallel_loop3A_485 = tpu.vector_load %arg12[%parallel_loop3A_483, %parallel_loop3A_484] {strides = array<i32>} : memref<32x1024xf32, #tpu.memory_space<vmem>>, vector<1x16xf32>,
        %parallel_loop3A_486 = vector.shape_cast %parallel_loop3A_485 : vector<1x16xf32> to vector<16xf32>
        %parallel_loop3A_487 = arith.constant 16 : i32
        %parallel_loop3A_488 = arith.addi %parallel_loop3A_487, %parallel_loop3A_137 : i32
        %parallel_loop3A_489 = arith.index_cast %parallel_loop3A_488 : i32 to index
        %parallel_loop3A_490 = arith.constant 288 : index
        %parallel_loop3A_491 = tpu.vector_load %arg12[%parallel_loop3A_489, %parallel_loop3A_490] {strides = array<i32>} : memref<32x1024xf32, #tpu.memory_space<vmem>>, vector<1x16xf32>,
        %parallel_loop3A_492 = vector.shape_cast %parallel_loop3A_491 : vector<1x16xf32> to vector<16xf32>
        %parallel_loop3A_493 = arith.mulf %parallel_loop3A_486, %parallel_loop3A_148 : vector<16xf32>
        %parallel_loop3A_494 = arith.mulf %parallel_loop3A_492, %parallel_loop3A_158 : vector<16xf32>
        %parallel_loop3A_495 = arith.addf %parallel_loop3A_493, %parallel_loop3A_494 : vector<16xf32>
        %parallel_loop3A_496 = arith.index_cast %parallel_loop3A_137 : i32 to index
        %parallel_loop3A_497 = arith.constant 288 : index
        %parallel_loop3A_498 = tpu.vector_load %arg14[%parallel_loop3A_496, %parallel_loop3A_497] {strides = array<i32>} : memref<16x1024xf32, #tpu.memory_space<vmem>>, vector<1x16xf32>,
        %parallel_loop3A_499 = vector.shape_cast %parallel_loop3A_498 : vector<1x16xf32> to vector<16xf32>
        %parallel_loop3A_500 = vector.shape_cast %parallel_loop3A_495 : vector<16xf32> to vector<1x16xf32>
        tpu.vector_store %arg14[%parallel_loop3A_496, %parallel_loop3A_497], %parallel_loop3A_500 {strides = array<i32>} : memref<16x1024xf32, #tpu.memory_space<vmem>>, vector<1x16xf32>,
        %parallel_loop3A_501 = arith.index_cast %parallel_loop3A_137 : i32 to index
        %parallel_loop3A_502 = arith.constant 304 : index
        %parallel_loop3A_503 = tpu.vector_load %arg12[%parallel_loop3A_501, %parallel_loop3A_502] {strides = array<i32>} : memref<32x1024xf32, #tpu.memory_space<vmem>>, vector<1x16xf32>,
        %parallel_loop3A_504 = vector.shape_cast %parallel_loop3A_503 : vector<1x16xf32> to vector<16xf32>
        %parallel_loop3A_505 = arith.constant 16 : i32
        %parallel_loop3A_506 = arith.addi %parallel_loop3A_505, %parallel_loop3A_137 : i32
        %parallel_loop3A_507 = arith.index_cast %parallel_loop3A_506 : i32 to index
        %parallel_loop3A_508 = arith.constant 304 : index
        %parallel_loop3A_509 = tpu.vector_load %arg12[%parallel_loop3A_507, %parallel_loop3A_508] {strides = array<i32>} : memref<32x1024xf32, #tpu.memory_space<vmem>>, vector<1x16xf32>,
        %parallel_loop3A_510 = vector.shape_cast %parallel_loop3A_509 : vector<1x16xf32> to vector<16xf32>
        %parallel_loop3A_511 = arith.mulf %parallel_loop3A_504, %parallel_loop3A_148 : vector<16xf32>
        %parallel_loop3A_512 = arith.mulf %parallel_loop3A_510, %parallel_loop3A_158 : vector<16xf32>
        %parallel_loop3A_513 = arith.addf %parallel_loop3A_511, %parallel_loop3A_512 : vector<16xf32>
        %parallel_loop3A_514 = arith.index_cast %parallel_loop3A_137 : i32 to index
        %parallel_loop3A_515 = arith.constant 304 : index
        %parallel_loop3A_516 = tpu.vector_load %arg14[%parallel_loop3A_514, %parallel_loop3A_515] {strides = array<i32>} : memref<16x1024xf32, #tpu.memory_space<vmem>>, vector<1x16xf32>,
        %parallel_loop3A_517 = vector.shape_cast %parallel_loop3A_516 : vector<1x16xf32> to vector<16xf32>
        %parallel_loop3A_518 = vector.shape_cast %parallel_loop3A_513 : vector<16xf32> to vector<1x16xf32>
        tpu.vector_store %arg14[%parallel_loop3A_514, %parallel_loop3A_515], %parallel_loop3A_518 {strides = array<i32>} : memref<16x1024xf32, #tpu.memory_space<vmem>>, vector<1x16xf32>,
        %parallel_loop3A_519 = arith.index_cast %parallel_loop3A_137 : i32 to index
        %parallel_loop3A_520 = arith.constant 320 : index
        %parallel_loop3A_521 = tpu.vector_load %arg12[%parallel_loop3A_519, %parallel_loop3A_520] {strides = array<i32>} : memref<32x1024xf32, #tpu.memory_space<vmem>>, vector<1x16xf32>,
        %parallel_loop3A_522 = vector.shape_cast %parallel_loop3A_521 : vector<1x16xf32> to vector<16xf32>
        %parallel_loop3A_523 = arith.constant 16 : i32
        %parallel_loop3A_524 = arith.addi %parallel_loop3A_523, %parallel_loop3A_137 : i32
        %parallel_loop3A_525 = arith.index_cast %parallel_loop3A_524 : i32 to index
        %parallel_loop3A_526 = arith.constant 320 : index
        %parallel_loop3A_527 = tpu.vector_load %arg12[%parallel_loop3A_525, %parallel_loop3A_526] {strides = array<i32>} : memref<32x1024xf32, #tpu.memory_space<vmem>>, vector<1x16xf32>,
        %parallel_loop3A_528 = vector.shape_cast %parallel_loop3A_527 : vector<1x16xf32> to vector<16xf32>
        %parallel_loop3A_529 = arith.mulf %parallel_loop3A_522, %parallel_loop3A_148 : vector<16xf32>
        %parallel_loop3A_530 = arith.mulf %parallel_loop3A_528, %parallel_loop3A_158 : vector<16xf32>
        %parallel_loop3A_531 = arith.addf %parallel_loop3A_529, %parallel_loop3A_530 : vector<16xf32>
        %parallel_loop3A_532 = arith.index_cast %parallel_loop3A_137 : i32 to index
        %parallel_loop3A_533 = arith.constant 320 : index
        %parallel_loop3A_534 = tpu.vector_load %arg14[%parallel_loop3A_532, %parallel_loop3A_533] {strides = array<i32>} : memref<16x1024xf32, #tpu.memory_space<vmem>>, vector<1x16xf32>,
        %parallel_loop3A_535 = vector.shape_cast %parallel_loop3A_534 : vector<1x16xf32> to vector<16xf32>
        %parallel_loop3A_536 = vector.shape_cast %parallel_loop3A_531 : vector<16xf32> to vector<1x16xf32>
        tpu.vector_store %arg14[%parallel_loop3A_532, %parallel_loop3A_533], %parallel_loop3A_536 {strides = array<i32>} : memref<16x1024xf32, #tpu.memory_space<vmem>>, vector<1x16xf32>,
        %parallel_loop3A_537 = arith.index_cast %parallel_loop3A_137 : i32 to index
        %parallel_loop3A_538 = arith.constant 336 : index
        %parallel_loop3A_539 = tpu.vector_load %arg12[%parallel_loop3A_537, %parallel_loop3A_538] {strides = array<i32>} : memref<32x1024xf32, #tpu.memory_space<vmem>>, vector<1x16xf32>,
        %parallel_loop3A_540 = vector.shape_cast %parallel_loop3A_539 : vector<1x16xf32> to vector<16xf32>
        %parallel_loop3A_541 = arith.constant 16 : i32
        %parallel_loop3A_542 = arith.addi %parallel_loop3A_541, %parallel_loop3A_137 : i32
        %parallel_loop3A_543 = arith.index_cast %parallel_loop3A_542 : i32 to index
        %parallel_loop3A_544 = arith.constant 336 : index
        %parallel_loop3A_545 = tpu.vector_load %arg12[%parallel_loop3A_543, %parallel_loop3A_544] {strides = array<i32>} : memref<32x1024xf32, #tpu.memory_space<vmem>>, vector<1x16xf32>,
        %parallel_loop3A_546 = vector.shape_cast %parallel_loop3A_545 : vector<1x16xf32> to vector<16xf32>
        %parallel_loop3A_547 = arith.mulf %parallel_loop3A_540, %parallel_loop3A_148 : vector<16xf32>
        %parallel_loop3A_548 = arith.mulf %parallel_loop3A_546, %parallel_loop3A_158 : vector<16xf32>
        %parallel_loop3A_549 = arith.addf %parallel_loop3A_547, %parallel_loop3A_548 : vector<16xf32>
        %parallel_loop3A_550 = arith.index_cast %parallel_loop3A_137 : i32 to index
        %parallel_loop3A_551 = arith.constant 336 : index
        %parallel_loop3A_552 = tpu.vector_load %arg14[%parallel_loop3A_550, %parallel_loop3A_551] {strides = array<i32>} : memref<16x1024xf32, #tpu.memory_space<vmem>>, vector<1x16xf32>,
        %parallel_loop3A_553 = vector.shape_cast %parallel_loop3A_552 : vector<1x16xf32> to vector<16xf32>
        %parallel_loop3A_554 = vector.shape_cast %parallel_loop3A_549 : vector<16xf32> to vector<1x16xf32>
        tpu.vector_store %arg14[%parallel_loop3A_550, %parallel_loop3A_551], %parallel_loop3A_554 {strides = array<i32>} : memref<16x1024xf32, #tpu.memory_space<vmem>>, vector<1x16xf32>,
        %parallel_loop3A_555 = arith.index_cast %parallel_loop3A_137 : i32 to index
        %parallel_loop3A_556 = arith.constant 352 : index
        %parallel_loop3A_557 = tpu.vector_load %arg12[%parallel_loop3A_555, %parallel_loop3A_556] {strides = array<i32>} : memref<32x1024xf32, #tpu.memory_space<vmem>>, vector<1x16xf32>,
        %parallel_loop3A_558 = vector.shape_cast %parallel_loop3A_557 : vector<1x16xf32> to vector<16xf32>
        %parallel_loop3A_559 = arith.constant 16 : i32
        %parallel_loop3A_560 = arith.addi %parallel_loop3A_559, %parallel_loop3A_137 : i32
        %parallel_loop3A_561 = arith.index_cast %parallel_loop3A_560 : i32 to index
        %parallel_loop3A_562 = arith.constant 352 : index
        %parallel_loop3A_563 = tpu.vector_load %arg12[%parallel_loop3A_561, %parallel_loop3A_562] {strides = array<i32>} : memref<32x1024xf32, #tpu.memory_space<vmem>>, vector<1x16xf32>,
        %parallel_loop3A_564 = vector.shape_cast %parallel_loop3A_563 : vector<1x16xf32> to vector<16xf32>
        %parallel_loop3A_565 = arith.mulf %parallel_loop3A_558, %parallel_loop3A_148 : vector<16xf32>
        %parallel_loop3A_566 = arith.mulf %parallel_loop3A_564, %parallel_loop3A_158 : vector<16xf32>
        %parallel_loop3A_567 = arith.addf %parallel_loop3A_565, %parallel_loop3A_566 : vector<16xf32>
        %parallel_loop3A_568 = arith.index_cast %parallel_loop3A_137 : i32 to index
        %parallel_loop3A_569 = arith.constant 352 : index
        %parallel_loop3A_570 = tpu.vector_load %arg14[%parallel_loop3A_568, %parallel_loop3A_569] {strides = array<i32>} : memref<16x1024xf32, #tpu.memory_space<vmem>>, vector<1x16xf32>,
        %parallel_loop3A_571 = vector.shape_cast %parallel_loop3A_570 : vector<1x16xf32> to vector<16xf32>
        %parallel_loop3A_572 = vector.shape_cast %parallel_loop3A_567 : vector<16xf32> to vector<1x16xf32>
        tpu.vector_store %arg14[%parallel_loop3A_568, %parallel_loop3A_569], %parallel_loop3A_572 {strides = array<i32>} : memref<16x1024xf32, #tpu.memory_space<vmem>>, vector<1x16xf32>,
        %parallel_loop3A_573 = arith.index_cast %parallel_loop3A_137 : i32 to index
        %parallel_loop3A_574 = arith.constant 368 : index
        %parallel_loop3A_575 = tpu.vector_load %arg12[%parallel_loop3A_573, %parallel_loop3A_574] {strides = array<i32>} : memref<32x1024xf32, #tpu.memory_space<vmem>>, vector<1x16xf32>,
        %parallel_loop3A_576 = vector.shape_cast %parallel_loop3A_575 : vector<1x16xf32> to vector<16xf32>
        %parallel_loop3A_577 = arith.constant 16 : i32
        %parallel_loop3A_578 = arith.addi %parallel_loop3A_577, %parallel_loop3A_137 : i32
        %parallel_loop3A_579 = arith.index_cast %parallel_loop3A_578 : i32 to index
        %parallel_loop3A_580 = arith.constant 368 : index
        %parallel_loop3A_581 = tpu.vector_load %arg12[%parallel_loop3A_579, %parallel_loop3A_580] {strides = array<i32>} : memref<32x1024xf32, #tpu.memory_space<vmem>>, vector<1x16xf32>,
        %parallel_loop3A_582 = vector.shape_cast %parallel_loop3A_581 : vector<1x16xf32> to vector<16xf32>
        %parallel_loop3A_583 = arith.mulf %parallel_loop3A_576, %parallel_loop3A_148 : vector<16xf32>
        %parallel_loop3A_584 = arith.mulf %parallel_loop3A_582, %parallel_loop3A_158 : vector<16xf32>
        %parallel_loop3A_585 = arith.addf %parallel_loop3A_583, %parallel_loop3A_584 : vector<16xf32>
        %parallel_loop3A_586 = arith.index_cast %parallel_loop3A_137 : i32 to index
        %parallel_loop3A_587 = arith.constant 368 : index
        %parallel_loop3A_588 = tpu.vector_load %arg14[%parallel_loop3A_586, %parallel_loop3A_587] {strides = array<i32>} : memref<16x1024xf32, #tpu.memory_space<vmem>>, vector<1x16xf32>,
        %parallel_loop3A_589 = vector.shape_cast %parallel_loop3A_588 : vector<1x16xf32> to vector<16xf32>
        %parallel_loop3A_590 = vector.shape_cast %parallel_loop3A_585 : vector<16xf32> to vector<1x16xf32>
        tpu.vector_store %arg14[%parallel_loop3A_586, %parallel_loop3A_587], %parallel_loop3A_590 {strides = array<i32>} : memref<16x1024xf32, #tpu.memory_space<vmem>>, vector<1x16xf32>,
        %parallel_loop3A_591 = arith.index_cast %parallel_loop3A_137 : i32 to index
        %parallel_loop3A_592 = arith.constant 384 : index
        %parallel_loop3A_593 = tpu.vector_load %arg12[%parallel_loop3A_591, %parallel_loop3A_592] {strides = array<i32>} : memref<32x1024xf32, #tpu.memory_space<vmem>>, vector<1x16xf32>,
        %parallel_loop3A_594 = vector.shape_cast %parallel_loop3A_593 : vector<1x16xf32> to vector<16xf32>
        %parallel_loop3A_595 = arith.constant 16 : i32
        %parallel_loop3A_596 = arith.addi %parallel_loop3A_595, %parallel_loop3A_137 : i32
        %parallel_loop3A_597 = arith.index_cast %parallel_loop3A_596 : i32 to index
        %parallel_loop3A_598 = arith.constant 384 : index
        %parallel_loop3A_599 = tpu.vector_load %arg12[%parallel_loop3A_597, %parallel_loop3A_598] {strides = array<i32>} : memref<32x1024xf32, #tpu.memory_space<vmem>>, vector<1x16xf32>,
        %parallel_loop3A_600 = vector.shape_cast %parallel_loop3A_599 : vector<1x16xf32> to vector<16xf32>
        %parallel_loop3A_601 = arith.mulf %parallel_loop3A_594, %parallel_loop3A_148 : vector<16xf32>
        %parallel_loop3A_602 = arith.mulf %parallel_loop3A_600, %parallel_loop3A_158 : vector<16xf32>
        %parallel_loop3A_603 = arith.addf %parallel_loop3A_601, %parallel_loop3A_602 : vector<16xf32>
        %parallel_loop3A_604 = arith.index_cast %parallel_loop3A_137 : i32 to index
        %parallel_loop3A_605 = arith.constant 384 : index
        %parallel_loop3A_606 = tpu.vector_load %arg14[%parallel_loop3A_604, %parallel_loop3A_605] {strides = array<i32>} : memref<16x1024xf32, #tpu.memory_space<vmem>>, vector<1x16xf32>,
        %parallel_loop3A_607 = vector.shape_cast %parallel_loop3A_606 : vector<1x16xf32> to vector<16xf32>
        %parallel_loop3A_608 = vector.shape_cast %parallel_loop3A_603 : vector<16xf32> to vector<1x16xf32>
        tpu.vector_store %arg14[%parallel_loop3A_604, %parallel_loop3A_605], %parallel_loop3A_608 {strides = array<i32>} : memref<16x1024xf32, #tpu.memory_space<vmem>>, vector<1x16xf32>,
        %parallel_loop3A_609 = arith.index_cast %parallel_loop3A_137 : i32 to index
        %parallel_loop3A_610 = arith.constant 400 : index
        %parallel_loop3A_611 = tpu.vector_load %arg12[%parallel_loop3A_609, %parallel_loop3A_610] {strides = array<i32>} : memref<32x1024xf32, #tpu.memory_space<vmem>>, vector<1x16xf32>,
        %parallel_loop3A_612 = vector.shape_cast %parallel_loop3A_611 : vector<1x16xf32> to vector<16xf32>
        %parallel_loop3A_613 = arith.constant 16 : i32
        %parallel_loop3A_614 = arith.addi %parallel_loop3A_613, %parallel_loop3A_137 : i32
        %parallel_loop3A_615 = arith.index_cast %parallel_loop3A_614 : i32 to index
        %parallel_loop3A_616 = arith.constant 400 : index
        %parallel_loop3A_617 = tpu.vector_load %arg12[%parallel_loop3A_615, %parallel_loop3A_616] {strides = array<i32>} : memref<32x1024xf32, #tpu.memory_space<vmem>>, vector<1x16xf32>,
        %parallel_loop3A_618 = vector.shape_cast %parallel_loop3A_617 : vector<1x16xf32> to vector<16xf32>
        %parallel_loop3A_619 = arith.mulf %parallel_loop3A_612, %parallel_loop3A_148 : vector<16xf32>
        %parallel_loop3A_620 = arith.mulf %parallel_loop3A_618, %parallel_loop3A_158 : vector<16xf32>
        %parallel_loop3A_621 = arith.addf %parallel_loop3A_619, %parallel_loop3A_620 : vector<16xf32>
        %parallel_loop3A_622 = arith.index_cast %parallel_loop3A_137 : i32 to index
        %parallel_loop3A_623 = arith.constant 400 : index
        %parallel_loop3A_624 = tpu.vector_load %arg14[%parallel_loop3A_622, %parallel_loop3A_623] {strides = array<i32>} : memref<16x1024xf32, #tpu.memory_space<vmem>>, vector<1x16xf32>,
        %parallel_loop3A_625 = vector.shape_cast %parallel_loop3A_624 : vector<1x16xf32> to vector<16xf32>
        %parallel_loop3A_626 = vector.shape_cast %parallel_loop3A_621 : vector<16xf32> to vector<1x16xf32>
        tpu.vector_store %arg14[%parallel_loop3A_622, %parallel_loop3A_623], %parallel_loop3A_626 {strides = array<i32>} : memref<16x1024xf32, #tpu.memory_space<vmem>>, vector<1x16xf32>,
        %parallel_loop3A_627 = arith.index_cast %parallel_loop3A_137 : i32 to index
        %parallel_loop3A_628 = arith.constant 416 : index
        %parallel_loop3A_629 = tpu.vector_load %arg12[%parallel_loop3A_627, %parallel_loop3A_628] {strides = array<i32>} : memref<32x1024xf32, #tpu.memory_space<vmem>>, vector<1x16xf32>,
        %parallel_loop3A_630 = vector.shape_cast %parallel_loop3A_629 : vector<1x16xf32> to vector<16xf32>
        %parallel_loop3A_631 = arith.constant 16 : i32
        %parallel_loop3A_632 = arith.addi %parallel_loop3A_631, %parallel_loop3A_137 : i32
        %parallel_loop3A_633 = arith.index_cast %parallel_loop3A_632 : i32 to index
        %parallel_loop3A_634 = arith.constant 416 : index
        %parallel_loop3A_635 = tpu.vector_load %arg12[%parallel_loop3A_633, %parallel_loop3A_634] {strides = array<i32>} : memref<32x1024xf32, #tpu.memory_space<vmem>>, vector<1x16xf32>,
        %parallel_loop3A_636 = vector.shape_cast %parallel_loop3A_635 : vector<1x16xf32> to vector<16xf32>
        %parallel_loop3A_637 = arith.mulf %parallel_loop3A_630, %parallel_loop3A_148 : vector<16xf32>
        %parallel_loop3A_638 = arith.mulf %parallel_loop3A_636, %parallel_loop3A_158 : vector<16xf32>
        %parallel_loop3A_639 = arith.addf %parallel_loop3A_637, %parallel_loop3A_638 : vector<16xf32>
        %parallel_loop3A_640 = arith.index_cast %parallel_loop3A_137 : i32 to index
        %parallel_loop3A_641 = arith.constant 416 : index
        %parallel_loop3A_642 = tpu.vector_load %arg14[%parallel_loop3A_640, %parallel_loop3A_641] {strides = array<i32>} : memref<16x1024xf32, #tpu.memory_space<vmem>>, vector<1x16xf32>,
        %parallel_loop3A_643 = vector.shape_cast %parallel_loop3A_642 : vector<1x16xf32> to vector<16xf32>
        %parallel_loop3A_644 = vector.shape_cast %parallel_loop3A_639 : vector<16xf32> to vector<1x16xf32>
        tpu.vector_store %arg14[%parallel_loop3A_640, %parallel_loop3A_641], %parallel_loop3A_644 {strides = array<i32>} : memref<16x1024xf32, #tpu.memory_space<vmem>>, vector<1x16xf32>,
        %parallel_loop3A_645 = arith.index_cast %parallel_loop3A_137 : i32 to index
        %parallel_loop3A_646 = arith.constant 432 : index
        %parallel_loop3A_647 = tpu.vector_load %arg12[%parallel_loop3A_645, %parallel_loop3A_646] {strides = array<i32>} : memref<32x1024xf32, #tpu.memory_space<vmem>>, vector<1x16xf32>,
        %parallel_loop3A_648 = vector.shape_cast %parallel_loop3A_647 : vector<1x16xf32> to vector<16xf32>
        %parallel_loop3A_649 = arith.constant 16 : i32
        %parallel_loop3A_650 = arith.addi %parallel_loop3A_649, %parallel_loop3A_137 : i32
        %parallel_loop3A_651 = arith.index_cast %parallel_loop3A_650 : i32 to index
        %parallel_loop3A_652 = arith.constant 432 : index
        %parallel_loop3A_653 = tpu.vector_load %arg12[%parallel_loop3A_651, %parallel_loop3A_652] {strides = array<i32>} : memref<32x1024xf32, #tpu.memory_space<vmem>>, vector<1x16xf32>,
        %parallel_loop3A_654 = vector.shape_cast %parallel_loop3A_653 : vector<1x16xf32> to vector<16xf32>
        %parallel_loop3A_655 = arith.mulf %parallel_loop3A_648, %parallel_loop3A_148 : vector<16xf32>
        %parallel_loop3A_656 = arith.mulf %parallel_loop3A_654, %parallel_loop3A_158 : vector<16xf32>
        %parallel_loop3A_657 = arith.addf %parallel_loop3A_655, %parallel_loop3A_656 : vector<16xf32>
        %parallel_loop3A_658 = arith.index_cast %parallel_loop3A_137 : i32 to index
        %parallel_loop3A_659 = arith.constant 432 : index
        %parallel_loop3A_660 = tpu.vector_load %arg14[%parallel_loop3A_658, %parallel_loop3A_659] {strides = array<i32>} : memref<16x1024xf32, #tpu.memory_space<vmem>>, vector<1x16xf32>,
        %parallel_loop3A_661 = vector.shape_cast %parallel_loop3A_660 : vector<1x16xf32> to vector<16xf32>
        %parallel_loop3A_662 = vector.shape_cast %parallel_loop3A_657 : vector<16xf32> to vector<1x16xf32>
        tpu.vector_store %arg14[%parallel_loop3A_658, %parallel_loop3A_659], %parallel_loop3A_662 {strides = array<i32>} : memref<16x1024xf32, #tpu.memory_space<vmem>>, vector<1x16xf32>,
        %parallel_loop3A_663 = arith.index_cast %parallel_loop3A_137 : i32 to index
        %parallel_loop3A_664 = arith.constant 448 : index
        %parallel_loop3A_665 = tpu.vector_load %arg12[%parallel_loop3A_663, %parallel_loop3A_664] {strides = array<i32>} : memref<32x1024xf32, #tpu.memory_space<vmem>>, vector<1x16xf32>,
        %parallel_loop3A_666 = vector.shape_cast %parallel_loop3A_665 : vector<1x16xf32> to vector<16xf32>
        %parallel_loop3A_667 = arith.constant 16 : i32
        %parallel_loop3A_668 = arith.addi %parallel_loop3A_667, %parallel_loop3A_137 : i32
        %parallel_loop3A_669 = arith.index_cast %parallel_loop3A_668 : i32 to index
        %parallel_loop3A_670 = arith.constant 448 : index
        %parallel_loop3A_671 = tpu.vector_load %arg12[%parallel_loop3A_669, %parallel_loop3A_670] {strides = array<i32>} : memref<32x1024xf32, #tpu.memory_space<vmem>>, vector<1x16xf32>,
        %parallel_loop3A_672 = vector.shape_cast %parallel_loop3A_671 : vector<1x16xf32> to vector<16xf32>
        %parallel_loop3A_673 = arith.mulf %parallel_loop3A_666, %parallel_loop3A_148 : vector<16xf32>
        %parallel_loop3A_674 = arith.mulf %parallel_loop3A_672, %parallel_loop3A_158 : vector<16xf32>
        %parallel_loop3A_675 = arith.addf %parallel_loop3A_673, %parallel_loop3A_674 : vector<16xf32>
        %parallel_loop3A_676 = arith.index_cast %parallel_loop3A_137 : i32 to index
        %parallel_loop3A_677 = arith.constant 448 : index
        %parallel_loop3A_678 = tpu.vector_load %arg14[%parallel_loop3A_676, %parallel_loop3A_677] {strides = array<i32>} : memref<16x1024xf32, #tpu.memory_space<vmem>>, vector<1x16xf32>,
        %parallel_loop3A_679 = vector.shape_cast %parallel_loop3A_678 : vector<1x16xf32> to vector<16xf32>
        %parallel_loop3A_680 = vector.shape_cast %parallel_loop3A_675 : vector<16xf32> to vector<1x16xf32>
        tpu.vector_store %arg14[%parallel_loop3A_676, %parallel_loop3A_677], %parallel_loop3A_680 {strides = array<i32>} : memref<16x1024xf32, #tpu.memory_space<vmem>>, vector<1x16xf32>,
        %parallel_loop3A_681 = arith.index_cast %parallel_loop3A_137 : i32 to index
        %parallel_loop3A_682 = arith.constant 464 : index
        %parallel_loop3A_683 = tpu.vector_load %arg12[%parallel_loop3A_681, %parallel_loop3A_682] {strides = array<i32>} : memref<32x1024xf32, #tpu.memory_space<vmem>>, vector<1x16xf32>,
        %parallel_loop3A_684 = vector.shape_cast %parallel_loop3A_683 : vector<1x16xf32> to vector<16xf32>
        %parallel_loop3A_685 = arith.constant 16 : i32
        %parallel_loop3A_686 = arith.addi %parallel_loop3A_685, %parallel_loop3A_137 : i32
        %parallel_loop3A_687 = arith.index_cast %parallel_loop3A_686 : i32 to index
        %parallel_loop3A_688 = arith.constant 464 : index
        %parallel_loop3A_689 = tpu.vector_load %arg12[%parallel_loop3A_687, %parallel_loop3A_688] {strides = array<i32>} : memref<32x1024xf32, #tpu.memory_space<vmem>>, vector<1x16xf32>,
        %parallel_loop3A_690 = vector.shape_cast %parallel_loop3A_689 : vector<1x16xf32> to vector<16xf32>
        %parallel_loop3A_691 = arith.mulf %parallel_loop3A_684, %parallel_loop3A_148 : vector<16xf32>
        %parallel_loop3A_692 = arith.mulf %parallel_loop3A_690, %parallel_loop3A_158 : vector<16xf32>
        %parallel_loop3A_693 = arith.addf %parallel_loop3A_691, %parallel_loop3A_692 : vector<16xf32>
        %parallel_loop3A_694 = arith.index_cast %parallel_loop3A_137 : i32 to index
        %parallel_loop3A_695 = arith.constant 464 : index
        %parallel_loop3A_696 = tpu.vector_load %arg14[%parallel_loop3A_694, %parallel_loop3A_695] {strides = array<i32>} : memref<16x1024xf32, #tpu.memory_space<vmem>>, vector<1x16xf32>,
        %parallel_loop3A_697 = vector.shape_cast %parallel_loop3A_696 : vector<1x16xf32> to vector<16xf32>
        %parallel_loop3A_698 = vector.shape_cast %parallel_loop3A_693 : vector<16xf32> to vector<1x16xf32>
        tpu.vector_store %arg14[%parallel_loop3A_694, %parallel_loop3A_695], %parallel_loop3A_698 {strides = array<i32>} : memref<16x1024xf32, #tpu.memory_space<vmem>>, vector<1x16xf32>,
        %parallel_loop3A_699 = arith.index_cast %parallel_loop3A_137 : i32 to index
        %parallel_loop3A_700 = arith.constant 480 : index
        %parallel_loop3A_701 = tpu.vector_load %arg12[%parallel_loop3A_699, %parallel_loop3A_700] {strides = array<i32>} : memref<32x1024xf32, #tpu.memory_space<vmem>>, vector<1x16xf32>,
        %parallel_loop3A_702 = vector.shape_cast %parallel_loop3A_701 : vector<1x16xf32> to vector<16xf32>
        %parallel_loop3A_703 = arith.constant 16 : i32
        %parallel_loop3A_704 = arith.addi %parallel_loop3A_703, %parallel_loop3A_137 : i32
        %parallel_loop3A_705 = arith.index_cast %parallel_loop3A_704 : i32 to index
        %parallel_loop3A_706 = arith.constant 480 : index
        %parallel_loop3A_707 = tpu.vector_load %arg12[%parallel_loop3A_705, %parallel_loop3A_706] {strides = array<i32>} : memref<32x1024xf32, #tpu.memory_space<vmem>>, vector<1x16xf32>,
        %parallel_loop3A_708 = vector.shape_cast %parallel_loop3A_707 : vector<1x16xf32> to vector<16xf32>
        %parallel_loop3A_709 = arith.mulf %parallel_loop3A_702, %parallel_loop3A_148 : vector<16xf32>
        %parallel_loop3A_710 = arith.mulf %parallel_loop3A_708, %parallel_loop3A_158 : vector<16xf32>
        %parallel_loop3A_711 = arith.addf %parallel_loop3A_709, %parallel_loop3A_710 : vector<16xf32>
        %parallel_loop3A_712 = arith.index_cast %parallel_loop3A_137 : i32 to index
        %parallel_loop3A_713 = arith.constant 480 : index
        %parallel_loop3A_714 = tpu.vector_load %arg14[%parallel_loop3A_712, %parallel_loop3A_713] {strides = array<i32>} : memref<16x1024xf32, #tpu.memory_space<vmem>>, vector<1x16xf32>,
        %parallel_loop3A_715 = vector.shape_cast %parallel_loop3A_714 : vector<1x16xf32> to vector<16xf32>
        %parallel_loop3A_716 = vector.shape_cast %parallel_loop3A_711 : vector<16xf32> to vector<1x16xf32>
        tpu.vector_store %arg14[%parallel_loop3A_712, %parallel_loop3A_713], %parallel_loop3A_716 {strides = array<i32>} : memref<16x1024xf32, #tpu.memory_space<vmem>>, vector<1x16xf32>,
        %parallel_loop3A_717 = arith.index_cast %parallel_loop3A_137 : i32 to index
        %parallel_loop3A_718 = arith.constant 496 : index
        %parallel_loop3A_719 = tpu.vector_load %arg12[%parallel_loop3A_717, %parallel_loop3A_718] {strides = array<i32>} : memref<32x1024xf32, #tpu.memory_space<vmem>>, vector<1x16xf32>,
        %parallel_loop3A_720 = vector.shape_cast %parallel_loop3A_719 : vector<1x16xf32> to vector<16xf32>
        %parallel_loop3A_721 = arith.constant 16 : i32
        %parallel_loop3A_722 = arith.addi %parallel_loop3A_721, %parallel_loop3A_137 : i32
        %parallel_loop3A_723 = arith.index_cast %parallel_loop3A_722 : i32 to index
        %parallel_loop3A_724 = arith.constant 496 : index
        %parallel_loop3A_725 = tpu.vector_load %arg12[%parallel_loop3A_723, %parallel_loop3A_724] {strides = array<i32>} : memref<32x1024xf32, #tpu.memory_space<vmem>>, vector<1x16xf32>,
        %parallel_loop3A_726 = vector.shape_cast %parallel_loop3A_725 : vector<1x16xf32> to vector<16xf32>
        %parallel_loop3A_727 = arith.mulf %parallel_loop3A_720, %parallel_loop3A_148 : vector<16xf32>
        %parallel_loop3A_728 = arith.mulf %parallel_loop3A_726, %parallel_loop3A_158 : vector<16xf32>
        %parallel_loop3A_729 = arith.addf %parallel_loop3A_727, %parallel_loop3A_728 : vector<16xf32>
        %parallel_loop3A_730 = arith.index_cast %parallel_loop3A_137 : i32 to index
        %parallel_loop3A_731 = arith.constant 496 : index
        %parallel_loop3A_732 = tpu.vector_load %arg14[%parallel_loop3A_730, %parallel_loop3A_731] {strides = array<i32>} : memref<16x1024xf32, #tpu.memory_space<vmem>>, vector<1x16xf32>,
        %parallel_loop3A_733 = vector.shape_cast %parallel_loop3A_732 : vector<1x16xf32> to vector<16xf32>
        %parallel_loop3A_734 = vector.shape_cast %parallel_loop3A_729 : vector<16xf32> to vector<1x16xf32>
        tpu.vector_store %arg14[%parallel_loop3A_730, %parallel_loop3A_731], %parallel_loop3A_734 {strides = array<i32>} : memref<16x1024xf32, #tpu.memory_space<vmem>>, vector<1x16xf32>,
        %parallel_loop3A_735 = arith.index_cast %parallel_loop3A_137 : i32 to index
        %parallel_loop3A_736 = arith.constant 512 : index
        %parallel_loop3A_737 = tpu.vector_load %arg12[%parallel_loop3A_735, %parallel_loop3A_736] {strides = array<i32>} : memref<32x1024xf32, #tpu.memory_space<vmem>>, vector<1x16xf32>,
        %parallel_loop3A_738 = vector.shape_cast %parallel_loop3A_737 : vector<1x16xf32> to vector<16xf32>
        %parallel_loop3A_739 = arith.constant 16 : i32
        %parallel_loop3A_740 = arith.addi %parallel_loop3A_739, %parallel_loop3A_137 : i32
        %parallel_loop3A_741 = arith.index_cast %parallel_loop3A_740 : i32 to index
        %parallel_loop3A_742 = arith.constant 512 : index
        %parallel_loop3A_743 = tpu.vector_load %arg12[%parallel_loop3A_741, %parallel_loop3A_742] {strides = array<i32>} : memref<32x1024xf32, #tpu.memory_space<vmem>>, vector<1x16xf32>,
        %parallel_loop3A_744 = vector.shape_cast %parallel_loop3A_743 : vector<1x16xf32> to vector<16xf32>
        %parallel_loop3A_745 = arith.mulf %parallel_loop3A_738, %parallel_loop3A_148 : vector<16xf32>
        %parallel_loop3A_746 = arith.mulf %parallel_loop3A_744, %parallel_loop3A_158 : vector<16xf32>
        %parallel_loop3A_747 = arith.addf %parallel_loop3A_745, %parallel_loop3A_746 : vector<16xf32>
        %parallel_loop3A_748 = arith.index_cast %parallel_loop3A_137 : i32 to index
        %parallel_loop3A_749 = arith.constant 512 : index
        %parallel_loop3A_750 = tpu.vector_load %arg14[%parallel_loop3A_748, %parallel_loop3A_749] {strides = array<i32>} : memref<16x1024xf32, #tpu.memory_space<vmem>>, vector<1x16xf32>,
        %parallel_loop3A_751 = vector.shape_cast %parallel_loop3A_750 : vector<1x16xf32> to vector<16xf32>
        %parallel_loop3A_752 = vector.shape_cast %parallel_loop3A_747 : vector<16xf32> to vector<1x16xf32>
        tpu.vector_store %arg14[%parallel_loop3A_748, %parallel_loop3A_749], %parallel_loop3A_752 {strides = array<i32>} : memref<16x1024xf32, #tpu.memory_space<vmem>>, vector<1x16xf32>,
        %parallel_loop3A_753 = arith.index_cast %parallel_loop3A_137 : i32 to index
        %parallel_loop3A_754 = arith.constant 528 : index
        %parallel_loop3A_755 = tpu.vector_load %arg12[%parallel_loop3A_753, %parallel_loop3A_754] {strides = array<i32>} : memref<32x1024xf32, #tpu.memory_space<vmem>>, vector<1x16xf32>,
        %parallel_loop3A_756 = vector.shape_cast %parallel_loop3A_755 : vector<1x16xf32> to vector<16xf32>
        %parallel_loop3A_757 = arith.constant 16 : i32
        %parallel_loop3A_758 = arith.addi %parallel_loop3A_757, %parallel_loop3A_137 : i32
        %parallel_loop3A_759 = arith.index_cast %parallel_loop3A_758 : i32 to index
        %parallel_loop3A_760 = arith.constant 528 : index
        %parallel_loop3A_761 = tpu.vector_load %arg12[%parallel_loop3A_759, %parallel_loop3A_760] {strides = array<i32>} : memref<32x1024xf32, #tpu.memory_space<vmem>>, vector<1x16xf32>,
        %parallel_loop3A_762 = vector.shape_cast %parallel_loop3A_761 : vector<1x16xf32> to vector<16xf32>
        %parallel_loop3A_763 = arith.mulf %parallel_loop3A_756, %parallel_loop3A_148 : vector<16xf32>
        %parallel_loop3A_764 = arith.mulf %parallel_loop3A_762, %parallel_loop3A_158 : vector<16xf32>
        %parallel_loop3A_765 = arith.addf %parallel_loop3A_763, %parallel_loop3A_764 : vector<16xf32>
        %parallel_loop3A_766 = arith.index_cast %parallel_loop3A_137 : i32 to index
        %parallel_loop3A_767 = arith.constant 528 : index
        %parallel_loop3A_768 = tpu.vector_load %arg14[%parallel_loop3A_766, %parallel_loop3A_767] {strides = array<i32>} : memref<16x1024xf32, #tpu.memory_space<vmem>>, vector<1x16xf32>,
        %parallel_loop3A_769 = vector.shape_cast %parallel_loop3A_768 : vector<1x16xf32> to vector<16xf32>
        %parallel_loop3A_770 = vector.shape_cast %parallel_loop3A_765 : vector<16xf32> to vector<1x16xf32>
        tpu.vector_store %arg14[%parallel_loop3A_766, %parallel_loop3A_767], %parallel_loop3A_770 {strides = array<i32>} : memref<16x1024xf32, #tpu.memory_space<vmem>>, vector<1x16xf32>,
        %parallel_loop3A_771 = arith.index_cast %parallel_loop3A_137 : i32 to index
        %parallel_loop3A_772 = arith.constant 544 : index
        %parallel_loop3A_773 = tpu.vector_load %arg12[%parallel_loop3A_771, %parallel_loop3A_772] {strides = array<i32>} : memref<32x1024xf32, #tpu.memory_space<vmem>>, vector<1x16xf32>,
        %parallel_loop3A_774 = vector.shape_cast %parallel_loop3A_773 : vector<1x16xf32> to vector<16xf32>
        %parallel_loop3A_775 = arith.constant 16 : i32
        %parallel_loop3A_776 = arith.addi %parallel_loop3A_775, %parallel_loop3A_137 : i32
        %parallel_loop3A_777 = arith.index_cast %parallel_loop3A_776 : i32 to index
        %parallel_loop3A_778 = arith.constant 544 : index
        %parallel_loop3A_779 = tpu.vector_load %arg12[%parallel_loop3A_777, %parallel_loop3A_778] {strides = array<i32>} : memref<32x1024xf32, #tpu.memory_space<vmem>>, vector<1x16xf32>,
        %parallel_loop3A_780 = vector.shape_cast %parallel_loop3A_779 : vector<1x16xf32> to vector<16xf32>
        %parallel_loop3A_781 = arith.mulf %parallel_loop3A_774, %parallel_loop3A_148 : vector<16xf32>
        %parallel_loop3A_782 = arith.mulf %parallel_loop3A_780, %parallel_loop3A_158 : vector<16xf32>
        %parallel_loop3A_783 = arith.addf %parallel_loop3A_781, %parallel_loop3A_782 : vector<16xf32>
        %parallel_loop3A_784 = arith.index_cast %parallel_loop3A_137 : i32 to index
        %parallel_loop3A_785 = arith.constant 544 : index
        %parallel_loop3A_786 = tpu.vector_load %arg14[%parallel_loop3A_784, %parallel_loop3A_785] {strides = array<i32>} : memref<16x1024xf32, #tpu.memory_space<vmem>>, vector<1x16xf32>,
        %parallel_loop3A_787 = vector.shape_cast %parallel_loop3A_786 : vector<1x16xf32> to vector<16xf32>
        %parallel_loop3A_788 = vector.shape_cast %parallel_loop3A_783 : vector<16xf32> to vector<1x16xf32>
        tpu.vector_store %arg14[%parallel_loop3A_784, %parallel_loop3A_785], %parallel_loop3A_788 {strides = array<i32>} : memref<16x1024xf32, #tpu.memory_space<vmem>>, vector<1x16xf32>,
        %parallel_loop3A_789 = arith.index_cast %parallel_loop3A_137 : i32 to index
        %parallel_loop3A_790 = arith.constant 560 : index
        %parallel_loop3A_791 = tpu.vector_load %arg12[%parallel_loop3A_789, %parallel_loop3A_790] {strides = array<i32>} : memref<32x1024xf32, #tpu.memory_space<vmem>>, vector<1x16xf32>,
        %parallel_loop3A_792 = vector.shape_cast %parallel_loop3A_791 : vector<1x16xf32> to vector<16xf32>
        %parallel_loop3A_793 = arith.constant 16 : i32
        %parallel_loop3A_794 = arith.addi %parallel_loop3A_793, %parallel_loop3A_137 : i32
        %parallel_loop3A_795 = arith.index_cast %parallel_loop3A_794 : i32 to index
        %parallel_loop3A_796 = arith.constant 560 : index
        %parallel_loop3A_797 = tpu.vector_load %arg12[%parallel_loop3A_795, %parallel_loop3A_796] {strides = array<i32>} : memref<32x1024xf32, #tpu.memory_space<vmem>>, vector<1x16xf32>,
        %parallel_loop3A_798 = vector.shape_cast %parallel_loop3A_797 : vector<1x16xf32> to vector<16xf32>
        %parallel_loop3A_799 = arith.mulf %parallel_loop3A_792, %parallel_loop3A_148 : vector<16xf32>
        %parallel_loop3A_800 = arith.mulf %parallel_loop3A_798, %parallel_loop3A_158 : vector<16xf32>
        %parallel_loop3A_801 = arith.addf %parallel_loop3A_799, %parallel_loop3A_800 : vector<16xf32>
        %parallel_loop3A_802 = arith.index_cast %parallel_loop3A_137 : i32 to index
        %parallel_loop3A_803 = arith.constant 560 : index
        %parallel_loop3A_804 = tpu.vector_load %arg14[%parallel_loop3A_802, %parallel_loop3A_803] {strides = array<i32>} : memref<16x1024xf32, #tpu.memory_space<vmem>>, vector<1x16xf32>,
        %parallel_loop3A_805 = vector.shape_cast %parallel_loop3A_804 : vector<1x16xf32> to vector<16xf32>
        %parallel_loop3A_806 = vector.shape_cast %parallel_loop3A_801 : vector<16xf32> to vector<1x16xf32>
        tpu.vector_store %arg14[%parallel_loop3A_802, %parallel_loop3A_803], %parallel_loop3A_806 {strides = array<i32>} : memref<16x1024xf32, #tpu.memory_space<vmem>>, vector<1x16xf32>,
        %parallel_loop3A_807 = arith.index_cast %parallel_loop3A_137 : i32 to index
        %parallel_loop3A_808 = arith.constant 576 : index
        %parallel_loop3A_809 = tpu.vector_load %arg12[%parallel_loop3A_807, %parallel_loop3A_808] {strides = array<i32>} : memref<32x1024xf32, #tpu.memory_space<vmem>>, vector<1x16xf32>,
        %parallel_loop3A_810 = vector.shape_cast %parallel_loop3A_809 : vector<1x16xf32> to vector<16xf32>
        %parallel_loop3A_811 = arith.constant 16 : i32
        %parallel_loop3A_812 = arith.addi %parallel_loop3A_811, %parallel_loop3A_137 : i32
        %parallel_loop3A_813 = arith.index_cast %parallel_loop3A_812 : i32 to index
        %parallel_loop3A_814 = arith.constant 576 : index
        %parallel_loop3A_815 = tpu.vector_load %arg12[%parallel_loop3A_813, %parallel_loop3A_814] {strides = array<i32>} : memref<32x1024xf32, #tpu.memory_space<vmem>>, vector<1x16xf32>,
        %parallel_loop3A_816 = vector.shape_cast %parallel_loop3A_815 : vector<1x16xf32> to vector<16xf32>
        %parallel_loop3A_817 = arith.mulf %parallel_loop3A_810, %parallel_loop3A_148 : vector<16xf32>
        %parallel_loop3A_818 = arith.mulf %parallel_loop3A_816, %parallel_loop3A_158 : vector<16xf32>
        %parallel_loop3A_819 = arith.addf %parallel_loop3A_817, %parallel_loop3A_818 : vector<16xf32>
        %parallel_loop3A_820 = arith.index_cast %parallel_loop3A_137 : i32 to index
        %parallel_loop3A_821 = arith.constant 576 : index
        %parallel_loop3A_822 = tpu.vector_load %arg14[%parallel_loop3A_820, %parallel_loop3A_821] {strides = array<i32>} : memref<16x1024xf32, #tpu.memory_space<vmem>>, vector<1x16xf32>,
        %parallel_loop3A_823 = vector.shape_cast %parallel_loop3A_822 : vector<1x16xf32> to vector<16xf32>
        %parallel_loop3A_824 = vector.shape_cast %parallel_loop3A_819 : vector<16xf32> to vector<1x16xf32>
        tpu.vector_store %arg14[%parallel_loop3A_820, %parallel_loop3A_821], %parallel_loop3A_824 {strides = array<i32>} : memref<16x1024xf32, #tpu.memory_space<vmem>>, vector<1x16xf32>,
        %parallel_loop3A_825 = arith.index_cast %parallel_loop3A_137 : i32 to index
        %parallel_loop3A_826 = arith.constant 592 : index
        %parallel_loop3A_827 = tpu.vector_load %arg12[%parallel_loop3A_825, %parallel_loop3A_826] {strides = array<i32>} : memref<32x1024xf32, #tpu.memory_space<vmem>>, vector<1x16xf32>,
        %parallel_loop3A_828 = vector.shape_cast %parallel_loop3A_827 : vector<1x16xf32> to vector<16xf32>
        %parallel_loop3A_829 = arith.constant 16 : i32
        %parallel_loop3A_830 = arith.addi %parallel_loop3A_829, %parallel_loop3A_137 : i32
        %parallel_loop3A_831 = arith.index_cast %parallel_loop3A_830 : i32 to index
        %parallel_loop3A_832 = arith.constant 592 : index
        %parallel_loop3A_833 = tpu.vector_load %arg12[%parallel_loop3A_831, %parallel_loop3A_832] {strides = array<i32>} : memref<32x1024xf32, #tpu.memory_space<vmem>>, vector<1x16xf32>,
        %parallel_loop3A_834 = vector.shape_cast %parallel_loop3A_833 : vector<1x16xf32> to vector<16xf32>
        %parallel_loop3A_835 = arith.mulf %parallel_loop3A_828, %parallel_loop3A_148 : vector<16xf32>
        %parallel_loop3A_836 = arith.mulf %parallel_loop3A_834, %parallel_loop3A_158 : vector<16xf32>
        %parallel_loop3A_837 = arith.addf %parallel_loop3A_835, %parallel_loop3A_836 : vector<16xf32>
        %parallel_loop3A_838 = arith.index_cast %parallel_loop3A_137 : i32 to index
        %parallel_loop3A_839 = arith.constant 592 : index
        %parallel_loop3A_840 = tpu.vector_load %arg14[%parallel_loop3A_838, %parallel_loop3A_839] {strides = array<i32>} : memref<16x1024xf32, #tpu.memory_space<vmem>>, vector<1x16xf32>,
        %parallel_loop3A_841 = vector.shape_cast %parallel_loop3A_840 : vector<1x16xf32> to vector<16xf32>
        %parallel_loop3A_842 = vector.shape_cast %parallel_loop3A_837 : vector<16xf32> to vector<1x16xf32>
        tpu.vector_store %arg14[%parallel_loop3A_838, %parallel_loop3A_839], %parallel_loop3A_842 {strides = array<i32>} : memref<16x1024xf32, #tpu.memory_space<vmem>>, vector<1x16xf32>,
        %parallel_loop3A_843 = arith.index_cast %parallel_loop3A_137 : i32 to index
        %parallel_loop3A_844 = arith.constant 608 : index
        %parallel_loop3A_845 = tpu.vector_load %arg12[%parallel_loop3A_843, %parallel_loop3A_844] {strides = array<i32>} : memref<32x1024xf32, #tpu.memory_space<vmem>>, vector<1x16xf32>,
        %parallel_loop3A_846 = vector.shape_cast %parallel_loop3A_845 : vector<1x16xf32> to vector<16xf32>
        %parallel_loop3A_847 = arith.constant 16 : i32
        %parallel_loop3A_848 = arith.addi %parallel_loop3A_847, %parallel_loop3A_137 : i32
        %parallel_loop3A_849 = arith.index_cast %parallel_loop3A_848 : i32 to index
        %parallel_loop3A_850 = arith.constant 608 : index
        %parallel_loop3A_851 = tpu.vector_load %arg12[%parallel_loop3A_849, %parallel_loop3A_850] {strides = array<i32>} : memref<32x1024xf32, #tpu.memory_space<vmem>>, vector<1x16xf32>,
        %parallel_loop3A_852 = vector.shape_cast %parallel_loop3A_851 : vector<1x16xf32> to vector<16xf32>
        %parallel_loop3A_853 = arith.mulf %parallel_loop3A_846, %parallel_loop3A_148 : vector<16xf32>
        %parallel_loop3A_854 = arith.mulf %parallel_loop3A_852, %parallel_loop3A_158 : vector<16xf32>
        %parallel_loop3A_855 = arith.addf %parallel_loop3A_853, %parallel_loop3A_854 : vector<16xf32>
        %parallel_loop3A_856 = arith.index_cast %parallel_loop3A_137 : i32 to index
        %parallel_loop3A_857 = arith.constant 608 : index
        %parallel_loop3A_858 = tpu.vector_load %arg14[%parallel_loop3A_856, %parallel_loop3A_857] {strides = array<i32>} : memref<16x1024xf32, #tpu.memory_space<vmem>>, vector<1x16xf32>,
        %parallel_loop3A_859 = vector.shape_cast %parallel_loop3A_858 : vector<1x16xf32> to vector<16xf32>
        %parallel_loop3A_860 = vector.shape_cast %parallel_loop3A_855 : vector<16xf32> to vector<1x16xf32>
        tpu.vector_store %arg14[%parallel_loop3A_856, %parallel_loop3A_857], %parallel_loop3A_860 {strides = array<i32>} : memref<16x1024xf32, #tpu.memory_space<vmem>>, vector<1x16xf32>,
        %parallel_loop3A_861 = arith.index_cast %parallel_loop3A_137 : i32 to index
        %parallel_loop3A_862 = arith.constant 624 : index
        %parallel_loop3A_863 = tpu.vector_load %arg12[%parallel_loop3A_861, %parallel_loop3A_862] {strides = array<i32>} : memref<32x1024xf32, #tpu.memory_space<vmem>>, vector<1x16xf32>,
        %parallel_loop3A_864 = vector.shape_cast %parallel_loop3A_863 : vector<1x16xf32> to vector<16xf32>
        %parallel_loop3A_865 = arith.constant 16 : i32
        %parallel_loop3A_866 = arith.addi %parallel_loop3A_865, %parallel_loop3A_137 : i32
        %parallel_loop3A_867 = arith.index_cast %parallel_loop3A_866 : i32 to index
        %parallel_loop3A_868 = arith.constant 624 : index
        %parallel_loop3A_869 = tpu.vector_load %arg12[%parallel_loop3A_867, %parallel_loop3A_868] {strides = array<i32>} : memref<32x1024xf32, #tpu.memory_space<vmem>>, vector<1x16xf32>,
        %parallel_loop3A_870 = vector.shape_cast %parallel_loop3A_869 : vector<1x16xf32> to vector<16xf32>
        %parallel_loop3A_871 = arith.mulf %parallel_loop3A_864, %parallel_loop3A_148 : vector<16xf32>
        %parallel_loop3A_872 = arith.mulf %parallel_loop3A_870, %parallel_loop3A_158 : vector<16xf32>
        %parallel_loop3A_873 = arith.addf %parallel_loop3A_871, %parallel_loop3A_872 : vector<16xf32>
        %parallel_loop3A_874 = arith.index_cast %parallel_loop3A_137 : i32 to index
        %parallel_loop3A_875 = arith.constant 624 : index
        %parallel_loop3A_876 = tpu.vector_load %arg14[%parallel_loop3A_874, %parallel_loop3A_875] {strides = array<i32>} : memref<16x1024xf32, #tpu.memory_space<vmem>>, vector<1x16xf32>,
        %parallel_loop3A_877 = vector.shape_cast %parallel_loop3A_876 : vector<1x16xf32> to vector<16xf32>
        %parallel_loop3A_878 = vector.shape_cast %parallel_loop3A_873 : vector<16xf32> to vector<1x16xf32>
        tpu.vector_store %arg14[%parallel_loop3A_874, %parallel_loop3A_875], %parallel_loop3A_878 {strides = array<i32>} : memref<16x1024xf32, #tpu.memory_space<vmem>>, vector<1x16xf32>,
        %parallel_loop3A_879 = arith.index_cast %parallel_loop3A_137 : i32 to index
        %parallel_loop3A_880 = arith.constant 640 : index
        %parallel_loop3A_881 = tpu.vector_load %arg12[%parallel_loop3A_879, %parallel_loop3A_880] {strides = array<i32>} : memref<32x1024xf32, #tpu.memory_space<vmem>>, vector<1x16xf32>,
        %parallel_loop3A_882 = vector.shape_cast %parallel_loop3A_881 : vector<1x16xf32> to vector<16xf32>
        %parallel_loop3A_883 = arith.constant 16 : i32
        %parallel_loop3A_884 = arith.addi %parallel_loop3A_883, %parallel_loop3A_137 : i32
        %parallel_loop3A_885 = arith.index_cast %parallel_loop3A_884 : i32 to index
        %parallel_loop3A_886 = arith.constant 640 : index
        %parallel_loop3A_887 = tpu.vector_load %arg12[%parallel_loop3A_885, %parallel_loop3A_886] {strides = array<i32>} : memref<32x1024xf32, #tpu.memory_space<vmem>>, vector<1x16xf32>,
        %parallel_loop3A_888 = vector.shape_cast %parallel_loop3A_887 : vector<1x16xf32> to vector<16xf32>
        %parallel_loop3A_889 = arith.mulf %parallel_loop3A_882, %parallel_loop3A_148 : vector<16xf32>
        %parallel_loop3A_890 = arith.mulf %parallel_loop3A_888, %parallel_loop3A_158 : vector<16xf32>
        %parallel_loop3A_891 = arith.addf %parallel_loop3A_889, %parallel_loop3A_890 : vector<16xf32>
        %parallel_loop3A_892 = arith.index_cast %parallel_loop3A_137 : i32 to index
        %parallel_loop3A_893 = arith.constant 640 : index
        %parallel_loop3A_894 = tpu.vector_load %arg14[%parallel_loop3A_892, %parallel_loop3A_893] {strides = array<i32>} : memref<16x1024xf32, #tpu.memory_space<vmem>>, vector<1x16xf32>,
        %parallel_loop3A_895 = vector.shape_cast %parallel_loop3A_894 : vector<1x16xf32> to vector<16xf32>
        %parallel_loop3A_896 = vector.shape_cast %parallel_loop3A_891 : vector<16xf32> to vector<1x16xf32>
        tpu.vector_store %arg14[%parallel_loop3A_892, %parallel_loop3A_893], %parallel_loop3A_896 {strides = array<i32>} : memref<16x1024xf32, #tpu.memory_space<vmem>>, vector<1x16xf32>,
        %parallel_loop3A_897 = arith.index_cast %parallel_loop3A_137 : i32 to index
        %parallel_loop3A_898 = arith.constant 656 : index
        %parallel_loop3A_899 = tpu.vector_load %arg12[%parallel_loop3A_897, %parallel_loop3A_898] {strides = array<i32>} : memref<32x1024xf32, #tpu.memory_space<vmem>>, vector<1x16xf32>,
        %parallel_loop3A_900 = vector.shape_cast %parallel_loop3A_899 : vector<1x16xf32> to vector<16xf32>
        %parallel_loop3A_901 = arith.constant 16 : i32
        %parallel_loop3A_902 = arith.addi %parallel_loop3A_901, %parallel_loop3A_137 : i32
        %parallel_loop3A_903 = arith.index_cast %parallel_loop3A_902 : i32 to index
        %parallel_loop3A_904 = arith.constant 656 : index
        %parallel_loop3A_905 = tpu.vector_load %arg12[%parallel_loop3A_903, %parallel_loop3A_904] {strides = array<i32>} : memref<32x1024xf32, #tpu.memory_space<vmem>>, vector<1x16xf32>,
        %parallel_loop3A_906 = vector.shape_cast %parallel_loop3A_905 : vector<1x16xf32> to vector<16xf32>
        %parallel_loop3A_907 = arith.mulf %parallel_loop3A_900, %parallel_loop3A_148 : vector<16xf32>
        %parallel_loop3A_908 = arith.mulf %parallel_loop3A_906, %parallel_loop3A_158 : vector<16xf32>
        %parallel_loop3A_909 = arith.addf %parallel_loop3A_907, %parallel_loop3A_908 : vector<16xf32>
        %parallel_loop3A_910 = arith.index_cast %parallel_loop3A_137 : i32 to index
        %parallel_loop3A_911 = arith.constant 656 : index
        %parallel_loop3A_912 = tpu.vector_load %arg14[%parallel_loop3A_910, %parallel_loop3A_911] {strides = array<i32>} : memref<16x1024xf32, #tpu.memory_space<vmem>>, vector<1x16xf32>,
        %parallel_loop3A_913 = vector.shape_cast %parallel_loop3A_912 : vector<1x16xf32> to vector<16xf32>
        %parallel_loop3A_914 = vector.shape_cast %parallel_loop3A_909 : vector<16xf32> to vector<1x16xf32>
        tpu.vector_store %arg14[%parallel_loop3A_910, %parallel_loop3A_911], %parallel_loop3A_914 {strides = array<i32>} : memref<16x1024xf32, #tpu.memory_space<vmem>>, vector<1x16xf32>,
        %parallel_loop3A_915 = arith.index_cast %parallel_loop3A_137 : i32 to index
        %parallel_loop3A_916 = arith.constant 672 : index
        %parallel_loop3A_917 = tpu.vector_load %arg12[%parallel_loop3A_915, %parallel_loop3A_916] {strides = array<i32>} : memref<32x1024xf32, #tpu.memory_space<vmem>>, vector<1x16xf32>,
        %parallel_loop3A_918 = vector.shape_cast %parallel_loop3A_917 : vector<1x16xf32> to vector<16xf32>
        %parallel_loop3A_919 = arith.constant 16 : i32
        %parallel_loop3A_920 = arith.addi %parallel_loop3A_919, %parallel_loop3A_137 : i32
        %parallel_loop3A_921 = arith.index_cast %parallel_loop3A_920 : i32 to index
        %parallel_loop3A_922 = arith.constant 672 : index
        %parallel_loop3A_923 = tpu.vector_load %arg12[%parallel_loop3A_921, %parallel_loop3A_922] {strides = array<i32>} : memref<32x1024xf32, #tpu.memory_space<vmem>>, vector<1x16xf32>,
        %parallel_loop3A_924 = vector.shape_cast %parallel_loop3A_923 : vector<1x16xf32> to vector<16xf32>
        %parallel_loop3A_925 = arith.mulf %parallel_loop3A_918, %parallel_loop3A_148 : vector<16xf32>
        %parallel_loop3A_926 = arith.mulf %parallel_loop3A_924, %parallel_loop3A_158 : vector<16xf32>
        %parallel_loop3A_927 = arith.addf %parallel_loop3A_925, %parallel_loop3A_926 : vector<16xf32>
        %parallel_loop3A_928 = arith.index_cast %parallel_loop3A_137 : i32 to index
        %parallel_loop3A_929 = arith.constant 672 : index
        %parallel_loop3A_930 = tpu.vector_load %arg14[%parallel_loop3A_928, %parallel_loop3A_929] {strides = array<i32>} : memref<16x1024xf32, #tpu.memory_space<vmem>>, vector<1x16xf32>,
        %parallel_loop3A_931 = vector.shape_cast %parallel_loop3A_930 : vector<1x16xf32> to vector<16xf32>
        %parallel_loop3A_932 = vector.shape_cast %parallel_loop3A_927 : vector<16xf32> to vector<1x16xf32>
        tpu.vector_store %arg14[%parallel_loop3A_928, %parallel_loop3A_929], %parallel_loop3A_932 {strides = array<i32>} : memref<16x1024xf32, #tpu.memory_space<vmem>>, vector<1x16xf32>,
        %parallel_loop3A_933 = arith.index_cast %parallel_loop3A_137 : i32 to index
        %parallel_loop3A_934 = arith.constant 688 : index
        %parallel_loop3A_935 = tpu.vector_load %arg12[%parallel_loop3A_933, %parallel_loop3A_934] {strides = array<i32>} : memref<32x1024xf32, #tpu.memory_space<vmem>>, vector<1x16xf32>,
        %parallel_loop3A_936 = vector.shape_cast %parallel_loop3A_935 : vector<1x16xf32> to vector<16xf32>
        %parallel_loop3A_937 = arith.constant 16 : i32
        %parallel_loop3A_938 = arith.addi %parallel_loop3A_937, %parallel_loop3A_137 : i32
        %parallel_loop3A_939 = arith.index_cast %parallel_loop3A_938 : i32 to index
        %parallel_loop3A_940 = arith.constant 688 : index
        %parallel_loop3A_941 = tpu.vector_load %arg12[%parallel_loop3A_939, %parallel_loop3A_940] {strides = array<i32>} : memref<32x1024xf32, #tpu.memory_space<vmem>>, vector<1x16xf32>,
        %parallel_loop3A_942 = vector.shape_cast %parallel_loop3A_941 : vector<1x16xf32> to vector<16xf32>
        %parallel_loop3A_943 = arith.mulf %parallel_loop3A_936, %parallel_loop3A_148 : vector<16xf32>
        %parallel_loop3A_944 = arith.mulf %parallel_loop3A_942, %parallel_loop3A_158 : vector<16xf32>
        %parallel_loop3A_945 = arith.addf %parallel_loop3A_943, %parallel_loop3A_944 : vector<16xf32>
        %parallel_loop3A_946 = arith.index_cast %parallel_loop3A_137 : i32 to index
        %parallel_loop3A_947 = arith.constant 688 : index
        %parallel_loop3A_948 = tpu.vector_load %arg14[%parallel_loop3A_946, %parallel_loop3A_947] {strides = array<i32>} : memref<16x1024xf32, #tpu.memory_space<vmem>>, vector<1x16xf32>,
        %parallel_loop3A_949 = vector.shape_cast %parallel_loop3A_948 : vector<1x16xf32> to vector<16xf32>
        %parallel_loop3A_950 = vector.shape_cast %parallel_loop3A_945 : vector<16xf32> to vector<1x16xf32>
        tpu.vector_store %arg14[%parallel_loop3A_946, %parallel_loop3A_947], %parallel_loop3A_950 {strides = array<i32>} : memref<16x1024xf32, #tpu.memory_space<vmem>>, vector<1x16xf32>,
        %parallel_loop3A_951 = arith.index_cast %parallel_loop3A_137 : i32 to index
        %parallel_loop3A_952 = arith.constant 704 : index
        %parallel_loop3A_953 = tpu.vector_load %arg12[%parallel_loop3A_951, %parallel_loop3A_952] {strides = array<i32>} : memref<32x1024xf32, #tpu.memory_space<vmem>>, vector<1x16xf32>,
        %parallel_loop3A_954 = vector.shape_cast %parallel_loop3A_953 : vector<1x16xf32> to vector<16xf32>
        %parallel_loop3A_955 = arith.constant 16 : i32
        %parallel_loop3A_956 = arith.addi %parallel_loop3A_955, %parallel_loop3A_137 : i32
        %parallel_loop3A_957 = arith.index_cast %parallel_loop3A_956 : i32 to index
        %parallel_loop3A_958 = arith.constant 704 : index
        %parallel_loop3A_959 = tpu.vector_load %arg12[%parallel_loop3A_957, %parallel_loop3A_958] {strides = array<i32>} : memref<32x1024xf32, #tpu.memory_space<vmem>>, vector<1x16xf32>,
        %parallel_loop3A_960 = vector.shape_cast %parallel_loop3A_959 : vector<1x16xf32> to vector<16xf32>
        %parallel_loop3A_961 = arith.mulf %parallel_loop3A_954, %parallel_loop3A_148 : vector<16xf32>
        %parallel_loop3A_962 = arith.mulf %parallel_loop3A_960, %parallel_loop3A_158 : vector<16xf32>
        %parallel_loop3A_963 = arith.addf %parallel_loop3A_961, %parallel_loop3A_962 : vector<16xf32>
        %parallel_loop3A_964 = arith.index_cast %parallel_loop3A_137 : i32 to index
        %parallel_loop3A_965 = arith.constant 704 : index
        %parallel_loop3A_966 = tpu.vector_load %arg14[%parallel_loop3A_964, %parallel_loop3A_965] {strides = array<i32>} : memref<16x1024xf32, #tpu.memory_space<vmem>>, vector<1x16xf32>,
        %parallel_loop3A_967 = vector.shape_cast %parallel_loop3A_966 : vector<1x16xf32> to vector<16xf32>
        %parallel_loop3A_968 = vector.shape_cast %parallel_loop3A_963 : vector<16xf32> to vector<1x16xf32>
        tpu.vector_store %arg14[%parallel_loop3A_964, %parallel_loop3A_965], %parallel_loop3A_968 {strides = array<i32>} : memref<16x1024xf32, #tpu.memory_space<vmem>>, vector<1x16xf32>,
        %parallel_loop3A_969 = arith.index_cast %parallel_loop3A_137 : i32 to index
        %parallel_loop3A_970 = arith.constant 720 : index
        %parallel_loop3A_971 = tpu.vector_load %arg12[%parallel_loop3A_969, %parallel_loop3A_970] {strides = array<i32>} : memref<32x1024xf32, #tpu.memory_space<vmem>>, vector<1x16xf32>,
        %parallel_loop3A_972 = vector.shape_cast %parallel_loop3A_971 : vector<1x16xf32> to vector<16xf32>
        %parallel_loop3A_973 = arith.constant 16 : i32
        %parallel_loop3A_974 = arith.addi %parallel_loop3A_973, %parallel_loop3A_137 : i32
        %parallel_loop3A_975 = arith.index_cast %parallel_loop3A_974 : i32 to index
        %parallel_loop3A_976 = arith.constant 720 : index
        %parallel_loop3A_977 = tpu.vector_load %arg12[%parallel_loop3A_975, %parallel_loop3A_976] {strides = array<i32>} : memref<32x1024xf32, #tpu.memory_space<vmem>>, vector<1x16xf32>,
        %parallel_loop3A_978 = vector.shape_cast %parallel_loop3A_977 : vector<1x16xf32> to vector<16xf32>
        %parallel_loop3A_979 = arith.mulf %parallel_loop3A_972, %parallel_loop3A_148 : vector<16xf32>
        %parallel_loop3A_980 = arith.mulf %parallel_loop3A_978, %parallel_loop3A_158 : vector<16xf32>
        %parallel_loop3A_981 = arith.addf %parallel_loop3A_979, %parallel_loop3A_980 : vector<16xf32>
        %parallel_loop3A_982 = arith.index_cast %parallel_loop3A_137 : i32 to index
        %parallel_loop3A_983 = arith.constant 720 : index
        %parallel_loop3A_984 = tpu.vector_load %arg14[%parallel_loop3A_982, %parallel_loop3A_983] {strides = array<i32>} : memref<16x1024xf32, #tpu.memory_space<vmem>>, vector<1x16xf32>,
        %parallel_loop3A_985 = vector.shape_cast %parallel_loop3A_984 : vector<1x16xf32> to vector<16xf32>
        %parallel_loop3A_986 = vector.shape_cast %parallel_loop3A_981 : vector<16xf32> to vector<1x16xf32>
        tpu.vector_store %arg14[%parallel_loop3A_982, %parallel_loop3A_983], %parallel_loop3A_986 {strides = array<i32>} : memref<16x1024xf32, #tpu.memory_space<vmem>>, vector<1x16xf32>,
        %parallel_loop3A_987 = arith.index_cast %parallel_loop3A_137 : i32 to index
        %parallel_loop3A_988 = arith.constant 736 : index
        %parallel_loop3A_989 = tpu.vector_load %arg12[%parallel_loop3A_987, %parallel_loop3A_988] {strides = array<i32>} : memref<32x1024xf32, #tpu.memory_space<vmem>>, vector<1x16xf32>,
        %parallel_loop3A_990 = vector.shape_cast %parallel_loop3A_989 : vector<1x16xf32> to vector<16xf32>
        %parallel_loop3A_991 = arith.constant 16 : i32
        %parallel_loop3A_992 = arith.addi %parallel_loop3A_991, %parallel_loop3A_137 : i32
        %parallel_loop3A_993 = arith.index_cast %parallel_loop3A_992 : i32 to index
        %parallel_loop3A_994 = arith.constant 736 : index
        %parallel_loop3A_995 = tpu.vector_load %arg12[%parallel_loop3A_993, %parallel_loop3A_994] {strides = array<i32>} : memref<32x1024xf32, #tpu.memory_space<vmem>>, vector<1x16xf32>,
        %parallel_loop3A_996 = vector.shape_cast %parallel_loop3A_995 : vector<1x16xf32> to vector<16xf32>
        %parallel_loop3A_997 = arith.mulf %parallel_loop3A_990, %parallel_loop3A_148 : vector<16xf32>
        %parallel_loop3A_998 = arith.mulf %parallel_loop3A_996, %parallel_loop3A_158 : vector<16xf32>
        %parallel_loop3A_999 = arith.addf %parallel_loop3A_997, %parallel_loop3A_998 : vector<16xf32>
        %parallel_loop3A_1000 = arith.index_cast %parallel_loop3A_137 : i32 to index
        %parallel_loop3A_1001 = arith.constant 736 : index
        %parallel_loop3A_1002 = tpu.vector_load %arg14[%parallel_loop3A_1000, %parallel_loop3A_1001] {strides = array<i32>} : memref<16x1024xf32, #tpu.memory_space<vmem>>, vector<1x16xf32>,
        %parallel_loop3A_1003 = vector.shape_cast %parallel_loop3A_1002 : vector<1x16xf32> to vector<16xf32>
        %parallel_loop3A_1004 = vector.shape_cast %parallel_loop3A_999 : vector<16xf32> to vector<1x16xf32>
        tpu.vector_store %arg14[%parallel_loop3A_1000, %parallel_loop3A_1001], %parallel_loop3A_1004 {strides = array<i32>} : memref<16x1024xf32, #tpu.memory_space<vmem>>, vector<1x16xf32>,
        %parallel_loop3A_1005 = arith.index_cast %parallel_loop3A_137 : i32 to index
        %parallel_loop3A_1006 = arith.constant 752 : index
        %parallel_loop3A_1007 = tpu.vector_load %arg12[%parallel_loop3A_1005, %parallel_loop3A_1006] {strides = array<i32>} : memref<32x1024xf32, #tpu.memory_space<vmem>>, vector<1x16xf32>,
        %parallel_loop3A_1008 = vector.shape_cast %parallel_loop3A_1007 : vector<1x16xf32> to vector<16xf32>
        %parallel_loop3A_1009 = arith.constant 16 : i32
        %parallel_loop3A_1010 = arith.addi %parallel_loop3A_1009, %parallel_loop3A_137 : i32
        %parallel_loop3A_1011 = arith.index_cast %parallel_loop3A_1010 : i32 to index
        %parallel_loop3A_1012 = arith.constant 752 : index
        %parallel_loop3A_1013 = tpu.vector_load %arg12[%parallel_loop3A_1011, %parallel_loop3A_1012] {strides = array<i32>} : memref<32x1024xf32, #tpu.memory_space<vmem>>, vector<1x16xf32>,
        %parallel_loop3A_1014 = vector.shape_cast %parallel_loop3A_1013 : vector<1x16xf32> to vector<16xf32>
        %parallel_loop3A_1015 = arith.mulf %parallel_loop3A_1008, %parallel_loop3A_148 : vector<16xf32>
        %parallel_loop3A_1016 = arith.mulf %parallel_loop3A_1014, %parallel_loop3A_158 : vector<16xf32>
        %parallel_loop3A_1017 = arith.addf %parallel_loop3A_1015, %parallel_loop3A_1016 : vector<16xf32>
        %parallel_loop3A_1018 = arith.index_cast %parallel_loop3A_137 : i32 to index
        %parallel_loop3A_1019 = arith.constant 752 : index
        %parallel_loop3A_1020 = tpu.vector_load %arg14[%parallel_loop3A_1018, %parallel_loop3A_1019] {strides = array<i32>} : memref<16x1024xf32, #tpu.memory_space<vmem>>, vector<1x16xf32>,
        %parallel_loop3A_1021 = vector.shape_cast %parallel_loop3A_1020 : vector<1x16xf32> to vector<16xf32>
        %parallel_loop3A_1022 = vector.shape_cast %parallel_loop3A_1017 : vector<16xf32> to vector<1x16xf32>
        tpu.vector_store %arg14[%parallel_loop3A_1018, %parallel_loop3A_1019], %parallel_loop3A_1022 {strides = array<i32>} : memref<16x1024xf32, #tpu.memory_space<vmem>>, vector<1x16xf32>,
        %parallel_loop3A_1023 = arith.index_cast %parallel_loop3A_137 : i32 to index
        %parallel_loop3A_1024 = arith.constant 768 : index
        %parallel_loop3A_1025 = tpu.vector_load %arg12[%parallel_loop3A_1023, %parallel_loop3A_1024] {strides = array<i32>} : memref<32x1024xf32, #tpu.memory_space<vmem>>, vector<1x16xf32>,
        %parallel_loop3A_1026 = vector.shape_cast %parallel_loop3A_1025 : vector<1x16xf32> to vector<16xf32>
        %parallel_loop3A_1027 = arith.constant 16 : i32
        %parallel_loop3A_1028 = arith.addi %parallel_loop3A_1027, %parallel_loop3A_137 : i32
        %parallel_loop3A_1029 = arith.index_cast %parallel_loop3A_1028 : i32 to index
        %parallel_loop3A_1030 = arith.constant 768 : index
        %parallel_loop3A_1031 = tpu.vector_load %arg12[%parallel_loop3A_1029, %parallel_loop3A_1030] {strides = array<i32>} : memref<32x1024xf32, #tpu.memory_space<vmem>>, vector<1x16xf32>,
        %parallel_loop3A_1032 = vector.shape_cast %parallel_loop3A_1031 : vector<1x16xf32> to vector<16xf32>
        %parallel_loop3A_1033 = arith.mulf %parallel_loop3A_1026, %parallel_loop3A_148 : vector<16xf32>
        %parallel_loop3A_1034 = arith.mulf %parallel_loop3A_1032, %parallel_loop3A_158 : vector<16xf32>
        %parallel_loop3A_1035 = arith.addf %parallel_loop3A_1033, %parallel_loop3A_1034 : vector<16xf32>
        %parallel_loop3A_1036 = arith.index_cast %parallel_loop3A_137 : i32 to index
        %parallel_loop3A_1037 = arith.constant 768 : index
        %parallel_loop3A_1038 = tpu.vector_load %arg14[%parallel_loop3A_1036, %parallel_loop3A_1037] {strides = array<i32>} : memref<16x1024xf32, #tpu.memory_space<vmem>>, vector<1x16xf32>,
        %parallel_loop3A_1039 = vector.shape_cast %parallel_loop3A_1038 : vector<1x16xf32> to vector<16xf32>
        %parallel_loop3A_1040 = vector.shape_cast %parallel_loop3A_1035 : vector<16xf32> to vector<1x16xf32>
        tpu.vector_store %arg14[%parallel_loop3A_1036, %parallel_loop3A_1037], %parallel_loop3A_1040 {strides = array<i32>} : memref<16x1024xf32, #tpu.memory_space<vmem>>, vector<1x16xf32>,
        %parallel_loop3A_1041 = arith.index_cast %parallel_loop3A_137 : i32 to index
        %parallel_loop3A_1042 = arith.constant 784 : index
        %parallel_loop3A_1043 = tpu.vector_load %arg12[%parallel_loop3A_1041, %parallel_loop3A_1042] {strides = array<i32>} : memref<32x1024xf32, #tpu.memory_space<vmem>>, vector<1x16xf32>,
        %parallel_loop3A_1044 = vector.shape_cast %parallel_loop3A_1043 : vector<1x16xf32> to vector<16xf32>
        %parallel_loop3A_1045 = arith.constant 16 : i32
        %parallel_loop3A_1046 = arith.addi %parallel_loop3A_1045, %parallel_loop3A_137 : i32
        %parallel_loop3A_1047 = arith.index_cast %parallel_loop3A_1046 : i32 to index
        %parallel_loop3A_1048 = arith.constant 784 : index
        %parallel_loop3A_1049 = tpu.vector_load %arg12[%parallel_loop3A_1047, %parallel_loop3A_1048] {strides = array<i32>} : memref<32x1024xf32, #tpu.memory_space<vmem>>, vector<1x16xf32>,
        %parallel_loop3A_1050 = vector.shape_cast %parallel_loop3A_1049 : vector<1x16xf32> to vector<16xf32>
        %parallel_loop3A_1051 = arith.mulf %parallel_loop3A_1044, %parallel_loop3A_148 : vector<16xf32>
        %parallel_loop3A_1052 = arith.mulf %parallel_loop3A_1050, %parallel_loop3A_158 : vector<16xf32>
        %parallel_loop3A_1053 = arith.addf %parallel_loop3A_1051, %parallel_loop3A_1052 : vector<16xf32>
        %parallel_loop3A_1054 = arith.index_cast %parallel_loop3A_137 : i32 to index
        %parallel_loop3A_1055 = arith.constant 784 : index
        %parallel_loop3A_1056 = tpu.vector_load %arg14[%parallel_loop3A_1054, %parallel_loop3A_1055] {strides = array<i32>} : memref<16x1024xf32, #tpu.memory_space<vmem>>, vector<1x16xf32>,
        %parallel_loop3A_1057 = vector.shape_cast %parallel_loop3A_1056 : vector<1x16xf32> to vector<16xf32>
        %parallel_loop3A_1058 = vector.shape_cast %parallel_loop3A_1053 : vector<16xf32> to vector<1x16xf32>
        tpu.vector_store %arg14[%parallel_loop3A_1054, %parallel_loop3A_1055], %parallel_loop3A_1058 {strides = array<i32>} : memref<16x1024xf32, #tpu.memory_space<vmem>>, vector<1x16xf32>,
        %parallel_loop3A_1059 = arith.index_cast %parallel_loop3A_137 : i32 to index
        %parallel_loop3A_1060 = arith.constant 800 : index
        %parallel_loop3A_1061 = tpu.vector_load %arg12[%parallel_loop3A_1059, %parallel_loop3A_1060] {strides = array<i32>} : memref<32x1024xf32, #tpu.memory_space<vmem>>, vector<1x16xf32>,
        %parallel_loop3A_1062 = vector.shape_cast %parallel_loop3A_1061 : vector<1x16xf32> to vector<16xf32>
        %parallel_loop3A_1063 = arith.constant 16 : i32
        %parallel_loop3A_1064 = arith.addi %parallel_loop3A_1063, %parallel_loop3A_137 : i32
        %parallel_loop3A_1065 = arith.index_cast %parallel_loop3A_1064 : i32 to index
        %parallel_loop3A_1066 = arith.constant 800 : index
        %parallel_loop3A_1067 = tpu.vector_load %arg12[%parallel_loop3A_1065, %parallel_loop3A_1066] {strides = array<i32>} : memref<32x1024xf32, #tpu.memory_space<vmem>>, vector<1x16xf32>,
        %parallel_loop3A_1068 = vector.shape_cast %parallel_loop3A_1067 : vector<1x16xf32> to vector<16xf32>
        %parallel_loop3A_1069 = arith.mulf %parallel_loop3A_1062, %parallel_loop3A_148 : vector<16xf32>
        %parallel_loop3A_1070 = arith.mulf %parallel_loop3A_1068, %parallel_loop3A_158 : vector<16xf32>
        %parallel_loop3A_1071 = arith.addf %parallel_loop3A_1069, %parallel_loop3A_1070 : vector<16xf32>
        %parallel_loop3A_1072 = arith.index_cast %parallel_loop3A_137 : i32 to index
        %parallel_loop3A_1073 = arith.constant 800 : index
        %parallel_loop3A_1074 = tpu.vector_load %arg14[%parallel_loop3A_1072, %parallel_loop3A_1073] {strides = array<i32>} : memref<16x1024xf32, #tpu.memory_space<vmem>>, vector<1x16xf32>,
        %parallel_loop3A_1075 = vector.shape_cast %parallel_loop3A_1074 : vector<1x16xf32> to vector<16xf32>
        %parallel_loop3A_1076 = vector.shape_cast %parallel_loop3A_1071 : vector<16xf32> to vector<1x16xf32>
        tpu.vector_store %arg14[%parallel_loop3A_1072, %parallel_loop3A_1073], %parallel_loop3A_1076 {strides = array<i32>} : memref<16x1024xf32, #tpu.memory_space<vmem>>, vector<1x16xf32>,
        %parallel_loop3A_1077 = arith.index_cast %parallel_loop3A_137 : i32 to index
        %parallel_loop3A_1078 = arith.constant 816 : index
        %parallel_loop3A_1079 = tpu.vector_load %arg12[%parallel_loop3A_1077, %parallel_loop3A_1078] {strides = array<i32>} : memref<32x1024xf32, #tpu.memory_space<vmem>>, vector<1x16xf32>,
        %parallel_loop3A_1080 = vector.shape_cast %parallel_loop3A_1079 : vector<1x16xf32> to vector<16xf32>
        %parallel_loop3A_1081 = arith.constant 16 : i32
        %parallel_loop3A_1082 = arith.addi %parallel_loop3A_1081, %parallel_loop3A_137 : i32
        %parallel_loop3A_1083 = arith.index_cast %parallel_loop3A_1082 : i32 to index
        %parallel_loop3A_1084 = arith.constant 816 : index
        %parallel_loop3A_1085 = tpu.vector_load %arg12[%parallel_loop3A_1083, %parallel_loop3A_1084] {strides = array<i32>} : memref<32x1024xf32, #tpu.memory_space<vmem>>, vector<1x16xf32>,
        %parallel_loop3A_1086 = vector.shape_cast %parallel_loop3A_1085 : vector<1x16xf32> to vector<16xf32>
        %parallel_loop3A_1087 = arith.mulf %parallel_loop3A_1080, %parallel_loop3A_148 : vector<16xf32>
        %parallel_loop3A_1088 = arith.mulf %parallel_loop3A_1086, %parallel_loop3A_158 : vector<16xf32>
        %parallel_loop3A_1089 = arith.addf %parallel_loop3A_1087, %parallel_loop3A_1088 : vector<16xf32>
        %parallel_loop3A_1090 = arith.index_cast %parallel_loop3A_137 : i32 to index
        %parallel_loop3A_1091 = arith.constant 816 : index
        %parallel_loop3A_1092 = tpu.vector_load %arg14[%parallel_loop3A_1090, %parallel_loop3A_1091] {strides = array<i32>} : memref<16x1024xf32, #tpu.memory_space<vmem>>, vector<1x16xf32>,
        %parallel_loop3A_1093 = vector.shape_cast %parallel_loop3A_1092 : vector<1x16xf32> to vector<16xf32>
        %parallel_loop3A_1094 = vector.shape_cast %parallel_loop3A_1089 : vector<16xf32> to vector<1x16xf32>
        tpu.vector_store %arg14[%parallel_loop3A_1090, %parallel_loop3A_1091], %parallel_loop3A_1094 {strides = array<i32>} : memref<16x1024xf32, #tpu.memory_space<vmem>>, vector<1x16xf32>,
        %parallel_loop3A_1095 = arith.index_cast %parallel_loop3A_137 : i32 to index
        %parallel_loop3A_1096 = arith.constant 832 : index
        %parallel_loop3A_1097 = tpu.vector_load %arg12[%parallel_loop3A_1095, %parallel_loop3A_1096] {strides = array<i32>} : memref<32x1024xf32, #tpu.memory_space<vmem>>, vector<1x16xf32>,
        %parallel_loop3A_1098 = vector.shape_cast %parallel_loop3A_1097 : vector<1x16xf32> to vector<16xf32>
        %parallel_loop3A_1099 = arith.constant 16 : i32
        %parallel_loop3A_1100 = arith.addi %parallel_loop3A_1099, %parallel_loop3A_137 : i32
        %parallel_loop3A_1101 = arith.index_cast %parallel_loop3A_1100 : i32 to index
        %parallel_loop3A_1102 = arith.constant 832 : index
        %parallel_loop3A_1103 = tpu.vector_load %arg12[%parallel_loop3A_1101, %parallel_loop3A_1102] {strides = array<i32>} : memref<32x1024xf32, #tpu.memory_space<vmem>>, vector<1x16xf32>,
        %parallel_loop3A_1104 = vector.shape_cast %parallel_loop3A_1103 : vector<1x16xf32> to vector<16xf32>
        %parallel_loop3A_1105 = arith.mulf %parallel_loop3A_1098, %parallel_loop3A_148 : vector<16xf32>
        %parallel_loop3A_1106 = arith.mulf %parallel_loop3A_1104, %parallel_loop3A_158 : vector<16xf32>
        %parallel_loop3A_1107 = arith.addf %parallel_loop3A_1105, %parallel_loop3A_1106 : vector<16xf32>
        %parallel_loop3A_1108 = arith.index_cast %parallel_loop3A_137 : i32 to index
        %parallel_loop3A_1109 = arith.constant 832 : index
        %parallel_loop3A_1110 = tpu.vector_load %arg14[%parallel_loop3A_1108, %parallel_loop3A_1109] {strides = array<i32>} : memref<16x1024xf32, #tpu.memory_space<vmem>>, vector<1x16xf32>,
        %parallel_loop3A_1111 = vector.shape_cast %parallel_loop3A_1110 : vector<1x16xf32> to vector<16xf32>
        %parallel_loop3A_1112 = vector.shape_cast %parallel_loop3A_1107 : vector<16xf32> to vector<1x16xf32>
        tpu.vector_store %arg14[%parallel_loop3A_1108, %parallel_loop3A_1109], %parallel_loop3A_1112 {strides = array<i32>} : memref<16x1024xf32, #tpu.memory_space<vmem>>, vector<1x16xf32>,
        %parallel_loop3A_1113 = arith.index_cast %parallel_loop3A_137 : i32 to index
        %parallel_loop3A_1114 = arith.constant 848 : index
        %parallel_loop3A_1115 = tpu.vector_load %arg12[%parallel_loop3A_1113, %parallel_loop3A_1114] {strides = array<i32>} : memref<32x1024xf32, #tpu.memory_space<vmem>>, vector<1x16xf32>,
        %parallel_loop3A_1116 = vector.shape_cast %parallel_loop3A_1115 : vector<1x16xf32> to vector<16xf32>
        %parallel_loop3A_1117 = arith.constant 16 : i32
        %parallel_loop3A_1118 = arith.addi %parallel_loop3A_1117, %parallel_loop3A_137 : i32
        %parallel_loop3A_1119 = arith.index_cast %parallel_loop3A_1118 : i32 to index
        %parallel_loop3A_1120 = arith.constant 848 : index
        %parallel_loop3A_1121 = tpu.vector_load %arg12[%parallel_loop3A_1119, %parallel_loop3A_1120] {strides = array<i32>} : memref<32x1024xf32, #tpu.memory_space<vmem>>, vector<1x16xf32>,
        %parallel_loop3A_1122 = vector.shape_cast %parallel_loop3A_1121 : vector<1x16xf32> to vector<16xf32>
        %parallel_loop3A_1123 = arith.mulf %parallel_loop3A_1116, %parallel_loop3A_148 : vector<16xf32>
        %parallel_loop3A_1124 = arith.mulf %parallel_loop3A_1122, %parallel_loop3A_158 : vector<16xf32>
        %parallel_loop3A_1125 = arith.addf %parallel_loop3A_1123, %parallel_loop3A_1124 : vector<16xf32>
        %parallel_loop3A_1126 = arith.index_cast %parallel_loop3A_137 : i32 to index
        %parallel_loop3A_1127 = arith.constant 848 : index
        %parallel_loop3A_1128 = tpu.vector_load %arg14[%parallel_loop3A_1126, %parallel_loop3A_1127] {strides = array<i32>} : memref<16x1024xf32, #tpu.memory_space<vmem>>, vector<1x16xf32>,
        %parallel_loop3A_1129 = vector.shape_cast %parallel_loop3A_1128 : vector<1x16xf32> to vector<16xf32>
        %parallel_loop3A_1130 = vector.shape_cast %parallel_loop3A_1125 : vector<16xf32> to vector<1x16xf32>
        tpu.vector_store %arg14[%parallel_loop3A_1126, %parallel_loop3A_1127], %parallel_loop3A_1130 {strides = array<i32>} : memref<16x1024xf32, #tpu.memory_space<vmem>>, vector<1x16xf32>,
        %parallel_loop3A_1131 = arith.index_cast %parallel_loop3A_137 : i32 to index
        %parallel_loop3A_1132 = arith.constant 864 : index
        %parallel_loop3A_1133 = tpu.vector_load %arg12[%parallel_loop3A_1131, %parallel_loop3A_1132] {strides = array<i32>} : memref<32x1024xf32, #tpu.memory_space<vmem>>, vector<1x16xf32>,
        %parallel_loop3A_1134 = vector.shape_cast %parallel_loop3A_1133 : vector<1x16xf32> to vector<16xf32>
        %parallel_loop3A_1135 = arith.constant 16 : i32
        %parallel_loop3A_1136 = arith.addi %parallel_loop3A_1135, %parallel_loop3A_137 : i32
        %parallel_loop3A_1137 = arith.index_cast %parallel_loop3A_1136 : i32 to index
        %parallel_loop3A_1138 = arith.constant 864 : index
        %parallel_loop3A_1139 = tpu.vector_load %arg12[%parallel_loop3A_1137, %parallel_loop3A_1138] {strides = array<i32>} : memref<32x1024xf32, #tpu.memory_space<vmem>>, vector<1x16xf32>,
        %parallel_loop3A_1140 = vector.shape_cast %parallel_loop3A_1139 : vector<1x16xf32> to vector<16xf32>
        %parallel_loop3A_1141 = arith.mulf %parallel_loop3A_1134, %parallel_loop3A_148 : vector<16xf32>
        %parallel_loop3A_1142 = arith.mulf %parallel_loop3A_1140, %parallel_loop3A_158 : vector<16xf32>
        %parallel_loop3A_1143 = arith.addf %parallel_loop3A_1141, %parallel_loop3A_1142 : vector<16xf32>
        %parallel_loop3A_1144 = arith.index_cast %parallel_loop3A_137 : i32 to index
        %parallel_loop3A_1145 = arith.constant 864 : index
        %parallel_loop3A_1146 = tpu.vector_load %arg14[%parallel_loop3A_1144, %parallel_loop3A_1145] {strides = array<i32>} : memref<16x1024xf32, #tpu.memory_space<vmem>>, vector<1x16xf32>,
        %parallel_loop3A_1147 = vector.shape_cast %parallel_loop3A_1146 : vector<1x16xf32> to vector<16xf32>
        %parallel_loop3A_1148 = vector.shape_cast %parallel_loop3A_1143 : vector<16xf32> to vector<1x16xf32>
        tpu.vector_store %arg14[%parallel_loop3A_1144, %parallel_loop3A_1145], %parallel_loop3A_1148 {strides = array<i32>} : memref<16x1024xf32, #tpu.memory_space<vmem>>, vector<1x16xf32>,
        %parallel_loop3A_1149 = arith.index_cast %parallel_loop3A_137 : i32 to index
        %parallel_loop3A_1150 = arith.constant 880 : index
        %parallel_loop3A_1151 = tpu.vector_load %arg12[%parallel_loop3A_1149, %parallel_loop3A_1150] {strides = array<i32>} : memref<32x1024xf32, #tpu.memory_space<vmem>>, vector<1x16xf32>,
        %parallel_loop3A_1152 = vector.shape_cast %parallel_loop3A_1151 : vector<1x16xf32> to vector<16xf32>
        %parallel_loop3A_1153 = arith.constant 16 : i32
        %parallel_loop3A_1154 = arith.addi %parallel_loop3A_1153, %parallel_loop3A_137 : i32
        %parallel_loop3A_1155 = arith.index_cast %parallel_loop3A_1154 : i32 to index
        %parallel_loop3A_1156 = arith.constant 880 : index
        %parallel_loop3A_1157 = tpu.vector_load %arg12[%parallel_loop3A_1155, %parallel_loop3A_1156] {strides = array<i32>} : memref<32x1024xf32, #tpu.memory_space<vmem>>, vector<1x16xf32>,
        %parallel_loop3A_1158 = vector.shape_cast %parallel_loop3A_1157 : vector<1x16xf32> to vector<16xf32>
        %parallel_loop3A_1159 = arith.mulf %parallel_loop3A_1152, %parallel_loop3A_148 : vector<16xf32>
        %parallel_loop3A_1160 = arith.mulf %parallel_loop3A_1158, %parallel_loop3A_158 : vector<16xf32>
        %parallel_loop3A_1161 = arith.addf %parallel_loop3A_1159, %parallel_loop3A_1160 : vector<16xf32>
        %parallel_loop3A_1162 = arith.index_cast %parallel_loop3A_137 : i32 to index
        %parallel_loop3A_1163 = arith.constant 880 : index
        %parallel_loop3A_1164 = tpu.vector_load %arg14[%parallel_loop3A_1162, %parallel_loop3A_1163] {strides = array<i32>} : memref<16x1024xf32, #tpu.memory_space<vmem>>, vector<1x16xf32>,
        %parallel_loop3A_1165 = vector.shape_cast %parallel_loop3A_1164 : vector<1x16xf32> to vector<16xf32>
        %parallel_loop3A_1166 = vector.shape_cast %parallel_loop3A_1161 : vector<16xf32> to vector<1x16xf32>
        tpu.vector_store %arg14[%parallel_loop3A_1162, %parallel_loop3A_1163], %parallel_loop3A_1166 {strides = array<i32>} : memref<16x1024xf32, #tpu.memory_space<vmem>>, vector<1x16xf32>,
        %parallel_loop3A_1167 = arith.index_cast %parallel_loop3A_137 : i32 to index
        %parallel_loop3A_1168 = arith.constant 896 : index
        %parallel_loop3A_1169 = tpu.vector_load %arg12[%parallel_loop3A_1167, %parallel_loop3A_1168] {strides = array<i32>} : memref<32x1024xf32, #tpu.memory_space<vmem>>, vector<1x16xf32>,
        %parallel_loop3A_1170 = vector.shape_cast %parallel_loop3A_1169 : vector<1x16xf32> to vector<16xf32>
        %parallel_loop3A_1171 = arith.constant 16 : i32
        %parallel_loop3A_1172 = arith.addi %parallel_loop3A_1171, %parallel_loop3A_137 : i32
        %parallel_loop3A_1173 = arith.index_cast %parallel_loop3A_1172 : i32 to index
        %parallel_loop3A_1174 = arith.constant 896 : index
        %parallel_loop3A_1175 = tpu.vector_load %arg12[%parallel_loop3A_1173, %parallel_loop3A_1174] {strides = array<i32>} : memref<32x1024xf32, #tpu.memory_space<vmem>>, vector<1x16xf32>,
        %parallel_loop3A_1176 = vector.shape_cast %parallel_loop3A_1175 : vector<1x16xf32> to vector<16xf32>
        %parallel_loop3A_1177 = arith.mulf %parallel_loop3A_1170, %parallel_loop3A_148 : vector<16xf32>
        %parallel_loop3A_1178 = arith.mulf %parallel_loop3A_1176, %parallel_loop3A_158 : vector<16xf32>
        %parallel_loop3A_1179 = arith.addf %parallel_loop3A_1177, %parallel_loop3A_1178 : vector<16xf32>
        %parallel_loop3A_1180 = arith.index_cast %parallel_loop3A_137 : i32 to index
        %parallel_loop3A_1181 = arith.constant 896 : index
        %parallel_loop3A_1182 = tpu.vector_load %arg14[%parallel_loop3A_1180, %parallel_loop3A_1181] {strides = array<i32>} : memref<16x1024xf32, #tpu.memory_space<vmem>>, vector<1x16xf32>,
        %parallel_loop3A_1183 = vector.shape_cast %parallel_loop3A_1182 : vector<1x16xf32> to vector<16xf32>
        %parallel_loop3A_1184 = vector.shape_cast %parallel_loop3A_1179 : vector<16xf32> to vector<1x16xf32>
        tpu.vector_store %arg14[%parallel_loop3A_1180, %parallel_loop3A_1181], %parallel_loop3A_1184 {strides = array<i32>} : memref<16x1024xf32, #tpu.memory_space<vmem>>, vector<1x16xf32>,
        %parallel_loop3A_1185 = arith.index_cast %parallel_loop3A_137 : i32 to index
        %parallel_loop3A_1186 = arith.constant 912 : index
        %parallel_loop3A_1187 = tpu.vector_load %arg12[%parallel_loop3A_1185, %parallel_loop3A_1186] {strides = array<i32>} : memref<32x1024xf32, #tpu.memory_space<vmem>>, vector<1x16xf32>,
        %parallel_loop3A_1188 = vector.shape_cast %parallel_loop3A_1187 : vector<1x16xf32> to vector<16xf32>
        %parallel_loop3A_1189 = arith.constant 16 : i32
        %parallel_loop3A_1190 = arith.addi %parallel_loop3A_1189, %parallel_loop3A_137 : i32
        %parallel_loop3A_1191 = arith.index_cast %parallel_loop3A_1190 : i32 to index
        %parallel_loop3A_1192 = arith.constant 912 : index
        %parallel_loop3A_1193 = tpu.vector_load %arg12[%parallel_loop3A_1191, %parallel_loop3A_1192] {strides = array<i32>} : memref<32x1024xf32, #tpu.memory_space<vmem>>, vector<1x16xf32>,
        %parallel_loop3A_1194 = vector.shape_cast %parallel_loop3A_1193 : vector<1x16xf32> to vector<16xf32>
        %parallel_loop3A_1195 = arith.mulf %parallel_loop3A_1188, %parallel_loop3A_148 : vector<16xf32>
        %parallel_loop3A_1196 = arith.mulf %parallel_loop3A_1194, %parallel_loop3A_158 : vector<16xf32>
        %parallel_loop3A_1197 = arith.addf %parallel_loop3A_1195, %parallel_loop3A_1196 : vector<16xf32>
        %parallel_loop3A_1198 = arith.index_cast %parallel_loop3A_137 : i32 to index
        %parallel_loop3A_1199 = arith.constant 912 : index
        %parallel_loop3A_1200 = tpu.vector_load %arg14[%parallel_loop3A_1198, %parallel_loop3A_1199] {strides = array<i32>} : memref<16x1024xf32, #tpu.memory_space<vmem>>, vector<1x16xf32>,
        %parallel_loop3A_1201 = vector.shape_cast %parallel_loop3A_1200 : vector<1x16xf32> to vector<16xf32>
        %parallel_loop3A_1202 = vector.shape_cast %parallel_loop3A_1197 : vector<16xf32> to vector<1x16xf32>
        tpu.vector_store %arg14[%parallel_loop3A_1198, %parallel_loop3A_1199], %parallel_loop3A_1202 {strides = array<i32>} : memref<16x1024xf32, #tpu.memory_space<vmem>>, vector<1x16xf32>,
        %parallel_loop3A_1203 = arith.index_cast %parallel_loop3A_137 : i32 to index
        %parallel_loop3A_1204 = arith.constant 928 : index
        %parallel_loop3A_1205 = tpu.vector_load %arg12[%parallel_loop3A_1203, %parallel_loop3A_1204] {strides = array<i32>} : memref<32x1024xf32, #tpu.memory_space<vmem>>, vector<1x16xf32>,
        %parallel_loop3A_1206 = vector.shape_cast %parallel_loop3A_1205 : vector<1x16xf32> to vector<16xf32>
        %parallel_loop3A_1207 = arith.constant 16 : i32
        %parallel_loop3A_1208 = arith.addi %parallel_loop3A_1207, %parallel_loop3A_137 : i32
        %parallel_loop3A_1209 = arith.index_cast %parallel_loop3A_1208 : i32 to index
        %parallel_loop3A_1210 = arith.constant 928 : index
        %parallel_loop3A_1211 = tpu.vector_load %arg12[%parallel_loop3A_1209, %parallel_loop3A_1210] {strides = array<i32>} : memref<32x1024xf32, #tpu.memory_space<vmem>>, vector<1x16xf32>,
        %parallel_loop3A_1212 = vector.shape_cast %parallel_loop3A_1211 : vector<1x16xf32> to vector<16xf32>
        %parallel_loop3A_1213 = arith.mulf %parallel_loop3A_1206, %parallel_loop3A_148 : vector<16xf32>
        %parallel_loop3A_1214 = arith.mulf %parallel_loop3A_1212, %parallel_loop3A_158 : vector<16xf32>
        %parallel_loop3A_1215 = arith.addf %parallel_loop3A_1213, %parallel_loop3A_1214 : vector<16xf32>
        %parallel_loop3A_1216 = arith.index_cast %parallel_loop3A_137 : i32 to index
        %parallel_loop3A_1217 = arith.constant 928 : index
        %parallel_loop3A_1218 = tpu.vector_load %arg14[%parallel_loop3A_1216, %parallel_loop3A_1217] {strides = array<i32>} : memref<16x1024xf32, #tpu.memory_space<vmem>>, vector<1x16xf32>,
        %parallel_loop3A_1219 = vector.shape_cast %parallel_loop3A_1218 : vector<1x16xf32> to vector<16xf32>
        %parallel_loop3A_1220 = vector.shape_cast %parallel_loop3A_1215 : vector<16xf32> to vector<1x16xf32>
        tpu.vector_store %arg14[%parallel_loop3A_1216, %parallel_loop3A_1217], %parallel_loop3A_1220 {strides = array<i32>} : memref<16x1024xf32, #tpu.memory_space<vmem>>, vector<1x16xf32>,
        %parallel_loop3A_1221 = arith.index_cast %parallel_loop3A_137 : i32 to index
        %parallel_loop3A_1222 = arith.constant 944 : index
        %parallel_loop3A_1223 = tpu.vector_load %arg12[%parallel_loop3A_1221, %parallel_loop3A_1222] {strides = array<i32>} : memref<32x1024xf32, #tpu.memory_space<vmem>>, vector<1x16xf32>,
        %parallel_loop3A_1224 = vector.shape_cast %parallel_loop3A_1223 : vector<1x16xf32> to vector<16xf32>
        %parallel_loop3A_1225 = arith.constant 16 : i32
        %parallel_loop3A_1226 = arith.addi %parallel_loop3A_1225, %parallel_loop3A_137 : i32
        %parallel_loop3A_1227 = arith.index_cast %parallel_loop3A_1226 : i32 to index
        %parallel_loop3A_1228 = arith.constant 944 : index
        %parallel_loop3A_1229 = tpu.vector_load %arg12[%parallel_loop3A_1227, %parallel_loop3A_1228] {strides = array<i32>} : memref<32x1024xf32, #tpu.memory_space<vmem>>, vector<1x16xf32>,
        %parallel_loop3A_1230 = vector.shape_cast %parallel_loop3A_1229 : vector<1x16xf32> to vector<16xf32>
        %parallel_loop3A_1231 = arith.mulf %parallel_loop3A_1224, %parallel_loop3A_148 : vector<16xf32>
        %parallel_loop3A_1232 = arith.mulf %parallel_loop3A_1230, %parallel_loop3A_158 : vector<16xf32>
        %parallel_loop3A_1233 = arith.addf %parallel_loop3A_1231, %parallel_loop3A_1232 : vector<16xf32>
        %parallel_loop3A_1234 = arith.index_cast %parallel_loop3A_137 : i32 to index
        %parallel_loop3A_1235 = arith.constant 944 : index
        %parallel_loop3A_1236 = tpu.vector_load %arg14[%parallel_loop3A_1234, %parallel_loop3A_1235] {strides = array<i32>} : memref<16x1024xf32, #tpu.memory_space<vmem>>, vector<1x16xf32>,
        %parallel_loop3A_1237 = vector.shape_cast %parallel_loop3A_1236 : vector<1x16xf32> to vector<16xf32>
        %parallel_loop3A_1238 = vector.shape_cast %parallel_loop3A_1233 : vector<16xf32> to vector<1x16xf32>
        tpu.vector_store %arg14[%parallel_loop3A_1234, %parallel_loop3A_1235], %parallel_loop3A_1238 {strides = array<i32>} : memref<16x1024xf32, #tpu.memory_space<vmem>>, vector<1x16xf32>,
        %parallel_loop3A_1239 = arith.index_cast %parallel_loop3A_137 : i32 to index
        %parallel_loop3A_1240 = arith.constant 960 : index
        %parallel_loop3A_1241 = tpu.vector_load %arg12[%parallel_loop3A_1239, %parallel_loop3A_1240] {strides = array<i32>} : memref<32x1024xf32, #tpu.memory_space<vmem>>, vector<1x16xf32>,
        %parallel_loop3A_1242 = vector.shape_cast %parallel_loop3A_1241 : vector<1x16xf32> to vector<16xf32>
        %parallel_loop3A_1243 = arith.constant 16 : i32
        %parallel_loop3A_1244 = arith.addi %parallel_loop3A_1243, %parallel_loop3A_137 : i32
        %parallel_loop3A_1245 = arith.index_cast %parallel_loop3A_1244 : i32 to index
        %parallel_loop3A_1246 = arith.constant 960 : index
        %parallel_loop3A_1247 = tpu.vector_load %arg12[%parallel_loop3A_1245, %parallel_loop3A_1246] {strides = array<i32>} : memref<32x1024xf32, #tpu.memory_space<vmem>>, vector<1x16xf32>,
        %parallel_loop3A_1248 = vector.shape_cast %parallel_loop3A_1247 : vector<1x16xf32> to vector<16xf32>
        %parallel_loop3A_1249 = arith.mulf %parallel_loop3A_1242, %parallel_loop3A_148 : vector<16xf32>
        %parallel_loop3A_1250 = arith.mulf %parallel_loop3A_1248, %parallel_loop3A_158 : vector<16xf32>
        %parallel_loop3A_1251 = arith.addf %parallel_loop3A_1249, %parallel_loop3A_1250 : vector<16xf32>
        %parallel_loop3A_1252 = arith.index_cast %parallel_loop3A_137 : i32 to index
        %parallel_loop3A_1253 = arith.constant 960 : index
        %parallel_loop3A_1254 = tpu.vector_load %arg14[%parallel_loop3A_1252, %parallel_loop3A_1253] {strides = array<i32>} : memref<16x1024xf32, #tpu.memory_space<vmem>>, vector<1x16xf32>,
        %parallel_loop3A_1255 = vector.shape_cast %parallel_loop3A_1254 : vector<1x16xf32> to vector<16xf32>
        %parallel_loop3A_1256 = vector.shape_cast %parallel_loop3A_1251 : vector<16xf32> to vector<1x16xf32>
        tpu.vector_store %arg14[%parallel_loop3A_1252, %parallel_loop3A_1253], %parallel_loop3A_1256 {strides = array<i32>} : memref<16x1024xf32, #tpu.memory_space<vmem>>, vector<1x16xf32>,
        %parallel_loop3A_1257 = arith.index_cast %parallel_loop3A_137 : i32 to index
        %parallel_loop3A_1258 = arith.constant 976 : index
        %parallel_loop3A_1259 = tpu.vector_load %arg12[%parallel_loop3A_1257, %parallel_loop3A_1258] {strides = array<i32>} : memref<32x1024xf32, #tpu.memory_space<vmem>>, vector<1x16xf32>,
        %parallel_loop3A_1260 = vector.shape_cast %parallel_loop3A_1259 : vector<1x16xf32> to vector<16xf32>
        %parallel_loop3A_1261 = arith.constant 16 : i32
        %parallel_loop3A_1262 = arith.addi %parallel_loop3A_1261, %parallel_loop3A_137 : i32
        %parallel_loop3A_1263 = arith.index_cast %parallel_loop3A_1262 : i32 to index
        %parallel_loop3A_1264 = arith.constant 976 : index
        %parallel_loop3A_1265 = tpu.vector_load %arg12[%parallel_loop3A_1263, %parallel_loop3A_1264] {strides = array<i32>} : memref<32x1024xf32, #tpu.memory_space<vmem>>, vector<1x16xf32>,
        %parallel_loop3A_1266 = vector.shape_cast %parallel_loop3A_1265 : vector<1x16xf32> to vector<16xf32>
        %parallel_loop3A_1267 = arith.mulf %parallel_loop3A_1260, %parallel_loop3A_148 : vector<16xf32>
        %parallel_loop3A_1268 = arith.mulf %parallel_loop3A_1266, %parallel_loop3A_158 : vector<16xf32>
        %parallel_loop3A_1269 = arith.addf %parallel_loop3A_1267, %parallel_loop3A_1268 : vector<16xf32>
        %parallel_loop3A_1270 = arith.index_cast %parallel_loop3A_137 : i32 to index
        %parallel_loop3A_1271 = arith.constant 976 : index
        %parallel_loop3A_1272 = tpu.vector_load %arg14[%parallel_loop3A_1270, %parallel_loop3A_1271] {strides = array<i32>} : memref<16x1024xf32, #tpu.memory_space<vmem>>, vector<1x16xf32>,
        %parallel_loop3A_1273 = vector.shape_cast %parallel_loop3A_1272 : vector<1x16xf32> to vector<16xf32>
        %parallel_loop3A_1274 = vector.shape_cast %parallel_loop3A_1269 : vector<16xf32> to vector<1x16xf32>
        tpu.vector_store %arg14[%parallel_loop3A_1270, %parallel_loop3A_1271], %parallel_loop3A_1274 {strides = array<i32>} : memref<16x1024xf32, #tpu.memory_space<vmem>>, vector<1x16xf32>,
        %parallel_loop3A_1275 = arith.index_cast %parallel_loop3A_137 : i32 to index
        %parallel_loop3A_1276 = arith.constant 992 : index
        %parallel_loop3A_1277 = tpu.vector_load %arg12[%parallel_loop3A_1275, %parallel_loop3A_1276] {strides = array<i32>} : memref<32x1024xf32, #tpu.memory_space<vmem>>, vector<1x16xf32>,
        %parallel_loop3A_1278 = vector.shape_cast %parallel_loop3A_1277 : vector<1x16xf32> to vector<16xf32>
        %parallel_loop3A_1279 = arith.constant 16 : i32
        %parallel_loop3A_1280 = arith.addi %parallel_loop3A_1279, %parallel_loop3A_137 : i32
        %parallel_loop3A_1281 = arith.index_cast %parallel_loop3A_1280 : i32 to index
        %parallel_loop3A_1282 = arith.constant 992 : index
        %parallel_loop3A_1283 = tpu.vector_load %arg12[%parallel_loop3A_1281, %parallel_loop3A_1282] {strides = array<i32>} : memref<32x1024xf32, #tpu.memory_space<vmem>>, vector<1x16xf32>,
        %parallel_loop3A_1284 = vector.shape_cast %parallel_loop3A_1283 : vector<1x16xf32> to vector<16xf32>
        %parallel_loop3A_1285 = arith.mulf %parallel_loop3A_1278, %parallel_loop3A_148 : vector<16xf32>
        %parallel_loop3A_1286 = arith.mulf %parallel_loop3A_1284, %parallel_loop3A_158 : vector<16xf32>
        %parallel_loop3A_1287 = arith.addf %parallel_loop3A_1285, %parallel_loop3A_1286 : vector<16xf32>
        %parallel_loop3A_1288 = arith.index_cast %parallel_loop3A_137 : i32 to index
        %parallel_loop3A_1289 = arith.constant 992 : index
        %parallel_loop3A_1290 = tpu.vector_load %arg14[%parallel_loop3A_1288, %parallel_loop3A_1289] {strides = array<i32>} : memref<16x1024xf32, #tpu.memory_space<vmem>>, vector<1x16xf32>,
        %parallel_loop3A_1291 = vector.shape_cast %parallel_loop3A_1290 : vector<1x16xf32> to vector<16xf32>
        %parallel_loop3A_1292 = vector.shape_cast %parallel_loop3A_1287 : vector<16xf32> to vector<1x16xf32>
        tpu.vector_store %arg14[%parallel_loop3A_1288, %parallel_loop3A_1289], %parallel_loop3A_1292 {strides = array<i32>} : memref<16x1024xf32, #tpu.memory_space<vmem>>, vector<1x16xf32>,
        %parallel_loop3A_1293 = arith.index_cast %parallel_loop3A_137 : i32 to index
        %parallel_loop3A_1294 = arith.constant 1008 : index
        %parallel_loop3A_1295 = tpu.vector_load %arg12[%parallel_loop3A_1293, %parallel_loop3A_1294] {strides = array<i32>} : memref<32x1024xf32, #tpu.memory_space<vmem>>, vector<1x16xf32>,
        %parallel_loop3A_1296 = vector.shape_cast %parallel_loop3A_1295 : vector<1x16xf32> to vector<16xf32>
        %parallel_loop3A_1297 = arith.constant 16 : i32
        %parallel_loop3A_1298 = arith.addi %parallel_loop3A_1297, %parallel_loop3A_137 : i32
        %parallel_loop3A_1299 = arith.index_cast %parallel_loop3A_1298 : i32 to index
        %parallel_loop3A_1300 = arith.constant 1008 : index
        %parallel_loop3A_1301 = tpu.vector_load %arg12[%parallel_loop3A_1299, %parallel_loop3A_1300] {strides = array<i32>} : memref<32x1024xf32, #tpu.memory_space<vmem>>, vector<1x16xf32>,
        %parallel_loop3A_1302 = vector.shape_cast %parallel_loop3A_1301 : vector<1x16xf32> to vector<16xf32>
        %parallel_loop3A_1303 = arith.mulf %parallel_loop3A_1296, %parallel_loop3A_148 : vector<16xf32>
        %parallel_loop3A_1304 = arith.mulf %parallel_loop3A_1302, %parallel_loop3A_158 : vector<16xf32>
        %parallel_loop3A_1305 = arith.addf %parallel_loop3A_1303, %parallel_loop3A_1304 : vector<16xf32>
        %parallel_loop3A_1306 = arith.index_cast %parallel_loop3A_137 : i32 to index
        %parallel_loop3A_1307 = arith.constant 1008 : index
        %parallel_loop3A_1308 = tpu.vector_load %arg14[%parallel_loop3A_1306, %parallel_loop3A_1307] {strides = array<i32>} : memref<16x1024xf32, #tpu.memory_space<vmem>>, vector<1x16xf32>,
        %parallel_loop3A_1309 = vector.shape_cast %parallel_loop3A_1308 : vector<1x16xf32> to vector<16xf32>
        %parallel_loop3A_1310 = vector.shape_cast %parallel_loop3A_1305 : vector<16xf32> to vector<1x16xf32>
        tpu.vector_store %arg14[%parallel_loop3A_1306, %parallel_loop3A_1307], %parallel_loop3A_1310 {strides = array<i32>} : memref<16x1024xf32, #tpu.memory_space<vmem>>, vector<1x16xf32>,
      } {sc.loop_unroll_factor = 4 : i64, sc.parallel_access}
      %mul3A_88 = arith.constant 16 : i32
      %mul3A_89 = arith.muli %add3A_62, %mul3A_88 : i32
      %add3A_90 = arith.addi %mul3A_2, %mul3A_89 : i32
      %dma_start3A_91 = arith.constant 0 : i32
      %dma_start3A_92 = tpu.memref_slice %arg7[%add3A_90, %dma_start3A_91] : memref<8192x1024xf32, #tpu.memory_space<hbm>> -> memref<16x1024xf32, #tpu.memory_space<hbm>>
      %dma_start3A_93 = arith.constant 0 : i32
      %dma_start3A_94 = tpu.memref_slice %arg7[%add3A_90, %dma_start3A_93] : memref<8192x1024xf32, #tpu.memory_space<hbm>> -> memref<16x1024xf32, #tpu.memory_space<hbm>>
      tpu.enqueue_dma source(%arg14 : memref<16x1024xf32, #tpu.memory_space<vmem>>) target(%dma_start3A_94 : memref<16x1024xf32, #tpu.memory_space<hbm>>) target_semaphore(%arg19 : memref<!tpu.dma_semaphore, #tpu.memory_space<semaphore_mem>>)
      %mul3A_95 = arith.constant 2 : i32
      %mul3A_96 = arith.muli %scan3A_58, %mul3A_95 : i32
      %add3A_97 = arith.constant 1 : i32
      %add3A_98 = arith.addi %mul3A_96, %add3A_97 : i32
      %add3A_99 = arith.constant 1 : i32
      %add3A_100 = arith.addi %add3A_98, %add3A_99 : i32
      %lt3A_101 = arith.constant 16 : i32
      %lt3A_102 = arith.cmpi slt, %add3A_100, %lt3A_101 : i32
      %convert_element_type3A_103 = arith.extui %lt3A_102 : i1 to i32
      %cond3A_104 = arith.constant 0 : i32
      %cond3A_105 = arith.cmpi ne, %convert_element_type3A_103, %cond3A_104 : i32
      scf.if %cond3A_105 {
        %add3A_137 = arith.constant 1 : i32
        %add3A_138 = arith.addi %add3A_98, %add3A_137 : i32
        %mul3A_139 = arith.constant 16 : i32
        %mul3A_140 = arith.muli %mul3A_139, %add3A_138 : i32
        %dma_start3A_141 = arith.constant 0 : i32
        %dma_start3A_142 = arith.constant 0 : i32
        %dma_start3A_143 = tpu.memref_slice %arg12[%dma_start3A_141, %dma_start3A_142] : memref<32x1024xf32, #tpu.memory_space<vmem>> -> memref<16x1024xf32, #tpu.memory_space<vmem>>
        %dma_start3A_144 = tpu.memref_slice %arg8[%mul3A_140] : memref<256xi32, #tpu.memory_space<vmem>> -> memref<16xi32, #tpu.memory_space<vmem>>
        %dma_start3A_145 = arith.constant 0 : i32
        %dma_start3A_146 = arith.constant 0 : i32
        %dma_start3A_147 = tpu.memref_slice %arg2[%dma_start3A_145, %dma_start3A_146] : memref<32768x1024xf32, #tpu.memory_space<hbm>> -> memref<32768x1024xf32, #tpu.memory_space<hbm>>
        tpu.enqueue_indirect_dma source(%dma_start3A_147 : memref<32768x1024xf32, #tpu.memory_space<hbm>>) target(%dma_start3A_143 : memref<16x1024xf32, #tpu.memory_space<vmem>>) offsets(%dma_start3A_144 : memref<16xi32, #tpu.memory_space<vmem>>) semaphore(%arg17 : memref<!tpu.dma_semaphore, #tpu.memory_space<semaphore_mem>>)
        %mul3A_148 = arith.constant 16 : i32
        %mul3A_149 = arith.muli %mul3A_148, %add3A_138 : i32
        %dma_start3A_150 = arith.constant 16 : i32
        %dma_start3A_151 = arith.constant 0 : i32
        %dma_start3A_152 = tpu.memref_slice %arg12[%dma_start3A_150, %dma_start3A_151] : memref<32x1024xf32, #tpu.memory_space<vmem>> -> memref<16x1024xf32, #tpu.memory_space<vmem>>
        %dma_start3A_153 = tpu.memref_slice %arg9[%mul3A_149] : memref<256xi32, #tpu.memory_space<vmem>> -> memref<16xi32, #tpu.memory_space<vmem>>
        %dma_start3A_154 = arith.constant 0 : i32
        %dma_start3A_155 = arith.constant 0 : i32
        %dma_start3A_156 = tpu.memref_slice %arg2[%dma_start3A_154, %dma_start3A_155] : memref<32768x1024xf32, #tpu.memory_space<hbm>> -> memref<32768x1024xf32, #tpu.memory_space<hbm>>
        tpu.enqueue_indirect_dma source(%dma_start3A_156 : memref<32768x1024xf32, #tpu.memory_space<hbm>>) target(%dma_start3A_152 : memref<16x1024xf32, #tpu.memory_space<vmem>>) offsets(%dma_start3A_153 : memref<16xi32, #tpu.memory_space<vmem>>) semaphore(%arg17 : memref<!tpu.dma_semaphore, #tpu.memory_space<semaphore_mem>>)
      } else {
      }
      %dma_wait3A_106 = arith.constant 0 : i32
      %dma_wait3A_107 = arith.constant 0 : i32
      %dma_wait3A_108 = tpu.memref_slice %arg2[%dma_wait3A_106, %dma_wait3A_107] : memref<32768x1024xf32, #tpu.memory_space<hbm>> -> memref<32x1024xf32, #tpu.memory_space<hbm>>
      %dma_wait3A_109 = arith.constant 0 : i32
      %dma_wait3A_110 = arith.constant 0 : i32
      %dma_wait3A_111 = tpu.memref_slice %arg2[%dma_wait3A_109, %dma_wait3A_110] : memref<32768x1024xf32, #tpu.memory_space<hbm>> -> memref<32x1024xf32, #tpu.memory_space<hbm>>
      tpu.wait_dma2 semaphore(%arg18 : memref<!tpu.dma_semaphore, #tpu.memory_space<semaphore_mem>>) src(%dma_wait3A_111 : memref<32x1024xf32, #tpu.memory_space<hbm>>) dst(%arg13 : memref<32x1024xf32, #tpu.memory_space<vmem>>)
      %gt3A_112 = arith.constant 0 : i32
      %gt3A_113 = arith.cmpi sgt, %scan3A_58, %gt3A_112 : i32
      %convert_element_type3A_114 = arith.extui %gt3A_113 : i1 to i32
      %cond3A_115 = arith.constant 0 : i32
      %cond3A_116 = arith.cmpi ne, %convert_element_type3A_114, %cond3A_115 : i32
      scf.if %cond3A_116 {
        %dma_wait3A_137 = arith.constant 0 : i32
        %dma_wait3A_138 = arith.constant 0 : i32
        %dma_wait3A_139 = tpu.memref_slice %arg7[%dma_wait3A_137, %dma_wait3A_138] : memref<8192x1024xf32, #tpu.memory_space<hbm>> -> memref<16x1024xf32, #tpu.memory_space<hbm>>
        %dma_wait3A_140 = arith.constant 0 : i32
        %dma_wait3A_141 = arith.constant 0 : i32
        %dma_wait3A_142 = tpu.memref_slice %arg7[%dma_wait3A_140, %dma_wait3A_141] : memref<8192x1024xf32, #tpu.memory_space<hbm>> -> memref<16x1024xf32, #tpu.memory_space<hbm>>
        tpu.wait_dma2 semaphore(%arg20 : memref<!tpu.dma_semaphore, #tpu.memory_space<semaphore_mem>>) src(%arg15 : memref<16x1024xf32, #tpu.memory_space<vmem>>) dst(%dma_wait3A_142 : memref<16x1024xf32, #tpu.memory_space<hbm>>)
      } else {
      }
      %mul3A_117 = arith.constant 16 : i32
      %mul3A_118 = arith.muli %add3A_98, %mul3A_117 : i32
      %get3A_119 = arith.index_cast %mul3A_118 : i32 to index
      %get3A_120 = tpu.vector_load %arg10[%get3A_119] {strides = array<i32>} : memref<256xf32, #tpu.memory_space<vmem>>, vector<16xf32>,
      %get3A_121 = vector.shape_cast %get3A_120 : vector<16xf32> to vector<16xf32>
      %mul3A_122 = arith.constant 16 : i32
      %mul3A_123 = arith.muli %add3A_98, %mul3A_122 : i32
      %get3A_124 = arith.index_cast %mul3A_123 : i32 to index
      %get3A_125 = tpu.vector_load %arg11[%get3A_124] {strides = array<i32>} : memref<256xf32, #tpu.memory_space<vmem>>, vector<16xf32>,
      %get3A_126 = vector.shape_cast %get3A_125 : vector<16xf32> to vector<16xf32>
      %parallel_loop3A_127 = arith.constant 0 : i32
      %parallel_loop3A_128 = arith.constant 16 : i32
      %parallel_loop3A_129 = arith.constant 1 : i32
      scf.for %parallel_loop3A_137 = %parallel_loop3A_127 to %parallel_loop3A_128 step %parallel_loop3A_129  : i32 {
        %parallel_loop3A_138 = vector.broadcast %parallel_loop3A_137 : i32 to vector<16xi32>
        %parallel_loop3A_139 = arith.constant 0 : i32
        %parallel_loop3A_140 = vector.broadcast %parallel_loop3A_139 : i32 to vector<16xi32>
        %parallel_loop3A_141 = arith.cmpi slt, %parallel_loop3A_138, %parallel_loop3A_140 : vector<16xi32>
        %parallel_loop3A_142 = arith.constant 16 : i32
        %parallel_loop3A_143 = vector.broadcast %parallel_loop3A_142 : i32 to vector<16xi32>
        %parallel_loop3A_144 = arith.addi %parallel_loop3A_138, %parallel_loop3A_143 : vector<16xi32>
        %parallel_loop3A_145 = arith.select %parallel_loop3A_141, %parallel_loop3A_144, %parallel_loop3A_138 : vector<16xi1>, vector<16xi32>
        %parallel_loop3A_146 = vector.shape_cast %parallel_loop3A_145 : vector<16xi32> to vector<16x1xi32>
        %parallel_loop3A_147 = vector.shape_cast %parallel_loop3A_146 : vector<16x1xi32> to vector<16xi32>
        %parallel_loop3A_148 = tpu.dynamic_gather %get3A_121[%parallel_loop3A_147] in [0] : vector<16xf32>, vector<16xi32> -> vector<16xf32>
        %parallel_loop3A_149 = arith.constant 0 : i32
        %parallel_loop3A_150 = vector.broadcast %parallel_loop3A_149 : i32 to vector<16xi32>
        %parallel_loop3A_151 = arith.cmpi slt, %parallel_loop3A_138, %parallel_loop3A_150 : vector<16xi32>
        %parallel_loop3A_152 = arith.constant 16 : i32
        %parallel_loop3A_153 = vector.broadcast %parallel_loop3A_152 : i32 to vector<16xi32>
        %parallel_loop3A_154 = arith.addi %parallel_loop3A_138, %parallel_loop3A_153 : vector<16xi32>
        %parallel_loop3A_155 = arith.select %parallel_loop3A_151, %parallel_loop3A_154, %parallel_loop3A_138 : vector<16xi1>, vector<16xi32>
        %parallel_loop3A_156 = vector.shape_cast %parallel_loop3A_155 : vector<16xi32> to vector<16x1xi32>
        %parallel_loop3A_157 = vector.shape_cast %parallel_loop3A_156 : vector<16x1xi32> to vector<16xi32>
        %parallel_loop3A_158 = tpu.dynamic_gather %get3A_126[%parallel_loop3A_157] in [0] : vector<16xf32>, vector<16xi32> -> vector<16xf32>
        %parallel_loop3A_159 = arith.index_cast %parallel_loop3A_137 : i32 to index
        %parallel_loop3A_160 = arith.constant 0 : index
        %parallel_loop3A_161 = tpu.vector_load %arg13[%parallel_loop3A_159, %parallel_loop3A_160] {strides = array<i32>} : memref<32x1024xf32, #tpu.memory_space<vmem>>, vector<1x16xf32>,
        %parallel_loop3A_162 = vector.shape_cast %parallel_loop3A_161 : vector<1x16xf32> to vector<16xf32>
        %parallel_loop3A_163 = arith.constant 16 : i32
        %parallel_loop3A_164 = arith.addi %parallel_loop3A_163, %parallel_loop3A_137 : i32
        %parallel_loop3A_165 = arith.index_cast %parallel_loop3A_164 : i32 to index
        %parallel_loop3A_166 = arith.constant 0 : index
        %parallel_loop3A_167 = tpu.vector_load %arg13[%parallel_loop3A_165, %parallel_loop3A_166] {strides = array<i32>} : memref<32x1024xf32, #tpu.memory_space<vmem>>, vector<1x16xf32>,
        %parallel_loop3A_168 = vector.shape_cast %parallel_loop3A_167 : vector<1x16xf32> to vector<16xf32>
        %parallel_loop3A_169 = arith.mulf %parallel_loop3A_162, %parallel_loop3A_148 : vector<16xf32>
        %parallel_loop3A_170 = arith.mulf %parallel_loop3A_168, %parallel_loop3A_158 : vector<16xf32>
        %parallel_loop3A_171 = arith.addf %parallel_loop3A_169, %parallel_loop3A_170 : vector<16xf32>
        %parallel_loop3A_172 = arith.index_cast %parallel_loop3A_137 : i32 to index
        %parallel_loop3A_173 = arith.constant 0 : index
        %parallel_loop3A_174 = tpu.vector_load %arg15[%parallel_loop3A_172, %parallel_loop3A_173] {strides = array<i32>} : memref<16x1024xf32, #tpu.memory_space<vmem>>, vector<1x16xf32>,
        %parallel_loop3A_175 = vector.shape_cast %parallel_loop3A_174 : vector<1x16xf32> to vector<16xf32>
        %parallel_loop3A_176 = vector.shape_cast %parallel_loop3A_171 : vector<16xf32> to vector<1x16xf32>
        tpu.vector_store %arg15[%parallel_loop3A_172, %parallel_loop3A_173], %parallel_loop3A_176 {strides = array<i32>} : memref<16x1024xf32, #tpu.memory_space<vmem>>, vector<1x16xf32>,
        %parallel_loop3A_177 = arith.index_cast %parallel_loop3A_137 : i32 to index
        %parallel_loop3A_178 = arith.constant 16 : index
        %parallel_loop3A_179 = tpu.vector_load %arg13[%parallel_loop3A_177, %parallel_loop3A_178] {strides = array<i32>} : memref<32x1024xf32, #tpu.memory_space<vmem>>, vector<1x16xf32>,
        %parallel_loop3A_180 = vector.shape_cast %parallel_loop3A_179 : vector<1x16xf32> to vector<16xf32>
        %parallel_loop3A_181 = arith.constant 16 : i32
        %parallel_loop3A_182 = arith.addi %parallel_loop3A_181, %parallel_loop3A_137 : i32
        %parallel_loop3A_183 = arith.index_cast %parallel_loop3A_182 : i32 to index
        %parallel_loop3A_184 = arith.constant 16 : index
        %parallel_loop3A_185 = tpu.vector_load %arg13[%parallel_loop3A_183, %parallel_loop3A_184] {strides = array<i32>} : memref<32x1024xf32, #tpu.memory_space<vmem>>, vector<1x16xf32>,
        %parallel_loop3A_186 = vector.shape_cast %parallel_loop3A_185 : vector<1x16xf32> to vector<16xf32>
        %parallel_loop3A_187 = arith.mulf %parallel_loop3A_180, %parallel_loop3A_148 : vector<16xf32>
        %parallel_loop3A_188 = arith.mulf %parallel_loop3A_186, %parallel_loop3A_158 : vector<16xf32>
        %parallel_loop3A_189 = arith.addf %parallel_loop3A_187, %parallel_loop3A_188 : vector<16xf32>
        %parallel_loop3A_190 = arith.index_cast %parallel_loop3A_137 : i32 to index
        %parallel_loop3A_191 = arith.constant 16 : index
        %parallel_loop3A_192 = tpu.vector_load %arg15[%parallel_loop3A_190, %parallel_loop3A_191] {strides = array<i32>} : memref<16x1024xf32, #tpu.memory_space<vmem>>, vector<1x16xf32>,
        %parallel_loop3A_193 = vector.shape_cast %parallel_loop3A_192 : vector<1x16xf32> to vector<16xf32>
        %parallel_loop3A_194 = vector.shape_cast %parallel_loop3A_189 : vector<16xf32> to vector<1x16xf32>
        tpu.vector_store %arg15[%parallel_loop3A_190, %parallel_loop3A_191], %parallel_loop3A_194 {strides = array<i32>} : memref<16x1024xf32, #tpu.memory_space<vmem>>, vector<1x16xf32>,
        %parallel_loop3A_195 = arith.index_cast %parallel_loop3A_137 : i32 to index
        %parallel_loop3A_196 = arith.constant 32 : index
        %parallel_loop3A_197 = tpu.vector_load %arg13[%parallel_loop3A_195, %parallel_loop3A_196] {strides = array<i32>} : memref<32x1024xf32, #tpu.memory_space<vmem>>, vector<1x16xf32>,
        %parallel_loop3A_198 = vector.shape_cast %parallel_loop3A_197 : vector<1x16xf32> to vector<16xf32>
        %parallel_loop3A_199 = arith.constant 16 : i32
        %parallel_loop3A_200 = arith.addi %parallel_loop3A_199, %parallel_loop3A_137 : i32
        %parallel_loop3A_201 = arith.index_cast %parallel_loop3A_200 : i32 to index
        %parallel_loop3A_202 = arith.constant 32 : index
        %parallel_loop3A_203 = tpu.vector_load %arg13[%parallel_loop3A_201, %parallel_loop3A_202] {strides = array<i32>} : memref<32x1024xf32, #tpu.memory_space<vmem>>, vector<1x16xf32>,
        %parallel_loop3A_204 = vector.shape_cast %parallel_loop3A_203 : vector<1x16xf32> to vector<16xf32>
        %parallel_loop3A_205 = arith.mulf %parallel_loop3A_198, %parallel_loop3A_148 : vector<16xf32>
        %parallel_loop3A_206 = arith.mulf %parallel_loop3A_204, %parallel_loop3A_158 : vector<16xf32>
        %parallel_loop3A_207 = arith.addf %parallel_loop3A_205, %parallel_loop3A_206 : vector<16xf32>
        %parallel_loop3A_208 = arith.index_cast %parallel_loop3A_137 : i32 to index
        %parallel_loop3A_209 = arith.constant 32 : index
        %parallel_loop3A_210 = tpu.vector_load %arg15[%parallel_loop3A_208, %parallel_loop3A_209] {strides = array<i32>} : memref<16x1024xf32, #tpu.memory_space<vmem>>, vector<1x16xf32>,
        %parallel_loop3A_211 = vector.shape_cast %parallel_loop3A_210 : vector<1x16xf32> to vector<16xf32>
        %parallel_loop3A_212 = vector.shape_cast %parallel_loop3A_207 : vector<16xf32> to vector<1x16xf32>
        tpu.vector_store %arg15[%parallel_loop3A_208, %parallel_loop3A_209], %parallel_loop3A_212 {strides = array<i32>} : memref<16x1024xf32, #tpu.memory_space<vmem>>, vector<1x16xf32>,
        %parallel_loop3A_213 = arith.index_cast %parallel_loop3A_137 : i32 to index
        %parallel_loop3A_214 = arith.constant 48 : index
        %parallel_loop3A_215 = tpu.vector_load %arg13[%parallel_loop3A_213, %parallel_loop3A_214] {strides = array<i32>} : memref<32x1024xf32, #tpu.memory_space<vmem>>, vector<1x16xf32>,
        %parallel_loop3A_216 = vector.shape_cast %parallel_loop3A_215 : vector<1x16xf32> to vector<16xf32>
        %parallel_loop3A_217 = arith.constant 16 : i32
        %parallel_loop3A_218 = arith.addi %parallel_loop3A_217, %parallel_loop3A_137 : i32
        %parallel_loop3A_219 = arith.index_cast %parallel_loop3A_218 : i32 to index
        %parallel_loop3A_220 = arith.constant 48 : index
        %parallel_loop3A_221 = tpu.vector_load %arg13[%parallel_loop3A_219, %parallel_loop3A_220] {strides = array<i32>} : memref<32x1024xf32, #tpu.memory_space<vmem>>, vector<1x16xf32>,
        %parallel_loop3A_222 = vector.shape_cast %parallel_loop3A_221 : vector<1x16xf32> to vector<16xf32>
        %parallel_loop3A_223 = arith.mulf %parallel_loop3A_216, %parallel_loop3A_148 : vector<16xf32>
        %parallel_loop3A_224 = arith.mulf %parallel_loop3A_222, %parallel_loop3A_158 : vector<16xf32>
        %parallel_loop3A_225 = arith.addf %parallel_loop3A_223, %parallel_loop3A_224 : vector<16xf32>
        %parallel_loop3A_226 = arith.index_cast %parallel_loop3A_137 : i32 to index
        %parallel_loop3A_227 = arith.constant 48 : index
        %parallel_loop3A_228 = tpu.vector_load %arg15[%parallel_loop3A_226, %parallel_loop3A_227] {strides = array<i32>} : memref<16x1024xf32, #tpu.memory_space<vmem>>, vector<1x16xf32>,
        %parallel_loop3A_229 = vector.shape_cast %parallel_loop3A_228 : vector<1x16xf32> to vector<16xf32>
        %parallel_loop3A_230 = vector.shape_cast %parallel_loop3A_225 : vector<16xf32> to vector<1x16xf32>
        tpu.vector_store %arg15[%parallel_loop3A_226, %parallel_loop3A_227], %parallel_loop3A_230 {strides = array<i32>} : memref<16x1024xf32, #tpu.memory_space<vmem>>, vector<1x16xf32>,
        %parallel_loop3A_231 = arith.index_cast %parallel_loop3A_137 : i32 to index
        %parallel_loop3A_232 = arith.constant 64 : index
        %parallel_loop3A_233 = tpu.vector_load %arg13[%parallel_loop3A_231, %parallel_loop3A_232] {strides = array<i32>} : memref<32x1024xf32, #tpu.memory_space<vmem>>, vector<1x16xf32>,
        %parallel_loop3A_234 = vector.shape_cast %parallel_loop3A_233 : vector<1x16xf32> to vector<16xf32>
        %parallel_loop3A_235 = arith.constant 16 : i32
        %parallel_loop3A_236 = arith.addi %parallel_loop3A_235, %parallel_loop3A_137 : i32
        %parallel_loop3A_237 = arith.index_cast %parallel_loop3A_236 : i32 to index
        %parallel_loop3A_238 = arith.constant 64 : index
        %parallel_loop3A_239 = tpu.vector_load %arg13[%parallel_loop3A_237, %parallel_loop3A_238] {strides = array<i32>} : memref<32x1024xf32, #tpu.memory_space<vmem>>, vector<1x16xf32>,
        %parallel_loop3A_240 = vector.shape_cast %parallel_loop3A_239 : vector<1x16xf32> to vector<16xf32>
        %parallel_loop3A_241 = arith.mulf %parallel_loop3A_234, %parallel_loop3A_148 : vector<16xf32>
        %parallel_loop3A_242 = arith.mulf %parallel_loop3A_240, %parallel_loop3A_158 : vector<16xf32>
        %parallel_loop3A_243 = arith.addf %parallel_loop3A_241, %parallel_loop3A_242 : vector<16xf32>
        %parallel_loop3A_244 = arith.index_cast %parallel_loop3A_137 : i32 to index
        %parallel_loop3A_245 = arith.constant 64 : index
        %parallel_loop3A_246 = tpu.vector_load %arg15[%parallel_loop3A_244, %parallel_loop3A_245] {strides = array<i32>} : memref<16x1024xf32, #tpu.memory_space<vmem>>, vector<1x16xf32>,
        %parallel_loop3A_247 = vector.shape_cast %parallel_loop3A_246 : vector<1x16xf32> to vector<16xf32>
        %parallel_loop3A_248 = vector.shape_cast %parallel_loop3A_243 : vector<16xf32> to vector<1x16xf32>
        tpu.vector_store %arg15[%parallel_loop3A_244, %parallel_loop3A_245], %parallel_loop3A_248 {strides = array<i32>} : memref<16x1024xf32, #tpu.memory_space<vmem>>, vector<1x16xf32>,
        %parallel_loop3A_249 = arith.index_cast %parallel_loop3A_137 : i32 to index
        %parallel_loop3A_250 = arith.constant 80 : index
        %parallel_loop3A_251 = tpu.vector_load %arg13[%parallel_loop3A_249, %parallel_loop3A_250] {strides = array<i32>} : memref<32x1024xf32, #tpu.memory_space<vmem>>, vector<1x16xf32>,
        %parallel_loop3A_252 = vector.shape_cast %parallel_loop3A_251 : vector<1x16xf32> to vector<16xf32>
        %parallel_loop3A_253 = arith.constant 16 : i32
        %parallel_loop3A_254 = arith.addi %parallel_loop3A_253, %parallel_loop3A_137 : i32
        %parallel_loop3A_255 = arith.index_cast %parallel_loop3A_254 : i32 to index
        %parallel_loop3A_256 = arith.constant 80 : index
        %parallel_loop3A_257 = tpu.vector_load %arg13[%parallel_loop3A_255, %parallel_loop3A_256] {strides = array<i32>} : memref<32x1024xf32, #tpu.memory_space<vmem>>, vector<1x16xf32>,
        %parallel_loop3A_258 = vector.shape_cast %parallel_loop3A_257 : vector<1x16xf32> to vector<16xf32>
        %parallel_loop3A_259 = arith.mulf %parallel_loop3A_252, %parallel_loop3A_148 : vector<16xf32>
        %parallel_loop3A_260 = arith.mulf %parallel_loop3A_258, %parallel_loop3A_158 : vector<16xf32>
        %parallel_loop3A_261 = arith.addf %parallel_loop3A_259, %parallel_loop3A_260 : vector<16xf32>
        %parallel_loop3A_262 = arith.index_cast %parallel_loop3A_137 : i32 to index
        %parallel_loop3A_263 = arith.constant 80 : index
        %parallel_loop3A_264 = tpu.vector_load %arg15[%parallel_loop3A_262, %parallel_loop3A_263] {strides = array<i32>} : memref<16x1024xf32, #tpu.memory_space<vmem>>, vector<1x16xf32>,
        %parallel_loop3A_265 = vector.shape_cast %parallel_loop3A_264 : vector<1x16xf32> to vector<16xf32>
        %parallel_loop3A_266 = vector.shape_cast %parallel_loop3A_261 : vector<16xf32> to vector<1x16xf32>
        tpu.vector_store %arg15[%parallel_loop3A_262, %parallel_loop3A_263], %parallel_loop3A_266 {strides = array<i32>} : memref<16x1024xf32, #tpu.memory_space<vmem>>, vector<1x16xf32>,
        %parallel_loop3A_267 = arith.index_cast %parallel_loop3A_137 : i32 to index
        %parallel_loop3A_268 = arith.constant 96 : index
        %parallel_loop3A_269 = tpu.vector_load %arg13[%parallel_loop3A_267, %parallel_loop3A_268] {strides = array<i32>} : memref<32x1024xf32, #tpu.memory_space<vmem>>, vector<1x16xf32>,
        %parallel_loop3A_270 = vector.shape_cast %parallel_loop3A_269 : vector<1x16xf32> to vector<16xf32>
        %parallel_loop3A_271 = arith.constant 16 : i32
        %parallel_loop3A_272 = arith.addi %parallel_loop3A_271, %parallel_loop3A_137 : i32
        %parallel_loop3A_273 = arith.index_cast %parallel_loop3A_272 : i32 to index
        %parallel_loop3A_274 = arith.constant 96 : index
        %parallel_loop3A_275 = tpu.vector_load %arg13[%parallel_loop3A_273, %parallel_loop3A_274] {strides = array<i32>} : memref<32x1024xf32, #tpu.memory_space<vmem>>, vector<1x16xf32>,
        %parallel_loop3A_276 = vector.shape_cast %parallel_loop3A_275 : vector<1x16xf32> to vector<16xf32>
        %parallel_loop3A_277 = arith.mulf %parallel_loop3A_270, %parallel_loop3A_148 : vector<16xf32>
        %parallel_loop3A_278 = arith.mulf %parallel_loop3A_276, %parallel_loop3A_158 : vector<16xf32>
        %parallel_loop3A_279 = arith.addf %parallel_loop3A_277, %parallel_loop3A_278 : vector<16xf32>
        %parallel_loop3A_280 = arith.index_cast %parallel_loop3A_137 : i32 to index
        %parallel_loop3A_281 = arith.constant 96 : index
        %parallel_loop3A_282 = tpu.vector_load %arg15[%parallel_loop3A_280, %parallel_loop3A_281] {strides = array<i32>} : memref<16x1024xf32, #tpu.memory_space<vmem>>, vector<1x16xf32>,
        %parallel_loop3A_283 = vector.shape_cast %parallel_loop3A_282 : vector<1x16xf32> to vector<16xf32>
        %parallel_loop3A_284 = vector.shape_cast %parallel_loop3A_279 : vector<16xf32> to vector<1x16xf32>
        tpu.vector_store %arg15[%parallel_loop3A_280, %parallel_loop3A_281], %parallel_loop3A_284 {strides = array<i32>} : memref<16x1024xf32, #tpu.memory_space<vmem>>, vector<1x16xf32>,
        %parallel_loop3A_285 = arith.index_cast %parallel_loop3A_137 : i32 to index
        %parallel_loop3A_286 = arith.constant 112 : index
        %parallel_loop3A_287 = tpu.vector_load %arg13[%parallel_loop3A_285, %parallel_loop3A_286] {strides = array<i32>} : memref<32x1024xf32, #tpu.memory_space<vmem>>, vector<1x16xf32>,
        %parallel_loop3A_288 = vector.shape_cast %parallel_loop3A_287 : vector<1x16xf32> to vector<16xf32>
        %parallel_loop3A_289 = arith.constant 16 : i32
        %parallel_loop3A_290 = arith.addi %parallel_loop3A_289, %parallel_loop3A_137 : i32
        %parallel_loop3A_291 = arith.index_cast %parallel_loop3A_290 : i32 to index
        %parallel_loop3A_292 = arith.constant 112 : index
        %parallel_loop3A_293 = tpu.vector_load %arg13[%parallel_loop3A_291, %parallel_loop3A_292] {strides = array<i32>} : memref<32x1024xf32, #tpu.memory_space<vmem>>, vector<1x16xf32>,
        %parallel_loop3A_294 = vector.shape_cast %parallel_loop3A_293 : vector<1x16xf32> to vector<16xf32>
        %parallel_loop3A_295 = arith.mulf %parallel_loop3A_288, %parallel_loop3A_148 : vector<16xf32>
        %parallel_loop3A_296 = arith.mulf %parallel_loop3A_294, %parallel_loop3A_158 : vector<16xf32>
        %parallel_loop3A_297 = arith.addf %parallel_loop3A_295, %parallel_loop3A_296 : vector<16xf32>
        %parallel_loop3A_298 = arith.index_cast %parallel_loop3A_137 : i32 to index
        %parallel_loop3A_299 = arith.constant 112 : index
        %parallel_loop3A_300 = tpu.vector_load %arg15[%parallel_loop3A_298, %parallel_loop3A_299] {strides = array<i32>} : memref<16x1024xf32, #tpu.memory_space<vmem>>, vector<1x16xf32>,
        %parallel_loop3A_301 = vector.shape_cast %parallel_loop3A_300 : vector<1x16xf32> to vector<16xf32>
        %parallel_loop3A_302 = vector.shape_cast %parallel_loop3A_297 : vector<16xf32> to vector<1x16xf32>
        tpu.vector_store %arg15[%parallel_loop3A_298, %parallel_loop3A_299], %parallel_loop3A_302 {strides = array<i32>} : memref<16x1024xf32, #tpu.memory_space<vmem>>, vector<1x16xf32>,
        %parallel_loop3A_303 = arith.index_cast %parallel_loop3A_137 : i32 to index
        %parallel_loop3A_304 = arith.constant 128 : index
        %parallel_loop3A_305 = tpu.vector_load %arg13[%parallel_loop3A_303, %parallel_loop3A_304] {strides = array<i32>} : memref<32x1024xf32, #tpu.memory_space<vmem>>, vector<1x16xf32>,
        %parallel_loop3A_306 = vector.shape_cast %parallel_loop3A_305 : vector<1x16xf32> to vector<16xf32>
        %parallel_loop3A_307 = arith.constant 16 : i32
        %parallel_loop3A_308 = arith.addi %parallel_loop3A_307, %parallel_loop3A_137 : i32
        %parallel_loop3A_309 = arith.index_cast %parallel_loop3A_308 : i32 to index
        %parallel_loop3A_310 = arith.constant 128 : index
        %parallel_loop3A_311 = tpu.vector_load %arg13[%parallel_loop3A_309, %parallel_loop3A_310] {strides = array<i32>} : memref<32x1024xf32, #tpu.memory_space<vmem>>, vector<1x16xf32>,
        %parallel_loop3A_312 = vector.shape_cast %parallel_loop3A_311 : vector<1x16xf32> to vector<16xf32>
        %parallel_loop3A_313 = arith.mulf %parallel_loop3A_306, %parallel_loop3A_148 : vector<16xf32>
        %parallel_loop3A_314 = arith.mulf %parallel_loop3A_312, %parallel_loop3A_158 : vector<16xf32>
        %parallel_loop3A_315 = arith.addf %parallel_loop3A_313, %parallel_loop3A_314 : vector<16xf32>
        %parallel_loop3A_316 = arith.index_cast %parallel_loop3A_137 : i32 to index
        %parallel_loop3A_317 = arith.constant 128 : index
        %parallel_loop3A_318 = tpu.vector_load %arg15[%parallel_loop3A_316, %parallel_loop3A_317] {strides = array<i32>} : memref<16x1024xf32, #tpu.memory_space<vmem>>, vector<1x16xf32>,
        %parallel_loop3A_319 = vector.shape_cast %parallel_loop3A_318 : vector<1x16xf32> to vector<16xf32>
        %parallel_loop3A_320 = vector.shape_cast %parallel_loop3A_315 : vector<16xf32> to vector<1x16xf32>
        tpu.vector_store %arg15[%parallel_loop3A_316, %parallel_loop3A_317], %parallel_loop3A_320 {strides = array<i32>} : memref<16x1024xf32, #tpu.memory_space<vmem>>, vector<1x16xf32>,
        %parallel_loop3A_321 = arith.index_cast %parallel_loop3A_137 : i32 to index
        %parallel_loop3A_322 = arith.constant 144 : index
        %parallel_loop3A_323 = tpu.vector_load %arg13[%parallel_loop3A_321, %parallel_loop3A_322] {strides = array<i32>} : memref<32x1024xf32, #tpu.memory_space<vmem>>, vector<1x16xf32>,
        %parallel_loop3A_324 = vector.shape_cast %parallel_loop3A_323 : vector<1x16xf32> to vector<16xf32>
        %parallel_loop3A_325 = arith.constant 16 : i32
        %parallel_loop3A_326 = arith.addi %parallel_loop3A_325, %parallel_loop3A_137 : i32
        %parallel_loop3A_327 = arith.index_cast %parallel_loop3A_326 : i32 to index
        %parallel_loop3A_328 = arith.constant 144 : index
        %parallel_loop3A_329 = tpu.vector_load %arg13[%parallel_loop3A_327, %parallel_loop3A_328] {strides = array<i32>} : memref<32x1024xf32, #tpu.memory_space<vmem>>, vector<1x16xf32>,
        %parallel_loop3A_330 = vector.shape_cast %parallel_loop3A_329 : vector<1x16xf32> to vector<16xf32>
        %parallel_loop3A_331 = arith.mulf %parallel_loop3A_324, %parallel_loop3A_148 : vector<16xf32>
        %parallel_loop3A_332 = arith.mulf %parallel_loop3A_330, %parallel_loop3A_158 : vector<16xf32>
        %parallel_loop3A_333 = arith.addf %parallel_loop3A_331, %parallel_loop3A_332 : vector<16xf32>
        %parallel_loop3A_334 = arith.index_cast %parallel_loop3A_137 : i32 to index
        %parallel_loop3A_335 = arith.constant 144 : index
        %parallel_loop3A_336 = tpu.vector_load %arg15[%parallel_loop3A_334, %parallel_loop3A_335] {strides = array<i32>} : memref<16x1024xf32, #tpu.memory_space<vmem>>, vector<1x16xf32>,
        %parallel_loop3A_337 = vector.shape_cast %parallel_loop3A_336 : vector<1x16xf32> to vector<16xf32>
        %parallel_loop3A_338 = vector.shape_cast %parallel_loop3A_333 : vector<16xf32> to vector<1x16xf32>
        tpu.vector_store %arg15[%parallel_loop3A_334, %parallel_loop3A_335], %parallel_loop3A_338 {strides = array<i32>} : memref<16x1024xf32, #tpu.memory_space<vmem>>, vector<1x16xf32>,
        %parallel_loop3A_339 = arith.index_cast %parallel_loop3A_137 : i32 to index
        %parallel_loop3A_340 = arith.constant 160 : index
        %parallel_loop3A_341 = tpu.vector_load %arg13[%parallel_loop3A_339, %parallel_loop3A_340] {strides = array<i32>} : memref<32x1024xf32, #tpu.memory_space<vmem>>, vector<1x16xf32>,
        %parallel_loop3A_342 = vector.shape_cast %parallel_loop3A_341 : vector<1x16xf32> to vector<16xf32>
        %parallel_loop3A_343 = arith.constant 16 : i32
        %parallel_loop3A_344 = arith.addi %parallel_loop3A_343, %parallel_loop3A_137 : i32
        %parallel_loop3A_345 = arith.index_cast %parallel_loop3A_344 : i32 to index
        %parallel_loop3A_346 = arith.constant 160 : index
        %parallel_loop3A_347 = tpu.vector_load %arg13[%parallel_loop3A_345, %parallel_loop3A_346] {strides = array<i32>} : memref<32x1024xf32, #tpu.memory_space<vmem>>, vector<1x16xf32>,
        %parallel_loop3A_348 = vector.shape_cast %parallel_loop3A_347 : vector<1x16xf32> to vector<16xf32>
        %parallel_loop3A_349 = arith.mulf %parallel_loop3A_342, %parallel_loop3A_148 : vector<16xf32>
        %parallel_loop3A_350 = arith.mulf %parallel_loop3A_348, %parallel_loop3A_158 : vector<16xf32>
        %parallel_loop3A_351 = arith.addf %parallel_loop3A_349, %parallel_loop3A_350 : vector<16xf32>
        %parallel_loop3A_352 = arith.index_cast %parallel_loop3A_137 : i32 to index
        %parallel_loop3A_353 = arith.constant 160 : index
        %parallel_loop3A_354 = tpu.vector_load %arg15[%parallel_loop3A_352, %parallel_loop3A_353] {strides = array<i32>} : memref<16x1024xf32, #tpu.memory_space<vmem>>, vector<1x16xf32>,
        %parallel_loop3A_355 = vector.shape_cast %parallel_loop3A_354 : vector<1x16xf32> to vector<16xf32>
        %parallel_loop3A_356 = vector.shape_cast %parallel_loop3A_351 : vector<16xf32> to vector<1x16xf32>
        tpu.vector_store %arg15[%parallel_loop3A_352, %parallel_loop3A_353], %parallel_loop3A_356 {strides = array<i32>} : memref<16x1024xf32, #tpu.memory_space<vmem>>, vector<1x16xf32>,
        %parallel_loop3A_357 = arith.index_cast %parallel_loop3A_137 : i32 to index
        %parallel_loop3A_358 = arith.constant 176 : index
        %parallel_loop3A_359 = tpu.vector_load %arg13[%parallel_loop3A_357, %parallel_loop3A_358] {strides = array<i32>} : memref<32x1024xf32, #tpu.memory_space<vmem>>, vector<1x16xf32>,
        %parallel_loop3A_360 = vector.shape_cast %parallel_loop3A_359 : vector<1x16xf32> to vector<16xf32>
        %parallel_loop3A_361 = arith.constant 16 : i32
        %parallel_loop3A_362 = arith.addi %parallel_loop3A_361, %parallel_loop3A_137 : i32
        %parallel_loop3A_363 = arith.index_cast %parallel_loop3A_362 : i32 to index
        %parallel_loop3A_364 = arith.constant 176 : index
        %parallel_loop3A_365 = tpu.vector_load %arg13[%parallel_loop3A_363, %parallel_loop3A_364] {strides = array<i32>} : memref<32x1024xf32, #tpu.memory_space<vmem>>, vector<1x16xf32>,
        %parallel_loop3A_366 = vector.shape_cast %parallel_loop3A_365 : vector<1x16xf32> to vector<16xf32>
        %parallel_loop3A_367 = arith.mulf %parallel_loop3A_360, %parallel_loop3A_148 : vector<16xf32>
        %parallel_loop3A_368 = arith.mulf %parallel_loop3A_366, %parallel_loop3A_158 : vector<16xf32>
        %parallel_loop3A_369 = arith.addf %parallel_loop3A_367, %parallel_loop3A_368 : vector<16xf32>
        %parallel_loop3A_370 = arith.index_cast %parallel_loop3A_137 : i32 to index
        %parallel_loop3A_371 = arith.constant 176 : index
        %parallel_loop3A_372 = tpu.vector_load %arg15[%parallel_loop3A_370, %parallel_loop3A_371] {strides = array<i32>} : memref<16x1024xf32, #tpu.memory_space<vmem>>, vector<1x16xf32>,
        %parallel_loop3A_373 = vector.shape_cast %parallel_loop3A_372 : vector<1x16xf32> to vector<16xf32>
        %parallel_loop3A_374 = vector.shape_cast %parallel_loop3A_369 : vector<16xf32> to vector<1x16xf32>
        tpu.vector_store %arg15[%parallel_loop3A_370, %parallel_loop3A_371], %parallel_loop3A_374 {strides = array<i32>} : memref<16x1024xf32, #tpu.memory_space<vmem>>, vector<1x16xf32>,
        %parallel_loop3A_375 = arith.index_cast %parallel_loop3A_137 : i32 to index
        %parallel_loop3A_376 = arith.constant 192 : index
        %parallel_loop3A_377 = tpu.vector_load %arg13[%parallel_loop3A_375, %parallel_loop3A_376] {strides = array<i32>} : memref<32x1024xf32, #tpu.memory_space<vmem>>, vector<1x16xf32>,
        %parallel_loop3A_378 = vector.shape_cast %parallel_loop3A_377 : vector<1x16xf32> to vector<16xf32>
        %parallel_loop3A_379 = arith.constant 16 : i32
        %parallel_loop3A_380 = arith.addi %parallel_loop3A_379, %parallel_loop3A_137 : i32
        %parallel_loop3A_381 = arith.index_cast %parallel_loop3A_380 : i32 to index
        %parallel_loop3A_382 = arith.constant 192 : index
        %parallel_loop3A_383 = tpu.vector_load %arg13[%parallel_loop3A_381, %parallel_loop3A_382] {strides = array<i32>} : memref<32x1024xf32, #tpu.memory_space<vmem>>, vector<1x16xf32>,
        %parallel_loop3A_384 = vector.shape_cast %parallel_loop3A_383 : vector<1x16xf32> to vector<16xf32>
        %parallel_loop3A_385 = arith.mulf %parallel_loop3A_378, %parallel_loop3A_148 : vector<16xf32>
        %parallel_loop3A_386 = arith.mulf %parallel_loop3A_384, %parallel_loop3A_158 : vector<16xf32>
        %parallel_loop3A_387 = arith.addf %parallel_loop3A_385, %parallel_loop3A_386 : vector<16xf32>
        %parallel_loop3A_388 = arith.index_cast %parallel_loop3A_137 : i32 to index
        %parallel_loop3A_389 = arith.constant 192 : index
        %parallel_loop3A_390 = tpu.vector_load %arg15[%parallel_loop3A_388, %parallel_loop3A_389] {strides = array<i32>} : memref<16x1024xf32, #tpu.memory_space<vmem>>, vector<1x16xf32>,
        %parallel_loop3A_391 = vector.shape_cast %parallel_loop3A_390 : vector<1x16xf32> to vector<16xf32>
        %parallel_loop3A_392 = vector.shape_cast %parallel_loop3A_387 : vector<16xf32> to vector<1x16xf32>
        tpu.vector_store %arg15[%parallel_loop3A_388, %parallel_loop3A_389], %parallel_loop3A_392 {strides = array<i32>} : memref<16x1024xf32, #tpu.memory_space<vmem>>, vector<1x16xf32>,
        %parallel_loop3A_393 = arith.index_cast %parallel_loop3A_137 : i32 to index
        %parallel_loop3A_394 = arith.constant 208 : index
        %parallel_loop3A_395 = tpu.vector_load %arg13[%parallel_loop3A_393, %parallel_loop3A_394] {strides = array<i32>} : memref<32x1024xf32, #tpu.memory_space<vmem>>, vector<1x16xf32>,
        %parallel_loop3A_396 = vector.shape_cast %parallel_loop3A_395 : vector<1x16xf32> to vector<16xf32>
        %parallel_loop3A_397 = arith.constant 16 : i32
        %parallel_loop3A_398 = arith.addi %parallel_loop3A_397, %parallel_loop3A_137 : i32
        %parallel_loop3A_399 = arith.index_cast %parallel_loop3A_398 : i32 to index
        %parallel_loop3A_400 = arith.constant 208 : index
        %parallel_loop3A_401 = tpu.vector_load %arg13[%parallel_loop3A_399, %parallel_loop3A_400] {strides = array<i32>} : memref<32x1024xf32, #tpu.memory_space<vmem>>, vector<1x16xf32>,
        %parallel_loop3A_402 = vector.shape_cast %parallel_loop3A_401 : vector<1x16xf32> to vector<16xf32>
        %parallel_loop3A_403 = arith.mulf %parallel_loop3A_396, %parallel_loop3A_148 : vector<16xf32>
        %parallel_loop3A_404 = arith.mulf %parallel_loop3A_402, %parallel_loop3A_158 : vector<16xf32>
        %parallel_loop3A_405 = arith.addf %parallel_loop3A_403, %parallel_loop3A_404 : vector<16xf32>
        %parallel_loop3A_406 = arith.index_cast %parallel_loop3A_137 : i32 to index
        %parallel_loop3A_407 = arith.constant 208 : index
        %parallel_loop3A_408 = tpu.vector_load %arg15[%parallel_loop3A_406, %parallel_loop3A_407] {strides = array<i32>} : memref<16x1024xf32, #tpu.memory_space<vmem>>, vector<1x16xf32>,
        %parallel_loop3A_409 = vector.shape_cast %parallel_loop3A_408 : vector<1x16xf32> to vector<16xf32>
        %parallel_loop3A_410 = vector.shape_cast %parallel_loop3A_405 : vector<16xf32> to vector<1x16xf32>
        tpu.vector_store %arg15[%parallel_loop3A_406, %parallel_loop3A_407], %parallel_loop3A_410 {strides = array<i32>} : memref<16x1024xf32, #tpu.memory_space<vmem>>, vector<1x16xf32>,
        %parallel_loop3A_411 = arith.index_cast %parallel_loop3A_137 : i32 to index
        %parallel_loop3A_412 = arith.constant 224 : index
        %parallel_loop3A_413 = tpu.vector_load %arg13[%parallel_loop3A_411, %parallel_loop3A_412] {strides = array<i32>} : memref<32x1024xf32, #tpu.memory_space<vmem>>, vector<1x16xf32>,
        %parallel_loop3A_414 = vector.shape_cast %parallel_loop3A_413 : vector<1x16xf32> to vector<16xf32>
        %parallel_loop3A_415 = arith.constant 16 : i32
        %parallel_loop3A_416 = arith.addi %parallel_loop3A_415, %parallel_loop3A_137 : i32
        %parallel_loop3A_417 = arith.index_cast %parallel_loop3A_416 : i32 to index
        %parallel_loop3A_418 = arith.constant 224 : index
        %parallel_loop3A_419 = tpu.vector_load %arg13[%parallel_loop3A_417, %parallel_loop3A_418] {strides = array<i32>} : memref<32x1024xf32, #tpu.memory_space<vmem>>, vector<1x16xf32>,
        %parallel_loop3A_420 = vector.shape_cast %parallel_loop3A_419 : vector<1x16xf32> to vector<16xf32>
        %parallel_loop3A_421 = arith.mulf %parallel_loop3A_414, %parallel_loop3A_148 : vector<16xf32>
        %parallel_loop3A_422 = arith.mulf %parallel_loop3A_420, %parallel_loop3A_158 : vector<16xf32>
        %parallel_loop3A_423 = arith.addf %parallel_loop3A_421, %parallel_loop3A_422 : vector<16xf32>
        %parallel_loop3A_424 = arith.index_cast %parallel_loop3A_137 : i32 to index
        %parallel_loop3A_425 = arith.constant 224 : index
        %parallel_loop3A_426 = tpu.vector_load %arg15[%parallel_loop3A_424, %parallel_loop3A_425] {strides = array<i32>} : memref<16x1024xf32, #tpu.memory_space<vmem>>, vector<1x16xf32>,
        %parallel_loop3A_427 = vector.shape_cast %parallel_loop3A_426 : vector<1x16xf32> to vector<16xf32>
        %parallel_loop3A_428 = vector.shape_cast %parallel_loop3A_423 : vector<16xf32> to vector<1x16xf32>
        tpu.vector_store %arg15[%parallel_loop3A_424, %parallel_loop3A_425], %parallel_loop3A_428 {strides = array<i32>} : memref<16x1024xf32, #tpu.memory_space<vmem>>, vector<1x16xf32>,
        %parallel_loop3A_429 = arith.index_cast %parallel_loop3A_137 : i32 to index
        %parallel_loop3A_430 = arith.constant 240 : index
        %parallel_loop3A_431 = tpu.vector_load %arg13[%parallel_loop3A_429, %parallel_loop3A_430] {strides = array<i32>} : memref<32x1024xf32, #tpu.memory_space<vmem>>, vector<1x16xf32>,
        %parallel_loop3A_432 = vector.shape_cast %parallel_loop3A_431 : vector<1x16xf32> to vector<16xf32>
        %parallel_loop3A_433 = arith.constant 16 : i32
        %parallel_loop3A_434 = arith.addi %parallel_loop3A_433, %parallel_loop3A_137 : i32
        %parallel_loop3A_435 = arith.index_cast %parallel_loop3A_434 : i32 to index
        %parallel_loop3A_436 = arith.constant 240 : index
        %parallel_loop3A_437 = tpu.vector_load %arg13[%parallel_loop3A_435, %parallel_loop3A_436] {strides = array<i32>} : memref<32x1024xf32, #tpu.memory_space<vmem>>, vector<1x16xf32>,
        %parallel_loop3A_438 = vector.shape_cast %parallel_loop3A_437 : vector<1x16xf32> to vector<16xf32>
        %parallel_loop3A_439 = arith.mulf %parallel_loop3A_432, %parallel_loop3A_148 : vector<16xf32>
        %parallel_loop3A_440 = arith.mulf %parallel_loop3A_438, %parallel_loop3A_158 : vector<16xf32>
        %parallel_loop3A_441 = arith.addf %parallel_loop3A_439, %parallel_loop3A_440 : vector<16xf32>
        %parallel_loop3A_442 = arith.index_cast %parallel_loop3A_137 : i32 to index
        %parallel_loop3A_443 = arith.constant 240 : index
        %parallel_loop3A_444 = tpu.vector_load %arg15[%parallel_loop3A_442, %parallel_loop3A_443] {strides = array<i32>} : memref<16x1024xf32, #tpu.memory_space<vmem>>, vector<1x16xf32>,
        %parallel_loop3A_445 = vector.shape_cast %parallel_loop3A_444 : vector<1x16xf32> to vector<16xf32>
        %parallel_loop3A_446 = vector.shape_cast %parallel_loop3A_441 : vector<16xf32> to vector<1x16xf32>
        tpu.vector_store %arg15[%parallel_loop3A_442, %parallel_loop3A_443], %parallel_loop3A_446 {strides = array<i32>} : memref<16x1024xf32, #tpu.memory_space<vmem>>, vector<1x16xf32>,
        %parallel_loop3A_447 = arith.index_cast %parallel_loop3A_137 : i32 to index
        %parallel_loop3A_448 = arith.constant 256 : index
        %parallel_loop3A_449 = tpu.vector_load %arg13[%parallel_loop3A_447, %parallel_loop3A_448] {strides = array<i32>} : memref<32x1024xf32, #tpu.memory_space<vmem>>, vector<1x16xf32>,
        %parallel_loop3A_450 = vector.shape_cast %parallel_loop3A_449 : vector<1x16xf32> to vector<16xf32>
        %parallel_loop3A_451 = arith.constant 16 : i32
        %parallel_loop3A_452 = arith.addi %parallel_loop3A_451, %parallel_loop3A_137 : i32
        %parallel_loop3A_453 = arith.index_cast %parallel_loop3A_452 : i32 to index
        %parallel_loop3A_454 = arith.constant 256 : index
        %parallel_loop3A_455 = tpu.vector_load %arg13[%parallel_loop3A_453, %parallel_loop3A_454] {strides = array<i32>} : memref<32x1024xf32, #tpu.memory_space<vmem>>, vector<1x16xf32>,
        %parallel_loop3A_456 = vector.shape_cast %parallel_loop3A_455 : vector<1x16xf32> to vector<16xf32>
        %parallel_loop3A_457 = arith.mulf %parallel_loop3A_450, %parallel_loop3A_148 : vector<16xf32>
        %parallel_loop3A_458 = arith.mulf %parallel_loop3A_456, %parallel_loop3A_158 : vector<16xf32>
        %parallel_loop3A_459 = arith.addf %parallel_loop3A_457, %parallel_loop3A_458 : vector<16xf32>
        %parallel_loop3A_460 = arith.index_cast %parallel_loop3A_137 : i32 to index
        %parallel_loop3A_461 = arith.constant 256 : index
        %parallel_loop3A_462 = tpu.vector_load %arg15[%parallel_loop3A_460, %parallel_loop3A_461] {strides = array<i32>} : memref<16x1024xf32, #tpu.memory_space<vmem>>, vector<1x16xf32>,
        %parallel_loop3A_463 = vector.shape_cast %parallel_loop3A_462 : vector<1x16xf32> to vector<16xf32>
        %parallel_loop3A_464 = vector.shape_cast %parallel_loop3A_459 : vector<16xf32> to vector<1x16xf32>
        tpu.vector_store %arg15[%parallel_loop3A_460, %parallel_loop3A_461], %parallel_loop3A_464 {strides = array<i32>} : memref<16x1024xf32, #tpu.memory_space<vmem>>, vector<1x16xf32>,
        %parallel_loop3A_465 = arith.index_cast %parallel_loop3A_137 : i32 to index
        %parallel_loop3A_466 = arith.constant 272 : index
        %parallel_loop3A_467 = tpu.vector_load %arg13[%parallel_loop3A_465, %parallel_loop3A_466] {strides = array<i32>} : memref<32x1024xf32, #tpu.memory_space<vmem>>, vector<1x16xf32>,
        %parallel_loop3A_468 = vector.shape_cast %parallel_loop3A_467 : vector<1x16xf32> to vector<16xf32>
        %parallel_loop3A_469 = arith.constant 16 : i32
        %parallel_loop3A_470 = arith.addi %parallel_loop3A_469, %parallel_loop3A_137 : i32
        %parallel_loop3A_471 = arith.index_cast %parallel_loop3A_470 : i32 to index
        %parallel_loop3A_472 = arith.constant 272 : index
        %parallel_loop3A_473 = tpu.vector_load %arg13[%parallel_loop3A_471, %parallel_loop3A_472] {strides = array<i32>} : memref<32x1024xf32, #tpu.memory_space<vmem>>, vector<1x16xf32>,
        %parallel_loop3A_474 = vector.shape_cast %parallel_loop3A_473 : vector<1x16xf32> to vector<16xf32>
        %parallel_loop3A_475 = arith.mulf %parallel_loop3A_468, %parallel_loop3A_148 : vector<16xf32>
        %parallel_loop3A_476 = arith.mulf %parallel_loop3A_474, %parallel_loop3A_158 : vector<16xf32>
        %parallel_loop3A_477 = arith.addf %parallel_loop3A_475, %parallel_loop3A_476 : vector<16xf32>
        %parallel_loop3A_478 = arith.index_cast %parallel_loop3A_137 : i32 to index
        %parallel_loop3A_479 = arith.constant 272 : index
        %parallel_loop3A_480 = tpu.vector_load %arg15[%parallel_loop3A_478, %parallel_loop3A_479] {strides = array<i32>} : memref<16x1024xf32, #tpu.memory_space<vmem>>, vector<1x16xf32>,
        %parallel_loop3A_481 = vector.shape_cast %parallel_loop3A_480 : vector<1x16xf32> to vector<16xf32>
        %parallel_loop3A_482 = vector.shape_cast %parallel_loop3A_477 : vector<16xf32> to vector<1x16xf32>
        tpu.vector_store %arg15[%parallel_loop3A_478, %parallel_loop3A_479], %parallel_loop3A_482 {strides = array<i32>} : memref<16x1024xf32, #tpu.memory_space<vmem>>, vector<1x16xf32>,
        %parallel_loop3A_483 = arith.index_cast %parallel_loop3A_137 : i32 to index
        %parallel_loop3A_484 = arith.constant 288 : index
        %parallel_loop3A_485 = tpu.vector_load %arg13[%parallel_loop3A_483, %parallel_loop3A_484] {strides = array<i32>} : memref<32x1024xf32, #tpu.memory_space<vmem>>, vector<1x16xf32>,
        %parallel_loop3A_486 = vector.shape_cast %parallel_loop3A_485 : vector<1x16xf32> to vector<16xf32>
        %parallel_loop3A_487 = arith.constant 16 : i32
        %parallel_loop3A_488 = arith.addi %parallel_loop3A_487, %parallel_loop3A_137 : i32
        %parallel_loop3A_489 = arith.index_cast %parallel_loop3A_488 : i32 to index
        %parallel_loop3A_490 = arith.constant 288 : index
        %parallel_loop3A_491 = tpu.vector_load %arg13[%parallel_loop3A_489, %parallel_loop3A_490] {strides = array<i32>} : memref<32x1024xf32, #tpu.memory_space<vmem>>, vector<1x16xf32>,
        %parallel_loop3A_492 = vector.shape_cast %parallel_loop3A_491 : vector<1x16xf32> to vector<16xf32>
        %parallel_loop3A_493 = arith.mulf %parallel_loop3A_486, %parallel_loop3A_148 : vector<16xf32>
        %parallel_loop3A_494 = arith.mulf %parallel_loop3A_492, %parallel_loop3A_158 : vector<16xf32>
        %parallel_loop3A_495 = arith.addf %parallel_loop3A_493, %parallel_loop3A_494 : vector<16xf32>
        %parallel_loop3A_496 = arith.index_cast %parallel_loop3A_137 : i32 to index
        %parallel_loop3A_497 = arith.constant 288 : index
        %parallel_loop3A_498 = tpu.vector_load %arg15[%parallel_loop3A_496, %parallel_loop3A_497] {strides = array<i32>} : memref<16x1024xf32, #tpu.memory_space<vmem>>, vector<1x16xf32>,
        %parallel_loop3A_499 = vector.shape_cast %parallel_loop3A_498 : vector<1x16xf32> to vector<16xf32>
        %parallel_loop3A_500 = vector.shape_cast %parallel_loop3A_495 : vector<16xf32> to vector<1x16xf32>
        tpu.vector_store %arg15[%parallel_loop3A_496, %parallel_loop3A_497], %parallel_loop3A_500 {strides = array<i32>} : memref<16x1024xf32, #tpu.memory_space<vmem>>, vector<1x16xf32>,
        %parallel_loop3A_501 = arith.index_cast %parallel_loop3A_137 : i32 to index
        %parallel_loop3A_502 = arith.constant 304 : index
        %parallel_loop3A_503 = tpu.vector_load %arg13[%parallel_loop3A_501, %parallel_loop3A_502] {strides = array<i32>} : memref<32x1024xf32, #tpu.memory_space<vmem>>, vector<1x16xf32>,
        %parallel_loop3A_504 = vector.shape_cast %parallel_loop3A_503 : vector<1x16xf32> to vector<16xf32>
        %parallel_loop3A_505 = arith.constant 16 : i32
        %parallel_loop3A_506 = arith.addi %parallel_loop3A_505, %parallel_loop3A_137 : i32
        %parallel_loop3A_507 = arith.index_cast %parallel_loop3A_506 : i32 to index
        %parallel_loop3A_508 = arith.constant 304 : index
        %parallel_loop3A_509 = tpu.vector_load %arg13[%parallel_loop3A_507, %parallel_loop3A_508] {strides = array<i32>} : memref<32x1024xf32, #tpu.memory_space<vmem>>, vector<1x16xf32>,
        %parallel_loop3A_510 = vector.shape_cast %parallel_loop3A_509 : vector<1x16xf32> to vector<16xf32>
        %parallel_loop3A_511 = arith.mulf %parallel_loop3A_504, %parallel_loop3A_148 : vector<16xf32>
        %parallel_loop3A_512 = arith.mulf %parallel_loop3A_510, %parallel_loop3A_158 : vector<16xf32>
        %parallel_loop3A_513 = arith.addf %parallel_loop3A_511, %parallel_loop3A_512 : vector<16xf32>
        %parallel_loop3A_514 = arith.index_cast %parallel_loop3A_137 : i32 to index
        %parallel_loop3A_515 = arith.constant 304 : index
        %parallel_loop3A_516 = tpu.vector_load %arg15[%parallel_loop3A_514, %parallel_loop3A_515] {strides = array<i32>} : memref<16x1024xf32, #tpu.memory_space<vmem>>, vector<1x16xf32>,
        %parallel_loop3A_517 = vector.shape_cast %parallel_loop3A_516 : vector<1x16xf32> to vector<16xf32>
        %parallel_loop3A_518 = vector.shape_cast %parallel_loop3A_513 : vector<16xf32> to vector<1x16xf32>
        tpu.vector_store %arg15[%parallel_loop3A_514, %parallel_loop3A_515], %parallel_loop3A_518 {strides = array<i32>} : memref<16x1024xf32, #tpu.memory_space<vmem>>, vector<1x16xf32>,
        %parallel_loop3A_519 = arith.index_cast %parallel_loop3A_137 : i32 to index
        %parallel_loop3A_520 = arith.constant 320 : index
        %parallel_loop3A_521 = tpu.vector_load %arg13[%parallel_loop3A_519, %parallel_loop3A_520] {strides = array<i32>} : memref<32x1024xf32, #tpu.memory_space<vmem>>, vector<1x16xf32>,
        %parallel_loop3A_522 = vector.shape_cast %parallel_loop3A_521 : vector<1x16xf32> to vector<16xf32>
        %parallel_loop3A_523 = arith.constant 16 : i32
        %parallel_loop3A_524 = arith.addi %parallel_loop3A_523, %parallel_loop3A_137 : i32
        %parallel_loop3A_525 = arith.index_cast %parallel_loop3A_524 : i32 to index
        %parallel_loop3A_526 = arith.constant 320 : index
        %parallel_loop3A_527 = tpu.vector_load %arg13[%parallel_loop3A_525, %parallel_loop3A_526] {strides = array<i32>} : memref<32x1024xf32, #tpu.memory_space<vmem>>, vector<1x16xf32>,
        %parallel_loop3A_528 = vector.shape_cast %parallel_loop3A_527 : vector<1x16xf32> to vector<16xf32>
        %parallel_loop3A_529 = arith.mulf %parallel_loop3A_522, %parallel_loop3A_148 : vector<16xf32>
        %parallel_loop3A_530 = arith.mulf %parallel_loop3A_528, %parallel_loop3A_158 : vector<16xf32>
        %parallel_loop3A_531 = arith.addf %parallel_loop3A_529, %parallel_loop3A_530 : vector<16xf32>
        %parallel_loop3A_532 = arith.index_cast %parallel_loop3A_137 : i32 to index
        %parallel_loop3A_533 = arith.constant 320 : index
        %parallel_loop3A_534 = tpu.vector_load %arg15[%parallel_loop3A_532, %parallel_loop3A_533] {strides = array<i32>} : memref<16x1024xf32, #tpu.memory_space<vmem>>, vector<1x16xf32>,
        %parallel_loop3A_535 = vector.shape_cast %parallel_loop3A_534 : vector<1x16xf32> to vector<16xf32>
        %parallel_loop3A_536 = vector.shape_cast %parallel_loop3A_531 : vector<16xf32> to vector<1x16xf32>
        tpu.vector_store %arg15[%parallel_loop3A_532, %parallel_loop3A_533], %parallel_loop3A_536 {strides = array<i32>} : memref<16x1024xf32, #tpu.memory_space<vmem>>, vector<1x16xf32>,
        %parallel_loop3A_537 = arith.index_cast %parallel_loop3A_137 : i32 to index
        %parallel_loop3A_538 = arith.constant 336 : index
        %parallel_loop3A_539 = tpu.vector_load %arg13[%parallel_loop3A_537, %parallel_loop3A_538] {strides = array<i32>} : memref<32x1024xf32, #tpu.memory_space<vmem>>, vector<1x16xf32>,
        %parallel_loop3A_540 = vector.shape_cast %parallel_loop3A_539 : vector<1x16xf32> to vector<16xf32>
        %parallel_loop3A_541 = arith.constant 16 : i32
        %parallel_loop3A_542 = arith.addi %parallel_loop3A_541, %parallel_loop3A_137 : i32
        %parallel_loop3A_543 = arith.index_cast %parallel_loop3A_542 : i32 to index
        %parallel_loop3A_544 = arith.constant 336 : index
        %parallel_loop3A_545 = tpu.vector_load %arg13[%parallel_loop3A_543, %parallel_loop3A_544] {strides = array<i32>} : memref<32x1024xf32, #tpu.memory_space<vmem>>, vector<1x16xf32>,
        %parallel_loop3A_546 = vector.shape_cast %parallel_loop3A_545 : vector<1x16xf32> to vector<16xf32>
        %parallel_loop3A_547 = arith.mulf %parallel_loop3A_540, %parallel_loop3A_148 : vector<16xf32>
        %parallel_loop3A_548 = arith.mulf %parallel_loop3A_546, %parallel_loop3A_158 : vector<16xf32>
        %parallel_loop3A_549 = arith.addf %parallel_loop3A_547, %parallel_loop3A_548 : vector<16xf32>
        %parallel_loop3A_550 = arith.index_cast %parallel_loop3A_137 : i32 to index
        %parallel_loop3A_551 = arith.constant 336 : index
        %parallel_loop3A_552 = tpu.vector_load %arg15[%parallel_loop3A_550, %parallel_loop3A_551] {strides = array<i32>} : memref<16x1024xf32, #tpu.memory_space<vmem>>, vector<1x16xf32>,
        %parallel_loop3A_553 = vector.shape_cast %parallel_loop3A_552 : vector<1x16xf32> to vector<16xf32>
        %parallel_loop3A_554 = vector.shape_cast %parallel_loop3A_549 : vector<16xf32> to vector<1x16xf32>
        tpu.vector_store %arg15[%parallel_loop3A_550, %parallel_loop3A_551], %parallel_loop3A_554 {strides = array<i32>} : memref<16x1024xf32, #tpu.memory_space<vmem>>, vector<1x16xf32>,
        %parallel_loop3A_555 = arith.index_cast %parallel_loop3A_137 : i32 to index
        %parallel_loop3A_556 = arith.constant 352 : index
        %parallel_loop3A_557 = tpu.vector_load %arg13[%parallel_loop3A_555, %parallel_loop3A_556] {strides = array<i32>} : memref<32x1024xf32, #tpu.memory_space<vmem>>, vector<1x16xf32>,
        %parallel_loop3A_558 = vector.shape_cast %parallel_loop3A_557 : vector<1x16xf32> to vector<16xf32>
        %parallel_loop3A_559 = arith.constant 16 : i32
        %parallel_loop3A_560 = arith.addi %parallel_loop3A_559, %parallel_loop3A_137 : i32
        %parallel_loop3A_561 = arith.index_cast %parallel_loop3A_560 : i32 to index
        %parallel_loop3A_562 = arith.constant 352 : index
        %parallel_loop3A_563 = tpu.vector_load %arg13[%parallel_loop3A_561, %parallel_loop3A_562] {strides = array<i32>} : memref<32x1024xf32, #tpu.memory_space<vmem>>, vector<1x16xf32>,
        %parallel_loop3A_564 = vector.shape_cast %parallel_loop3A_563 : vector<1x16xf32> to vector<16xf32>
        %parallel_loop3A_565 = arith.mulf %parallel_loop3A_558, %parallel_loop3A_148 : vector<16xf32>
        %parallel_loop3A_566 = arith.mulf %parallel_loop3A_564, %parallel_loop3A_158 : vector<16xf32>
        %parallel_loop3A_567 = arith.addf %parallel_loop3A_565, %parallel_loop3A_566 : vector<16xf32>
        %parallel_loop3A_568 = arith.index_cast %parallel_loop3A_137 : i32 to index
        %parallel_loop3A_569 = arith.constant 352 : index
        %parallel_loop3A_570 = tpu.vector_load %arg15[%parallel_loop3A_568, %parallel_loop3A_569] {strides = array<i32>} : memref<16x1024xf32, #tpu.memory_space<vmem>>, vector<1x16xf32>,
        %parallel_loop3A_571 = vector.shape_cast %parallel_loop3A_570 : vector<1x16xf32> to vector<16xf32>
        %parallel_loop3A_572 = vector.shape_cast %parallel_loop3A_567 : vector<16xf32> to vector<1x16xf32>
        tpu.vector_store %arg15[%parallel_loop3A_568, %parallel_loop3A_569], %parallel_loop3A_572 {strides = array<i32>} : memref<16x1024xf32, #tpu.memory_space<vmem>>, vector<1x16xf32>,
        %parallel_loop3A_573 = arith.index_cast %parallel_loop3A_137 : i32 to index
        %parallel_loop3A_574 = arith.constant 368 : index
        %parallel_loop3A_575 = tpu.vector_load %arg13[%parallel_loop3A_573, %parallel_loop3A_574] {strides = array<i32>} : memref<32x1024xf32, #tpu.memory_space<vmem>>, vector<1x16xf32>,
        %parallel_loop3A_576 = vector.shape_cast %parallel_loop3A_575 : vector<1x16xf32> to vector<16xf32>
        %parallel_loop3A_577 = arith.constant 16 : i32
        %parallel_loop3A_578 = arith.addi %parallel_loop3A_577, %parallel_loop3A_137 : i32
        %parallel_loop3A_579 = arith.index_cast %parallel_loop3A_578 : i32 to index
        %parallel_loop3A_580 = arith.constant 368 : index
        %parallel_loop3A_581 = tpu.vector_load %arg13[%parallel_loop3A_579, %parallel_loop3A_580] {strides = array<i32>} : memref<32x1024xf32, #tpu.memory_space<vmem>>, vector<1x16xf32>,
        %parallel_loop3A_582 = vector.shape_cast %parallel_loop3A_581 : vector<1x16xf32> to vector<16xf32>
        %parallel_loop3A_583 = arith.mulf %parallel_loop3A_576, %parallel_loop3A_148 : vector<16xf32>
        %parallel_loop3A_584 = arith.mulf %parallel_loop3A_582, %parallel_loop3A_158 : vector<16xf32>
        %parallel_loop3A_585 = arith.addf %parallel_loop3A_583, %parallel_loop3A_584 : vector<16xf32>
        %parallel_loop3A_586 = arith.index_cast %parallel_loop3A_137 : i32 to index
        %parallel_loop3A_587 = arith.constant 368 : index
        %parallel_loop3A_588 = tpu.vector_load %arg15[%parallel_loop3A_586, %parallel_loop3A_587] {strides = array<i32>} : memref<16x1024xf32, #tpu.memory_space<vmem>>, vector<1x16xf32>,
        %parallel_loop3A_589 = vector.shape_cast %parallel_loop3A_588 : vector<1x16xf32> to vector<16xf32>
        %parallel_loop3A_590 = vector.shape_cast %parallel_loop3A_585 : vector<16xf32> to vector<1x16xf32>
        tpu.vector_store %arg15[%parallel_loop3A_586, %parallel_loop3A_587], %parallel_loop3A_590 {strides = array<i32>} : memref<16x1024xf32, #tpu.memory_space<vmem>>, vector<1x16xf32>,
        %parallel_loop3A_591 = arith.index_cast %parallel_loop3A_137 : i32 to index
        %parallel_loop3A_592 = arith.constant 384 : index
        %parallel_loop3A_593 = tpu.vector_load %arg13[%parallel_loop3A_591, %parallel_loop3A_592] {strides = array<i32>} : memref<32x1024xf32, #tpu.memory_space<vmem>>, vector<1x16xf32>,
        %parallel_loop3A_594 = vector.shape_cast %parallel_loop3A_593 : vector<1x16xf32> to vector<16xf32>
        %parallel_loop3A_595 = arith.constant 16 : i32
        %parallel_loop3A_596 = arith.addi %parallel_loop3A_595, %parallel_loop3A_137 : i32
        %parallel_loop3A_597 = arith.index_cast %parallel_loop3A_596 : i32 to index
        %parallel_loop3A_598 = arith.constant 384 : index
        %parallel_loop3A_599 = tpu.vector_load %arg13[%parallel_loop3A_597, %parallel_loop3A_598] {strides = array<i32>} : memref<32x1024xf32, #tpu.memory_space<vmem>>, vector<1x16xf32>,
        %parallel_loop3A_600 = vector.shape_cast %parallel_loop3A_599 : vector<1x16xf32> to vector<16xf32>
        %parallel_loop3A_601 = arith.mulf %parallel_loop3A_594, %parallel_loop3A_148 : vector<16xf32>
        %parallel_loop3A_602 = arith.mulf %parallel_loop3A_600, %parallel_loop3A_158 : vector<16xf32>
        %parallel_loop3A_603 = arith.addf %parallel_loop3A_601, %parallel_loop3A_602 : vector<16xf32>
        %parallel_loop3A_604 = arith.index_cast %parallel_loop3A_137 : i32 to index
        %parallel_loop3A_605 = arith.constant 384 : index
        %parallel_loop3A_606 = tpu.vector_load %arg15[%parallel_loop3A_604, %parallel_loop3A_605] {strides = array<i32>} : memref<16x1024xf32, #tpu.memory_space<vmem>>, vector<1x16xf32>,
        %parallel_loop3A_607 = vector.shape_cast %parallel_loop3A_606 : vector<1x16xf32> to vector<16xf32>
        %parallel_loop3A_608 = vector.shape_cast %parallel_loop3A_603 : vector<16xf32> to vector<1x16xf32>
        tpu.vector_store %arg15[%parallel_loop3A_604, %parallel_loop3A_605], %parallel_loop3A_608 {strides = array<i32>} : memref<16x1024xf32, #tpu.memory_space<vmem>>, vector<1x16xf32>,
        %parallel_loop3A_609 = arith.index_cast %parallel_loop3A_137 : i32 to index
        %parallel_loop3A_610 = arith.constant 400 : index
        %parallel_loop3A_611 = tpu.vector_load %arg13[%parallel_loop3A_609, %parallel_loop3A_610] {strides = array<i32>} : memref<32x1024xf32, #tpu.memory_space<vmem>>, vector<1x16xf32>,
        %parallel_loop3A_612 = vector.shape_cast %parallel_loop3A_611 : vector<1x16xf32> to vector<16xf32>
        %parallel_loop3A_613 = arith.constant 16 : i32
        %parallel_loop3A_614 = arith.addi %parallel_loop3A_613, %parallel_loop3A_137 : i32
        %parallel_loop3A_615 = arith.index_cast %parallel_loop3A_614 : i32 to index
        %parallel_loop3A_616 = arith.constant 400 : index
        %parallel_loop3A_617 = tpu.vector_load %arg13[%parallel_loop3A_615, %parallel_loop3A_616] {strides = array<i32>} : memref<32x1024xf32, #tpu.memory_space<vmem>>, vector<1x16xf32>,
        %parallel_loop3A_618 = vector.shape_cast %parallel_loop3A_617 : vector<1x16xf32> to vector<16xf32>
        %parallel_loop3A_619 = arith.mulf %parallel_loop3A_612, %parallel_loop3A_148 : vector<16xf32>
        %parallel_loop3A_620 = arith.mulf %parallel_loop3A_618, %parallel_loop3A_158 : vector<16xf32>
        %parallel_loop3A_621 = arith.addf %parallel_loop3A_619, %parallel_loop3A_620 : vector<16xf32>
        %parallel_loop3A_622 = arith.index_cast %parallel_loop3A_137 : i32 to index
        %parallel_loop3A_623 = arith.constant 400 : index
        %parallel_loop3A_624 = tpu.vector_load %arg15[%parallel_loop3A_622, %parallel_loop3A_623] {strides = array<i32>} : memref<16x1024xf32, #tpu.memory_space<vmem>>, vector<1x16xf32>,
        %parallel_loop3A_625 = vector.shape_cast %parallel_loop3A_624 : vector<1x16xf32> to vector<16xf32>
        %parallel_loop3A_626 = vector.shape_cast %parallel_loop3A_621 : vector<16xf32> to vector<1x16xf32>
        tpu.vector_store %arg15[%parallel_loop3A_622, %parallel_loop3A_623], %parallel_loop3A_626 {strides = array<i32>} : memref<16x1024xf32, #tpu.memory_space<vmem>>, vector<1x16xf32>,
        %parallel_loop3A_627 = arith.index_cast %parallel_loop3A_137 : i32 to index
        %parallel_loop3A_628 = arith.constant 416 : index
        %parallel_loop3A_629 = tpu.vector_load %arg13[%parallel_loop3A_627, %parallel_loop3A_628] {strides = array<i32>} : memref<32x1024xf32, #tpu.memory_space<vmem>>, vector<1x16xf32>,
        %parallel_loop3A_630 = vector.shape_cast %parallel_loop3A_629 : vector<1x16xf32> to vector<16xf32>
        %parallel_loop3A_631 = arith.constant 16 : i32
        %parallel_loop3A_632 = arith.addi %parallel_loop3A_631, %parallel_loop3A_137 : i32
        %parallel_loop3A_633 = arith.index_cast %parallel_loop3A_632 : i32 to index
        %parallel_loop3A_634 = arith.constant 416 : index
        %parallel_loop3A_635 = tpu.vector_load %arg13[%parallel_loop3A_633, %parallel_loop3A_634] {strides = array<i32>} : memref<32x1024xf32, #tpu.memory_space<vmem>>, vector<1x16xf32>,
        %parallel_loop3A_636 = vector.shape_cast %parallel_loop3A_635 : vector<1x16xf32> to vector<16xf32>
        %parallel_loop3A_637 = arith.mulf %parallel_loop3A_630, %parallel_loop3A_148 : vector<16xf32>
        %parallel_loop3A_638 = arith.mulf %parallel_loop3A_636, %parallel_loop3A_158 : vector<16xf32>
        %parallel_loop3A_639 = arith.addf %parallel_loop3A_637, %parallel_loop3A_638 : vector<16xf32>
        %parallel_loop3A_640 = arith.index_cast %parallel_loop3A_137 : i32 to index
        %parallel_loop3A_641 = arith.constant 416 : index
        %parallel_loop3A_642 = tpu.vector_load %arg15[%parallel_loop3A_640, %parallel_loop3A_641] {strides = array<i32>} : memref<16x1024xf32, #tpu.memory_space<vmem>>, vector<1x16xf32>,
        %parallel_loop3A_643 = vector.shape_cast %parallel_loop3A_642 : vector<1x16xf32> to vector<16xf32>
        %parallel_loop3A_644 = vector.shape_cast %parallel_loop3A_639 : vector<16xf32> to vector<1x16xf32>
        tpu.vector_store %arg15[%parallel_loop3A_640, %parallel_loop3A_641], %parallel_loop3A_644 {strides = array<i32>} : memref<16x1024xf32, #tpu.memory_space<vmem>>, vector<1x16xf32>,
        %parallel_loop3A_645 = arith.index_cast %parallel_loop3A_137 : i32 to index
        %parallel_loop3A_646 = arith.constant 432 : index
        %parallel_loop3A_647 = tpu.vector_load %arg13[%parallel_loop3A_645, %parallel_loop3A_646] {strides = array<i32>} : memref<32x1024xf32, #tpu.memory_space<vmem>>, vector<1x16xf32>,
        %parallel_loop3A_648 = vector.shape_cast %parallel_loop3A_647 : vector<1x16xf32> to vector<16xf32>
        %parallel_loop3A_649 = arith.constant 16 : i32
        %parallel_loop3A_650 = arith.addi %parallel_loop3A_649, %parallel_loop3A_137 : i32
        %parallel_loop3A_651 = arith.index_cast %parallel_loop3A_650 : i32 to index
        %parallel_loop3A_652 = arith.constant 432 : index
        %parallel_loop3A_653 = tpu.vector_load %arg13[%parallel_loop3A_651, %parallel_loop3A_652] {strides = array<i32>} : memref<32x1024xf32, #tpu.memory_space<vmem>>, vector<1x16xf32>,
        %parallel_loop3A_654 = vector.shape_cast %parallel_loop3A_653 : vector<1x16xf32> to vector<16xf32>
        %parallel_loop3A_655 = arith.mulf %parallel_loop3A_648, %parallel_loop3A_148 : vector<16xf32>
        %parallel_loop3A_656 = arith.mulf %parallel_loop3A_654, %parallel_loop3A_158 : vector<16xf32>
        %parallel_loop3A_657 = arith.addf %parallel_loop3A_655, %parallel_loop3A_656 : vector<16xf32>
        %parallel_loop3A_658 = arith.index_cast %parallel_loop3A_137 : i32 to index
        %parallel_loop3A_659 = arith.constant 432 : index
        %parallel_loop3A_660 = tpu.vector_load %arg15[%parallel_loop3A_658, %parallel_loop3A_659] {strides = array<i32>} : memref<16x1024xf32, #tpu.memory_space<vmem>>, vector<1x16xf32>,
        %parallel_loop3A_661 = vector.shape_cast %parallel_loop3A_660 : vector<1x16xf32> to vector<16xf32>
        %parallel_loop3A_662 = vector.shape_cast %parallel_loop3A_657 : vector<16xf32> to vector<1x16xf32>
        tpu.vector_store %arg15[%parallel_loop3A_658, %parallel_loop3A_659], %parallel_loop3A_662 {strides = array<i32>} : memref<16x1024xf32, #tpu.memory_space<vmem>>, vector<1x16xf32>,
        %parallel_loop3A_663 = arith.index_cast %parallel_loop3A_137 : i32 to index
        %parallel_loop3A_664 = arith.constant 448 : index
        %parallel_loop3A_665 = tpu.vector_load %arg13[%parallel_loop3A_663, %parallel_loop3A_664] {strides = array<i32>} : memref<32x1024xf32, #tpu.memory_space<vmem>>, vector<1x16xf32>,
        %parallel_loop3A_666 = vector.shape_cast %parallel_loop3A_665 : vector<1x16xf32> to vector<16xf32>
        %parallel_loop3A_667 = arith.constant 16 : i32
        %parallel_loop3A_668 = arith.addi %parallel_loop3A_667, %parallel_loop3A_137 : i32
        %parallel_loop3A_669 = arith.index_cast %parallel_loop3A_668 : i32 to index
        %parallel_loop3A_670 = arith.constant 448 : index
        %parallel_loop3A_671 = tpu.vector_load %arg13[%parallel_loop3A_669, %parallel_loop3A_670] {strides = array<i32>} : memref<32x1024xf32, #tpu.memory_space<vmem>>, vector<1x16xf32>,
        %parallel_loop3A_672 = vector.shape_cast %parallel_loop3A_671 : vector<1x16xf32> to vector<16xf32>
        %parallel_loop3A_673 = arith.mulf %parallel_loop3A_666, %parallel_loop3A_148 : vector<16xf32>
        %parallel_loop3A_674 = arith.mulf %parallel_loop3A_672, %parallel_loop3A_158 : vector<16xf32>
        %parallel_loop3A_675 = arith.addf %parallel_loop3A_673, %parallel_loop3A_674 : vector<16xf32>
        %parallel_loop3A_676 = arith.index_cast %parallel_loop3A_137 : i32 to index
        %parallel_loop3A_677 = arith.constant 448 : index
        %parallel_loop3A_678 = tpu.vector_load %arg15[%parallel_loop3A_676, %parallel_loop3A_677] {strides = array<i32>} : memref<16x1024xf32, #tpu.memory_space<vmem>>, vector<1x16xf32>,
        %parallel_loop3A_679 = vector.shape_cast %parallel_loop3A_678 : vector<1x16xf32> to vector<16xf32>
        %parallel_loop3A_680 = vector.shape_cast %parallel_loop3A_675 : vector<16xf32> to vector<1x16xf32>
        tpu.vector_store %arg15[%parallel_loop3A_676, %parallel_loop3A_677], %parallel_loop3A_680 {strides = array<i32>} : memref<16x1024xf32, #tpu.memory_space<vmem>>, vector<1x16xf32>,
        %parallel_loop3A_681 = arith.index_cast %parallel_loop3A_137 : i32 to index
        %parallel_loop3A_682 = arith.constant 464 : index
        %parallel_loop3A_683 = tpu.vector_load %arg13[%parallel_loop3A_681, %parallel_loop3A_682] {strides = array<i32>} : memref<32x1024xf32, #tpu.memory_space<vmem>>, vector<1x16xf32>,
        %parallel_loop3A_684 = vector.shape_cast %parallel_loop3A_683 : vector<1x16xf32> to vector<16xf32>
        %parallel_loop3A_685 = arith.constant 16 : i32
        %parallel_loop3A_686 = arith.addi %parallel_loop3A_685, %parallel_loop3A_137 : i32
        %parallel_loop3A_687 = arith.index_cast %parallel_loop3A_686 : i32 to index
        %parallel_loop3A_688 = arith.constant 464 : index
        %parallel_loop3A_689 = tpu.vector_load %arg13[%parallel_loop3A_687, %parallel_loop3A_688] {strides = array<i32>} : memref<32x1024xf32, #tpu.memory_space<vmem>>, vector<1x16xf32>,
        %parallel_loop3A_690 = vector.shape_cast %parallel_loop3A_689 : vector<1x16xf32> to vector<16xf32>
        %parallel_loop3A_691 = arith.mulf %parallel_loop3A_684, %parallel_loop3A_148 : vector<16xf32>
        %parallel_loop3A_692 = arith.mulf %parallel_loop3A_690, %parallel_loop3A_158 : vector<16xf32>
        %parallel_loop3A_693 = arith.addf %parallel_loop3A_691, %parallel_loop3A_692 : vector<16xf32>
        %parallel_loop3A_694 = arith.index_cast %parallel_loop3A_137 : i32 to index
        %parallel_loop3A_695 = arith.constant 464 : index
        %parallel_loop3A_696 = tpu.vector_load %arg15[%parallel_loop3A_694, %parallel_loop3A_695] {strides = array<i32>} : memref<16x1024xf32, #tpu.memory_space<vmem>>, vector<1x16xf32>,
        %parallel_loop3A_697 = vector.shape_cast %parallel_loop3A_696 : vector<1x16xf32> to vector<16xf32>
        %parallel_loop3A_698 = vector.shape_cast %parallel_loop3A_693 : vector<16xf32> to vector<1x16xf32>
        tpu.vector_store %arg15[%parallel_loop3A_694, %parallel_loop3A_695], %parallel_loop3A_698 {strides = array<i32>} : memref<16x1024xf32, #tpu.memory_space<vmem>>, vector<1x16xf32>,
        %parallel_loop3A_699 = arith.index_cast %parallel_loop3A_137 : i32 to index
        %parallel_loop3A_700 = arith.constant 480 : index
        %parallel_loop3A_701 = tpu.vector_load %arg13[%parallel_loop3A_699, %parallel_loop3A_700] {strides = array<i32>} : memref<32x1024xf32, #tpu.memory_space<vmem>>, vector<1x16xf32>,
        %parallel_loop3A_702 = vector.shape_cast %parallel_loop3A_701 : vector<1x16xf32> to vector<16xf32>
        %parallel_loop3A_703 = arith.constant 16 : i32
        %parallel_loop3A_704 = arith.addi %parallel_loop3A_703, %parallel_loop3A_137 : i32
        %parallel_loop3A_705 = arith.index_cast %parallel_loop3A_704 : i32 to index
        %parallel_loop3A_706 = arith.constant 480 : index
        %parallel_loop3A_707 = tpu.vector_load %arg13[%parallel_loop3A_705, %parallel_loop3A_706] {strides = array<i32>} : memref<32x1024xf32, #tpu.memory_space<vmem>>, vector<1x16xf32>,
        %parallel_loop3A_708 = vector.shape_cast %parallel_loop3A_707 : vector<1x16xf32> to vector<16xf32>
        %parallel_loop3A_709 = arith.mulf %parallel_loop3A_702, %parallel_loop3A_148 : vector<16xf32>
        %parallel_loop3A_710 = arith.mulf %parallel_loop3A_708, %parallel_loop3A_158 : vector<16xf32>
        %parallel_loop3A_711 = arith.addf %parallel_loop3A_709, %parallel_loop3A_710 : vector<16xf32>
        %parallel_loop3A_712 = arith.index_cast %parallel_loop3A_137 : i32 to index
        %parallel_loop3A_713 = arith.constant 480 : index
        %parallel_loop3A_714 = tpu.vector_load %arg15[%parallel_loop3A_712, %parallel_loop3A_713] {strides = array<i32>} : memref<16x1024xf32, #tpu.memory_space<vmem>>, vector<1x16xf32>,
        %parallel_loop3A_715 = vector.shape_cast %parallel_loop3A_714 : vector<1x16xf32> to vector<16xf32>
        %parallel_loop3A_716 = vector.shape_cast %parallel_loop3A_711 : vector<16xf32> to vector<1x16xf32>
        tpu.vector_store %arg15[%parallel_loop3A_712, %parallel_loop3A_713], %parallel_loop3A_716 {strides = array<i32>} : memref<16x1024xf32, #tpu.memory_space<vmem>>, vector<1x16xf32>,
        %parallel_loop3A_717 = arith.index_cast %parallel_loop3A_137 : i32 to index
        %parallel_loop3A_718 = arith.constant 496 : index
        %parallel_loop3A_719 = tpu.vector_load %arg13[%parallel_loop3A_717, %parallel_loop3A_718] {strides = array<i32>} : memref<32x1024xf32, #tpu.memory_space<vmem>>, vector<1x16xf32>,
        %parallel_loop3A_720 = vector.shape_cast %parallel_loop3A_719 : vector<1x16xf32> to vector<16xf32>
        %parallel_loop3A_721 = arith.constant 16 : i32
        %parallel_loop3A_722 = arith.addi %parallel_loop3A_721, %parallel_loop3A_137 : i32
        %parallel_loop3A_723 = arith.index_cast %parallel_loop3A_722 : i32 to index
        %parallel_loop3A_724 = arith.constant 496 : index
        %parallel_loop3A_725 = tpu.vector_load %arg13[%parallel_loop3A_723, %parallel_loop3A_724] {strides = array<i32>} : memref<32x1024xf32, #tpu.memory_space<vmem>>, vector<1x16xf32>,
        %parallel_loop3A_726 = vector.shape_cast %parallel_loop3A_725 : vector<1x16xf32> to vector<16xf32>
        %parallel_loop3A_727 = arith.mulf %parallel_loop3A_720, %parallel_loop3A_148 : vector<16xf32>
        %parallel_loop3A_728 = arith.mulf %parallel_loop3A_726, %parallel_loop3A_158 : vector<16xf32>
        %parallel_loop3A_729 = arith.addf %parallel_loop3A_727, %parallel_loop3A_728 : vector<16xf32>
        %parallel_loop3A_730 = arith.index_cast %parallel_loop3A_137 : i32 to index
        %parallel_loop3A_731 = arith.constant 496 : index
        %parallel_loop3A_732 = tpu.vector_load %arg15[%parallel_loop3A_730, %parallel_loop3A_731] {strides = array<i32>} : memref<16x1024xf32, #tpu.memory_space<vmem>>, vector<1x16xf32>,
        %parallel_loop3A_733 = vector.shape_cast %parallel_loop3A_732 : vector<1x16xf32> to vector<16xf32>
        %parallel_loop3A_734 = vector.shape_cast %parallel_loop3A_729 : vector<16xf32> to vector<1x16xf32>
        tpu.vector_store %arg15[%parallel_loop3A_730, %parallel_loop3A_731], %parallel_loop3A_734 {strides = array<i32>} : memref<16x1024xf32, #tpu.memory_space<vmem>>, vector<1x16xf32>,
        %parallel_loop3A_735 = arith.index_cast %parallel_loop3A_137 : i32 to index
        %parallel_loop3A_736 = arith.constant 512 : index
        %parallel_loop3A_737 = tpu.vector_load %arg13[%parallel_loop3A_735, %parallel_loop3A_736] {strides = array<i32>} : memref<32x1024xf32, #tpu.memory_space<vmem>>, vector<1x16xf32>,
        %parallel_loop3A_738 = vector.shape_cast %parallel_loop3A_737 : vector<1x16xf32> to vector<16xf32>
        %parallel_loop3A_739 = arith.constant 16 : i32
        %parallel_loop3A_740 = arith.addi %parallel_loop3A_739, %parallel_loop3A_137 : i32
        %parallel_loop3A_741 = arith.index_cast %parallel_loop3A_740 : i32 to index
        %parallel_loop3A_742 = arith.constant 512 : index
        %parallel_loop3A_743 = tpu.vector_load %arg13[%parallel_loop3A_741, %parallel_loop3A_742] {strides = array<i32>} : memref<32x1024xf32, #tpu.memory_space<vmem>>, vector<1x16xf32>,
        %parallel_loop3A_744 = vector.shape_cast %parallel_loop3A_743 : vector<1x16xf32> to vector<16xf32>
        %parallel_loop3A_745 = arith.mulf %parallel_loop3A_738, %parallel_loop3A_148 : vector<16xf32>
        %parallel_loop3A_746 = arith.mulf %parallel_loop3A_744, %parallel_loop3A_158 : vector<16xf32>
        %parallel_loop3A_747 = arith.addf %parallel_loop3A_745, %parallel_loop3A_746 : vector<16xf32>
        %parallel_loop3A_748 = arith.index_cast %parallel_loop3A_137 : i32 to index
        %parallel_loop3A_749 = arith.constant 512 : index
        %parallel_loop3A_750 = tpu.vector_load %arg15[%parallel_loop3A_748, %parallel_loop3A_749] {strides = array<i32>} : memref<16x1024xf32, #tpu.memory_space<vmem>>, vector<1x16xf32>,
        %parallel_loop3A_751 = vector.shape_cast %parallel_loop3A_750 : vector<1x16xf32> to vector<16xf32>
        %parallel_loop3A_752 = vector.shape_cast %parallel_loop3A_747 : vector<16xf32> to vector<1x16xf32>
        tpu.vector_store %arg15[%parallel_loop3A_748, %parallel_loop3A_749], %parallel_loop3A_752 {strides = array<i32>} : memref<16x1024xf32, #tpu.memory_space<vmem>>, vector<1x16xf32>,
        %parallel_loop3A_753 = arith.index_cast %parallel_loop3A_137 : i32 to index
        %parallel_loop3A_754 = arith.constant 528 : index
        %parallel_loop3A_755 = tpu.vector_load %arg13[%parallel_loop3A_753, %parallel_loop3A_754] {strides = array<i32>} : memref<32x1024xf32, #tpu.memory_space<vmem>>, vector<1x16xf32>,
        %parallel_loop3A_756 = vector.shape_cast %parallel_loop3A_755 : vector<1x16xf32> to vector<16xf32>
        %parallel_loop3A_757 = arith.constant 16 : i32
        %parallel_loop3A_758 = arith.addi %parallel_loop3A_757, %parallel_loop3A_137 : i32
        %parallel_loop3A_759 = arith.index_cast %parallel_loop3A_758 : i32 to index
        %parallel_loop3A_760 = arith.constant 528 : index
        %parallel_loop3A_761 = tpu.vector_load %arg13[%parallel_loop3A_759, %parallel_loop3A_760] {strides = array<i32>} : memref<32x1024xf32, #tpu.memory_space<vmem>>, vector<1x16xf32>,
        %parallel_loop3A_762 = vector.shape_cast %parallel_loop3A_761 : vector<1x16xf32> to vector<16xf32>
        %parallel_loop3A_763 = arith.mulf %parallel_loop3A_756, %parallel_loop3A_148 : vector<16xf32>
        %parallel_loop3A_764 = arith.mulf %parallel_loop3A_762, %parallel_loop3A_158 : vector<16xf32>
        %parallel_loop3A_765 = arith.addf %parallel_loop3A_763, %parallel_loop3A_764 : vector<16xf32>
        %parallel_loop3A_766 = arith.index_cast %parallel_loop3A_137 : i32 to index
        %parallel_loop3A_767 = arith.constant 528 : index
        %parallel_loop3A_768 = tpu.vector_load %arg15[%parallel_loop3A_766, %parallel_loop3A_767] {strides = array<i32>} : memref<16x1024xf32, #tpu.memory_space<vmem>>, vector<1x16xf32>,
        %parallel_loop3A_769 = vector.shape_cast %parallel_loop3A_768 : vector<1x16xf32> to vector<16xf32>
        %parallel_loop3A_770 = vector.shape_cast %parallel_loop3A_765 : vector<16xf32> to vector<1x16xf32>
        tpu.vector_store %arg15[%parallel_loop3A_766, %parallel_loop3A_767], %parallel_loop3A_770 {strides = array<i32>} : memref<16x1024xf32, #tpu.memory_space<vmem>>, vector<1x16xf32>,
        %parallel_loop3A_771 = arith.index_cast %parallel_loop3A_137 : i32 to index
        %parallel_loop3A_772 = arith.constant 544 : index
        %parallel_loop3A_773 = tpu.vector_load %arg13[%parallel_loop3A_771, %parallel_loop3A_772] {strides = array<i32>} : memref<32x1024xf32, #tpu.memory_space<vmem>>, vector<1x16xf32>,
        %parallel_loop3A_774 = vector.shape_cast %parallel_loop3A_773 : vector<1x16xf32> to vector<16xf32>
        %parallel_loop3A_775 = arith.constant 16 : i32
        %parallel_loop3A_776 = arith.addi %parallel_loop3A_775, %parallel_loop3A_137 : i32
        %parallel_loop3A_777 = arith.index_cast %parallel_loop3A_776 : i32 to index
        %parallel_loop3A_778 = arith.constant 544 : index
        %parallel_loop3A_779 = tpu.vector_load %arg13[%parallel_loop3A_777, %parallel_loop3A_778] {strides = array<i32>} : memref<32x1024xf32, #tpu.memory_space<vmem>>, vector<1x16xf32>,
        %parallel_loop3A_780 = vector.shape_cast %parallel_loop3A_779 : vector<1x16xf32> to vector<16xf32>
        %parallel_loop3A_781 = arith.mulf %parallel_loop3A_774, %parallel_loop3A_148 : vector<16xf32>
        %parallel_loop3A_782 = arith.mulf %parallel_loop3A_780, %parallel_loop3A_158 : vector<16xf32>
        %parallel_loop3A_783 = arith.addf %parallel_loop3A_781, %parallel_loop3A_782 : vector<16xf32>
        %parallel_loop3A_784 = arith.index_cast %parallel_loop3A_137 : i32 to index
        %parallel_loop3A_785 = arith.constant 544 : index
        %parallel_loop3A_786 = tpu.vector_load %arg15[%parallel_loop3A_784, %parallel_loop3A_785] {strides = array<i32>} : memref<16x1024xf32, #tpu.memory_space<vmem>>, vector<1x16xf32>,
        %parallel_loop3A_787 = vector.shape_cast %parallel_loop3A_786 : vector<1x16xf32> to vector<16xf32>
        %parallel_loop3A_788 = vector.shape_cast %parallel_loop3A_783 : vector<16xf32> to vector<1x16xf32>
        tpu.vector_store %arg15[%parallel_loop3A_784, %parallel_loop3A_785], %parallel_loop3A_788 {strides = array<i32>} : memref<16x1024xf32, #tpu.memory_space<vmem>>, vector<1x16xf32>,
        %parallel_loop3A_789 = arith.index_cast %parallel_loop3A_137 : i32 to index
        %parallel_loop3A_790 = arith.constant 560 : index
        %parallel_loop3A_791 = tpu.vector_load %arg13[%parallel_loop3A_789, %parallel_loop3A_790] {strides = array<i32>} : memref<32x1024xf32, #tpu.memory_space<vmem>>, vector<1x16xf32>,
        %parallel_loop3A_792 = vector.shape_cast %parallel_loop3A_791 : vector<1x16xf32> to vector<16xf32>
        %parallel_loop3A_793 = arith.constant 16 : i32
        %parallel_loop3A_794 = arith.addi %parallel_loop3A_793, %parallel_loop3A_137 : i32
        %parallel_loop3A_795 = arith.index_cast %parallel_loop3A_794 : i32 to index
        %parallel_loop3A_796 = arith.constant 560 : index
        %parallel_loop3A_797 = tpu.vector_load %arg13[%parallel_loop3A_795, %parallel_loop3A_796] {strides = array<i32>} : memref<32x1024xf32, #tpu.memory_space<vmem>>, vector<1x16xf32>,
        %parallel_loop3A_798 = vector.shape_cast %parallel_loop3A_797 : vector<1x16xf32> to vector<16xf32>
        %parallel_loop3A_799 = arith.mulf %parallel_loop3A_792, %parallel_loop3A_148 : vector<16xf32>
        %parallel_loop3A_800 = arith.mulf %parallel_loop3A_798, %parallel_loop3A_158 : vector<16xf32>
        %parallel_loop3A_801 = arith.addf %parallel_loop3A_799, %parallel_loop3A_800 : vector<16xf32>
        %parallel_loop3A_802 = arith.index_cast %parallel_loop3A_137 : i32 to index
        %parallel_loop3A_803 = arith.constant 560 : index
        %parallel_loop3A_804 = tpu.vector_load %arg15[%parallel_loop3A_802, %parallel_loop3A_803] {strides = array<i32>} : memref<16x1024xf32, #tpu.memory_space<vmem>>, vector<1x16xf32>,
        %parallel_loop3A_805 = vector.shape_cast %parallel_loop3A_804 : vector<1x16xf32> to vector<16xf32>
        %parallel_loop3A_806 = vector.shape_cast %parallel_loop3A_801 : vector<16xf32> to vector<1x16xf32>
        tpu.vector_store %arg15[%parallel_loop3A_802, %parallel_loop3A_803], %parallel_loop3A_806 {strides = array<i32>} : memref<16x1024xf32, #tpu.memory_space<vmem>>, vector<1x16xf32>,
        %parallel_loop3A_807 = arith.index_cast %parallel_loop3A_137 : i32 to index
        %parallel_loop3A_808 = arith.constant 576 : index
        %parallel_loop3A_809 = tpu.vector_load %arg13[%parallel_loop3A_807, %parallel_loop3A_808] {strides = array<i32>} : memref<32x1024xf32, #tpu.memory_space<vmem>>, vector<1x16xf32>,
        %parallel_loop3A_810 = vector.shape_cast %parallel_loop3A_809 : vector<1x16xf32> to vector<16xf32>
        %parallel_loop3A_811 = arith.constant 16 : i32
        %parallel_loop3A_812 = arith.addi %parallel_loop3A_811, %parallel_loop3A_137 : i32
        %parallel_loop3A_813 = arith.index_cast %parallel_loop3A_812 : i32 to index
        %parallel_loop3A_814 = arith.constant 576 : index
        %parallel_loop3A_815 = tpu.vector_load %arg13[%parallel_loop3A_813, %parallel_loop3A_814] {strides = array<i32>} : memref<32x1024xf32, #tpu.memory_space<vmem>>, vector<1x16xf32>,
        %parallel_loop3A_816 = vector.shape_cast %parallel_loop3A_815 : vector<1x16xf32> to vector<16xf32>
        %parallel_loop3A_817 = arith.mulf %parallel_loop3A_810, %parallel_loop3A_148 : vector<16xf32>
        %parallel_loop3A_818 = arith.mulf %parallel_loop3A_816, %parallel_loop3A_158 : vector<16xf32>
        %parallel_loop3A_819 = arith.addf %parallel_loop3A_817, %parallel_loop3A_818 : vector<16xf32>
        %parallel_loop3A_820 = arith.index_cast %parallel_loop3A_137 : i32 to index
        %parallel_loop3A_821 = arith.constant 576 : index
        %parallel_loop3A_822 = tpu.vector_load %arg15[%parallel_loop3A_820, %parallel_loop3A_821] {strides = array<i32>} : memref<16x1024xf32, #tpu.memory_space<vmem>>, vector<1x16xf32>,
        %parallel_loop3A_823 = vector.shape_cast %parallel_loop3A_822 : vector<1x16xf32> to vector<16xf32>
        %parallel_loop3A_824 = vector.shape_cast %parallel_loop3A_819 : vector<16xf32> to vector<1x16xf32>
        tpu.vector_store %arg15[%parallel_loop3A_820, %parallel_loop3A_821], %parallel_loop3A_824 {strides = array<i32>} : memref<16x1024xf32, #tpu.memory_space<vmem>>, vector<1x16xf32>,
        %parallel_loop3A_825 = arith.index_cast %parallel_loop3A_137 : i32 to index
        %parallel_loop3A_826 = arith.constant 592 : index
        %parallel_loop3A_827 = tpu.vector_load %arg13[%parallel_loop3A_825, %parallel_loop3A_826] {strides = array<i32>} : memref<32x1024xf32, #tpu.memory_space<vmem>>, vector<1x16xf32>,
        %parallel_loop3A_828 = vector.shape_cast %parallel_loop3A_827 : vector<1x16xf32> to vector<16xf32>
        %parallel_loop3A_829 = arith.constant 16 : i32
        %parallel_loop3A_830 = arith.addi %parallel_loop3A_829, %parallel_loop3A_137 : i32
        %parallel_loop3A_831 = arith.index_cast %parallel_loop3A_830 : i32 to index
        %parallel_loop3A_832 = arith.constant 592 : index
        %parallel_loop3A_833 = tpu.vector_load %arg13[%parallel_loop3A_831, %parallel_loop3A_832] {strides = array<i32>} : memref<32x1024xf32, #tpu.memory_space<vmem>>, vector<1x16xf32>,
        %parallel_loop3A_834 = vector.shape_cast %parallel_loop3A_833 : vector<1x16xf32> to vector<16xf32>
        %parallel_loop3A_835 = arith.mulf %parallel_loop3A_828, %parallel_loop3A_148 : vector<16xf32>
        %parallel_loop3A_836 = arith.mulf %parallel_loop3A_834, %parallel_loop3A_158 : vector<16xf32>
        %parallel_loop3A_837 = arith.addf %parallel_loop3A_835, %parallel_loop3A_836 : vector<16xf32>
        %parallel_loop3A_838 = arith.index_cast %parallel_loop3A_137 : i32 to index
        %parallel_loop3A_839 = arith.constant 592 : index
        %parallel_loop3A_840 = tpu.vector_load %arg15[%parallel_loop3A_838, %parallel_loop3A_839] {strides = array<i32>} : memref<16x1024xf32, #tpu.memory_space<vmem>>, vector<1x16xf32>,
        %parallel_loop3A_841 = vector.shape_cast %parallel_loop3A_840 : vector<1x16xf32> to vector<16xf32>
        %parallel_loop3A_842 = vector.shape_cast %parallel_loop3A_837 : vector<16xf32> to vector<1x16xf32>
        tpu.vector_store %arg15[%parallel_loop3A_838, %parallel_loop3A_839], %parallel_loop3A_842 {strides = array<i32>} : memref<16x1024xf32, #tpu.memory_space<vmem>>, vector<1x16xf32>,
        %parallel_loop3A_843 = arith.index_cast %parallel_loop3A_137 : i32 to index
        %parallel_loop3A_844 = arith.constant 608 : index
        %parallel_loop3A_845 = tpu.vector_load %arg13[%parallel_loop3A_843, %parallel_loop3A_844] {strides = array<i32>} : memref<32x1024xf32, #tpu.memory_space<vmem>>, vector<1x16xf32>,
        %parallel_loop3A_846 = vector.shape_cast %parallel_loop3A_845 : vector<1x16xf32> to vector<16xf32>
        %parallel_loop3A_847 = arith.constant 16 : i32
        %parallel_loop3A_848 = arith.addi %parallel_loop3A_847, %parallel_loop3A_137 : i32
        %parallel_loop3A_849 = arith.index_cast %parallel_loop3A_848 : i32 to index
        %parallel_loop3A_850 = arith.constant 608 : index
        %parallel_loop3A_851 = tpu.vector_load %arg13[%parallel_loop3A_849, %parallel_loop3A_850] {strides = array<i32>} : memref<32x1024xf32, #tpu.memory_space<vmem>>, vector<1x16xf32>,
        %parallel_loop3A_852 = vector.shape_cast %parallel_loop3A_851 : vector<1x16xf32> to vector<16xf32>
        %parallel_loop3A_853 = arith.mulf %parallel_loop3A_846, %parallel_loop3A_148 : vector<16xf32>
        %parallel_loop3A_854 = arith.mulf %parallel_loop3A_852, %parallel_loop3A_158 : vector<16xf32>
        %parallel_loop3A_855 = arith.addf %parallel_loop3A_853, %parallel_loop3A_854 : vector<16xf32>
        %parallel_loop3A_856 = arith.index_cast %parallel_loop3A_137 : i32 to index
        %parallel_loop3A_857 = arith.constant 608 : index
        %parallel_loop3A_858 = tpu.vector_load %arg15[%parallel_loop3A_856, %parallel_loop3A_857] {strides = array<i32>} : memref<16x1024xf32, #tpu.memory_space<vmem>>, vector<1x16xf32>,
        %parallel_loop3A_859 = vector.shape_cast %parallel_loop3A_858 : vector<1x16xf32> to vector<16xf32>
        %parallel_loop3A_860 = vector.shape_cast %parallel_loop3A_855 : vector<16xf32> to vector<1x16xf32>
        tpu.vector_store %arg15[%parallel_loop3A_856, %parallel_loop3A_857], %parallel_loop3A_860 {strides = array<i32>} : memref<16x1024xf32, #tpu.memory_space<vmem>>, vector<1x16xf32>,
        %parallel_loop3A_861 = arith.index_cast %parallel_loop3A_137 : i32 to index
        %parallel_loop3A_862 = arith.constant 624 : index
        %parallel_loop3A_863 = tpu.vector_load %arg13[%parallel_loop3A_861, %parallel_loop3A_862] {strides = array<i32>} : memref<32x1024xf32, #tpu.memory_space<vmem>>, vector<1x16xf32>,
        %parallel_loop3A_864 = vector.shape_cast %parallel_loop3A_863 : vector<1x16xf32> to vector<16xf32>
        %parallel_loop3A_865 = arith.constant 16 : i32
        %parallel_loop3A_866 = arith.addi %parallel_loop3A_865, %parallel_loop3A_137 : i32
        %parallel_loop3A_867 = arith.index_cast %parallel_loop3A_866 : i32 to index
        %parallel_loop3A_868 = arith.constant 624 : index
        %parallel_loop3A_869 = tpu.vector_load %arg13[%parallel_loop3A_867, %parallel_loop3A_868] {strides = array<i32>} : memref<32x1024xf32, #tpu.memory_space<vmem>>, vector<1x16xf32>,
        %parallel_loop3A_870 = vector.shape_cast %parallel_loop3A_869 : vector<1x16xf32> to vector<16xf32>
        %parallel_loop3A_871 = arith.mulf %parallel_loop3A_864, %parallel_loop3A_148 : vector<16xf32>
        %parallel_loop3A_872 = arith.mulf %parallel_loop3A_870, %parallel_loop3A_158 : vector<16xf32>
        %parallel_loop3A_873 = arith.addf %parallel_loop3A_871, %parallel_loop3A_872 : vector<16xf32>
        %parallel_loop3A_874 = arith.index_cast %parallel_loop3A_137 : i32 to index
        %parallel_loop3A_875 = arith.constant 624 : index
        %parallel_loop3A_876 = tpu.vector_load %arg15[%parallel_loop3A_874, %parallel_loop3A_875] {strides = array<i32>} : memref<16x1024xf32, #tpu.memory_space<vmem>>, vector<1x16xf32>,
        %parallel_loop3A_877 = vector.shape_cast %parallel_loop3A_876 : vector<1x16xf32> to vector<16xf32>
        %parallel_loop3A_878 = vector.shape_cast %parallel_loop3A_873 : vector<16xf32> to vector<1x16xf32>
        tpu.vector_store %arg15[%parallel_loop3A_874, %parallel_loop3A_875], %parallel_loop3A_878 {strides = array<i32>} : memref<16x1024xf32, #tpu.memory_space<vmem>>, vector<1x16xf32>,
        %parallel_loop3A_879 = arith.index_cast %parallel_loop3A_137 : i32 to index
        %parallel_loop3A_880 = arith.constant 640 : index
        %parallel_loop3A_881 = tpu.vector_load %arg13[%parallel_loop3A_879, %parallel_loop3A_880] {strides = array<i32>} : memref<32x1024xf32, #tpu.memory_space<vmem>>, vector<1x16xf32>,
        %parallel_loop3A_882 = vector.shape_cast %parallel_loop3A_881 : vector<1x16xf32> to vector<16xf32>
        %parallel_loop3A_883 = arith.constant 16 : i32
        %parallel_loop3A_884 = arith.addi %parallel_loop3A_883, %parallel_loop3A_137 : i32
        %parallel_loop3A_885 = arith.index_cast %parallel_loop3A_884 : i32 to index
        %parallel_loop3A_886 = arith.constant 640 : index
        %parallel_loop3A_887 = tpu.vector_load %arg13[%parallel_loop3A_885, %parallel_loop3A_886] {strides = array<i32>} : memref<32x1024xf32, #tpu.memory_space<vmem>>, vector<1x16xf32>,
        %parallel_loop3A_888 = vector.shape_cast %parallel_loop3A_887 : vector<1x16xf32> to vector<16xf32>
        %parallel_loop3A_889 = arith.mulf %parallel_loop3A_882, %parallel_loop3A_148 : vector<16xf32>
        %parallel_loop3A_890 = arith.mulf %parallel_loop3A_888, %parallel_loop3A_158 : vector<16xf32>
        %parallel_loop3A_891 = arith.addf %parallel_loop3A_889, %parallel_loop3A_890 : vector<16xf32>
        %parallel_loop3A_892 = arith.index_cast %parallel_loop3A_137 : i32 to index
        %parallel_loop3A_893 = arith.constant 640 : index
        %parallel_loop3A_894 = tpu.vector_load %arg15[%parallel_loop3A_892, %parallel_loop3A_893] {strides = array<i32>} : memref<16x1024xf32, #tpu.memory_space<vmem>>, vector<1x16xf32>,
        %parallel_loop3A_895 = vector.shape_cast %parallel_loop3A_894 : vector<1x16xf32> to vector<16xf32>
        %parallel_loop3A_896 = vector.shape_cast %parallel_loop3A_891 : vector<16xf32> to vector<1x16xf32>
        tpu.vector_store %arg15[%parallel_loop3A_892, %parallel_loop3A_893], %parallel_loop3A_896 {strides = array<i32>} : memref<16x1024xf32, #tpu.memory_space<vmem>>, vector<1x16xf32>,
        %parallel_loop3A_897 = arith.index_cast %parallel_loop3A_137 : i32 to index
        %parallel_loop3A_898 = arith.constant 656 : index
        %parallel_loop3A_899 = tpu.vector_load %arg13[%parallel_loop3A_897, %parallel_loop3A_898] {strides = array<i32>} : memref<32x1024xf32, #tpu.memory_space<vmem>>, vector<1x16xf32>,
        %parallel_loop3A_900 = vector.shape_cast %parallel_loop3A_899 : vector<1x16xf32> to vector<16xf32>
        %parallel_loop3A_901 = arith.constant 16 : i32
        %parallel_loop3A_902 = arith.addi %parallel_loop3A_901, %parallel_loop3A_137 : i32
        %parallel_loop3A_903 = arith.index_cast %parallel_loop3A_902 : i32 to index
        %parallel_loop3A_904 = arith.constant 656 : index
        %parallel_loop3A_905 = tpu.vector_load %arg13[%parallel_loop3A_903, %parallel_loop3A_904] {strides = array<i32>} : memref<32x1024xf32, #tpu.memory_space<vmem>>, vector<1x16xf32>,
        %parallel_loop3A_906 = vector.shape_cast %parallel_loop3A_905 : vector<1x16xf32> to vector<16xf32>
        %parallel_loop3A_907 = arith.mulf %parallel_loop3A_900, %parallel_loop3A_148 : vector<16xf32>
        %parallel_loop3A_908 = arith.mulf %parallel_loop3A_906, %parallel_loop3A_158 : vector<16xf32>
        %parallel_loop3A_909 = arith.addf %parallel_loop3A_907, %parallel_loop3A_908 : vector<16xf32>
        %parallel_loop3A_910 = arith.index_cast %parallel_loop3A_137 : i32 to index
        %parallel_loop3A_911 = arith.constant 656 : index
        %parallel_loop3A_912 = tpu.vector_load %arg15[%parallel_loop3A_910, %parallel_loop3A_911] {strides = array<i32>} : memref<16x1024xf32, #tpu.memory_space<vmem>>, vector<1x16xf32>,
        %parallel_loop3A_913 = vector.shape_cast %parallel_loop3A_912 : vector<1x16xf32> to vector<16xf32>
        %parallel_loop3A_914 = vector.shape_cast %parallel_loop3A_909 : vector<16xf32> to vector<1x16xf32>
        tpu.vector_store %arg15[%parallel_loop3A_910, %parallel_loop3A_911], %parallel_loop3A_914 {strides = array<i32>} : memref<16x1024xf32, #tpu.memory_space<vmem>>, vector<1x16xf32>,
        %parallel_loop3A_915 = arith.index_cast %parallel_loop3A_137 : i32 to index
        %parallel_loop3A_916 = arith.constant 672 : index
        %parallel_loop3A_917 = tpu.vector_load %arg13[%parallel_loop3A_915, %parallel_loop3A_916] {strides = array<i32>} : memref<32x1024xf32, #tpu.memory_space<vmem>>, vector<1x16xf32>,
        %parallel_loop3A_918 = vector.shape_cast %parallel_loop3A_917 : vector<1x16xf32> to vector<16xf32>
        %parallel_loop3A_919 = arith.constant 16 : i32
        %parallel_loop3A_920 = arith.addi %parallel_loop3A_919, %parallel_loop3A_137 : i32
        %parallel_loop3A_921 = arith.index_cast %parallel_loop3A_920 : i32 to index
        %parallel_loop3A_922 = arith.constant 672 : index
        %parallel_loop3A_923 = tpu.vector_load %arg13[%parallel_loop3A_921, %parallel_loop3A_922] {strides = array<i32>} : memref<32x1024xf32, #tpu.memory_space<vmem>>, vector<1x16xf32>,
        %parallel_loop3A_924 = vector.shape_cast %parallel_loop3A_923 : vector<1x16xf32> to vector<16xf32>
        %parallel_loop3A_925 = arith.mulf %parallel_loop3A_918, %parallel_loop3A_148 : vector<16xf32>
        %parallel_loop3A_926 = arith.mulf %parallel_loop3A_924, %parallel_loop3A_158 : vector<16xf32>
        %parallel_loop3A_927 = arith.addf %parallel_loop3A_925, %parallel_loop3A_926 : vector<16xf32>
        %parallel_loop3A_928 = arith.index_cast %parallel_loop3A_137 : i32 to index
        %parallel_loop3A_929 = arith.constant 672 : index
        %parallel_loop3A_930 = tpu.vector_load %arg15[%parallel_loop3A_928, %parallel_loop3A_929] {strides = array<i32>} : memref<16x1024xf32, #tpu.memory_space<vmem>>, vector<1x16xf32>,
        %parallel_loop3A_931 = vector.shape_cast %parallel_loop3A_930 : vector<1x16xf32> to vector<16xf32>
        %parallel_loop3A_932 = vector.shape_cast %parallel_loop3A_927 : vector<16xf32> to vector<1x16xf32>
        tpu.vector_store %arg15[%parallel_loop3A_928, %parallel_loop3A_929], %parallel_loop3A_932 {strides = array<i32>} : memref<16x1024xf32, #tpu.memory_space<vmem>>, vector<1x16xf32>,
        %parallel_loop3A_933 = arith.index_cast %parallel_loop3A_137 : i32 to index
        %parallel_loop3A_934 = arith.constant 688 : index
        %parallel_loop3A_935 = tpu.vector_load %arg13[%parallel_loop3A_933, %parallel_loop3A_934] {strides = array<i32>} : memref<32x1024xf32, #tpu.memory_space<vmem>>, vector<1x16xf32>,
        %parallel_loop3A_936 = vector.shape_cast %parallel_loop3A_935 : vector<1x16xf32> to vector<16xf32>
        %parallel_loop3A_937 = arith.constant 16 : i32
        %parallel_loop3A_938 = arith.addi %parallel_loop3A_937, %parallel_loop3A_137 : i32
        %parallel_loop3A_939 = arith.index_cast %parallel_loop3A_938 : i32 to index
        %parallel_loop3A_940 = arith.constant 688 : index
        %parallel_loop3A_941 = tpu.vector_load %arg13[%parallel_loop3A_939, %parallel_loop3A_940] {strides = array<i32>} : memref<32x1024xf32, #tpu.memory_space<vmem>>, vector<1x16xf32>,
        %parallel_loop3A_942 = vector.shape_cast %parallel_loop3A_941 : vector<1x16xf32> to vector<16xf32>
        %parallel_loop3A_943 = arith.mulf %parallel_loop3A_936, %parallel_loop3A_148 : vector<16xf32>
        %parallel_loop3A_944 = arith.mulf %parallel_loop3A_942, %parallel_loop3A_158 : vector<16xf32>
        %parallel_loop3A_945 = arith.addf %parallel_loop3A_943, %parallel_loop3A_944 : vector<16xf32>
        %parallel_loop3A_946 = arith.index_cast %parallel_loop3A_137 : i32 to index
        %parallel_loop3A_947 = arith.constant 688 : index
        %parallel_loop3A_948 = tpu.vector_load %arg15[%parallel_loop3A_946, %parallel_loop3A_947] {strides = array<i32>} : memref<16x1024xf32, #tpu.memory_space<vmem>>, vector<1x16xf32>,
        %parallel_loop3A_949 = vector.shape_cast %parallel_loop3A_948 : vector<1x16xf32> to vector<16xf32>
        %parallel_loop3A_950 = vector.shape_cast %parallel_loop3A_945 : vector<16xf32> to vector<1x16xf32>
        tpu.vector_store %arg15[%parallel_loop3A_946, %parallel_loop3A_947], %parallel_loop3A_950 {strides = array<i32>} : memref<16x1024xf32, #tpu.memory_space<vmem>>, vector<1x16xf32>,
        %parallel_loop3A_951 = arith.index_cast %parallel_loop3A_137 : i32 to index
        %parallel_loop3A_952 = arith.constant 704 : index
        %parallel_loop3A_953 = tpu.vector_load %arg13[%parallel_loop3A_951, %parallel_loop3A_952] {strides = array<i32>} : memref<32x1024xf32, #tpu.memory_space<vmem>>, vector<1x16xf32>,
        %parallel_loop3A_954 = vector.shape_cast %parallel_loop3A_953 : vector<1x16xf32> to vector<16xf32>
        %parallel_loop3A_955 = arith.constant 16 : i32
        %parallel_loop3A_956 = arith.addi %parallel_loop3A_955, %parallel_loop3A_137 : i32
        %parallel_loop3A_957 = arith.index_cast %parallel_loop3A_956 : i32 to index
        %parallel_loop3A_958 = arith.constant 704 : index
        %parallel_loop3A_959 = tpu.vector_load %arg13[%parallel_loop3A_957, %parallel_loop3A_958] {strides = array<i32>} : memref<32x1024xf32, #tpu.memory_space<vmem>>, vector<1x16xf32>,
        %parallel_loop3A_960 = vector.shape_cast %parallel_loop3A_959 : vector<1x16xf32> to vector<16xf32>
        %parallel_loop3A_961 = arith.mulf %parallel_loop3A_954, %parallel_loop3A_148 : vector<16xf32>
        %parallel_loop3A_962 = arith.mulf %parallel_loop3A_960, %parallel_loop3A_158 : vector<16xf32>
        %parallel_loop3A_963 = arith.addf %parallel_loop3A_961, %parallel_loop3A_962 : vector<16xf32>
        %parallel_loop3A_964 = arith.index_cast %parallel_loop3A_137 : i32 to index
        %parallel_loop3A_965 = arith.constant 704 : index
        %parallel_loop3A_966 = tpu.vector_load %arg15[%parallel_loop3A_964, %parallel_loop3A_965] {strides = array<i32>} : memref<16x1024xf32, #tpu.memory_space<vmem>>, vector<1x16xf32>,
        %parallel_loop3A_967 = vector.shape_cast %parallel_loop3A_966 : vector<1x16xf32> to vector<16xf32>
        %parallel_loop3A_968 = vector.shape_cast %parallel_loop3A_963 : vector<16xf32> to vector<1x16xf32>
        tpu.vector_store %arg15[%parallel_loop3A_964, %parallel_loop3A_965], %parallel_loop3A_968 {strides = array<i32>} : memref<16x1024xf32, #tpu.memory_space<vmem>>, vector<1x16xf32>,
        %parallel_loop3A_969 = arith.index_cast %parallel_loop3A_137 : i32 to index
        %parallel_loop3A_970 = arith.constant 720 : index
        %parallel_loop3A_971 = tpu.vector_load %arg13[%parallel_loop3A_969, %parallel_loop3A_970] {strides = array<i32>} : memref<32x1024xf32, #tpu.memory_space<vmem>>, vector<1x16xf32>,
        %parallel_loop3A_972 = vector.shape_cast %parallel_loop3A_971 : vector<1x16xf32> to vector<16xf32>
        %parallel_loop3A_973 = arith.constant 16 : i32
        %parallel_loop3A_974 = arith.addi %parallel_loop3A_973, %parallel_loop3A_137 : i32
        %parallel_loop3A_975 = arith.index_cast %parallel_loop3A_974 : i32 to index
        %parallel_loop3A_976 = arith.constant 720 : index
        %parallel_loop3A_977 = tpu.vector_load %arg13[%parallel_loop3A_975, %parallel_loop3A_976] {strides = array<i32>} : memref<32x1024xf32, #tpu.memory_space<vmem>>, vector<1x16xf32>,
        %parallel_loop3A_978 = vector.shape_cast %parallel_loop3A_977 : vector<1x16xf32> to vector<16xf32>
        %parallel_loop3A_979 = arith.mulf %parallel_loop3A_972, %parallel_loop3A_148 : vector<16xf32>
        %parallel_loop3A_980 = arith.mulf %parallel_loop3A_978, %parallel_loop3A_158 : vector<16xf32>
        %parallel_loop3A_981 = arith.addf %parallel_loop3A_979, %parallel_loop3A_980 : vector<16xf32>
        %parallel_loop3A_982 = arith.index_cast %parallel_loop3A_137 : i32 to index
        %parallel_loop3A_983 = arith.constant 720 : index
        %parallel_loop3A_984 = tpu.vector_load %arg15[%parallel_loop3A_982, %parallel_loop3A_983] {strides = array<i32>} : memref<16x1024xf32, #tpu.memory_space<vmem>>, vector<1x16xf32>,
        %parallel_loop3A_985 = vector.shape_cast %parallel_loop3A_984 : vector<1x16xf32> to vector<16xf32>
        %parallel_loop3A_986 = vector.shape_cast %parallel_loop3A_981 : vector<16xf32> to vector<1x16xf32>
        tpu.vector_store %arg15[%parallel_loop3A_982, %parallel_loop3A_983], %parallel_loop3A_986 {strides = array<i32>} : memref<16x1024xf32, #tpu.memory_space<vmem>>, vector<1x16xf32>,
        %parallel_loop3A_987 = arith.index_cast %parallel_loop3A_137 : i32 to index
        %parallel_loop3A_988 = arith.constant 736 : index
        %parallel_loop3A_989 = tpu.vector_load %arg13[%parallel_loop3A_987, %parallel_loop3A_988] {strides = array<i32>} : memref<32x1024xf32, #tpu.memory_space<vmem>>, vector<1x16xf32>,
        %parallel_loop3A_990 = vector.shape_cast %parallel_loop3A_989 : vector<1x16xf32> to vector<16xf32>
        %parallel_loop3A_991 = arith.constant 16 : i32
        %parallel_loop3A_992 = arith.addi %parallel_loop3A_991, %parallel_loop3A_137 : i32
        %parallel_loop3A_993 = arith.index_cast %parallel_loop3A_992 : i32 to index
        %parallel_loop3A_994 = arith.constant 736 : index
        %parallel_loop3A_995 = tpu.vector_load %arg13[%parallel_loop3A_993, %parallel_loop3A_994] {strides = array<i32>} : memref<32x1024xf32, #tpu.memory_space<vmem>>, vector<1x16xf32>,
        %parallel_loop3A_996 = vector.shape_cast %parallel_loop3A_995 : vector<1x16xf32> to vector<16xf32>
        %parallel_loop3A_997 = arith.mulf %parallel_loop3A_990, %parallel_loop3A_148 : vector<16xf32>
        %parallel_loop3A_998 = arith.mulf %parallel_loop3A_996, %parallel_loop3A_158 : vector<16xf32>
        %parallel_loop3A_999 = arith.addf %parallel_loop3A_997, %parallel_loop3A_998 : vector<16xf32>
        %parallel_loop3A_1000 = arith.index_cast %parallel_loop3A_137 : i32 to index
        %parallel_loop3A_1001 = arith.constant 736 : index
        %parallel_loop3A_1002 = tpu.vector_load %arg15[%parallel_loop3A_1000, %parallel_loop3A_1001] {strides = array<i32>} : memref<16x1024xf32, #tpu.memory_space<vmem>>, vector<1x16xf32>,
        %parallel_loop3A_1003 = vector.shape_cast %parallel_loop3A_1002 : vector<1x16xf32> to vector<16xf32>
        %parallel_loop3A_1004 = vector.shape_cast %parallel_loop3A_999 : vector<16xf32> to vector<1x16xf32>
        tpu.vector_store %arg15[%parallel_loop3A_1000, %parallel_loop3A_1001], %parallel_loop3A_1004 {strides = array<i32>} : memref<16x1024xf32, #tpu.memory_space<vmem>>, vector<1x16xf32>,
        %parallel_loop3A_1005 = arith.index_cast %parallel_loop3A_137 : i32 to index
        %parallel_loop3A_1006 = arith.constant 752 : index
        %parallel_loop3A_1007 = tpu.vector_load %arg13[%parallel_loop3A_1005, %parallel_loop3A_1006] {strides = array<i32>} : memref<32x1024xf32, #tpu.memory_space<vmem>>, vector<1x16xf32>,
        %parallel_loop3A_1008 = vector.shape_cast %parallel_loop3A_1007 : vector<1x16xf32> to vector<16xf32>
        %parallel_loop3A_1009 = arith.constant 16 : i32
        %parallel_loop3A_1010 = arith.addi %parallel_loop3A_1009, %parallel_loop3A_137 : i32
        %parallel_loop3A_1011 = arith.index_cast %parallel_loop3A_1010 : i32 to index
        %parallel_loop3A_1012 = arith.constant 752 : index
        %parallel_loop3A_1013 = tpu.vector_load %arg13[%parallel_loop3A_1011, %parallel_loop3A_1012] {strides = array<i32>} : memref<32x1024xf32, #tpu.memory_space<vmem>>, vector<1x16xf32>,
        %parallel_loop3A_1014 = vector.shape_cast %parallel_loop3A_1013 : vector<1x16xf32> to vector<16xf32>
        %parallel_loop3A_1015 = arith.mulf %parallel_loop3A_1008, %parallel_loop3A_148 : vector<16xf32>
        %parallel_loop3A_1016 = arith.mulf %parallel_loop3A_1014, %parallel_loop3A_158 : vector<16xf32>
        %parallel_loop3A_1017 = arith.addf %parallel_loop3A_1015, %parallel_loop3A_1016 : vector<16xf32>
        %parallel_loop3A_1018 = arith.index_cast %parallel_loop3A_137 : i32 to index
        %parallel_loop3A_1019 = arith.constant 752 : index
        %parallel_loop3A_1020 = tpu.vector_load %arg15[%parallel_loop3A_1018, %parallel_loop3A_1019] {strides = array<i32>} : memref<16x1024xf32, #tpu.memory_space<vmem>>, vector<1x16xf32>,
        %parallel_loop3A_1021 = vector.shape_cast %parallel_loop3A_1020 : vector<1x16xf32> to vector<16xf32>
        %parallel_loop3A_1022 = vector.shape_cast %parallel_loop3A_1017 : vector<16xf32> to vector<1x16xf32>
        tpu.vector_store %arg15[%parallel_loop3A_1018, %parallel_loop3A_1019], %parallel_loop3A_1022 {strides = array<i32>} : memref<16x1024xf32, #tpu.memory_space<vmem>>, vector<1x16xf32>,
        %parallel_loop3A_1023 = arith.index_cast %parallel_loop3A_137 : i32 to index
        %parallel_loop3A_1024 = arith.constant 768 : index
        %parallel_loop3A_1025 = tpu.vector_load %arg13[%parallel_loop3A_1023, %parallel_loop3A_1024] {strides = array<i32>} : memref<32x1024xf32, #tpu.memory_space<vmem>>, vector<1x16xf32>,
        %parallel_loop3A_1026 = vector.shape_cast %parallel_loop3A_1025 : vector<1x16xf32> to vector<16xf32>
        %parallel_loop3A_1027 = arith.constant 16 : i32
        %parallel_loop3A_1028 = arith.addi %parallel_loop3A_1027, %parallel_loop3A_137 : i32
        %parallel_loop3A_1029 = arith.index_cast %parallel_loop3A_1028 : i32 to index
        %parallel_loop3A_1030 = arith.constant 768 : index
        %parallel_loop3A_1031 = tpu.vector_load %arg13[%parallel_loop3A_1029, %parallel_loop3A_1030] {strides = array<i32>} : memref<32x1024xf32, #tpu.memory_space<vmem>>, vector<1x16xf32>,
        %parallel_loop3A_1032 = vector.shape_cast %parallel_loop3A_1031 : vector<1x16xf32> to vector<16xf32>
        %parallel_loop3A_1033 = arith.mulf %parallel_loop3A_1026, %parallel_loop3A_148 : vector<16xf32>
        %parallel_loop3A_1034 = arith.mulf %parallel_loop3A_1032, %parallel_loop3A_158 : vector<16xf32>
        %parallel_loop3A_1035 = arith.addf %parallel_loop3A_1033, %parallel_loop3A_1034 : vector<16xf32>
        %parallel_loop3A_1036 = arith.index_cast %parallel_loop3A_137 : i32 to index
        %parallel_loop3A_1037 = arith.constant 768 : index
        %parallel_loop3A_1038 = tpu.vector_load %arg15[%parallel_loop3A_1036, %parallel_loop3A_1037] {strides = array<i32>} : memref<16x1024xf32, #tpu.memory_space<vmem>>, vector<1x16xf32>,
        %parallel_loop3A_1039 = vector.shape_cast %parallel_loop3A_1038 : vector<1x16xf32> to vector<16xf32>
        %parallel_loop3A_1040 = vector.shape_cast %parallel_loop3A_1035 : vector<16xf32> to vector<1x16xf32>
        tpu.vector_store %arg15[%parallel_loop3A_1036, %parallel_loop3A_1037], %parallel_loop3A_1040 {strides = array<i32>} : memref<16x1024xf32, #tpu.memory_space<vmem>>, vector<1x16xf32>,
        %parallel_loop3A_1041 = arith.index_cast %parallel_loop3A_137 : i32 to index
        %parallel_loop3A_1042 = arith.constant 784 : index
        %parallel_loop3A_1043 = tpu.vector_load %arg13[%parallel_loop3A_1041, %parallel_loop3A_1042] {strides = array<i32>} : memref<32x1024xf32, #tpu.memory_space<vmem>>, vector<1x16xf32>,
        %parallel_loop3A_1044 = vector.shape_cast %parallel_loop3A_1043 : vector<1x16xf32> to vector<16xf32>
        %parallel_loop3A_1045 = arith.constant 16 : i32
        %parallel_loop3A_1046 = arith.addi %parallel_loop3A_1045, %parallel_loop3A_137 : i32
        %parallel_loop3A_1047 = arith.index_cast %parallel_loop3A_1046 : i32 to index
        %parallel_loop3A_1048 = arith.constant 784 : index
        %parallel_loop3A_1049 = tpu.vector_load %arg13[%parallel_loop3A_1047, %parallel_loop3A_1048] {strides = array<i32>} : memref<32x1024xf32, #tpu.memory_space<vmem>>, vector<1x16xf32>,
        %parallel_loop3A_1050 = vector.shape_cast %parallel_loop3A_1049 : vector<1x16xf32> to vector<16xf32>
        %parallel_loop3A_1051 = arith.mulf %parallel_loop3A_1044, %parallel_loop3A_148 : vector<16xf32>
        %parallel_loop3A_1052 = arith.mulf %parallel_loop3A_1050, %parallel_loop3A_158 : vector<16xf32>
        %parallel_loop3A_1053 = arith.addf %parallel_loop3A_1051, %parallel_loop3A_1052 : vector<16xf32>
        %parallel_loop3A_1054 = arith.index_cast %parallel_loop3A_137 : i32 to index
        %parallel_loop3A_1055 = arith.constant 784 : index
        %parallel_loop3A_1056 = tpu.vector_load %arg15[%parallel_loop3A_1054, %parallel_loop3A_1055] {strides = array<i32>} : memref<16x1024xf32, #tpu.memory_space<vmem>>, vector<1x16xf32>,
        %parallel_loop3A_1057 = vector.shape_cast %parallel_loop3A_1056 : vector<1x16xf32> to vector<16xf32>
        %parallel_loop3A_1058 = vector.shape_cast %parallel_loop3A_1053 : vector<16xf32> to vector<1x16xf32>
        tpu.vector_store %arg15[%parallel_loop3A_1054, %parallel_loop3A_1055], %parallel_loop3A_1058 {strides = array<i32>} : memref<16x1024xf32, #tpu.memory_space<vmem>>, vector<1x16xf32>,
        %parallel_loop3A_1059 = arith.index_cast %parallel_loop3A_137 : i32 to index
        %parallel_loop3A_1060 = arith.constant 800 : index
        %parallel_loop3A_1061 = tpu.vector_load %arg13[%parallel_loop3A_1059, %parallel_loop3A_1060] {strides = array<i32>} : memref<32x1024xf32, #tpu.memory_space<vmem>>, vector<1x16xf32>,
        %parallel_loop3A_1062 = vector.shape_cast %parallel_loop3A_1061 : vector<1x16xf32> to vector<16xf32>
        %parallel_loop3A_1063 = arith.constant 16 : i32
        %parallel_loop3A_1064 = arith.addi %parallel_loop3A_1063, %parallel_loop3A_137 : i32
        %parallel_loop3A_1065 = arith.index_cast %parallel_loop3A_1064 : i32 to index
        %parallel_loop3A_1066 = arith.constant 800 : index
        %parallel_loop3A_1067 = tpu.vector_load %arg13[%parallel_loop3A_1065, %parallel_loop3A_1066] {strides = array<i32>} : memref<32x1024xf32, #tpu.memory_space<vmem>>, vector<1x16xf32>,
        %parallel_loop3A_1068 = vector.shape_cast %parallel_loop3A_1067 : vector<1x16xf32> to vector<16xf32>
        %parallel_loop3A_1069 = arith.mulf %parallel_loop3A_1062, %parallel_loop3A_148 : vector<16xf32>
        %parallel_loop3A_1070 = arith.mulf %parallel_loop3A_1068, %parallel_loop3A_158 : vector<16xf32>
        %parallel_loop3A_1071 = arith.addf %parallel_loop3A_1069, %parallel_loop3A_1070 : vector<16xf32>
        %parallel_loop3A_1072 = arith.index_cast %parallel_loop3A_137 : i32 to index
        %parallel_loop3A_1073 = arith.constant 800 : index
        %parallel_loop3A_1074 = tpu.vector_load %arg15[%parallel_loop3A_1072, %parallel_loop3A_1073] {strides = array<i32>} : memref<16x1024xf32, #tpu.memory_space<vmem>>, vector<1x16xf32>,
        %parallel_loop3A_1075 = vector.shape_cast %parallel_loop3A_1074 : vector<1x16xf32> to vector<16xf32>
        %parallel_loop3A_1076 = vector.shape_cast %parallel_loop3A_1071 : vector<16xf32> to vector<1x16xf32>
        tpu.vector_store %arg15[%parallel_loop3A_1072, %parallel_loop3A_1073], %parallel_loop3A_1076 {strides = array<i32>} : memref<16x1024xf32, #tpu.memory_space<vmem>>, vector<1x16xf32>,
        %parallel_loop3A_1077 = arith.index_cast %parallel_loop3A_137 : i32 to index
        %parallel_loop3A_1078 = arith.constant 816 : index
        %parallel_loop3A_1079 = tpu.vector_load %arg13[%parallel_loop3A_1077, %parallel_loop3A_1078] {strides = array<i32>} : memref<32x1024xf32, #tpu.memory_space<vmem>>, vector<1x16xf32>,
        %parallel_loop3A_1080 = vector.shape_cast %parallel_loop3A_1079 : vector<1x16xf32> to vector<16xf32>
        %parallel_loop3A_1081 = arith.constant 16 : i32
        %parallel_loop3A_1082 = arith.addi %parallel_loop3A_1081, %parallel_loop3A_137 : i32
        %parallel_loop3A_1083 = arith.index_cast %parallel_loop3A_1082 : i32 to index
        %parallel_loop3A_1084 = arith.constant 816 : index
        %parallel_loop3A_1085 = tpu.vector_load %arg13[%parallel_loop3A_1083, %parallel_loop3A_1084] {strides = array<i32>} : memref<32x1024xf32, #tpu.memory_space<vmem>>, vector<1x16xf32>,
        %parallel_loop3A_1086 = vector.shape_cast %parallel_loop3A_1085 : vector<1x16xf32> to vector<16xf32>
        %parallel_loop3A_1087 = arith.mulf %parallel_loop3A_1080, %parallel_loop3A_148 : vector<16xf32>
        %parallel_loop3A_1088 = arith.mulf %parallel_loop3A_1086, %parallel_loop3A_158 : vector<16xf32>
        %parallel_loop3A_1089 = arith.addf %parallel_loop3A_1087, %parallel_loop3A_1088 : vector<16xf32>
        %parallel_loop3A_1090 = arith.index_cast %parallel_loop3A_137 : i32 to index
        %parallel_loop3A_1091 = arith.constant 816 : index
        %parallel_loop3A_1092 = tpu.vector_load %arg15[%parallel_loop3A_1090, %parallel_loop3A_1091] {strides = array<i32>} : memref<16x1024xf32, #tpu.memory_space<vmem>>, vector<1x16xf32>,
        %parallel_loop3A_1093 = vector.shape_cast %parallel_loop3A_1092 : vector<1x16xf32> to vector<16xf32>
        %parallel_loop3A_1094 = vector.shape_cast %parallel_loop3A_1089 : vector<16xf32> to vector<1x16xf32>
        tpu.vector_store %arg15[%parallel_loop3A_1090, %parallel_loop3A_1091], %parallel_loop3A_1094 {strides = array<i32>} : memref<16x1024xf32, #tpu.memory_space<vmem>>, vector<1x16xf32>,
        %parallel_loop3A_1095 = arith.index_cast %parallel_loop3A_137 : i32 to index
        %parallel_loop3A_1096 = arith.constant 832 : index
        %parallel_loop3A_1097 = tpu.vector_load %arg13[%parallel_loop3A_1095, %parallel_loop3A_1096] {strides = array<i32>} : memref<32x1024xf32, #tpu.memory_space<vmem>>, vector<1x16xf32>,
        %parallel_loop3A_1098 = vector.shape_cast %parallel_loop3A_1097 : vector<1x16xf32> to vector<16xf32>
        %parallel_loop3A_1099 = arith.constant 16 : i32
        %parallel_loop3A_1100 = arith.addi %parallel_loop3A_1099, %parallel_loop3A_137 : i32
        %parallel_loop3A_1101 = arith.index_cast %parallel_loop3A_1100 : i32 to index
        %parallel_loop3A_1102 = arith.constant 832 : index
        %parallel_loop3A_1103 = tpu.vector_load %arg13[%parallel_loop3A_1101, %parallel_loop3A_1102] {strides = array<i32>} : memref<32x1024xf32, #tpu.memory_space<vmem>>, vector<1x16xf32>,
        %parallel_loop3A_1104 = vector.shape_cast %parallel_loop3A_1103 : vector<1x16xf32> to vector<16xf32>
        %parallel_loop3A_1105 = arith.mulf %parallel_loop3A_1098, %parallel_loop3A_148 : vector<16xf32>
        %parallel_loop3A_1106 = arith.mulf %parallel_loop3A_1104, %parallel_loop3A_158 : vector<16xf32>
        %parallel_loop3A_1107 = arith.addf %parallel_loop3A_1105, %parallel_loop3A_1106 : vector<16xf32>
        %parallel_loop3A_1108 = arith.index_cast %parallel_loop3A_137 : i32 to index
        %parallel_loop3A_1109 = arith.constant 832 : index
        %parallel_loop3A_1110 = tpu.vector_load %arg15[%parallel_loop3A_1108, %parallel_loop3A_1109] {strides = array<i32>} : memref<16x1024xf32, #tpu.memory_space<vmem>>, vector<1x16xf32>,
        %parallel_loop3A_1111 = vector.shape_cast %parallel_loop3A_1110 : vector<1x16xf32> to vector<16xf32>
        %parallel_loop3A_1112 = vector.shape_cast %parallel_loop3A_1107 : vector<16xf32> to vector<1x16xf32>
        tpu.vector_store %arg15[%parallel_loop3A_1108, %parallel_loop3A_1109], %parallel_loop3A_1112 {strides = array<i32>} : memref<16x1024xf32, #tpu.memory_space<vmem>>, vector<1x16xf32>,
        %parallel_loop3A_1113 = arith.index_cast %parallel_loop3A_137 : i32 to index
        %parallel_loop3A_1114 = arith.constant 848 : index
        %parallel_loop3A_1115 = tpu.vector_load %arg13[%parallel_loop3A_1113, %parallel_loop3A_1114] {strides = array<i32>} : memref<32x1024xf32, #tpu.memory_space<vmem>>, vector<1x16xf32>,
        %parallel_loop3A_1116 = vector.shape_cast %parallel_loop3A_1115 : vector<1x16xf32> to vector<16xf32>
        %parallel_loop3A_1117 = arith.constant 16 : i32
        %parallel_loop3A_1118 = arith.addi %parallel_loop3A_1117, %parallel_loop3A_137 : i32
        %parallel_loop3A_1119 = arith.index_cast %parallel_loop3A_1118 : i32 to index
        %parallel_loop3A_1120 = arith.constant 848 : index
        %parallel_loop3A_1121 = tpu.vector_load %arg13[%parallel_loop3A_1119, %parallel_loop3A_1120] {strides = array<i32>} : memref<32x1024xf32, #tpu.memory_space<vmem>>, vector<1x16xf32>,
        %parallel_loop3A_1122 = vector.shape_cast %parallel_loop3A_1121 : vector<1x16xf32> to vector<16xf32>
        %parallel_loop3A_1123 = arith.mulf %parallel_loop3A_1116, %parallel_loop3A_148 : vector<16xf32>
        %parallel_loop3A_1124 = arith.mulf %parallel_loop3A_1122, %parallel_loop3A_158 : vector<16xf32>
        %parallel_loop3A_1125 = arith.addf %parallel_loop3A_1123, %parallel_loop3A_1124 : vector<16xf32>
        %parallel_loop3A_1126 = arith.index_cast %parallel_loop3A_137 : i32 to index
        %parallel_loop3A_1127 = arith.constant 848 : index
        %parallel_loop3A_1128 = tpu.vector_load %arg15[%parallel_loop3A_1126, %parallel_loop3A_1127] {strides = array<i32>} : memref<16x1024xf32, #tpu.memory_space<vmem>>, vector<1x16xf32>,
        %parallel_loop3A_1129 = vector.shape_cast %parallel_loop3A_1128 : vector<1x16xf32> to vector<16xf32>
        %parallel_loop3A_1130 = vector.shape_cast %parallel_loop3A_1125 : vector<16xf32> to vector<1x16xf32>
        tpu.vector_store %arg15[%parallel_loop3A_1126, %parallel_loop3A_1127], %parallel_loop3A_1130 {strides = array<i32>} : memref<16x1024xf32, #tpu.memory_space<vmem>>, vector<1x16xf32>,
        %parallel_loop3A_1131 = arith.index_cast %parallel_loop3A_137 : i32 to index
        %parallel_loop3A_1132 = arith.constant 864 : index
        %parallel_loop3A_1133 = tpu.vector_load %arg13[%parallel_loop3A_1131, %parallel_loop3A_1132] {strides = array<i32>} : memref<32x1024xf32, #tpu.memory_space<vmem>>, vector<1x16xf32>,
        %parallel_loop3A_1134 = vector.shape_cast %parallel_loop3A_1133 : vector<1x16xf32> to vector<16xf32>
        %parallel_loop3A_1135 = arith.constant 16 : i32
        %parallel_loop3A_1136 = arith.addi %parallel_loop3A_1135, %parallel_loop3A_137 : i32
        %parallel_loop3A_1137 = arith.index_cast %parallel_loop3A_1136 : i32 to index
        %parallel_loop3A_1138 = arith.constant 864 : index
        %parallel_loop3A_1139 = tpu.vector_load %arg13[%parallel_loop3A_1137, %parallel_loop3A_1138] {strides = array<i32>} : memref<32x1024xf32, #tpu.memory_space<vmem>>, vector<1x16xf32>,
        %parallel_loop3A_1140 = vector.shape_cast %parallel_loop3A_1139 : vector<1x16xf32> to vector<16xf32>
        %parallel_loop3A_1141 = arith.mulf %parallel_loop3A_1134, %parallel_loop3A_148 : vector<16xf32>
        %parallel_loop3A_1142 = arith.mulf %parallel_loop3A_1140, %parallel_loop3A_158 : vector<16xf32>
        %parallel_loop3A_1143 = arith.addf %parallel_loop3A_1141, %parallel_loop3A_1142 : vector<16xf32>
        %parallel_loop3A_1144 = arith.index_cast %parallel_loop3A_137 : i32 to index
        %parallel_loop3A_1145 = arith.constant 864 : index
        %parallel_loop3A_1146 = tpu.vector_load %arg15[%parallel_loop3A_1144, %parallel_loop3A_1145] {strides = array<i32>} : memref<16x1024xf32, #tpu.memory_space<vmem>>, vector<1x16xf32>,
        %parallel_loop3A_1147 = vector.shape_cast %parallel_loop3A_1146 : vector<1x16xf32> to vector<16xf32>
        %parallel_loop3A_1148 = vector.shape_cast %parallel_loop3A_1143 : vector<16xf32> to vector<1x16xf32>
        tpu.vector_store %arg15[%parallel_loop3A_1144, %parallel_loop3A_1145], %parallel_loop3A_1148 {strides = array<i32>} : memref<16x1024xf32, #tpu.memory_space<vmem>>, vector<1x16xf32>,
        %parallel_loop3A_1149 = arith.index_cast %parallel_loop3A_137 : i32 to index
        %parallel_loop3A_1150 = arith.constant 880 : index
        %parallel_loop3A_1151 = tpu.vector_load %arg13[%parallel_loop3A_1149, %parallel_loop3A_1150] {strides = array<i32>} : memref<32x1024xf32, #tpu.memory_space<vmem>>, vector<1x16xf32>,
        %parallel_loop3A_1152 = vector.shape_cast %parallel_loop3A_1151 : vector<1x16xf32> to vector<16xf32>
        %parallel_loop3A_1153 = arith.constant 16 : i32
        %parallel_loop3A_1154 = arith.addi %parallel_loop3A_1153, %parallel_loop3A_137 : i32
        %parallel_loop3A_1155 = arith.index_cast %parallel_loop3A_1154 : i32 to index
        %parallel_loop3A_1156 = arith.constant 880 : index
        %parallel_loop3A_1157 = tpu.vector_load %arg13[%parallel_loop3A_1155, %parallel_loop3A_1156] {strides = array<i32>} : memref<32x1024xf32, #tpu.memory_space<vmem>>, vector<1x16xf32>,
        %parallel_loop3A_1158 = vector.shape_cast %parallel_loop3A_1157 : vector<1x16xf32> to vector<16xf32>
        %parallel_loop3A_1159 = arith.mulf %parallel_loop3A_1152, %parallel_loop3A_148 : vector<16xf32>
        %parallel_loop3A_1160 = arith.mulf %parallel_loop3A_1158, %parallel_loop3A_158 : vector<16xf32>
        %parallel_loop3A_1161 = arith.addf %parallel_loop3A_1159, %parallel_loop3A_1160 : vector<16xf32>
        %parallel_loop3A_1162 = arith.index_cast %parallel_loop3A_137 : i32 to index
        %parallel_loop3A_1163 = arith.constant 880 : index
        %parallel_loop3A_1164 = tpu.vector_load %arg15[%parallel_loop3A_1162, %parallel_loop3A_1163] {strides = array<i32>} : memref<16x1024xf32, #tpu.memory_space<vmem>>, vector<1x16xf32>,
        %parallel_loop3A_1165 = vector.shape_cast %parallel_loop3A_1164 : vector<1x16xf32> to vector<16xf32>
        %parallel_loop3A_1166 = vector.shape_cast %parallel_loop3A_1161 : vector<16xf32> to vector<1x16xf32>
        tpu.vector_store %arg15[%parallel_loop3A_1162, %parallel_loop3A_1163], %parallel_loop3A_1166 {strides = array<i32>} : memref<16x1024xf32, #tpu.memory_space<vmem>>, vector<1x16xf32>,
        %parallel_loop3A_1167 = arith.index_cast %parallel_loop3A_137 : i32 to index
        %parallel_loop3A_1168 = arith.constant 896 : index
        %parallel_loop3A_1169 = tpu.vector_load %arg13[%parallel_loop3A_1167, %parallel_loop3A_1168] {strides = array<i32>} : memref<32x1024xf32, #tpu.memory_space<vmem>>, vector<1x16xf32>,
        %parallel_loop3A_1170 = vector.shape_cast %parallel_loop3A_1169 : vector<1x16xf32> to vector<16xf32>
        %parallel_loop3A_1171 = arith.constant 16 : i32
        %parallel_loop3A_1172 = arith.addi %parallel_loop3A_1171, %parallel_loop3A_137 : i32
        %parallel_loop3A_1173 = arith.index_cast %parallel_loop3A_1172 : i32 to index
        %parallel_loop3A_1174 = arith.constant 896 : index
        %parallel_loop3A_1175 = tpu.vector_load %arg13[%parallel_loop3A_1173, %parallel_loop3A_1174] {strides = array<i32>} : memref<32x1024xf32, #tpu.memory_space<vmem>>, vector<1x16xf32>,
        %parallel_loop3A_1176 = vector.shape_cast %parallel_loop3A_1175 : vector<1x16xf32> to vector<16xf32>
        %parallel_loop3A_1177 = arith.mulf %parallel_loop3A_1170, %parallel_loop3A_148 : vector<16xf32>
        %parallel_loop3A_1178 = arith.mulf %parallel_loop3A_1176, %parallel_loop3A_158 : vector<16xf32>
        %parallel_loop3A_1179 = arith.addf %parallel_loop3A_1177, %parallel_loop3A_1178 : vector<16xf32>
        %parallel_loop3A_1180 = arith.index_cast %parallel_loop3A_137 : i32 to index
        %parallel_loop3A_1181 = arith.constant 896 : index
        %parallel_loop3A_1182 = tpu.vector_load %arg15[%parallel_loop3A_1180, %parallel_loop3A_1181] {strides = array<i32>} : memref<16x1024xf32, #tpu.memory_space<vmem>>, vector<1x16xf32>,
        %parallel_loop3A_1183 = vector.shape_cast %parallel_loop3A_1182 : vector<1x16xf32> to vector<16xf32>
        %parallel_loop3A_1184 = vector.shape_cast %parallel_loop3A_1179 : vector<16xf32> to vector<1x16xf32>
        tpu.vector_store %arg15[%parallel_loop3A_1180, %parallel_loop3A_1181], %parallel_loop3A_1184 {strides = array<i32>} : memref<16x1024xf32, #tpu.memory_space<vmem>>, vector<1x16xf32>,
        %parallel_loop3A_1185 = arith.index_cast %parallel_loop3A_137 : i32 to index
        %parallel_loop3A_1186 = arith.constant 912 : index
        %parallel_loop3A_1187 = tpu.vector_load %arg13[%parallel_loop3A_1185, %parallel_loop3A_1186] {strides = array<i32>} : memref<32x1024xf32, #tpu.memory_space<vmem>>, vector<1x16xf32>,
        %parallel_loop3A_1188 = vector.shape_cast %parallel_loop3A_1187 : vector<1x16xf32> to vector<16xf32>
        %parallel_loop3A_1189 = arith.constant 16 : i32
        %parallel_loop3A_1190 = arith.addi %parallel_loop3A_1189, %parallel_loop3A_137 : i32
        %parallel_loop3A_1191 = arith.index_cast %parallel_loop3A_1190 : i32 to index
        %parallel_loop3A_1192 = arith.constant 912 : index
        %parallel_loop3A_1193 = tpu.vector_load %arg13[%parallel_loop3A_1191, %parallel_loop3A_1192] {strides = array<i32>} : memref<32x1024xf32, #tpu.memory_space<vmem>>, vector<1x16xf32>,
        %parallel_loop3A_1194 = vector.shape_cast %parallel_loop3A_1193 : vector<1x16xf32> to vector<16xf32>
        %parallel_loop3A_1195 = arith.mulf %parallel_loop3A_1188, %parallel_loop3A_148 : vector<16xf32>
        %parallel_loop3A_1196 = arith.mulf %parallel_loop3A_1194, %parallel_loop3A_158 : vector<16xf32>
        %parallel_loop3A_1197 = arith.addf %parallel_loop3A_1195, %parallel_loop3A_1196 : vector<16xf32>
        %parallel_loop3A_1198 = arith.index_cast %parallel_loop3A_137 : i32 to index
        %parallel_loop3A_1199 = arith.constant 912 : index
        %parallel_loop3A_1200 = tpu.vector_load %arg15[%parallel_loop3A_1198, %parallel_loop3A_1199] {strides = array<i32>} : memref<16x1024xf32, #tpu.memory_space<vmem>>, vector<1x16xf32>,
        %parallel_loop3A_1201 = vector.shape_cast %parallel_loop3A_1200 : vector<1x16xf32> to vector<16xf32>
        %parallel_loop3A_1202 = vector.shape_cast %parallel_loop3A_1197 : vector<16xf32> to vector<1x16xf32>
        tpu.vector_store %arg15[%parallel_loop3A_1198, %parallel_loop3A_1199], %parallel_loop3A_1202 {strides = array<i32>} : memref<16x1024xf32, #tpu.memory_space<vmem>>, vector<1x16xf32>,
        %parallel_loop3A_1203 = arith.index_cast %parallel_loop3A_137 : i32 to index
        %parallel_loop3A_1204 = arith.constant 928 : index
        %parallel_loop3A_1205 = tpu.vector_load %arg13[%parallel_loop3A_1203, %parallel_loop3A_1204] {strides = array<i32>} : memref<32x1024xf32, #tpu.memory_space<vmem>>, vector<1x16xf32>,
        %parallel_loop3A_1206 = vector.shape_cast %parallel_loop3A_1205 : vector<1x16xf32> to vector<16xf32>
        %parallel_loop3A_1207 = arith.constant 16 : i32
        %parallel_loop3A_1208 = arith.addi %parallel_loop3A_1207, %parallel_loop3A_137 : i32
        %parallel_loop3A_1209 = arith.index_cast %parallel_loop3A_1208 : i32 to index
        %parallel_loop3A_1210 = arith.constant 928 : index
        %parallel_loop3A_1211 = tpu.vector_load %arg13[%parallel_loop3A_1209, %parallel_loop3A_1210] {strides = array<i32>} : memref<32x1024xf32, #tpu.memory_space<vmem>>, vector<1x16xf32>,
        %parallel_loop3A_1212 = vector.shape_cast %parallel_loop3A_1211 : vector<1x16xf32> to vector<16xf32>
        %parallel_loop3A_1213 = arith.mulf %parallel_loop3A_1206, %parallel_loop3A_148 : vector<16xf32>
        %parallel_loop3A_1214 = arith.mulf %parallel_loop3A_1212, %parallel_loop3A_158 : vector<16xf32>
        %parallel_loop3A_1215 = arith.addf %parallel_loop3A_1213, %parallel_loop3A_1214 : vector<16xf32>
        %parallel_loop3A_1216 = arith.index_cast %parallel_loop3A_137 : i32 to index
        %parallel_loop3A_1217 = arith.constant 928 : index
        %parallel_loop3A_1218 = tpu.vector_load %arg15[%parallel_loop3A_1216, %parallel_loop3A_1217] {strides = array<i32>} : memref<16x1024xf32, #tpu.memory_space<vmem>>, vector<1x16xf32>,
        %parallel_loop3A_1219 = vector.shape_cast %parallel_loop3A_1218 : vector<1x16xf32> to vector<16xf32>
        %parallel_loop3A_1220 = vector.shape_cast %parallel_loop3A_1215 : vector<16xf32> to vector<1x16xf32>
        tpu.vector_store %arg15[%parallel_loop3A_1216, %parallel_loop3A_1217], %parallel_loop3A_1220 {strides = array<i32>} : memref<16x1024xf32, #tpu.memory_space<vmem>>, vector<1x16xf32>,
        %parallel_loop3A_1221 = arith.index_cast %parallel_loop3A_137 : i32 to index
        %parallel_loop3A_1222 = arith.constant 944 : index
        %parallel_loop3A_1223 = tpu.vector_load %arg13[%parallel_loop3A_1221, %parallel_loop3A_1222] {strides = array<i32>} : memref<32x1024xf32, #tpu.memory_space<vmem>>, vector<1x16xf32>,
        %parallel_loop3A_1224 = vector.shape_cast %parallel_loop3A_1223 : vector<1x16xf32> to vector<16xf32>
        %parallel_loop3A_1225 = arith.constant 16 : i32
        %parallel_loop3A_1226 = arith.addi %parallel_loop3A_1225, %parallel_loop3A_137 : i32
        %parallel_loop3A_1227 = arith.index_cast %parallel_loop3A_1226 : i32 to index
        %parallel_loop3A_1228 = arith.constant 944 : index
        %parallel_loop3A_1229 = tpu.vector_load %arg13[%parallel_loop3A_1227, %parallel_loop3A_1228] {strides = array<i32>} : memref<32x1024xf32, #tpu.memory_space<vmem>>, vector<1x16xf32>,
        %parallel_loop3A_1230 = vector.shape_cast %parallel_loop3A_1229 : vector<1x16xf32> to vector<16xf32>
        %parallel_loop3A_1231 = arith.mulf %parallel_loop3A_1224, %parallel_loop3A_148 : vector<16xf32>
        %parallel_loop3A_1232 = arith.mulf %parallel_loop3A_1230, %parallel_loop3A_158 : vector<16xf32>
        %parallel_loop3A_1233 = arith.addf %parallel_loop3A_1231, %parallel_loop3A_1232 : vector<16xf32>
        %parallel_loop3A_1234 = arith.index_cast %parallel_loop3A_137 : i32 to index
        %parallel_loop3A_1235 = arith.constant 944 : index
        %parallel_loop3A_1236 = tpu.vector_load %arg15[%parallel_loop3A_1234, %parallel_loop3A_1235] {strides = array<i32>} : memref<16x1024xf32, #tpu.memory_space<vmem>>, vector<1x16xf32>,
        %parallel_loop3A_1237 = vector.shape_cast %parallel_loop3A_1236 : vector<1x16xf32> to vector<16xf32>
        %parallel_loop3A_1238 = vector.shape_cast %parallel_loop3A_1233 : vector<16xf32> to vector<1x16xf32>
        tpu.vector_store %arg15[%parallel_loop3A_1234, %parallel_loop3A_1235], %parallel_loop3A_1238 {strides = array<i32>} : memref<16x1024xf32, #tpu.memory_space<vmem>>, vector<1x16xf32>,
        %parallel_loop3A_1239 = arith.index_cast %parallel_loop3A_137 : i32 to index
        %parallel_loop3A_1240 = arith.constant 960 : index
        %parallel_loop3A_1241 = tpu.vector_load %arg13[%parallel_loop3A_1239, %parallel_loop3A_1240] {strides = array<i32>} : memref<32x1024xf32, #tpu.memory_space<vmem>>, vector<1x16xf32>,
        %parallel_loop3A_1242 = vector.shape_cast %parallel_loop3A_1241 : vector<1x16xf32> to vector<16xf32>
        %parallel_loop3A_1243 = arith.constant 16 : i32
        %parallel_loop3A_1244 = arith.addi %parallel_loop3A_1243, %parallel_loop3A_137 : i32
        %parallel_loop3A_1245 = arith.index_cast %parallel_loop3A_1244 : i32 to index
        %parallel_loop3A_1246 = arith.constant 960 : index
        %parallel_loop3A_1247 = tpu.vector_load %arg13[%parallel_loop3A_1245, %parallel_loop3A_1246] {strides = array<i32>} : memref<32x1024xf32, #tpu.memory_space<vmem>>, vector<1x16xf32>,
        %parallel_loop3A_1248 = vector.shape_cast %parallel_loop3A_1247 : vector<1x16xf32> to vector<16xf32>
        %parallel_loop3A_1249 = arith.mulf %parallel_loop3A_1242, %parallel_loop3A_148 : vector<16xf32>
        %parallel_loop3A_1250 = arith.mulf %parallel_loop3A_1248, %parallel_loop3A_158 : vector<16xf32>
        %parallel_loop3A_1251 = arith.addf %parallel_loop3A_1249, %parallel_loop3A_1250 : vector<16xf32>
        %parallel_loop3A_1252 = arith.index_cast %parallel_loop3A_137 : i32 to index
        %parallel_loop3A_1253 = arith.constant 960 : index
        %parallel_loop3A_1254 = tpu.vector_load %arg15[%parallel_loop3A_1252, %parallel_loop3A_1253] {strides = array<i32>} : memref<16x1024xf32, #tpu.memory_space<vmem>>, vector<1x16xf32>,
        %parallel_loop3A_1255 = vector.shape_cast %parallel_loop3A_1254 : vector<1x16xf32> to vector<16xf32>
        %parallel_loop3A_1256 = vector.shape_cast %parallel_loop3A_1251 : vector<16xf32> to vector<1x16xf32>
        tpu.vector_store %arg15[%parallel_loop3A_1252, %parallel_loop3A_1253], %parallel_loop3A_1256 {strides = array<i32>} : memref<16x1024xf32, #tpu.memory_space<vmem>>, vector<1x16xf32>,
        %parallel_loop3A_1257 = arith.index_cast %parallel_loop3A_137 : i32 to index
        %parallel_loop3A_1258 = arith.constant 976 : index
        %parallel_loop3A_1259 = tpu.vector_load %arg13[%parallel_loop3A_1257, %parallel_loop3A_1258] {strides = array<i32>} : memref<32x1024xf32, #tpu.memory_space<vmem>>, vector<1x16xf32>,
        %parallel_loop3A_1260 = vector.shape_cast %parallel_loop3A_1259 : vector<1x16xf32> to vector<16xf32>
        %parallel_loop3A_1261 = arith.constant 16 : i32
        %parallel_loop3A_1262 = arith.addi %parallel_loop3A_1261, %parallel_loop3A_137 : i32
        %parallel_loop3A_1263 = arith.index_cast %parallel_loop3A_1262 : i32 to index
        %parallel_loop3A_1264 = arith.constant 976 : index
        %parallel_loop3A_1265 = tpu.vector_load %arg13[%parallel_loop3A_1263, %parallel_loop3A_1264] {strides = array<i32>} : memref<32x1024xf32, #tpu.memory_space<vmem>>, vector<1x16xf32>,
        %parallel_loop3A_1266 = vector.shape_cast %parallel_loop3A_1265 : vector<1x16xf32> to vector<16xf32>
        %parallel_loop3A_1267 = arith.mulf %parallel_loop3A_1260, %parallel_loop3A_148 : vector<16xf32>
        %parallel_loop3A_1268 = arith.mulf %parallel_loop3A_1266, %parallel_loop3A_158 : vector<16xf32>
        %parallel_loop3A_1269 = arith.addf %parallel_loop3A_1267, %parallel_loop3A_1268 : vector<16xf32>
        %parallel_loop3A_1270 = arith.index_cast %parallel_loop3A_137 : i32 to index
        %parallel_loop3A_1271 = arith.constant 976 : index
        %parallel_loop3A_1272 = tpu.vector_load %arg15[%parallel_loop3A_1270, %parallel_loop3A_1271] {strides = array<i32>} : memref<16x1024xf32, #tpu.memory_space<vmem>>, vector<1x16xf32>,
        %parallel_loop3A_1273 = vector.shape_cast %parallel_loop3A_1272 : vector<1x16xf32> to vector<16xf32>
        %parallel_loop3A_1274 = vector.shape_cast %parallel_loop3A_1269 : vector<16xf32> to vector<1x16xf32>
        tpu.vector_store %arg15[%parallel_loop3A_1270, %parallel_loop3A_1271], %parallel_loop3A_1274 {strides = array<i32>} : memref<16x1024xf32, #tpu.memory_space<vmem>>, vector<1x16xf32>,
        %parallel_loop3A_1275 = arith.index_cast %parallel_loop3A_137 : i32 to index
        %parallel_loop3A_1276 = arith.constant 992 : index
        %parallel_loop3A_1277 = tpu.vector_load %arg13[%parallel_loop3A_1275, %parallel_loop3A_1276] {strides = array<i32>} : memref<32x1024xf32, #tpu.memory_space<vmem>>, vector<1x16xf32>,
        %parallel_loop3A_1278 = vector.shape_cast %parallel_loop3A_1277 : vector<1x16xf32> to vector<16xf32>
        %parallel_loop3A_1279 = arith.constant 16 : i32
        %parallel_loop3A_1280 = arith.addi %parallel_loop3A_1279, %parallel_loop3A_137 : i32
        %parallel_loop3A_1281 = arith.index_cast %parallel_loop3A_1280 : i32 to index
        %parallel_loop3A_1282 = arith.constant 992 : index
        %parallel_loop3A_1283 = tpu.vector_load %arg13[%parallel_loop3A_1281, %parallel_loop3A_1282] {strides = array<i32>} : memref<32x1024xf32, #tpu.memory_space<vmem>>, vector<1x16xf32>,
        %parallel_loop3A_1284 = vector.shape_cast %parallel_loop3A_1283 : vector<1x16xf32> to vector<16xf32>
        %parallel_loop3A_1285 = arith.mulf %parallel_loop3A_1278, %parallel_loop3A_148 : vector<16xf32>
        %parallel_loop3A_1286 = arith.mulf %parallel_loop3A_1284, %parallel_loop3A_158 : vector<16xf32>
        %parallel_loop3A_1287 = arith.addf %parallel_loop3A_1285, %parallel_loop3A_1286 : vector<16xf32>
        %parallel_loop3A_1288 = arith.index_cast %parallel_loop3A_137 : i32 to index
        %parallel_loop3A_1289 = arith.constant 992 : index
        %parallel_loop3A_1290 = tpu.vector_load %arg15[%parallel_loop3A_1288, %parallel_loop3A_1289] {strides = array<i32>} : memref<16x1024xf32, #tpu.memory_space<vmem>>, vector<1x16xf32>,
        %parallel_loop3A_1291 = vector.shape_cast %parallel_loop3A_1290 : vector<1x16xf32> to vector<16xf32>
        %parallel_loop3A_1292 = vector.shape_cast %parallel_loop3A_1287 : vector<16xf32> to vector<1x16xf32>
        tpu.vector_store %arg15[%parallel_loop3A_1288, %parallel_loop3A_1289], %parallel_loop3A_1292 {strides = array<i32>} : memref<16x1024xf32, #tpu.memory_space<vmem>>, vector<1x16xf32>,
        %parallel_loop3A_1293 = arith.index_cast %parallel_loop3A_137 : i32 to index
        %parallel_loop3A_1294 = arith.constant 1008 : index
        %parallel_loop3A_1295 = tpu.vector_load %arg13[%parallel_loop3A_1293, %parallel_loop3A_1294] {strides = array<i32>} : memref<32x1024xf32, #tpu.memory_space<vmem>>, vector<1x16xf32>,
        %parallel_loop3A_1296 = vector.shape_cast %parallel_loop3A_1295 : vector<1x16xf32> to vector<16xf32>
        %parallel_loop3A_1297 = arith.constant 16 : i32
        %parallel_loop3A_1298 = arith.addi %parallel_loop3A_1297, %parallel_loop3A_137 : i32
        %parallel_loop3A_1299 = arith.index_cast %parallel_loop3A_1298 : i32 to index
        %parallel_loop3A_1300 = arith.constant 1008 : index
        %parallel_loop3A_1301 = tpu.vector_load %arg13[%parallel_loop3A_1299, %parallel_loop3A_1300] {strides = array<i32>} : memref<32x1024xf32, #tpu.memory_space<vmem>>, vector<1x16xf32>,
        %parallel_loop3A_1302 = vector.shape_cast %parallel_loop3A_1301 : vector<1x16xf32> to vector<16xf32>
        %parallel_loop3A_1303 = arith.mulf %parallel_loop3A_1296, %parallel_loop3A_148 : vector<16xf32>
        %parallel_loop3A_1304 = arith.mulf %parallel_loop3A_1302, %parallel_loop3A_158 : vector<16xf32>
        %parallel_loop3A_1305 = arith.addf %parallel_loop3A_1303, %parallel_loop3A_1304 : vector<16xf32>
        %parallel_loop3A_1306 = arith.index_cast %parallel_loop3A_137 : i32 to index
        %parallel_loop3A_1307 = arith.constant 1008 : index
        %parallel_loop3A_1308 = tpu.vector_load %arg15[%parallel_loop3A_1306, %parallel_loop3A_1307] {strides = array<i32>} : memref<16x1024xf32, #tpu.memory_space<vmem>>, vector<1x16xf32>,
        %parallel_loop3A_1309 = vector.shape_cast %parallel_loop3A_1308 : vector<1x16xf32> to vector<16xf32>
        %parallel_loop3A_1310 = vector.shape_cast %parallel_loop3A_1305 : vector<16xf32> to vector<1x16xf32>
        tpu.vector_store %arg15[%parallel_loop3A_1306, %parallel_loop3A_1307], %parallel_loop3A_1310 {strides = array<i32>} : memref<16x1024xf32, #tpu.memory_space<vmem>>, vector<1x16xf32>,
      } {sc.loop_unroll_factor = 4 : i64, sc.parallel_access}
      %mul3A_130 = arith.constant 16 : i32
      %mul3A_131 = arith.muli %add3A_98, %mul3A_130 : i32
      %add3A_132 = arith.addi %mul3A_2, %mul3A_131 : i32
      %dma_start3A_133 = arith.constant 0 : i32
      %dma_start3A_134 = tpu.memref_slice %arg7[%add3A_132, %dma_start3A_133] : memref<8192x1024xf32, #tpu.memory_space<hbm>> -> memref<16x1024xf32, #tpu.memory_space<hbm>>
      %dma_start3A_135 = arith.constant 0 : i32
      %dma_start3A_136 = tpu.memref_slice %arg7[%add3A_132, %dma_start3A_135] : memref<8192x1024xf32, #tpu.memory_space<hbm>> -> memref<16x1024xf32, #tpu.memory_space<hbm>>
      tpu.enqueue_dma source(%arg15 : memref<16x1024xf32, #tpu.memory_space<vmem>>) target(%dma_start3A_136 : memref<16x1024xf32, #tpu.memory_space<hbm>>) target_semaphore(%arg20 : memref<!tpu.dma_semaphore, #tpu.memory_space<semaphore_mem>>)
    }
    %scan3A_45 = arith.constant 8 : i32
    %dma_wait3A_46 = arith.constant 0 : i32
    %dma_wait3A_47 = arith.constant 0 : i32
    %dma_wait3A_48 = tpu.memref_slice %arg7[%dma_wait3A_46, %dma_wait3A_47] : memref<8192x1024xf32, #tpu.memory_space<hbm>> -> memref<16x1024xf32, #tpu.memory_space<hbm>>
    %dma_wait3A_49 = arith.constant 0 : i32
    %dma_wait3A_50 = arith.constant 0 : i32
    %dma_wait3A_51 = tpu.memref_slice %arg7[%dma_wait3A_49, %dma_wait3A_50] : memref<8192x1024xf32, #tpu.memory_space<hbm>> -> memref<16x1024xf32, #tpu.memory_space<hbm>>
    tpu.wait_dma2 semaphore(%arg19 : memref<!tpu.dma_semaphore, #tpu.memory_space<semaphore_mem>>) src(%arg14 : memref<16x1024xf32, #tpu.memory_space<vmem>>) dst(%dma_wait3A_51 : memref<16x1024xf32, #tpu.memory_space<hbm>>)
    %dma_wait3A_52 = arith.constant 0 : i32
    %dma_wait3A_53 = arith.constant 0 : i32
    %dma_wait3A_54 = tpu.memref_slice %arg7[%dma_wait3A_52, %dma_wait3A_53] : memref<8192x1024xf32, #tpu.memory_space<hbm>> -> memref<16x1024xf32, #tpu.memory_space<hbm>>
    %dma_wait3A_55 = arith.constant 0 : i32
    %dma_wait3A_56 = arith.constant 0 : i32
    %dma_wait3A_57 = tpu.memref_slice %arg7[%dma_wait3A_55, %dma_wait3A_56] : memref<8192x1024xf32, #tpu.memory_space<hbm>> -> memref<16x1024xf32, #tpu.memory_space<hbm>>
    tpu.wait_dma2 semaphore(%arg20 : memref<!tpu.dma_semaphore, #tpu.memory_space<semaphore_mem>>) src(%arg15 : memref<16x1024xf32, #tpu.memory_space<vmem>>) dst(%dma_wait3A_57 : memref<16x1024xf32, #tpu.memory_space<hbm>>)
    return
  }
}

module attributes {stable_mosaic.version = 14 : i64} {
  func.func @_gate_body(%arg0: i32, %arg1: memref<2048x1024xf32, #tpu.memory_space<vmem>>, %arg2: memref<1024x4xf32, #tpu.memory_space<vmem>>, %arg3: memref<1x4xf32, #tpu.memory_space<vmem>>, %arg4: memref<1x2048xi32, #tpu.memory_space<vmem>>, %arg5: memref<1x2048xi32, #tpu.memory_space<vmem>>, %arg6: memref<1x2048xf32, #tpu.memory_space<vmem>>, %arg7: memref<1x2048xf32, #tpu.memory_space<vmem>>) attributes {dimension_semantics = [#tpu.dimension_semantics<arbitrary>], iteration_bounds = array<i64: 4>, scalar_prefetch = 0 : i64, scratch_operands = 0 : i64, tpu.core_type = #tpu.core_type<tc>, window_params = [{transform_indices = @transform_0, window_bounds = array<i64: 2048, 1024>}, {pipeline_mode = #tpu.pipeline_mode<synchronous>, transform_indices = @transform_1, window_bounds = array<i64: 1024, 4>}, {pipeline_mode = #tpu.pipeline_mode<synchronous>, transform_indices = @transform_2, window_bounds = array<i64: 1, 4>}, {transform_indices = @transform_3, window_bounds = array<i64: 1, 2048>}, {transform_indices = @transform_4, window_bounds = array<i64: 1, 2048>}, {transform_indices = @transform_5, window_bounds = array<i64: 1, 2048>}, {transform_indices = @transform_6, window_bounds = array<i64: 1, 2048>}]} {
    %get3A = arith.constant 0 : index
    %get3A_0 = arith.constant 0 : index
    %get3A_1 = vector.load %arg1[%get3A, %get3A_0] : memref<2048x1024xf32, #tpu.memory_space<vmem>>, vector<2048x1024xf32>
    %get3A_2 = arith.constant 0 : index
    %get3A_3 = arith.constant 0 : index
    %get3A_4 = vector.load %arg2[%get3A_2, %get3A_3] : memref<1024x4xf32, #tpu.memory_space<vmem>>, vector<1024x4xf32>
    %dot_general3A = arith.constant dense<0.000000e+00> : vector<2048x4xf32>
    %dot_general3A_5 = tpu.matmul %get3A_1, %get3A_4, %dot_general3A {dimension_numbers = #tpu.dot_dimension_numbers<[1], [0], [0], [1], [0, 0, 1, 1], [], []>, transpose_lhs_hint = false} : vector<2048x1024xf32>, vector<1024x4xf32>, vector<2048x4xf32> -> vector<2048x4xf32>
    %get3A_6 = arith.constant 0 : index
    %get3A_7 = arith.constant 0 : index
    %get3A_8 = vector.load %arg3[%get3A_6, %get3A_7] : memref<1x4xf32, #tpu.memory_space<vmem>>, vector<1x4xf32>
    %add3A = vector.broadcast %get3A_8 : vector<1x4xf32> to vector<2048x4xf32>
    %add3A_9 = arith.addf %dot_general3A_5, %add3A : vector<2048x4xf32>
    %transpose3A = tpu.transpose %add3A_9, [1, 0] : vector<2048x4xf32> -> vector<4x2048xf32>
    %slice3A = vector.extract_strided_slice %transpose3A {offsets = [0, 0], sizes = [1, 2048], strides = [1, 1]} : vector<4x2048xf32> to vector<1x2048xf32>
    %slice3A_10 = vector.extract_strided_slice %transpose3A {offsets = [1, 0], sizes = [1, 2048], strides = [1, 1]} : vector<4x2048xf32> to vector<1x2048xf32>
    %slice3A_11 = vector.extract_strided_slice %transpose3A {offsets = [2, 0], sizes = [1, 2048], strides = [1, 1]} : vector<4x2048xf32> to vector<1x2048xf32>
    %slice3A_12 = vector.extract_strided_slice %transpose3A {offsets = [3, 0], sizes = [1, 2048], strides = [1, 1]} : vector<4x2048xf32> to vector<1x2048xf32>
    %gt3A = arith.cmpf ogt, %slice3A_10, %slice3A : vector<1x2048xf32>
    %select_n3A = arith.select %gt3A, %slice3A_10, %slice3A : vector<1x2048xi1>, vector<1x2048xf32>
    %jit3A = arith.constant 1 : i32
    %jit3A_13 = arith.constant 0 : i32
    %broadcast_in_dim3A = vector.broadcast %jit3A : i32 to vector<1x2048xi32>
    %broadcast_in_dim3A_14 = vector.broadcast %jit3A_13 : i32 to vector<1x2048xi32>
    %select_n3A_15 = arith.select %gt3A, %broadcast_in_dim3A, %broadcast_in_dim3A_14 : vector<1x2048xi1>, vector<1x2048xi32>
    %select_n3A_16 = arith.select %gt3A, %slice3A, %slice3A_10 : vector<1x2048xi1>, vector<1x2048xf32>
    %jit3A_17 = arith.constant 0 : i32
    %jit3A_18 = arith.constant 1 : i32
    %broadcast_in_dim3A_19 = vector.broadcast %jit3A_17 : i32 to vector<1x2048xi32>
    %broadcast_in_dim3A_20 = vector.broadcast %jit3A_18 : i32 to vector<1x2048xi32>
    %select_n3A_21 = arith.select %gt3A, %broadcast_in_dim3A_19, %broadcast_in_dim3A_20 : vector<1x2048xi1>, vector<1x2048xi32>
    %gt3A_22 = arith.cmpf ogt, %slice3A_12, %slice3A_11 : vector<1x2048xf32>
    %select_n3A_23 = arith.select %gt3A_22, %slice3A_12, %slice3A_11 : vector<1x2048xi1>, vector<1x2048xf32>
    %jit3A_24 = arith.constant 3 : i32
    %jit3A_25 = arith.constant 2 : i32
    %broadcast_in_dim3A_26 = vector.broadcast %jit3A_24 : i32 to vector<1x2048xi32>
    %broadcast_in_dim3A_27 = vector.broadcast %jit3A_25 : i32 to vector<1x2048xi32>
    %select_n3A_28 = arith.select %gt3A_22, %broadcast_in_dim3A_26, %broadcast_in_dim3A_27 : vector<1x2048xi1>, vector<1x2048xi32>
    %select_n3A_29 = arith.select %gt3A_22, %slice3A_11, %slice3A_12 : vector<1x2048xi1>, vector<1x2048xf32>
    %jit3A_30 = arith.constant 2 : i32
    %jit3A_31 = arith.constant 3 : i32
    %broadcast_in_dim3A_32 = vector.broadcast %jit3A_30 : i32 to vector<1x2048xi32>
    %broadcast_in_dim3A_33 = vector.broadcast %jit3A_31 : i32 to vector<1x2048xi32>
    %select_n3A_34 = arith.select %gt3A_22, %broadcast_in_dim3A_32, %broadcast_in_dim3A_33 : vector<1x2048xi1>, vector<1x2048xi32>
    %gt3A_35 = arith.cmpf ogt, %select_n3A_23, %select_n3A : vector<1x2048xf32>
    %select_n3A_36 = arith.select %gt3A_35, %select_n3A_23, %select_n3A : vector<1x2048xi1>, vector<1x2048xf32>
    %select_n3A_37 = arith.select %gt3A_35, %select_n3A_28, %select_n3A_15 : vector<1x2048xi1>, vector<1x2048xi32>
    %gt3A_38 = arith.cmpf ogt, %select_n3A_29, %select_n3A : vector<1x2048xf32>
    %select_n3A_39 = arith.select %gt3A_38, %select_n3A_29, %select_n3A : vector<1x2048xi1>, vector<1x2048xf32>
    %select_n3A_40 = arith.select %gt3A_38, %select_n3A_34, %select_n3A_15 : vector<1x2048xi1>, vector<1x2048xi32>
    %gt3A_41 = arith.cmpf ogt, %select_n3A_23, %select_n3A_16 : vector<1x2048xf32>
    %select_n3A_42 = arith.select %gt3A_41, %select_n3A_23, %select_n3A_16 : vector<1x2048xi1>, vector<1x2048xf32>
    %select_n3A_43 = arith.select %gt3A_41, %select_n3A_28, %select_n3A_21 : vector<1x2048xi1>, vector<1x2048xi32>
    %select_n3A_44 = arith.select %gt3A_35, %select_n3A_39, %select_n3A_42 : vector<1x2048xi1>, vector<1x2048xf32>
    %select_n3A_45 = arith.select %gt3A_35, %select_n3A_40, %select_n3A_43 : vector<1x2048xi1>, vector<1x2048xi32>
    %sub3A = arith.subf %select_n3A_44, %select_n3A_36 : vector<1x2048xf32>
    %exp3A = math.exp %sub3A : vector<1x2048xf32>
    %add3A_46 = arith.constant 1.000000e+00 : f32
    %add3A_47 = vector.broadcast %add3A_46 : f32 to vector<1x2048xf32>
    %add3A_48 = arith.addf %add3A_47, %exp3A : vector<1x2048xf32>
    %mul3A = arith.constant 2048 : i32
    %mul3A_49 = arith.muli %arg0, %mul3A : i32
    %iota3A = tpu.iota {dimensions = array<i32: 1>} : vector<1x2048xi32>
    %add3A_50 = vector.broadcast %mul3A_49 : i32 to vector<1x2048xi32>
    %add3A_51 = arith.addi %add3A_50, %iota3A : vector<1x2048xi32>
    %mul3A_52 = arith.constant 8192 : i32
    %mul3A_53 = vector.broadcast %mul3A_52 : i32 to vector<1x2048xi32>
    %mul3A_54 = arith.muli %select_n3A_37, %mul3A_53 : vector<1x2048xi32>
    %add3A_55 = arith.addi %mul3A_54, %add3A_51 : vector<1x2048xi32>
    %swap3A = arith.constant 0 : index
    %swap3A_56 = arith.constant 0 : index
    %swap3A_57 = vector.load %arg4[%swap3A, %swap3A_56] : memref<1x2048xi32, #tpu.memory_space<vmem>>, vector<1x2048xi32>
    tpu.vector_store %arg4[%swap3A, %swap3A_56], %add3A_55 {strides = array<i32>} : memref<1x2048xi32, #tpu.memory_space<vmem>>, vector<1x2048xi32>,
    %mul3A_58 = arith.constant 8192 : i32
    %mul3A_59 = vector.broadcast %mul3A_58 : i32 to vector<1x2048xi32>
    %mul3A_60 = arith.muli %select_n3A_45, %mul3A_59 : vector<1x2048xi32>
    %add3A_61 = arith.addi %mul3A_60, %add3A_51 : vector<1x2048xi32>
    %swap3A_62 = arith.constant 0 : index
    %swap3A_63 = arith.constant 0 : index
    %swap3A_64 = vector.load %arg5[%swap3A_62, %swap3A_63] : memref<1x2048xi32, #tpu.memory_space<vmem>>, vector<1x2048xi32>
    tpu.vector_store %arg5[%swap3A_62, %swap3A_63], %add3A_61 {strides = array<i32>} : memref<1x2048xi32, #tpu.memory_space<vmem>>, vector<1x2048xi32>,
    %div3A = arith.constant 1.000000e+00 : f32
    %div3A_65 = vector.broadcast %div3A : f32 to vector<1x2048xf32>
    %div3A_66 = arith.divf %div3A_65, %add3A_48 : vector<1x2048xf32>
    %swap3A_67 = arith.constant 0 : index
    %swap3A_68 = arith.constant 0 : index
    %swap3A_69 = vector.load %arg6[%swap3A_67, %swap3A_68] : memref<1x2048xf32, #tpu.memory_space<vmem>>, vector<1x2048xf32>
    tpu.vector_store %arg6[%swap3A_67, %swap3A_68], %div3A_66 {strides = array<i32>} : memref<1x2048xf32, #tpu.memory_space<vmem>>, vector<1x2048xf32>,
    %div3A_70 = arith.divf %exp3A, %add3A_48 : vector<1x2048xf32>
    %swap3A_71 = arith.constant 0 : index
    %swap3A_72 = arith.constant 0 : index
    %swap3A_73 = vector.load %arg7[%swap3A_71, %swap3A_72] : memref<1x2048xf32, #tpu.memory_space<vmem>>, vector<1x2048xf32>
    tpu.vector_store %arg7[%swap3A_71, %swap3A_72], %div3A_70 {strides = array<i32>} : memref<1x2048xf32, #tpu.memory_space<vmem>>, vector<1x2048xf32>,
    return
  }
  func.func @transform_0(%arg0: i32) -> (i32, i32) {
    %c0_i32 = arith.constant 0 : i32
    %c0_i32_0 = arith.constant 0 : i32
    return %arg0, %c0_i32 : i32, i32
  }
  func.func @transform_1(%arg0: i32) -> (i32, i32) {
    %c0_i32 = arith.constant 0 : i32
    %c0_i32_0 = arith.constant 0 : i32
    %c0_i32_1 = arith.constant 0 : i32
    return %c0_i32, %c0_i32_0 : i32, i32
  }
  func.func @transform_2(%arg0: i32) -> (i32, i32) {
    %c0_i32 = arith.constant 0 : i32
    %c0_i32_0 = arith.constant 0 : i32
    %c0_i32_1 = arith.constant 0 : i32
    return %c0_i32, %c0_i32_0 : i32, i32
  }
  func.func @transform_3(%arg0: i32) -> (i32, i32) {
    %c0_i32 = arith.constant 0 : i32
    %c0_i32_0 = arith.constant 0 : i32
    return %c0_i32, %arg0 : i32, i32
  }
  func.func @transform_4(%arg0: i32) -> (i32, i32) {
    %c0_i32 = arith.constant 0 : i32
    %c0_i32_0 = arith.constant 0 : i32
    return %c0_i32, %arg0 : i32, i32
  }
  func.func @transform_5(%arg0: i32) -> (i32, i32) {
    %c0_i32 = arith.constant 0 : i32
    %c0_i32_0 = arith.constant 0 : i32
    return %c0_i32, %arg0 : i32, i32
  }
  func.func @transform_6(%arg0: i32) -> (i32, i32) {
    %c0_i32 = arith.constant 0 : i32
    %c0_i32_0 = arith.constant 0 : i32
    return %c0_i32, %arg0 : i32, i32
  }
}

</mosaic_0001>

<sc_bundles>
// kernel: kernel.4.cloned.1.call-start
scs
__scs_entry_jumppad:
0x0: {  	(pc) =	sbr.rel $0x88, $3  }
0x1: {  	(tag) =	ssettag $0x0;
	lr =	simm.s32 $0x1  }
0x2: {  	[smem:$0x3F9D] =	sst lr;
	_ =	strace $0xD0000000  }
0x3: {  	_ = 	snop  }
0x4: {  	_ = 	snop  }
0x5: {  	_ = 	snop  }
0x6: {  	_ = 	snop  }
0x7: {  	_ = 	snop  }
__scs_overlays_trampoline_lowered:
0x8: {  	[smem:$0x3FAC] =	sst s0  }
0x9: {  	[smem:$0x3FAD] =	sst s1  }
0xa: {  	[smem:$0x3FAE] =	sst s2  }
0xb: {  	[smem:$0x3FAF] =	sst s3  }
0xc: {  	[smem:$0x3FB0] =	sst s4  }
0xd: {  	[smem:$0x3FB1] =	sst s5  }
0xe: {  	[smem:$0x3FB2] =	sst s6  }
0xf: {  	[smem:$0x3FB3] =	sst s7  }
0x10: {  	[smem:$0x3FB4] =	sst s8  }
0x11: {  	[smem:$0x3FB5] =	sst s9;
	s0 =	simm.s32 @!p0 $0x0  }
0x12: {  	s1 =	sld [smem:$0x3F9B];
	s0 =	simm.s32 @p0 $0x1  }
0x13: {  	[smem:$0x3FB6] =	sst s0;
	s0 =	simm.s32 @!p1 $0x0  }
0x14: {  	s2 =	sld [smem:$0x3F9A];
	s0 =	simm.s32 @p1 $0x1  }
0x15: {  	[smem:$0x3FB7] =	sst s0;
	s0 =	simm.s32 @!p2 $0x0  }
0x16: {  	s3 =	sld [smem:$0x3FDB];
	s0 =	simm.s32 @p2 $0x1  }
0x17: {  	s4 =	simm.s32 $0x1BF5;
	[smem:$0x3FB9] =	sst s0  }
0x18: {  	s0 =	sld [smem:$0x3F9C];
	_ =	swait.ge [sflag:s4], $0x0  }
0x19: {  	s7 =	sld [smem:$0x3F9D]  }
0x1a: {  	s8 =	sadd.s32 $0xFFFFE003, lr  }
0x1b: {  	s9 =	sadd.s32 $0xFFFFFEF7, lr;
	s5 =	simm.s32 $0xFFFFFFFF;
	p2 =	slt.u32 s8, $0xFFFFF086  }
0x1c: {  	p1 =	slt.u32 s9, $0xF7A;
	s5 =	simm.s32 @!p2 $0x0  }
0x1d: {  	s5 =	simm.s32 @p1 $0x1;
	p0 =	seq.s32 s7, s2  }
0x1e: {  	s7 =	smul.u32 @!p0 $0xF7A, s2;
	p2 =	seq.s32 @!p0 s5, $0x0  }
0x1f: {  	s9 =	smul.u32 $0xF7A, s1;
	s8 =	simm.s32 @!p0 $0x1BF5;
	p2 =	por !p2, p0  }
0x20: {  	[sflag:s8] =	ssyncset.s32 @!p0 $0xFFFFF086;
	s6 =	sadd.s32 @!p0 s3, s7;
	s7 =	simm.s32 @!p0 $0x108  }
0x21: {  	s3 =	sadd.s32 s3, s9;
	s6 =	sadd.s32 @!p0 $0x88, s6;
	s7 =	simm.s32 @p2 $0x1082  }
0x22: {  	[simem:s7], [sflag:s8] =	dma.local @!p0 [hbm:s6], $0xF7A  }
0x23: {  	s9 =	sor.u32 $0xD0000000, s2;
	s6 =	simm.s32 $0x108;
	_ =	swait.ge @!p0 [sflag:s8], $0x0  }
0x24: {  	s3 =	sadd.s32 $0x88, s3;
	s6 =	simm.s32 @!p1 $0x1082;
	[sflag:s4] =	ssyncset.s32 $0xFFFFF086  }
0x25: {  	[simem:s6], [sflag:s4] =	dma.local [hbm:s3], $0xF7A  }
0x26: {  	[smem:$0x3F9D] =	sst s1;
	(tag) =	ssettag s2;
	_ =	strace s9  }
0x27: {  	s1 =	sld [smem:$0x3FAD]  }
0x28: {  	s2 =	sld [smem:$0x3FAE]  }
0x29: {  	s4 =	sld [smem:$0x3FB0]  }
0x2a: {  	p0 =	seq.s32 s5, $0x0;
	s5 =	sld [smem:$0x3FB1]  }
0x2b: {  	s6 =	sld [smem:$0x3FB2]  }
0x2c: {  	s7 =	sld [smem:$0x3FB3]  }
0x2d: {  	s3 =	simm.s32 $0x108;
	s8 =	sld [smem:$0x3FB4]  }
0x2e: {  	s3 =	simm.s32 @!p0 $0x1082;
	s9 =	sld [smem:$0x3FB5]  }
0x2f: {  	lr =	sadd.s32 s0, s3;
	s0 =	sld [smem:$0x3FAC]  }
0x30: {  	s3 =	sld [smem:$0x3FAF]  }
0x31: {  	[smem:$0x3FB8] =	sst s10  }
0x32: {  	s10 =	sld [smem:$0x3FB6];
	_ =	sdelay $0x3  }
0x33: {  	p0 =	seq.s32 s10, $0x1;
	s10 =	sld [smem:$0x3FB8];
	_ =	sdelay $0x3  }
0x34: {  	[smem:$0x3FB8] =	sst s10  }
0x35: {  	s10 =	sld [smem:$0x3FB7];
	_ =	sdelay $0x3  }
0x36: {  	p1 =	seq.s32 s10, $0x1;
	s10 =	sld [smem:$0x3FB8];
	_ =	sdelay $0x3  }
0x37: {  	[smem:$0x3FB8] =	sst s10  }
0x38: {  	s10 =	sld [smem:$0x3FB9]  }
0x39: {  	_ = 	snop;
	(pc) =	sbr.ind lr, $3  }
0x3a: {  	_ = 	snop  }
0x3b: {  	_ = 	snop  }
0x3c: {  	p2 =	seq.s32 s10, $0x1;
	s10 =	sld [smem:$0x3FB8]  }
0x3d: {  	_ =	shalt  }
0x3e: {  	_ =	shalt  }
0x3f: {  	_ =	shalt  }
0x40: {  	_ =	shalt  }
0x41: {  	_ =	shalt  }
0x42: {  	_ =	shalt  }
0x43: {  	_ =	shalt  }
0x44: {  	_ =	shalt  }
0x45: {  	_ =	shalt  }
0x46: {  	_ =	shalt  }
0x47: {  	_ =	shalt  }
0x48: {  	_ =	shalt  }
0x49: {  	_ =	shalt  }
0x4a: {  	_ =	shalt  }
0x4b: {  	_ =	shalt  }
0x4c: {  	_ =	shalt  }
0x4d: {  	_ =	shalt  }
0x4e: {  	_ =	shalt  }
0x4f: {  	_ =	shalt  }
0x50: {  	_ =	shalt  }
0x51: {  	_ =	shalt  }
0x52: {  	_ =	shalt  }
0x53: {  	_ =	shalt  }
0x54: {  	_ =	shalt  }
0x55: {  	_ =	shalt  }
0x56: {  	_ =	shalt  }
0x57: {  	_ =	shalt  }
0x58: {  	_ =	shalt  }
0x59: {  	_ =	shalt  }
0x5a: {  	_ =	shalt  }
0x5b: {  	_ =	shalt  }
0x5c: {  	_ =	shalt  }
0x5d: {  	_ =	shalt  }
0x5e: {  	_ =	shalt  }
0x5f: {  	_ =	shalt  }
0x60: {  	_ =	shalt  }
0x61: {  	_ =	shalt  }
0x62: {  	_ =	shalt  }
0x63: {  	_ =	shalt  }
0x64: {  	_ =	shalt  }
0x65: {  	_ =	shalt  }
0x66: {  	_ =	shalt  }
0x67: {  	_ =	shalt  }
0x68: {  	_ =	shalt  }
0x69: {  	_ =	shalt  }
0x6a: {  	_ =	shalt  }
0x6b: {  	_ =	shalt  }
0x6c: {  	_ =	shalt  }
0x6d: {  	_ =	shalt  }
0x6e: {  	_ =	shalt  }
0x6f: {  	_ =	shalt  }
0x70: {  	_ =	shalt  }
0x71: {  	_ =	shalt  }
0x72: {  	_ =	shalt  }
0x73: {  	_ =	shalt  }
0x74: {  	_ =	shalt  }
0x75: {  	_ =	shalt  }
0x76: {  	_ =	shalt  }
0x77: {  	_ =	shalt  }
0x78: {  	_ =	shalt  }
0x79: {  	_ =	shalt  }
0x7a: {  	_ =	shalt  }
0x7b: {  	_ =	shalt  }
0x7c: {  	_ =	shalt  }
0x7d: {  	_ =	shalt  }
0x7e: {  	_ =	shalt  }
0x7f: {  	_ =	shalt  }
0x80: {  	_ =	shalt  }
0x81: {  	_ =	shalt  }
0x82: {  	_ =	shalt  }
0x83: {  	_ =	shalt  }
0x84: {  	_ =	shalt  }
0x85: {  	_ =	shalt  }
0x86: {  	_ =	shalt  }
0x87: {  	_ =	shalt  }
.Lfunc_end0:
.L_simem_size_0:
called_computation_lowered:
.L_overlay_start_0:
0x88: {  	s2 =	sld [smem:$0x3FD9]  }
0x89: {  	s3 =	sld [smem:$0x3FFE];
	_ =	sdelay $0x1  }
0x8a: {  	s1 =	srdreg.scid  }
0x8b: {  	s0 =	sand.u32 $0x1, s1  }
0x8c: {  	s17 =	sshll.u32 s0, $0xA;
	s2 =	sadd.s32 s3, s2  }
0x8d: {  	s2 =	sadd.s32 s2, s17  }
0x8e: {  	[smem:$0x3FC4] =	sst s2  }
0x8f: {  	_ = 	snop  }
0x90: {  	s2 =	sld [smem:$0x3FC8]  }
0x91: {  	s18 =	sld [smem:$0x3FD0];
	(tm) =	ssettm $0x1  }
0x92: {  	s4 =	sld [smem:$0x3FFB];
	_ =	sdelay $0x3  }
0x93: {  	_ =	strace s4  }
0x94: {  	s4 =	sld [smem:$0x3FFC];
	_ =	sdelay $0x3  }
0x95: {  	_ =	strace s4  }
0x96: {  	s4 =	sld [smem:$0x3FFD];
	_ =	sdelay $0x3  }
0x97: {  	_ =	strace s4  }
0x98: {  	_ =	strace $0x8FFFFFFF  }
0x99: {  	s19 =	sld [smem:$0x3FDB];
	_ =	sdelay $0x1  }
0x9a: {  	s5 =	simm.s32 $_scs_section_size  }
0x9b: {  	s6 =	simm.s32 $_size__tile_overlayer_lowered;
	s7 =	simm.s32 $_tile_overlayer_lowered  }
0x9c: {  	s22 =	simm.s32 $0x1BFF;
	s21 =	sshll.u32 s7, $0x1;
	s4 =	sadd.s32 s5, s19  }
0x9d: {  	s8 =	simm.s32 $0x0;
	s20 =	sshll.u32 s6, $0x1;
	s6 =	sadd.s32 s21, s4  }
0x9e: {  	[timem:s8], [sflag:s22] =	dma.local [hbm:s6], s20  }
0x9f: {  	_ =	swait.ge [sflag:s22], s20  }
0xa0: {  	s5 =	ssub.s32 $0x0, s20;
	[sflag:s22] =	ssyncset.done $0x0  }
0xa1: {  	[sflag:s22] =	ssyncadd.s32 s5;
	_ =	sdelay $0x1  }
0xa2: {  	s23 =	simm.s32 $0x1B8B  }
0xa3: {  	_ =	swait.ge [sflag:s23], $0x1  }
0xa4: {  	[sflag:s23] =	ssyncset.done $0x0  }
0xa5: {  	s25 =	simm.s32 $0x1B8E;
	s24 =	sld [smem:$0x3FFE];
	[sflag:s23] =	ssyncadd.s32 $0xFFFFFFFF  }
0xa6: {  	s26 =	simm.s32 $execute0_lowered;
	[smem:$0x3FD2] =	sst s25  }
0xa7: {  	s6 =	sshll.u32 s26, $0x1;
	_ =	strace $0x80000046;
	[dreg:$0x1] =	wrdreg $0xFFFFFFFF  }
0xa8: {  	s28 =	simm.s32 $_size_execute0_lowered;
	s4 =	sadd.s32 s4, s6;
	[dreg:$0x0] =	wrdreg $0x0  }
0xa9: {  	s6 =	sshll.u32 s28, $0x1;
	[dreg:$0x2] =	wrdreg s4  }
0xaa: {  	[dreg:$0x3] =	wrdreg s6  }
0xab: {  	[dreg:$0x4] =	wrdreg $0xC0  }
0xac: {  	_ =	task [dreg:s8], $0x5FFFF  }
0xad: {  	[dreg:$0x1] =	wrdreg $0xFFFFFFFF  }
0xae: {  	[dreg:$0x0] =	wrdreg $0x60  }
0xaf: {  	[dreg:$0x2] =	wrdreg s2  }
0xb0: {  	[dreg:$0x3] =	wrdreg s24  }
0xb1: {  	[dreg:$0x4] =	wrdreg s18  }
0xb2: {  	[dreg:$0x5] =	wrdreg $0x9  }
0xb3: {  	_ =	task.clear_ibuf [dreg:s8], $0x6FFFF;
	_ =	strace $0x90000046  }
0xb4: {  	s29 =	simm.s32 $0x9;
	_ =	strace $0x80000048  }
0xb5: {  	_ =	swait.ge [sflag:s29], $0x1  }
0xb6: {  	[sflag:s29] =	ssyncadd.s32 $0xFFFFFFFF  }
0xb7: {  	_ =	strace $0x90000048  }
0xb8: {  	_ =	sfence  }
0xb9: {  	s30 =	sld [smem:$0x0];
	_ =	sdelay $0x2  }
0xba: {  	s31 =	sshll.u32 s1, $0xD;
	s1 =	sshrl.u32 s1, $0x2  }
0xbb: {  	s3 =	sand.u32 $0x4000, s31;
	s1 =	sadd.s32 s1, s30  }
0xbc: {  	s0 =	sor.u32 s3, s0;
	s1 =	sshll.u32 s1, $0x11  }
0xbd: {  	s0 =	sor.u32 s1, s0  }
0xbe: {  	s0 =	sadd.s32 $0x8F2B, s0  }
0xbf: {  	[sflag:s0] =	ssyncadd.remote.s32 $0x1  }
0xc0: {  	_ =	sfence.sel $0xFFFF  }
0xc1: {  	[dreg:$0x0] =	wrdreg $0xFFFFFFFF;
	(pc) =	sbr.abs _section_cstart, $3  }
0xc2: {  	[dreg:$0x1] =	wrdreg $0xFFFFFFFF  }
0xc3: {  	_ =	task.clear_ibuf [dreg:s8], $0x2FFFF;
	_ =	strace $0x9FFFFFFF  }
0xc4: {  	(tm) =	ssettm $0x7FFFFFFF  }
0xc5: {  	_ =	shalt  }
tec
execute0_lowered:
.L_overlay_start_1:
0x0: {  	(tag) =	ssettag $0x1  }
0x1: {  	s2 =	rddreg [dreg:$0x0]  }
0x2: {  	s0 =	rddreg [dreg:$0x1]  }
0x3: {  	s1 =	srdreg.scid;
	s3 =	rddreg [dreg:$0x2]  }
0x4: {  	s4 =	stileid.u32;
	s29 =	simm.s32 $0x3;
	s1 =	sand.u32 $0x1, s1  }
0x5: {  	s5 =	sshll.u32 s4, $0x9;
	s6 =	sshll.u32 s1, $0x8;
	s1 =	ssub.s32 $0x2, s1  }
0x6: {  	s30 =	simm.s32 $0x5;
	s5 =	sor.u32 s6, s5;
	s7 =	sshrl.u32 s1, $0x1  }
0x7: {  	s4 =	simm.s32 $0x0;
	s6 =	sshrl.u32 s5, $0x3;
	s1 =	ssub.s32 s1, s7  }
0x8: {  	[smem:$0x7FF] =	sst s4;
	s0 =	sadd.s32 s6, s0;
	s31 =	smax.u32 s1, $0x1  }
0x9: {  	_ =	strace $0x80000047;
	s6 =	sadd.s32 $0x1000, s0;
	[dreg:$0x8] =	wrdreg s31  }
0xa: {  	s10 =	sadd.s32 $0x100, s2;
	s26 =	sadd.s32 $0x1400, s0;
	[dreg:$0x4] =	wrdreg s6  }
0xb: {  	v2 =	vlaneseq.u32;
	s11 =	sadd.s32 $0x200, s2;
	s28 =	sadd.s32 $0x1800, s0;
	[dreg:$0x5] =	wrdreg s26  }
0xc: {  	vm0 =	vmmov $0xffff;
	s12 =	sadd.s32 $0x300, s2;
	v1 =	vshrl.u32 v2, $0x3;
	s0 =	sadd.s32 $0x1C00, s0;
	[dreg:$0x6] =	wrdreg s28  }
0xd: {  	v0 =	vand.u32 $0x7, v2;
	v2 =	vor.u32 $0x8, v2;
	v1 =	vmul.u32 $0x8, v1;
	s1 =	simm.s32 $0x0;
	[dreg:$0x7] =	wrdreg s0;
	s26 =	simm.s32 $0x2  }
.LBB2_1:
0xe: {  	[dreg:$0x9] =	wrdreg s1  }
0xf: {  	s0 =	rddreg [dreg:$0x4]  }
0x10: {  	[tilespmem:s4], [sflag:$0x1] =	stream.linear.gather [hbm4b:s0+s4], $0x100, $0x38;
	[tilespmem:$0x18400] =	vst v63  }
0x11: {  	s24 =	rddreg [dreg:$0x5];
	s25 =	simm.s32 $0x100  }
0x12: {  	[tilespmem:s25], [sflag:$0x1] =	stream.linear.gather [hbm4b:s24+s4], $0x100, $0x38;
	[tilespmem:$0x18400] =	vst v63  }
0x13: {  	s28 =	rddreg [dreg:$0x6];
	s31 =	simm.s32 $0x200  }
0x14: {  	[tilespmem:s31], [sflag:$0x1] =	stream.linear.gather [hbm4b:s28+s4], $0x100, $0x38;
	[tilespmem:$0x18400] =	vst v63  }
0x15: {  	s6 =	rddreg [dreg:$0x7];
	s7 =	simm.s32 $0x300;
	s8 =	simm.s32 $0x1  }
0x16: {  	[tilespmem:s7], [sflag:$0x1] =	stream.linear.gather [hbm4b:s6+s4], $0x100, $0x38;
	[tilespmem:$0x18400] =	vst v63  }
0x17: {  	_ =	swait.ge [sflag:s8], $0x100  }
0x18: {  	[sflag:s8] =	ssyncset.done $0x0  }
0x19: {  	[sflag:s8] =	ssyncadd.s32 $0xFFFFFF00  }
0x1a: {  	_ =	swait.ge [sflag:s8], $0x100  }
0x1b: {  	[sflag:s8] =	ssyncset.done $0x0  }
0x1c: {  	[sflag:s8] =	ssyncadd.s32 $0xFFFFFF00  }
0x1d: {  	v3 =	vld [tilespmem:$0x0];
	_ =	sdelay $0x4  }
0x1e: {  	v4 =	vshll.u32 v3, $0x3  }
0x1f: {  	v3 =	vand.u32 $0x7, v3;
	v4 =	vand.u32 $0xFFFFFFC0, v4  }
0x20: {  	v3 =	vor.u32 v3, v4  }
0x21: {  	v4 =	vperm.xlane v3, v0;
	_ =	sdelay $0x1  }
0x22: {  	v4 =	vadd.s32 v1, v4;
	_ =	sdelay $0x3  }
0x23: {  	s9 =	simm.s32 $0x400  }
0x24: {  	[tilespmem:s9], [sflag:$0x2] =	stream.indirect_vreg.gather [hbm4b:s2+s4], $0x80, v4, vm0, $0xb8;
	[tilespmem:$0x18400] =	vst v63  }
0x25: {  	s13 =	simm.s32 $0xC00;
	v3 =	vperm.xlane v3, v2  }
0x26: {  	[tilespmem:s13], [sflag:$0x2] =	stream.indirect_vreg.gather [hbm4b:s10+s4], $0x80, v4, vm0, $0xb8;
	[tilespmem:$0x18400] =	vst v63  }
0x27: {  	s14 =	simm.s32 $0x1400;
	v3 =	vadd.s32 v1, v3  }
0x28: {  	[tilespmem:s14], [sflag:$0x2] =	stream.indirect_vreg.gather [hbm4b:s11+s4], $0x80, v4, vm0, $0xb8;
	[tilespmem:$0x18400] =	vst v63  }
0x29: {  	s15 =	simm.s32 $0x1C00  }
0x2a: {  	[tilespmem:s15], [sflag:$0x2] =	stream.indirect_vreg.gather [hbm4b:s12+s4], $0x80, v4, vm0, $0xb8;
	[tilespmem:$0x18400] =	vst v63  }
0x2b: {  	s16 =	simm.s32 $0x2400  }
0x2c: {  	[tilespmem:s16], [sflag:$0x2] =	stream.indirect_vreg.gather [hbm4b:s2+s4], $0x80, v3, vm0, $0xb8;
	[tilespmem:$0x18400] =	vst v63  }
0x2d: {  	s17 =	simm.s32 $0x2C00  }
0x2e: {  	[tilespmem:s17], [sflag:$0x2] =	stream.indirect_vreg.gather [hbm4b:s10+s4], $0x80, v3, vm0, $0xb8;
	[tilespmem:$0x18400] =	vst v63  }
0x2f: {  	s18 =	simm.s32 $0x3400  }
0x30: {  	[tilespmem:s18], [sflag:$0x2] =	stream.indirect_vreg.gather [hbm4b:s11+s4], $0x80, v3, vm0, $0xb8;
	[tilespmem:$0x18400] =	vst v63  }
0x31: {  	s19 =	simm.s32 $0x3C00  }
0x32: {  	[tilespmem:s19], [sflag:$0x2] =	stream.indirect_vreg.gather [hbm4b:s12+s4], $0x80, v3, vm0, $0xb8;
	[tilespmem:$0x18400] =	vst v63  }
0x33: {  	v3 =	vld [tilespmem:$0x100];
	_ =	sdelay $0x4  }
0x34: {  	v63 =	vshll.u32 v3, $0x3  }
0x35: {  	v3 =	vand.u32 $0x7, v3;
	v4 =	vand.u32 $0xFFFFFFC0, v63  }
0x36: {  	v3 =	vor.u32 v3, v4  }
0x37: {  	v4 =	vperm.xlane v3, v0;
	_ =	sdelay $0x1  }
0x38: {  	v4 =	vadd.s32 v1, v4;
	_ =	sdelay $0x3  }
0x39: {  	s20 =	simm.s32 $0x4400  }
0x3a: {  	[tilespmem:s20], [sflag:$0x2] =	stream.indirect_vreg.gather [hbm4b:s2+s4], $0x80, v4, vm0, $0xb8;
	[tilespmem:$0x18400] =	vst v63  }
0x3b: {  	s21 =	simm.s32 $0x4C00;
	v3 =	vperm.xlane v3, v2  }
0x3c: {  	[tilespmem:s21], [sflag:$0x2] =	stream.indirect_vreg.gather [hbm4b:s10+s4], $0x80, v4, vm0, $0xb8;
	[tilespmem:$0x18400] =	vst v63  }
0x3d: {  	s22 =	simm.s32 $0x5400;
	v3 =	vadd.s32 v1, v3  }
0x3e: {  	[tilespmem:s22], [sflag:$0x2] =	stream.indirect_vreg.gather [hbm4b:s11+s4], $0x80, v4, vm0, $0xb8;
	[tilespmem:$0x18400] =	vst v63  }
0x3f: {  	s23 =	simm.s32 $0x5C00  }
0x40: {  	[tilespmem:s23], [sflag:$0x2] =	stream.indirect_vreg.gather [hbm4b:s12+s4], $0x80, v4, vm0, $0xb8;
	[tilespmem:$0x18400] =	vst v63  }
0x41: {  	s24 =	simm.s32 $0x6400  }
0x42: {  	[tilespmem:s24], [sflag:$0x2] =	stream.indirect_vreg.gather [hbm4b:s2+s4], $0x80, v3, vm0, $0xb8;
	[tilespmem:$0x18400] =	vst v63  }
0x43: {  	s25 =	simm.s32 $0x6C00  }
0x44: {  	[tilespmem:s25], [sflag:$0x2] =	stream.indirect_vreg.gather [hbm4b:s10+s4], $0x80, v3, vm0, $0xb8;
	[tilespmem:$0x18400] =	vst v63  }
0x45: {  	s28 =	simm.s32 $0x7400  }
0x46: {  	[tilespmem:s28], [sflag:$0x2] =	stream.indirect_vreg.gather [hbm4b:s11+s4], $0x80, v3, vm0, $0xb8;
	[tilespmem:$0x18400] =	vst v63  }
0x47: {  	s31 =	simm.s32 $0x7C00  }
0x48: {  	[tilespmem:s31], [sflag:$0x2] =	stream.indirect_vreg.gather [hbm4b:s12+s4], $0x80, v3, vm0, $0xb8;
	[tilespmem:$0x18400] =	vst v63  }
0x49: {  	_ =	swait.ge [sflag:s8], $0x100  }
0x4a: {  	[sflag:s8] =	ssyncset.done $0x0  }
0x4b: {  	[sflag:s8] =	ssyncadd.s32 $0xFFFFFF00  }
0x4c: {  	_ =	swait.ge [sflag:s8], $0x100  }
0x4d: {  	[sflag:s8] =	ssyncset.done $0x0  }
0x4e: {  	s0 =	simm.s32 $0x0;
	[sflag:s8] =	ssyncadd.s32 $0xFFFFFF00  }
.LBB2_2:
0x4f: {  	s14 =	sshll.u32 s0, $0x5  }
0x50: {  	v3 =	vld [tilespmem:s14+$0x10];
	_ =	sdelay $0x4  }
0x51: {  	v4 =	vshll.u32 v3, $0x3  }
0x52: {  	v3 =	vand.u32 $0x7, v3;
	v4 =	vand.u32 $0xFFFFFFC0, v4  }
0x53: {  	v3 =	vor.u32 v3, v4  }
0x54: {  	v4 =	vperm.xlane v3, v0;
	_ =	sdelay $0x1  }
0x55: {  	v4 =	vadd.s32 v1, v4;
	_ =	sdelay $0x3  }
0x56: {  	s1 =	simm.s32 $0x8400  }
0x57: {  	[tilespmem:s1], [sflag:$0x3] =	stream.indirect_vreg.gather [hbm4b:s2+s4], $0x80, v4, vm0, $0xb8;
	[tilespmem:$0x18400] =	vst v63  }
0x58: {  	s9 =	simm.s32 $0x8C00;
	v3 =	vperm.xlane v3, v2  }
0x59: {  	[tilespmem:s9], [sflag:$0x3] =	stream.indirect_vreg.gather [hbm4b:s10+s4], $0x80, v4, vm0, $0xb8;
	[tilespmem:$0x18400] =	vst v63  }
0x5a: {  	s13 =	simm.s32 $0x9400;
	v3 =	vadd.s32 v1, v3  }
0x5b: {  	[tilespmem:s13], [sflag:$0x3] =	stream.indirect_vreg.gather [hbm4b:s11+s4], $0x80, v4, vm0, $0xb8;
	[tilespmem:$0x18400] =	vst v63  }
0x5c: {  	s15 =	simm.s32 $0x9C00  }
0x5d: {  	[tilespmem:s15], [sflag:$0x3] =	stream.indirect_vreg.gather [hbm4b:s12+s4], $0x80, v4, vm0, $0xb8;
	[tilespmem:$0x18400] =	vst v63  }
0x5e: {  	s16 =	simm.s32 $0xA400  }
0x5f: {  	[tilespmem:s16], [sflag:$0x3] =	stream.indirect_vreg.gather [hbm4b:s2+s4], $0x80, v3, vm0, $0xb8;
	[tilespmem:$0x18400] =	vst v63  }
0x60: {  	s17 =	simm.s32 $0xAC00  }
0x61: {  	[tilespmem:s17], [sflag:$0x3] =	stream.indirect_vreg.gather [hbm4b:s10+s4], $0x80, v3, vm0, $0xb8;
	[tilespmem:$0x18400] =	vst v63  }
0x62: {  	s18 =	simm.s32 $0xB400  }
0x63: {  	[tilespmem:s18], [sflag:$0x3] =	stream.indirect_vreg.gather [hbm4b:s11+s4], $0x80, v3, vm0, $0xb8;
	[tilespmem:$0x18400] =	vst v63  }
0x64: {  	s19 =	simm.s32 $0xBC00  }
0x65: {  	[tilespmem:s19], [sflag:$0x3] =	stream.indirect_vreg.gather [hbm4b:s12+s4], $0x80, v3, vm0, $0xb8;
	[tilespmem:$0x18400] =	vst v63  }
0x66: {  	v3 =	vld [tilespmem:s14+$0x110];
	_ =	sdelay $0x4  }
0x67: {  	v4 =	vshll.u32 v3, $0x3  }
0x68: {  	v3 =	vand.u32 $0x7, v3;
	v4 =	vand.u32 $0xFFFFFFC0, v4  }
0x69: {  	v3 =	vor.u32 v3, v4  }
0x6a: {  	v4 =	vperm.xlane v3, v0;
	_ =	sdelay $0x1  }
0x6b: {  	v4 =	vadd.s32 v1, v4;
	_ =	sdelay $0x3  }
0x6c: {  	s20 =	simm.s32 $0xC400  }
0x6d: {  	[tilespmem:s20], [sflag:$0x3] =	stream.indirect_vreg.gather [hbm4b:s2+s4], $0x80, v4, vm0, $0xb8;
	[tilespmem:$0x18400] =	vst v63  }
0x6e: {  	s21 =	simm.s32 $0xCC00;
	v3 =	vperm.xlane v3, v2  }
0x6f: {  	[tilespmem:s21], [sflag:$0x3] =	stream.indirect_vreg.gather [hbm4b:s10+s4], $0x80, v4, vm0, $0xb8;
	[tilespmem:$0x18400] =	vst v63  }
0x70: {  	s22 =	simm.s32 $0xD400;
	v3 =	vadd.s32 v1, v3  }
0x71: {  	[tilespmem:s22], [sflag:$0x3] =	stream.indirect_vreg.gather [hbm4b:s11+s4], $0x80, v4, vm0, $0xb8;
	[tilespmem:$0x18400] =	vst v63  }
0x72: {  	s23 =	simm.s32 $0xDC00  }
0x73: {  	[tilespmem:s23], [sflag:$0x3] =	stream.indirect_vreg.gather [hbm4b:s12+s4], $0x80, v4, vm0, $0xb8;
	[tilespmem:$0x18400] =	vst v63  }
0x74: {  	s24 =	simm.s32 $0xE400  }
0x75: {  	[tilespmem:s24], [sflag:$0x3] =	stream.indirect_vreg.gather [hbm4b:s2+s4], $0x80, v3, vm0, $0xb8;
	[tilespmem:$0x18400] =	vst v63  }
0x76: {  	s25 =	simm.s32 $0xEC00  }
0x77: {  	[tilespmem:s25], [sflag:$0x3] =	stream.indirect_vreg.gather [hbm4b:s10+s4], $0x80, v3, vm0, $0xb8;
	[tilespmem:$0x18400] =	vst v63  }
0x78: {  	s28 =	simm.s32 $0xF400  }
0x79: {  	[tilespmem:s28], [sflag:$0x3] =	stream.indirect_vreg.gather [hbm4b:s11+s4], $0x80, v3, vm0, $0xb8;
	[tilespmem:$0x18400] =	vst v63  }
0x7a: {  	s31 =	simm.s32 $0xFC00  }
0x7b: {  	[tilespmem:s31], [sflag:$0x3] =	stream.indirect_vreg.gather [hbm4b:s12+s4], $0x80, v3, vm0, $0xb8;
	[tilespmem:$0x18400] =	vst v63  }
0x7c: {  	_ =	swait.ge [sflag:s26], $0x8000  }
0x7d: {  	p0 =	seq.s32 s0, $0x0;
	[sflag:s26] =	ssyncset.done $0x0  }
0x7e: {  	s6 =	simm.s32 @!p0 $0x4;
	[sflag:s26] =	ssyncadd.s32 $0xFFFF8000  }
0x7f: {  	_ =	swait.ge @!p0 [sflag:s6], $0x4000  }
0x80: {  	[sflag:s6] =	ssyncset.done @!p0 $0x0  }
0x81: {  	p1 =	por $0x0, $0x0;
	s7 =	simm.s32 $0x0;
	[sflag:s6] =	ssyncadd.s32 @!p0 $0xFFFFC000  }
0x82: {  	s8 =	simm.s32 $0x0;
	s1 =	sor.u32 $0x10, s14;
	s9 =	simm.s32 $0x0;
	v3 =	vld [tilespmem:s14+$0x200]  }
0x83: {  	s15 =	simm.s32 $0x0;
	s16 =	simm.s32 $0x0;
	s6 =	simm.s32 $0x0;
	v4 =	vld [tilespmem:s14+$0x300]  }
.LBB2_3:
0x84: {  	s17 =	sand.u32 $0x2000, s7;
	s13 =	sand.u32 $0x200, s8  }
0x85: {  	s13 =	sor.u32 s13, s17  }
0x86: {  	v5 =	vld [tilespmem:s13+$0x400]  }
0x87: {  	v6 =	vld [tilespmem:s13+$0x4400]  }
0x88: {  	v9 =	vld [tilespmem:s13+$0x410]  }
0x89: {  	v10 =	vld [tilespmem:s13+$0x4410]  }
0x8a: {  	v11 =	vld [tilespmem:s13+$0x420]  }
0x8b: {  	v12 =	vld [tilespmem:s13+$0x4420]  }
0x8c: {  	v13 =	vld [tilespmem:s13+$0x430]  }
0x8d: {  	v7 =	vmov s9;
	v14 =	vld [tilespmem:s13+$0x4430]  }
0x8e: {  	v7 =	vand.u32 $0xF, v7;
	v15 =	vld [tilespmem:s13+$0x440]  }
0x8f: {  	v8 =	vbroadcast v7, $0x0;
	v16 =	vld [tilespmem:s13+$0x4440]  }
0x90: {  	v17 =	vld [tilespmem:s13+$0x450]  }
0x91: {  	v18 =	vld [tilespmem:s13+$0x4450];
	v7 =	vperm.xlane v3, v8;
	v8 =	vperm.xlane v4, v8  }
0x92: {  	v19 =	vld [tilespmem:s13+$0x460]  }
0x93: {  	v20 =	vld [tilespmem:s13+$0x4460];
	v5 =	vmul.f32 v5, v7;
	v6 =	vmul.f32 v6, v8  }
0x94: {  	v21 =	vld [tilespmem:s13+$0x470];
	v9 =	vmul.f32 v9, v7;
	v10 =	vmul.f32 v10, v8  }
0x95: {  	v60 =	vld [tilespmem:s13+$0x4470];
	v59 =	vmul.f32 v12, v8;
	v5 =	vadd.f32 v6, v5;
	v6 =	vmul.f32 v11, v7  }
0x96: {  	v61 =	vmul.f32 v13, v7;
	v62 =	vmul.f32 v14, v8;
	v9 =	vadd.f32 v10, v9  }
0x97: {  	v63 =	vmul.f32 v16, v8;
	[tilespmem:s13+$0x10400] =	vst v5;
	v5 =	vadd.f32 v59, v6;
	v6 =	vmul.f32 v15, v7  }
0x98: {  	v22 =	vmul.f32 v17, v7;
	v23 =	vmul.f32 v18, v8;
	v16 =	vadd.f32 v62, v61;
	[tilespmem:s13+$0x10410] =	vst v9  }
0x99: {  	v24 =	vmul.f32 v20, v8;
	[tilespmem:s13+$0x10420] =	vst v5;
	v5 =	vadd.f32 v63, v6;
	v6 =	vmul.f32 v19, v7  }
0x9a: {  	v26 =	vmul.f32 v21, v7;
	v12 =	vmul.f32 v60, v8;
	v25 =	vadd.f32 v23, v22;
	[tilespmem:s13+$0x10430] =	vst v16  }
0x9b: {  	[tilespmem:s13+$0x10440] =	vst v5;
	v5 =	vadd.f32 v24, v6  }
0x9c: {  	s18 =	sand.u32 $0xFFFFE000, s7;
	[tilespmem:s13+$0x10450] =	vst v25;
	v6 =	vadd.f32 v12, v26  }
0x9d: {  	s18 =	sadd.s32 s18, s8;
	[tilespmem:s13+$0x10460] =	vst v5  }
0x9e: {  	s19 =	sor.u32 $0x4400, s18;
	[tilespmem:s13+$0x10470] =	vst v6;
	v5 =	vld [tilespmem:s13+$0x800]  }
0x9f: {  	v6 =	vld [tilespmem:s19+$0x400];
	_ =	sdelay $0x4  }
0xa0: {  	v5 =	vmul.f32 v5, v7;
	v6 =	vmul.f32 v6, v8;
	_ =	sdelay $0x1  }
0xa1: {  	v5 =	vadd.f32 v6, v5;
	_ =	sdelay $0x1  }
0xa2: {  	[tilespmem:s13+$0x10800] =	vst v5;
	v5 =	vld [tilespmem:s13+$0x810]  }
0xa3: {  	v6 =	vld [tilespmem:s19+$0x410];
	_ =	sdelay $0x4  }
0xa4: {  	v5 =	vmul.f32 v5, v7;
	v6 =	vmul.f32 v6, v8;
	_ =	sdelay $0x1  }
0xa5: {  	v5 =	vadd.f32 v6, v5;
	_ =	sdelay $0x1  }
0xa6: {  	[tilespmem:s13+$0x10810] =	vst v5;
	v5 =	vld [tilespmem:s13+$0x820]  }
0xa7: {  	v6 =	vld [tilespmem:s19+$0x420];
	_ =	sdelay $0x4  }
0xa8: {  	v5 =	vmul.f32 v5, v7;
	v6 =	vmul.f32 v6, v8;
	_ =	sdelay $0x1  }
0xa9: {  	v5 =	vadd.f32 v6, v5;
	_ =	sdelay $0x1  }
0xaa: {  	[tilespmem:s13+$0x10820] =	vst v5;
	v5 =	vld [tilespmem:s13+$0x830]  }
0xab: {  	v6 =	vld [tilespmem:s19+$0x430];
	_ =	sdelay $0x4  }
0xac: {  	v5 =	vmul.f32 v5, v7;
	v6 =	vmul.f32 v6, v8;
	_ =	sdelay $0x1  }
0xad: {  	v5 =	vadd.f32 v6, v5;
	_ =	sdelay $0x1  }
0xae: {  	[tilespmem:s13+$0x10830] =	vst v5;
	v5 =	vld [tilespmem:s13+$0x840]  }
0xaf: {  	v6 =	vld [tilespmem:s19+$0x440];
	_ =	sdelay $0x4  }
0xb0: {  	v5 =	vmul.f32 v5, v7;
	v6 =	vmul.f32 v6, v8;
	_ =	sdelay $0x1  }
0xb1: {  	v5 =	vadd.f32 v6, v5;
	_ =	sdelay $0x1  }
0xb2: {  	[tilespmem:s13+$0x10840] =	vst v5;
	v5 =	vld [tilespmem:s13+$0x850]  }
0xb3: {  	v6 =	vld [tilespmem:s19+$0x450];
	_ =	sdelay $0x4  }
0xb4: {  	v5 =	vmul.f32 v5, v7;
	v6 =	vmul.f32 v6, v8;
	_ =	sdelay $0x1  }
0xb5: {  	v5 =	vadd.f32 v6, v5;
	_ =	sdelay $0x1  }
0xb6: {  	[tilespmem:s13+$0x10850] =	vst v5;
	v5 =	vld [tilespmem:s13+$0x860]  }
0xb7: {  	v6 =	vld [tilespmem:s19+$0x460]  }
0xb8: {  	v27 =	vld [tilespmem:s13+$0xC00]  }
0xb9: {  	v28 =	vld [tilespmem:s13+$0x4C00]  }
0xba: {  	v29 =	vld [tilespmem:s13+$0xC10]  }
0xbb: {  	v30 =	vld [tilespmem:s13+$0x4C10]  }
0xbc: {  	v31 =	vld [tilespmem:s13+$0xC20];
	v5 =	vmul.f32 v5, v7;
	v6 =	vmul.f32 v6, v8  }
0xbd: {  	v32 =	vld [tilespmem:s13+$0x4C20]  }
0xbe: {  	v33 =	vld [tilespmem:s13+$0xC30];
	v5 =	vadd.f32 v6, v5  }
0xbf: {  	v34 =	vld [tilespmem:s13+$0x4C30]  }
0xc0: {  	[tilespmem:s13+$0x10860] =	vst v5;
	v5 =	vld [tilespmem:s13+$0x870]  }
0xc1: {  	v6 =	vld [tilespmem:s19+$0x470]  }
0xc2: {  	v35 =	vld [tilespmem:s13+$0xC40]  }
0xc3: {  	v36 =	vld [tilespmem:s13+$0x4C40]  }
0xc4: {  	v37 =	vld [tilespmem:s13+$0xC50]  }
0xc5: {  	v38 =	vld [tilespmem:s13+$0x4C50]  }
0xc6: {  	v39 =	vld [tilespmem:s13+$0xC60];
	v5 =	vmul.f32 v5, v7;
	v6 =	vmul.f32 v6, v8  }
0xc7: {  	v41 =	vld [tilespmem:s13+$0xC70];
	v10 =	vmul.f32 v28, v8;
	v9 =	vmul.f32 v27, v7  }
0xc8: {  	v40 =	vmul.f32 v30, v8;
	v22 =	vld [tilespmem:s13+$0x4C60];
	v5 =	vadd.f32 v6, v5;
	v6 =	vmul.f32 v29, v7  }
0xc9: {  	v44 =	vld [tilespmem:s13+$0x4C70];
	v42 =	vmul.f32 v31, v7;
	v43 =	vmul.f32 v32, v8;
	v9 =	vadd.f32 v10, v9  }
0xca: {  	v45 =	vmul.f32 v34, v8;
	[tilespmem:s13+$0x10870] =	vst v5;
	v5 =	vadd.f32 v40, v6;
	v6 =	vmul.f32 v33, v7  }
0xcb: {  	v47 =	vmul.f32 v35, v7;
	v48 =	vmul.f32 v36, v8;
	v46 =	vadd.f32 v43, v42;
	[tilespmem:s13+$0x10C00] =	vst v9  }
0xcc: {  	v49 =	vmul.f32 v38, v8;
	[tilespmem:s13+$0x10C10] =	vst v5;
	v5 =	vadd.f32 v45, v6;
	v6 =	vmul.f32 v37, v7  }
0xcd: {  	v51 =	vmul.f32 v39, v7;
	v50 =	vadd.f32 v48, v47;
	v52 =	vmul.f32 v22, v8;
	[tilespmem:s13+$0x10C20] =	vst v46  }
0xce: {  	v53 =	vmul.f32 v44, v8;
	[tilespmem:s13+$0x10C30] =	vst v5;
	v5 =	vadd.f32 v49, v6;
	v6 =	vmul.f32 v41, v7  }
0xcf: {  	v54 =	vadd.f32 v52, v51;
	[tilespmem:s13+$0x10C40] =	vst v50  }
0xd0: {  	[tilespmem:s13+$0x10C50] =	vst v5;
	v5 =	vadd.f32 v53, v6  }
0xd1: {  	[tilespmem:s13+$0x10C60] =	vst v54  }
0xd2: {  	s18 =	sor.u32 $0x4C00, s18;
	[tilespmem:s13+$0x10C70] =	vst v5;
	v5 =	vld [tilespmem:s13+$0x1000]  }
0xd3: {  	v6 =	vld [tilespmem:s18+$0x400];
	_ =	sdelay $0x4  }
0xd4: {  	v5 =	vmul.f32 v5, v7;
	v6 =	vmul.f32 v6, v8;
	_ =	sdelay $0x1  }
0xd5: {  	v5 =	vadd.f32 v6, v5;
	_ =	sdelay $0x1  }
0xd6: {  	[tilespmem:s13+$0x11000] =	vst v5;
	v5 =	vld [tilespmem:s13+$0x1010]  }
0xd7: {  	v6 =	vld [tilespmem:s18+$0x410];
	_ =	sdelay $0x4  }
0xd8: {  	v5 =	vmul.f32 v5, v7;
	v6 =	vmul.f32 v6, v8;
	_ =	sdelay $0x1  }
0xd9: {  	v5 =	vadd.f32 v6, v5;
	_ =	sdelay $0x1  }
0xda: {  	[tilespmem:s13+$0x11010] =	vst v5;
	v5 =	vld [tilespmem:s13+$0x1020]  }
0xdb: {  	v6 =	vld [tilespmem:s18+$0x420];
	_ =	sdelay $0x4  }
0xdc: {  	v5 =	vmul.f32 v5, v7;
	v6 =	vmul.f32 v6, v8;
	_ =	sdelay $0x1  }
0xdd: {  	v5 =	vadd.f32 v6, v5;
	_ =	sdelay $0x1  }
0xde: {  	[tilespmem:s13+$0x11020] =	vst v5;
	v5 =	vld [tilespmem:s13+$0x1030]  }
0xdf: {  	v6 =	vld [tilespmem:s18+$0x430];
	_ =	sdelay $0x4  }
0xe0: {  	v5 =	vmul.f32 v5, v7;
	v6 =	vmul.f32 v6, v8;
	_ =	sdelay $0x1  }
0xe1: {  	v5 =	vadd.f32 v6, v5;
	_ =	sdelay $0x1  }
0xe2: {  	[tilespmem:s13+$0x11030] =	vst v5;
	v5 =	vld [tilespmem:s13+$0x1040]  }
0xe3: {  	v6 =	vld [tilespmem:s18+$0x440];
	_ =	sdelay $0x4  }
0xe4: {  	v5 =	vmul.f32 v5, v7;
	v6 =	vmul.f32 v6, v8;
	_ =	sdelay $0x1  }
0xe5: {  	v5 =	vadd.f32 v6, v5;
	_ =	sdelay $0x1  }
0xe6: {  	[tilespmem:s13+$0x11040] =	vst v5;
	v5 =	vld [tilespmem:s13+$0x1050]  }
0xe7: {  	v6 =	vld [tilespmem:s18+$0x450];
	_ =	sdelay $0x4  }
0xe8: {  	v5 =	vmul.f32 v5, v7;
	v6 =	vmul.f32 v6, v8;
	_ =	sdelay $0x1  }
0xe9: {  	v5 =	vadd.f32 v6, v5;
	_ =	sdelay $0x1  }
0xea: {  	[tilespmem:s13+$0x11050] =	vst v5;
	v5 =	vld [tilespmem:s13+$0x1060]  }
0xeb: {  	v6 =	vld [tilespmem:s18+$0x460];
	_ =	sdelay $0x4  }
0xec: {  	v5 =	vmul.f32 v5, v7;
	v6 =	vmul.f32 v6, v8;
	_ =	sdelay $0x1  }
0xed: {  	v5 =	vadd.f32 v6, v5;
	_ =	sdelay $0x1  }
0xee: {  	[tilespmem:s13+$0x11060] =	vst v5;
	v5 =	vld [tilespmem:s13+$0x1070]  }
0xef: {  	v6 =	vld [tilespmem:s18+$0x470];
	_ =	sdelay $0x4  }
0xf0: {  	s18 =	simm.s32 $0x1;
	v5 =	vmul.f32 v5, v7;
	v6 =	vmul.f32 v6, v8  }
0xf1: {  	s18 =	simm.s32 @!p1 $0x0  }
0xf2: {  	s18 =	sshll.u32 s18, $0x9;
	v5 =	vadd.f32 v6, v5  }
0xf3: {  	s18 =	sadd.s32 s18, s7  }
0xf4: {  	s22 =	sor.u32 $0x1000, s18;
	[tilespmem:s13+$0x11070] =	vst v5  }
0xf5: {  	s23 =	sor.u32 $0x5000, s18;
	v5 =	vld [tilespmem:s22+$0x400]  }
0xf6: {  	v6 =	vld [tilespmem:s23+$0x400];
	_ =	sdelay $0x4  }
0xf7: {  	v5 =	vmul.f32 v5, v7;
	v6 =	vmul.f32 v6, v8;
	_ =	sdelay $0x1  }
0xf8: {  	v5 =	vadd.f32 v6, v5;
	_ =	sdelay $0x1  }
0xf9: {  	s24 =	sor.u32 $0x1010, s18;
	[tilespmem:s22+$0x10400] =	vst v5  }
0xfa: {  	v5 =	vld [tilespmem:s24+$0x400]  }
0xfb: {  	v6 =	vld [tilespmem:s23+$0x410];
	_ =	sdelay $0x4  }
0xfc: {  	v5 =	vmul.f32 v5, v7;
	v6 =	vmul.f32 v6, v8;
	_ =	sdelay $0x1  }
0xfd: {  	v5 =	vadd.f32 v6, v5;
	_ =	sdelay $0x1  }
0xfe: {  	s25 =	sor.u32 $0x1020, s18;
	[tilespmem:s24+$0x10400] =	vst v5  }
0xff: {  	v5 =	vld [tilespmem:s25+$0x400]  }
0x100: {  	v6 =	vld [tilespmem:s23+$0x420];
	_ =	sdelay $0x4  }
0x101: {  	v5 =	vmul.f32 v5, v7;
	v6 =	vmul.f32 v6, v8;
	_ =	sdelay $0x1  }
0x102: {  	v5 =	vadd.f32 v6, v5;
	_ =	sdelay $0x1  }
0x103: {  	s28 =	sor.u32 $0x1030, s18;
	[tilespmem:s25+$0x10400] =	vst v5  }
0x104: {  	v5 =	vld [tilespmem:s28+$0x400]  }
0x105: {  	v6 =	vld [tilespmem:s23+$0x430];
	_ =	sdelay $0x4  }
0x106: {  	v5 =	vmul.f32 v5, v7;
	v6 =	vmul.f32 v6, v8;
	_ =	sdelay $0x1  }
0x107: {  	v5 =	vadd.f32 v6, v5;
	_ =	sdelay $0x1  }
0x108: {  	s31 =	sor.u32 $0x1040, s18;
	[tilespmem:s28+$0x10400] =	vst v5  }
0x109: {  	v5 =	vld [tilespmem:s31+$0x400]  }
0x10a: {  	v6 =	vld [tilespmem:s23+$0x440];
	_ =	sdelay $0x4  }
0x10b: {  	v5 =	vmul.f32 v5, v7;
	v6 =	vmul.f32 v6, v8;
	_ =	sdelay $0x1  }
0x10c: {  	v5 =	vadd.f32 v6, v5;
	_ =	sdelay $0x1  }
0x10d: {  	s20 =	sor.u32 $0x1050, s18;
	[tilespmem:s31+$0x10400] =	vst v5  }
0x10e: {  	v5 =	vld [tilespmem:s20+$0x400]  }
0x10f: {  	v6 =	vld [tilespmem:s23+$0x450];
	_ =	sdelay $0x4  }
0x110: {  	v5 =	vmul.f32 v5, v7;
	v6 =	vmul.f32 v6, v8;
	_ =	sdelay $0x1  }
0x111: {  	v5 =	vadd.f32 v6, v5;
	_ =	sdelay $0x1  }
0x112: {  	s21 =	sor.u32 $0x1060, s18;
	[tilespmem:s20+$0x10400] =	vst v5  }
0x113: {  	v5 =	vld [tilespmem:s21+$0x400]  }
0x114: {  	v6 =	vld [tilespmem:s23+$0x460];
	_ =	sdelay $0x4  }
0x115: {  	v5 =	vmul.f32 v5, v7;
	v6 =	vmul.f32 v6, v8;
	_ =	sdelay $0x1  }
0x116: {  	v5 =	vadd.f32 v6, v5;
	_ =	sdelay $0x1  }
0x117: {  	s22 =	sor.u32 $0x1070, s18;
	[tilespmem:s21+$0x10400] =	vst v5  }
0x118: {  	v5 =	vld [tilespmem:s22+$0x400]  }
0x119: {  	v6 =	vld [tilespmem:s23+$0x470];
	_ =	sdelay $0x4  }
0x11a: {  	v5 =	vmul.f32 v5, v7;
	v6 =	vmul.f32 v6, v8;
	_ =	sdelay $0x1  }
0x11b: {  	v5 =	vadd.f32 v6, v5;
	_ =	sdelay $0x1  }
0x11c: {  	s23 =	sor.u32 $0x1400, s18;
	[tilespmem:s22+$0x10400] =	vst v5  }
0x11d: {  	s20 =	sor.u32 $0x5400, s6;
	v5 =	vld [tilespmem:s23+$0x400]  }
0x11e: {  	v6 =	vld [tilespmem:s20+$0x400];
	_ =	sdelay $0x4  }
0x11f: {  	v5 =	vmul.f32 v5, v7;
	v6 =	vmul.f32 v6, v8;
	_ =	sdelay $0x1  }
0x120: {  	v5 =	vadd.f32 v6, v5;
	_ =	sdelay $0x1  }
0x121: {  	s21 =	sor.u32 $0x1410, s18;
	[tilespmem:s23+$0x10400] =	vst v5  }
0x122: {  	v5 =	vld [tilespmem:s21+$0x400]  }
0x123: {  	v6 =	vld [tilespmem:s20+$0x410];
	_ =	sdelay $0x3  }
0x124: {  	s24 =	sadd.s32 $0x1, s9;
	s25 =	sadd.s32 $0x80, s8  }
0x125: {  	s19 =	sand.u32 $0x280, s25;
	s22 =	sadd.s32 $0x4400, s7;
	s23 =	sadd.s32 $0x880, s8;
	v5 =	vmul.f32 v5, v7;
	v6 =	vmul.f32 v6, v8  }
0x126: {  	s19 =	sor.u32 s17, s19;
	s22 =	sand.u32 $0x6000, s22;
	s23 =	sand.u32 $0x280, s23  }
0x127: {  	v55 =	vld [tilespmem:s19+$0x400];
	s13 =	sor.u32 s23, s22;
	v5 =	vadd.f32 v6, v5;
	v6 =	vmov s24  }
0x128: {  	v56 =	vld [tilespmem:s13+$0x400];
	v6 =	vand.u32 $0xF, v6  }
0x129: {  	v6 =	vbroadcast v6, $0x0;
	_ =	sdelay $0x1  }
0x12a: {  	[tilespmem:s21+$0x10400] =	vst v5;
	v5 =	vperm.xlane v3, v6;
	v6 =	vperm.xlane v4, v6  }
0x12b: {  	s28 =	sor.u32 $0x1420, s18  }
0x12c: {  	v57 =	vld [tilespmem:s28+$0x400];
	v9 =	vmul.f32 v55, v5;
	v10 =	vmul.f32 v56, v6  }
0x12d: {  	v58 =	vld [tilespmem:s20+$0x420]  }
0x12e: {  	v9 =	vadd.f32 v10, v9;
	_ =	sdelay $0x1  }
0x12f: {  	v61 =	vld [tilespmem:s19+$0x410];
	[tilespmem:s19+$0x10400] =	vst v9  }
0x130: {  	v62 =	vld [tilespmem:s13+$0x410]  }
0x131: {  	v59 =	vmul.f32 v57, v7;
	v60 =	vmul.f32 v58, v8;
	_ =	sdelay $0x1  }
0x132: {  	v10 =	vadd.f32 v60, v59;
	_ =	sdelay $0x1  }
0x133: {  	s31 =	sor.u32 $0x1430, s18;
	v9 =	vmul.f32 v61, v5;
	[tilespmem:s28+$0x10400] =	vst v10;
	v11 =	vmul.f32 v62, v6  }
0x134: {  	v10 =	vld [tilespmem:s31+$0x400]  }
0x135: {  	v63 =	vld [tilespmem:s20+$0x430];
	v9 =	vadd.f32 v11, v9;
	_ =	sdelay $0x1  }
0x136: {  	v17 =	vld [tilespmem:s19+$0x420];
	[tilespmem:s19+$0x10410] =	vst v9  }
0x137: {  	v18 =	vld [tilespmem:s13+$0x420];
	_ =	sdelay $0x1  }
0x138: {  	v10 =	vmul.f32 v10, v7;
	v16 =	vmul.f32 v63, v8;
	_ =	sdelay $0x1  }
0x139: {  	v10 =	vadd.f32 v16, v10  }
0x13a: {  	v9 =	vmul.f32 v17, v5;
	v12 =	vmul.f32 v18, v6  }
0x13b: {  	s22 =	sor.u32 $0x1440, s18;
	[tilespmem:s31+$0x10400] =	vst v10  }
0x13c: {  	v10 =	vld [tilespmem:s22+$0x400];
	v9 =	vadd.f32 v12, v9  }
0x13d: {  	v19 =	vld [tilespmem:s20+$0x440]  }
0x13e: {  	v20 =	vld [tilespmem:s19+$0x430];
	[tilespmem:s19+$0x10420] =	vst v9  }
0x13f: {  	v21 =	vld [tilespmem:s13+$0x430];
	_ =	sdelay $0x2  }
0x140: {  	v10 =	vmul.f32 v10, v7;
	v11 =	vmul.f32 v19, v8;
	_ =	sdelay $0x1  }
0x141: {  	v10 =	vadd.f32 v11, v10;
	v9 =	vmul.f32 v20, v5;
	v22 =	vmul.f32 v21, v6;
	_ =	sdelay $0x1  }
0x142: {  	v24 =	vld [tilespmem:s19+$0x440];
	s23 =	sor.u32 $0x1450, s18;
	[tilespmem:s22+$0x10400] =	vst v10;
	v9 =	vadd.f32 v22, v9  }
0x143: {  	v10 =	vld [tilespmem:s23+$0x400]  }
0x144: {  	v23 =	vld [tilespmem:s20+$0x450];
	[tilespmem:s19+$0x10430] =	vst v9  }
0x145: {  	v25 =	vld [tilespmem:s13+$0x440];
	_ =	sdelay $0x3  }
0x146: {  	v10 =	vmul.f32 v10, v7;
	v12 =	vmul.f32 v23, v8  }
0x147: {  	v9 =	vmul.f32 v24, v5;
	v26 =	vmul.f32 v25, v6  }
0x148: {  	v10 =	vadd.f32 v12, v10  }
0x149: {  	v9 =	vadd.f32 v26, v9  }
0x14a: {  	v29 =	vld [tilespmem:s19+$0x450];
	s24 =	sor.u32 $0x1460, s18;
	[tilespmem:s23+$0x10400] =	vst v10  }
0x14b: {  	v27 =	vld [tilespmem:s24+$0x400];
	[tilespmem:s19+$0x10440] =	vst v9  }
0x14c: {  	v30 =	vld [tilespmem:s13+$0x450]  }
0x14d: {  	v28 =	vld [tilespmem:s20+$0x460];
	_ =	sdelay $0x3  }
0x14e: {  	v9 =	vmul.f32 v29, v5;
	v10 =	vmul.f32 v30, v6  }
0x14f: {  	v11 =	vmul.f32 v27, v7;
	v12 =	vmul.f32 v28, v8  }
0x150: {  	v9 =	vadd.f32 v10, v9  }
0x151: {  	v11 =	vadd.f32 v12, v11  }
0x152: {  	v32 =	vld [tilespmem:s19+$0x460];
	[tilespmem:s19+$0x10450] =	vst v9  }
0x153: {  	s25 =	sor.u32 $0x1470, s18;
	[tilespmem:s24+$0x10400] =	vst v11;
	v33 =	vld [tilespmem:s13+$0x460]  }
0x154: {  	v11 =	vld [tilespmem:s25+$0x400]  }
0x155: {  	v31 =	vld [tilespmem:s20+$0x470];
	_ =	sdelay $0x2  }
0x156: {  	v9 =	vmul.f32 v32, v5;
	v34 =	vmul.f32 v33, v6;
	_ =	sdelay $0x1  }
0x157: {  	v11 =	vmul.f32 v11, v7;
	v10 =	vmul.f32 v31, v8;
	v9 =	vadd.f32 v34, v9;
	_ =	sdelay $0x1  }
0x158: {  	v35 =	vld [tilespmem:s19+$0x470];
	v10 =	vadd.f32 v10, v11;
	[tilespmem:s19+$0x10460] =	vst v9  }
0x159: {  	v36 =	vld [tilespmem:s13+$0x470]  }
0x15a: {  	s28 =	sor.u32 $0x1800, s18;
	[tilespmem:s25+$0x10400] =	vst v10  }
0x15b: {  	s20 =	sor.u32 $0x5800, s18;
	v10 =	vld [tilespmem:s28+$0x400]  }
0x15c: {  	v37 =	vld [tilespmem:s20+$0x400];
	_ =	sdelay $0x1  }
0x15d: {  	v9 =	vmul.f32 v35, v5;
	v11 =	vmul.f32 v36, v6;
	_ =	sdelay $0x1  }
0x15e: {  	v9 =	vadd.f32 v11, v9  }
0x15f: {  	v10 =	vmul.f32 v10, v7;
	v12 =	vmul.f32 v37, v8  }
0x160: {  	v38 =	vld [tilespmem:s19+$0x800];
	[tilespmem:s19+$0x10470] =	vst v9  }
0x161: {  	v10 =	vadd.f32 v12, v10;
	v39 =	vld [tilespmem:s13+$0x800];
	_ =	sdelay $0x1  }
0x162: {  	s31 =	sor.u32 $0x1810, s18;
	[tilespmem:s28+$0x10400] =	vst v10  }
0x163: {  	v40 =	vld [tilespmem:s31+$0x400]  }
0x164: {  	v41 =	vld [tilespmem:s20+$0x410]  }
0x165: {  	v9 =	vmul.f32 v38, v5;
	v10 =	vmul.f32 v39, v6;
	_ =	sdelay $0x1  }
0x166: {  	v9 =	vadd.f32 v10, v9;
	_ =	sdelay $0x1  }
0x167: {  	v43 =	vld [tilespmem:s19+$0x810];
	v11 =	vmul.f32 v40, v7;
	v12 =	vmul.f32 v41, v8;
	[tilespmem:s19+$0x10800] =	vst v9  }
0x168: {  	v44 =	vld [tilespmem:s13+$0x810]  }
0x169: {  	v42 =	vadd.f32 v12, v11;
	_ =	sdelay $0x1  }
0x16a: {  	[tilespmem:s31+$0x10400] =	vst v42  }
0x16b: {  	s22 =	sor.u32 $0x1820, s18;
	v45 =	vld [tilespmem:s20+$0x420]  }
0x16c: {  	v10 =	vld [tilespmem:s22+$0x400];
	v9 =	vmul.f32 v43, v5;
	v11 =	vmul.f32 v44, v6;
	_ =	sdelay $0x1  }
0x16d: {  	v9 =	vadd.f32 v11, v9;
	_ =	sdelay $0x1  }
0x16e: {  	v47 =	vld [tilespmem:s19+$0x820];
	[tilespmem:s19+$0x10810] =	vst v9  }
0x16f: {  	v46 =	vmul.f32 v45, v8;
	v10 =	vmul.f32 v10, v7;
	v48 =	vld [tilespmem:s13+$0x820];
	_ =	sdelay $0x1  }
0x170: {  	v10 =	vadd.f32 v46, v10;
	_ =	sdelay $0x1  }
0x171: {  	s23 =	sor.u32 $0x1830, s18;
	[tilespmem:s22+$0x10400] =	vst v10  }
0x172: {  	v10 =	vld [tilespmem:s23+$0x400];
	v9 =	vmul.f32 v47, v5;
	v11 =	vmul.f32 v48, v6  }
0x173: {  	v49 =	vld [tilespmem:s20+$0x430]  }
0x174: {  	v9 =	vadd.f32 v11, v9;
	_ =	sdelay $0x1  }
0x175: {  	v51 =	vld [tilespmem:s19+$0x830];
	[tilespmem:s19+$0x10820] =	vst v9  }
0x176: {  	v52 =	vld [tilespmem:s13+$0x830]  }
0x177: {  	v10 =	vmul.f32 v10, v7;
	v50 =	vmul.f32 v49, v8;
	_ =	sdelay $0x1  }
0x178: {  	v10 =	vadd.f32 v50, v10;
	_ =	sdelay $0x1  }
0x179: {  	s24 =	sor.u32 $0x1840, s18;
	[tilespmem:s23+$0x10400] =	vst v10;
	v9 =	vmul.f32 v51, v5;
	v12 =	vmul.f32 v52, v6  }
0x17a: {  	v10 =	vld [tilespmem:s24+$0x400]  }
0x17b: {  	v53 =	vld [tilespmem:s20+$0x440];
	v9 =	vadd.f32 v12, v9;
	_ =	sdelay $0x1  }
0x17c: {  	v54 =	vld [tilespmem:s19+$0x840];
	[tilespmem:s19+$0x10830] =	vst v9  }
0x17d: {  	v55 =	vld [tilespmem:s13+$0x840];
	_ =	sdelay $0x1  }
0x17e: {  	v10 =	vmul.f32 v10, v7;
	v11 =	vmul.f32 v53, v8;
	_ =	sdelay $0x1  }
0x17f: {  	v10 =	vadd.f32 v11, v10  }
0x180: {  	v9 =	vmul.f32 v54, v5;
	v56 =	vmul.f32 v55, v6  }
0x181: {  	s25 =	sor.u32 $0x1850, s18;
	[tilespmem:s24+$0x10400] =	vst v10  }
0x182: {  	v10 =	vld [tilespmem:s25+$0x400];
	v9 =	vadd.f32 v56, v9  }
0x183: {  	v57 =	vld [tilespmem:s20+$0x450]  }
0x184: {  	v58 =	vld [tilespmem:s19+$0x850];
	[tilespmem:s19+$0x10840] =	vst v9  }
0x185: {  	v59 =	vld [tilespmem:s13+$0x850];
	_ =	sdelay $0x2  }
0x186: {  	v10 =	vmul.f32 v10, v7;
	v12 =	vmul.f32 v57, v8;
	_ =	sdelay $0x1  }
0x187: {  	v10 =	vadd.f32 v12, v10;
	v9 =	vmul.f32 v58, v5;
	v60 =	vmul.f32 v59, v6;
	_ =	sdelay $0x1  }
0x188: {  	v63 =	vld [tilespmem:s19+$0x860];
	s28 =	sor.u32 $0x1860, s18;
	[tilespmem:s25+$0x10400] =	vst v10;
	v9 =	vadd.f32 v60, v9  }
0x189: {  	v61 =	vld [tilespmem:s28+$0x400]  }
0x18a: {  	v62 =	vld [tilespmem:s20+$0x460];
	[tilespmem:s19+$0x10850] =	vst v9  }
0x18b: {  	v16 =	vld [tilespmem:s13+$0x860];
	_ =	sdelay $0x3  }
0x18c: {  	v11 =	vmul.f32 v61, v7;
	v12 =	vmul.f32 v62, v8  }
0x18d: {  	v9 =	vmul.f32 v63, v5;
	v10 =	vmul.f32 v16, v6  }
0x18e: {  	v11 =	vadd.f32 v12, v11  }
0x18f: {  	v9 =	vadd.f32 v10, v9  }
0x190: {  	v18 =	vld [tilespmem:s19+$0x870];
	s31 =	sor.u32 $0x1870, s18;
	[tilespmem:s28+$0x10400] =	vst v11  }
0x191: {  	v11 =	vld [tilespmem:s31+$0x400];
	[tilespmem:s19+$0x10860] =	vst v9  }
0x192: {  	v19 =	vld [tilespmem:s13+$0x870]  }
0x193: {  	v17 =	vld [tilespmem:s20+$0x470];
	_ =	sdelay $0x3  }
0x194: {  	v9 =	vmul.f32 v18, v5;
	v20 =	vmul.f32 v19, v6  }
0x195: {  	v11 =	vmul.f32 v11, v7;
	v10 =	vmul.f32 v17, v8  }
0x196: {  	v9 =	vadd.f32 v20, v9  }
0x197: {  	v10 =	vadd.f32 v10, v11  }
0x198: {  	v21 =	vld [tilespmem:s19+$0xC00];
	[tilespmem:s19+$0x10870] =	vst v9  }
0x199: {  	s22 =	sor.u32 $0x1C00, s18;
	[tilespmem:s31+$0x10400] =	vst v10;
	v22 =	vld [tilespmem:s13+$0xC00]  }
0x19a: {  	s20 =	sor.u32 $0x5C00, s6;
	v10 =	vld [tilespmem:s22+$0x400]  }
0x19b: {  	v23 =	vld [tilespmem:s20+$0x400];
	_ =	sdelay $0x2  }
0x19c: {  	v9 =	vmul.f32 v21, v5;
	v11 =	vmul.f32 v22, v6;
	_ =	sdelay $0x1  }
0x19d: {  	v10 =	vmul.f32 v10, v7;
	v12 =	vmul.f32 v23, v8;
	v9 =	vadd.f32 v11, v9;
	_ =	sdelay $0x1  }
0x19e: {  	v24 =	vld [tilespmem:s19+$0xC10];
	v10 =	vadd.f32 v12, v10;
	[tilespmem:s19+$0x10C00] =	vst v9  }
0x19f: {  	v25 =	vld [tilespmem:s13+$0xC10]  }
0x1a0: {  	s23 =	sor.u32 $0x1C10, s18;
	[tilespmem:s22+$0x10400] =	vst v10  }
0x1a1: {  	v26 =	vld [tilespmem:s23+$0x400]  }
0x1a2: {  	v27 =	vld [tilespmem:s20+$0x410];
	_ =	sdelay $0x1  }
0x1a3: {  	v9 =	vmul.f32 v24, v5;
	v10 =	vmul.f32 v25, v6;
	_ =	sdelay $0x1  }
0x1a4: {  	v9 =	vadd.f32 v10, v9  }
0x1a5: {  	v11 =	vmul.f32 v26, v7;
	v12 =	vmul.f32 v27, v8  }
0x1a6: {  	v29 =	vld [tilespmem:s19+$0xC20];
	[tilespmem:s19+$0x10C10] =	vst v9  }
0x1a7: {  	v28 =	vadd.f32 v12, v11;
	v30 =	vld [tilespmem:s13+$0xC20];
	_ =	sdelay $0x1  }
0x1a8: {  	[tilespmem:s23+$0x10400] =	vst v28  }
0x1a9: {  	s24 =	sor.u32 $0x1C20, s18;
	v31 =	vld [tilespmem:s20+$0x420]  }
0x1aa: {  	v10 =	vld [tilespmem:s24+$0x400]  }
0x1ab: {  	v9 =	vmul.f32 v29, v5;
	v11 =	vmul.f32 v30, v6;
	_ =	sdelay $0x1  }
0x1ac: {  	v9 =	vadd.f32 v11, v9;
	_ =	sdelay $0x1  }
0x1ad: {  	v33 =	vld [tilespmem:s19+$0xC30];
	v32 =	vmul.f32 v31, v8;
	v10 =	vmul.f32 v10, v7;
	[tilespmem:s19+$0x10C20] =	vst v9  }
0x1ae: {  	v34 =	vld [tilespmem:s13+$0xC30]  }
0x1af: {  	v10 =	vadd.f32 v32, v10;
	_ =	sdelay $0x1  }
0x1b0: {  	s25 =	sor.u32 $0x1C30, s18;
	[tilespmem:s24+$0x10400] =	vst v10  }
0x1b1: {  	v10 =	vld [tilespmem:s25+$0x400]  }
0x1b2: {  	v35 =	vld [tilespmem:s20+$0x430];
	v9 =	vmul.f32 v33, v5;
	v11 =	vmul.f32 v34, v6;
	_ =	sdelay $0x1  }
0x1b3: {  	v9 =	vadd.f32 v11, v9;
	_ =	sdelay $0x1  }
0x1b4: {  	v37 =	vld [tilespmem:s19+$0xC40];
	[tilespmem:s19+$0x10C30] =	vst v9  }
0x1b5: {  	v10 =	vmul.f32 v10, v7;
	v36 =	vmul.f32 v35, v8;
	v38 =	vld [tilespmem:s13+$0xC40];
	_ =	sdelay $0x1  }
0x1b6: {  	v10 =	vadd.f32 v36, v10;
	_ =	sdelay $0x1  }
0x1b7: {  	s28 =	sor.u32 $0x1C40, s18;
	[tilespmem:s25+$0x10400] =	vst v10  }
0x1b8: {  	v10 =	vld [tilespmem:s28+$0x400];
	v9 =	vmul.f32 v37, v5;
	v12 =	vmul.f32 v38, v6  }
0x1b9: {  	v39 =	vld [tilespmem:s20+$0x440]  }
0x1ba: {  	v9 =	vadd.f32 v12, v9;
	_ =	sdelay $0x1  }
0x1bb: {  	v40 =	vld [tilespmem:s19+$0xC50];
	[tilespmem:s19+$0x10C40] =	vst v9  }
0x1bc: {  	v41 =	vld [tilespmem:s13+$0xC50]  }
0x1bd: {  	v10 =	vmul.f32 v10, v7;
	v11 =	vmul.f32 v39, v8;
	_ =	sdelay $0x1  }
0x1be: {  	v10 =	vadd.f32 v11, v10;
	_ =	sdelay $0x1  }
0x1bf: {  	s31 =	sor.u32 $0x1C50, s18;
	[tilespmem:s28+$0x10400] =	vst v10;
	v9 =	vmul.f32 v40, v5;
	v42 =	vmul.f32 v41, v6  }
0x1c0: {  	v10 =	vld [tilespmem:s31+$0x400]  }
0x1c1: {  	v43 =	vld [tilespmem:s20+$0x450];
	v9 =	vadd.f32 v42, v9;
	_ =	sdelay $0x1  }
0x1c2: {  	v44 =	vld [tilespmem:s19+$0xC60];
	[tilespmem:s19+$0x10C50] =	vst v9  }
0x1c3: {  	v45 =	vld [tilespmem:s13+$0xC60];
	_ =	sdelay $0x1  }
0x1c4: {  	v10 =	vmul.f32 v10, v7;
	v12 =	vmul.f32 v43, v8;
	_ =	sdelay $0x1  }
0x1c5: {  	v10 =	vadd.f32 v12, v10  }
0x1c6: {  	v9 =	vmul.f32 v44, v5;
	v46 =	vmul.f32 v45, v6  }
0x1c7: {  	s22 =	sor.u32 $0x1C60, s18;
	[tilespmem:s31+$0x10400] =	vst v10  }
0x1c8: {  	v47 =	vld [tilespmem:s22+$0x400];
	v9 =	vadd.f32 v46, v9  }
0x1c9: {  	v48 =	vld [tilespmem:s20+$0x460]  }
0x1ca: {  	v49 =	vld [tilespmem:s19+$0xC70];
	[tilespmem:s19+$0x10C60] =	vst v9  }
0x1cb: {  	v50 =	vld [tilespmem:s13+$0xC70];
	_ =	sdelay $0x2  }
0x1cc: {  	v11 =	vmul.f32 v47, v7;
	v12 =	vmul.f32 v48, v8;
	_ =	sdelay $0x1  }
0x1cd: {  	v11 =	vadd.f32 v12, v11;
	v9 =	vmul.f32 v49, v5;
	v10 =	vmul.f32 v50, v6;
	_ =	sdelay $0x1  }
0x1ce: {  	v52 =	vld [tilespmem:s19+$0x1000];
	s18 =	sor.u32 $0x1C70, s18;
	[tilespmem:s22+$0x10400] =	vst v11;
	v9 =	vadd.f32 v10, v9  }
0x1cf: {  	v11 =	vld [tilespmem:s18+$0x400]  }
0x1d0: {  	v51 =	vld [tilespmem:s20+$0x470];
	[tilespmem:s19+$0x10C70] =	vst v9  }
0x1d1: {  	v53 =	vld [tilespmem:s13+$0x1000];
	_ =	sdelay $0x3  }
0x1d2: {  	v7 =	vmul.f32 v11, v7;
	v8 =	vmul.f32 v51, v8  }
0x1d3: {  	v9 =	vmul.f32 v52, v5;
	v54 =	vmul.f32 v53, v6  }
0x1d4: {  	v7 =	vadd.f32 v8, v7  }
0x1d5: {  	s23 =	sadd.s32 $0x100, s8;
	s24 =	sadd.s32 $0x4800, s7;
	v55 =	vadd.f32 v54, v9  }
0x1d6: {  	s25 =	sadd.s32 $0x900, s8;
	s28 =	sand.u32 $0x6000, s24;
	s24 =	sadd.s32 $0x4C00, s7;
	[tilespmem:s18+$0x10400] =	vst v7  }
0x1d7: {  	s31 =	sand.u32 $0x300, s25;
	s20 =	sand.u32 $0x300, s23;
	v11 =	vld [tilespmem:s19+$0x1010];
	s18 =	sadd.s32 $0x2, s9;
	[tilespmem:s19+$0x11000] =	vst v55  }
0x1d8: {  	s21 =	sor.u32 s17, s20;
	v7 =	vmov s18;
	s18 =	sor.u32 s31, s28;
	s28 =	sadd.s32 $0x180, s8;
	v12 =	vld [tilespmem:s13+$0x1010]  }
0x1d9: {  	s25 =	sadd.s32 $0x980, s8;
	s23 =	sadd.s32 $0x3, s9;
	s22 =	sand.u32 $0x380, s28;
	v56 =	vld [tilespmem:s21+$0x400]  }
0x1da: {  	v59 =	vmov s23;
	v7 =	vand.u32 $0xF, v7;
	s31 =	sor.u32 s17, s22;
	s22 =	sand.u32 $0x6000, s24;
	s24 =	sand.u32 $0x380, s25;
	v57 =	vld [tilespmem:s18+$0x400]  }
0x1db: {  	v13 =	vand.u32 $0xF, v59;
	v58 =	vbroadcast v7, $0x0;
	s17 =	sor.u32 s24, s22;
	v60 =	vld [tilespmem:s31+$0x400]  }
0x1dc: {  	v13 =	vbroadcast v13, $0x0;
	v61 =	vld [tilespmem:s17+$0x400]  }
0x1dd: {  	v7 =	vperm.xlane v3, v58;
	v8 =	vperm.xlane v4, v58  }
0x1de: {  	v10 =	vperm.xlane v4, v13;
	v9 =	vperm.xlane v3, v13  }
0x1df: {  	v62 =	vmul.f32 v56, v7;
	v63 =	vmul.f32 v57, v8;
	_ =	sdelay $0x1  }
0x1e0: {  	v14 =	vmul.f32 v60, v9;
	v15 =	vmul.f32 v61, v10;
	v19 =	vadd.f32 v63, v62;
	_ =	sdelay $0x1  }
0x1e1: {  	v20 =	vld [tilespmem:s21+$0x410];
	v14 =	vadd.f32 v15, v14;
	[tilespmem:s21+$0x10400] =	vst v19  }
0x1e2: {  	v21 =	vld [tilespmem:s18+$0x410]  }
0x1e3: {  	v22 =	vld [tilespmem:s31+$0x410];
	[tilespmem:s31+$0x10400] =	vst v14  }
0x1e4: {  	v23 =	vld [tilespmem:s17+$0x410];
	_ =	sdelay $0x2  }
0x1e5: {  	v13 =	vmul.f32 v20, v7;
	v15 =	vmul.f32 v21, v8;
	_ =	sdelay $0x1  }
0x1e6: {  	v14 =	vmul.f32 v22, v9;
	v24 =	vmul.f32 v23, v10;
	v13 =	vadd.f32 v15, v13;
	_ =	sdelay $0x1  }
0x1e7: {  	v25 =	vld [tilespmem:s21+$0x420];
	v14 =	vadd.f32 v24, v14;
	[tilespmem:s21+$0x10410] =	vst v13  }
0x1e8: {  	v26 =	vld [tilespmem:s18+$0x420]  }
0x1e9: {  	v27 =	vld [tilespmem:s31+$0x420];
	[tilespmem:s31+$0x10410] =	vst v14  }
0x1ea: {  	v28 =	vld [tilespmem:s17+$0x420];
	_ =	sdelay $0x2  }
0x1eb: {  	v13 =	vmul.f32 v25, v7;
	v15 =	vmul.f32 v26, v8;
	_ =	sdelay $0x1  }
0x1ec: {  	v14 =	vmul.f32 v27, v9;
	v29 =	vmul.f32 v28, v10;
	v13 =	vadd.f32 v15, v13;
	_ =	sdelay $0x1  }
0x1ed: {  	v30 =	vld [tilespmem:s21+$0x430];
	v14 =	vadd.f32 v29, v14;
	[tilespmem:s21+$0x10420] =	vst v13  }
0x1ee: {  	v31 =	vld [tilespmem:s18+$0x430]  }
0x1ef: {  	v32 =	vld [tilespmem:s31+$0x430];
	[tilespmem:s31+$0x10420] =	vst v14  }
0x1f0: {  	v33 =	vld [tilespmem:s17+$0x430];
	_ =	sdelay $0x2  }
0x1f1: {  	v13 =	vmul.f32 v30, v7;
	v15 =	vmul.f32 v31, v8;
	_ =	sdelay $0x1  }
0x1f2: {  	v14 =	vmul.f32 v32, v9;
	v34 =	vmul.f32 v33, v10;
	v13 =	vadd.f32 v15, v13;
	_ =	sdelay $0x1  }
0x1f3: {  	v35 =	vld [tilespmem:s21+$0x440];
	v14 =	vadd.f32 v34, v14;
	[tilespmem:s21+$0x10430] =	vst v13  }
0x1f4: {  	v36 =	vld [tilespmem:s18+$0x440]  }
0x1f5: {  	v37 =	vld [tilespmem:s31+$0x440];
	[tilespmem:s31+$0x10430] =	vst v14  }
0x1f6: {  	v38 =	vld [tilespmem:s17+$0x440];
	_ =	sdelay $0x2  }
0x1f7: {  	v13 =	vmul.f32 v35, v7;
	v15 =	vmul.f32 v36, v8;
	_ =	sdelay $0x1  }
0x1f8: {  	v14 =	vmul.f32 v37, v9;
	v39 =	vmul.f32 v38, v10;
	v13 =	vadd.f32 v15, v13;
	_ =	sdelay $0x1  }
0x1f9: {  	v40 =	vld [tilespmem:s21+$0x450];
	v14 =	vadd.f32 v39, v14;
	[tilespmem:s21+$0x10440] =	vst v13  }
0x1fa: {  	v41 =	vld [tilespmem:s18+$0x450]  }
0x1fb: {  	v42 =	vld [tilespmem:s31+$0x450];
	[tilespmem:s31+$0x10440] =	vst v14  }
0x1fc: {  	v43 =	vld [tilespmem:s17+$0x450];
	_ =	sdelay $0x2  }
0x1fd: {  	v13 =	vmul.f32 v40, v7;
	v15 =	vmul.f32 v41, v8;
	_ =	sdelay $0x1  }
0x1fe: {  	v14 =	vmul.f32 v42, v9;
	v44 =	vmul.f32 v43, v10;
	v13 =	vadd.f32 v15, v13;
	_ =	sdelay $0x1  }
0x1ff: {  	v45 =	vld [tilespmem:s21+$0x460];
	v14 =	vadd.f32 v44, v14;
	[tilespmem:s21+$0x10450] =	vst v13  }
0x200: {  	v46 =	vld [tilespmem:s18+$0x460]  }
0x201: {  	v47 =	vld [tilespmem:s31+$0x460];
	[tilespmem:s31+$0x10450] =	vst v14  }
0x202: {  	v48 =	vld [tilespmem:s17+$0x460];
	_ =	sdelay $0x2  }
0x203: {  	v13 =	vmul.f32 v45, v7;
	v15 =	vmul.f32 v46, v8;
	_ =	sdelay $0x1  }
0x204: {  	v14 =	vmul.f32 v47, v9;
	v49 =	vmul.f32 v48, v10;
	v13 =	vadd.f32 v15, v13;
	_ =	sdelay $0x1  }
0x205: {  	v50 =	vld [tilespmem:s21+$0x470];
	v14 =	vadd.f32 v49, v14;
	[tilespmem:s21+$0x10460] =	vst v13  }
0x206: {  	v51 =	vld [tilespmem:s18+$0x470]  }
0x207: {  	v52 =	vld [tilespmem:s31+$0x470];
	[tilespmem:s31+$0x10460] =	vst v14  }
0x208: {  	v53 =	vld [tilespmem:s17+$0x470];
	_ =	sdelay $0x2  }
0x209: {  	v13 =	vmul.f32 v50, v7;
	v15 =	vmul.f32 v51, v8;
	_ =	sdelay $0x1  }
0x20a: {  	v14 =	vmul.f32 v52, v9;
	v54 =	vmul.f32 v53, v10;
	v13 =	vadd.f32 v15, v13;
	_ =	sdelay $0x1  }
0x20b: {  	v55 =	vld [tilespmem:s21+$0x800];
	v14 =	vadd.f32 v54, v14;
	[tilespmem:s21+$0x10470] =	vst v13  }
0x20c: {  	v56 =	vld [tilespmem:s18+$0x800]  }
0x20d: {  	v57 =	vld [tilespmem:s31+$0x800];
	[tilespmem:s31+$0x10470] =	vst v14  }
0x20e: {  	v58 =	vld [tilespmem:s17+$0x800];
	_ =	sdelay $0x2  }
0x20f: {  	v13 =	vmul.f32 v55, v7;
	v15 =	vmul.f32 v56, v8;
	_ =	sdelay $0x1  }
0x210: {  	v14 =	vmul.f32 v57, v9;
	v59 =	vmul.f32 v58, v10;
	v13 =	vadd.f32 v15, v13;
	_ =	sdelay $0x1  }
0x211: {  	v60 =	vld [tilespmem:s21+$0x810];
	v14 =	vadd.f32 v59, v14;
	[tilespmem:s21+$0x10800] =	vst v13  }
0x212: {  	v61 =	vld [tilespmem:s18+$0x810]  }
0x213: {  	v62 =	vld [tilespmem:s31+$0x810];
	[tilespmem:s31+$0x10800] =	vst v14  }
0x214: {  	v63 =	vld [tilespmem:s17+$0x810];
	_ =	sdelay $0x2  }
0x215: {  	v13 =	vmul.f32 v60, v7;
	v15 =	vmul.f32 v61, v8;
	_ =	sdelay $0x1  }
0x216: {  	v14 =	vmul.f32 v62, v9;
	v19 =	vmul.f32 v63, v10;
	v13 =	vadd.f32 v15, v13;
	_ =	sdelay $0x1  }
0x217: {  	v20 =	vld [tilespmem:s21+$0x820];
	v14 =	vadd.f32 v19, v14;
	[tilespmem:s21+$0x10810] =	vst v13  }
0x218: {  	v21 =	vld [tilespmem:s18+$0x820]  }
0x219: {  	v22 =	vld [tilespmem:s31+$0x820];
	[tilespmem:s31+$0x10810] =	vst v14  }
0x21a: {  	v23 =	vld [tilespmem:s17+$0x820];
	_ =	sdelay $0x2  }
0x21b: {  	v13 =	vmul.f32 v20, v7;
	v15 =	vmul.f32 v21, v8;
	_ =	sdelay $0x1  }
0x21c: {  	v14 =	vmul.f32 v22, v9;
	v24 =	vmul.f32 v23, v10;
	v13 =	vadd.f32 v15, v13;
	_ =	sdelay $0x1  }
0x21d: {  	v25 =	vld [tilespmem:s21+$0x830];
	v14 =	vadd.f32 v24, v14;
	[tilespmem:s21+$0x10820] =	vst v13  }
0x21e: {  	v26 =	vld [tilespmem:s18+$0x830]  }
0x21f: {  	v27 =	vld [tilespmem:s31+$0x830];
	[tilespmem:s31+$0x10820] =	vst v14  }
0x220: {  	v28 =	vld [tilespmem:s17+$0x830];
	_ =	sdelay $0x2  }
0x221: {  	v13 =	vmul.f32 v25, v7;
	v15 =	vmul.f32 v26, v8;
	_ =	sdelay $0x1  }
0x222: {  	v14 =	vmul.f32 v27, v9;
	v29 =	vmul.f32 v28, v10;
	v13 =	vadd.f32 v15, v13;
	_ =	sdelay $0x1  }
0x223: {  	v30 =	vld [tilespmem:s21+$0x840];
	v14 =	vadd.f32 v29, v14;
	[tilespmem:s21+$0x10830] =	vst v13  }
0x224: {  	v31 =	vld [tilespmem:s18+$0x840]  }
0x225: {  	v32 =	vld [tilespmem:s31+$0x840];
	[tilespmem:s31+$0x10830] =	vst v14  }
0x226: {  	v33 =	vld [tilespmem:s17+$0x840];
	_ =	sdelay $0x2  }
0x227: {  	v13 =	vmul.f32 v30, v7;
	v15 =	vmul.f32 v31, v8;
	_ =	sdelay $0x1  }
0x228: {  	v14 =	vmul.f32 v32, v9;
	v34 =	vmul.f32 v33, v10;
	v13 =	vadd.f32 v15, v13;
	_ =	sdelay $0x1  }
0x229: {  	v35 =	vld [tilespmem:s21+$0x850];
	v14 =	vadd.f32 v34, v14;
	[tilespmem:s21+$0x10840] =	vst v13  }
0x22a: {  	v36 =	vld [tilespmem:s18+$0x850]  }
0x22b: {  	v37 =	vld [tilespmem:s31+$0x850];
	[tilespmem:s31+$0x10840] =	vst v14  }
0x22c: {  	v38 =	vld [tilespmem:s17+$0x850];
	_ =	sdelay $0x2  }
0x22d: {  	v13 =	vmul.f32 v35, v7;
	v15 =	vmul.f32 v36, v8;
	_ =	sdelay $0x1  }
0x22e: {  	v14 =	vmul.f32 v37, v9;
	v39 =	vmul.f32 v38, v10;
	v13 =	vadd.f32 v15, v13;
	_ =	sdelay $0x1  }
0x22f: {  	v40 =	vld [tilespmem:s21+$0x860];
	v14 =	vadd.f32 v39, v14;
	[tilespmem:s21+$0x10850] =	vst v13  }
0x230: {  	v41 =	vld [tilespmem:s18+$0x860]  }
0x231: {  	v42 =	vld [tilespmem:s31+$0x860];
	[tilespmem:s31+$0x10850] =	vst v14  }
0x232: {  	v43 =	vld [tilespmem:s17+$0x860];
	_ =	sdelay $0x2  }
0x233: {  	v13 =	vmul.f32 v40, v7;
	v15 =	vmul.f32 v41, v8;
	_ =	sdelay $0x1  }
0x234: {  	v14 =	vmul.f32 v42, v9;
	v44 =	vmul.f32 v43, v10;
	v13 =	vadd.f32 v15, v13;
	_ =	sdelay $0x1  }
0x235: {  	v45 =	vld [tilespmem:s21+$0x870];
	v14 =	vadd.f32 v44, v14;
	[tilespmem:s21+$0x10860] =	vst v13  }
0x236: {  	v46 =	vld [tilespmem:s18+$0x870]  }
0x237: {  	v47 =	vld [tilespmem:s31+$0x870];
	[tilespmem:s31+$0x10860] =	vst v14  }
0x238: {  	v48 =	vld [tilespmem:s17+$0x870];
	_ =	sdelay $0x2  }
0x239: {  	v13 =	vmul.f32 v45, v7;
	v15 =	vmul.f32 v46, v8;
	_ =	sdelay $0x1  }
0x23a: {  	v14 =	vmul.f32 v47, v9;
	v49 =	vmul.f32 v48, v10;
	v13 =	vadd.f32 v15, v13;
	_ =	sdelay $0x1  }
0x23b: {  	v50 =	vld [tilespmem:s21+$0xC00];
	v14 =	vadd.f32 v49, v14;
	[tilespmem:s21+$0x10870] =	vst v13  }
0x23c: {  	v51 =	vld [tilespmem:s18+$0xC00]  }
0x23d: {  	v52 =	vld [tilespmem:s31+$0xC00];
	[tilespmem:s31+$0x10870] =	vst v14  }
0x23e: {  	v53 =	vld [tilespmem:s17+$0xC00];
	_ =	sdelay $0x2  }
0x23f: {  	v13 =	vmul.f32 v50, v7;
	v15 =	vmul.f32 v51, v8;
	_ =	sdelay $0x1  }
0x240: {  	v14 =	vmul.f32 v52, v9;
	v54 =	vmul.f32 v53, v10;
	v13 =	vadd.f32 v15, v13;
	_ =	sdelay $0x1  }
0x241: {  	v55 =	vld [tilespmem:s21+$0xC10];
	v14 =	vadd.f32 v54, v14;
	[tilespmem:s21+$0x10C00] =	vst v13  }
0x242: {  	v56 =	vld [tilespmem:s18+$0xC10]  }
0x243: {  	v57 =	vld [tilespmem:s31+$0xC10];
	[tilespmem:s31+$0x10C00] =	vst v14  }
0x244: {  	v58 =	vld [tilespmem:s17+$0xC10];
	_ =	sdelay $0x2  }
0x245: {  	v13 =	vmul.f32 v55, v7;
	v15 =	vmul.f32 v56, v8;
	_ =	sdelay $0x1  }
0x246: {  	v14 =	vmul.f32 v57, v9;
	v59 =	vmul.f32 v58, v10;
	v13 =	vadd.f32 v15, v13;
	_ =	sdelay $0x1  }
0x247: {  	v60 =	vld [tilespmem:s21+$0xC20];
	v14 =	vadd.f32 v59, v14;
	[tilespmem:s21+$0x10C10] =	vst v13  }
0x248: {  	v61 =	vld [tilespmem:s18+$0xC20]  }
0x249: {  	v62 =	vld [tilespmem:s31+$0xC20];
	[tilespmem:s31+$0x10C10] =	vst v14  }
0x24a: {  	v63 =	vld [tilespmem:s17+$0xC20];
	_ =	sdelay $0x2  }
0x24b: {  	v13 =	vmul.f32 v60, v7;
	v15 =	vmul.f32 v61, v8;
	_ =	sdelay $0x1  }
0x24c: {  	v14 =	vmul.f32 v62, v9;
	v19 =	vmul.f32 v63, v10;
	v13 =	vadd.f32 v15, v13;
	_ =	sdelay $0x1  }
0x24d: {  	v20 =	vld [tilespmem:s21+$0xC30];
	v14 =	vadd.f32 v19, v14;
	[tilespmem:s21+$0x10C20] =	vst v13  }
0x24e: {  	v21 =	vld [tilespmem:s18+$0xC30]  }
0x24f: {  	v22 =	vld [tilespmem:s31+$0xC30];
	[tilespmem:s31+$0x10C20] =	vst v14  }
0x250: {  	v23 =	vld [tilespmem:s17+$0xC30];
	_ =	sdelay $0x2  }
0x251: {  	v13 =	vmul.f32 v20, v7;
	v15 =	vmul.f32 v21, v8;
	_ =	sdelay $0x1  }
0x252: {  	v14 =	vmul.f32 v22, v9;
	v24 =	vmul.f32 v23, v10;
	v13 =	vadd.f32 v15, v13;
	_ =	sdelay $0x1  }
0x253: {  	v25 =	vld [tilespmem:s21+$0xC40];
	v14 =	vadd.f32 v24, v14;
	[tilespmem:s21+$0x10C30] =	vst v13  }
0x254: {  	v26 =	vld [tilespmem:s18+$0xC40]  }
0x255: {  	v27 =	vld [tilespmem:s31+$0xC40];
	[tilespmem:s31+$0x10C30] =	vst v14  }
0x256: {  	v28 =	vld [tilespmem:s17+$0xC40];
	_ =	sdelay $0x2  }
0x257: {  	v13 =	vmul.f32 v25, v7;
	v15 =	vmul.f32 v26, v8;
	_ =	sdelay $0x1  }
0x258: {  	v14 =	vmul.f32 v27, v9;
	v29 =	vmul.f32 v28, v10;
	v13 =	vadd.f32 v15, v13;
	_ =	sdelay $0x1  }
0x259: {  	v30 =	vld [tilespmem:s21+$0xC50];
	v14 =	vadd.f32 v29, v14;
	[tilespmem:s21+$0x10C40] =	vst v13  }
0x25a: {  	v31 =	vld [tilespmem:s18+$0xC50]  }
0x25b: {  	v32 =	vld [tilespmem:s31+$0xC50];
	[tilespmem:s31+$0x10C40] =	vst v14  }
0x25c: {  	v33 =	vld [tilespmem:s17+$0xC50];
	_ =	sdelay $0x2  }
0x25d: {  	v13 =	vmul.f32 v30, v7;
	v15 =	vmul.f32 v31, v8;
	_ =	sdelay $0x1  }
0x25e: {  	v14 =	vmul.f32 v32, v9;
	v34 =	vmul.f32 v33, v10;
	v13 =	vadd.f32 v15, v13;
	_ =	sdelay $0x1  }
0x25f: {  	v35 =	vld [tilespmem:s21+$0xC60];
	v14 =	vadd.f32 v34, v14;
	[tilespmem:s21+$0x10C50] =	vst v13  }
0x260: {  	v36 =	vld [tilespmem:s18+$0xC60]  }
0x261: {  	v37 =	vld [tilespmem:s31+$0xC60];
	[tilespmem:s31+$0x10C50] =	vst v14  }
0x262: {  	v38 =	vld [tilespmem:s17+$0xC60];
	_ =	sdelay $0x2  }
0x263: {  	v13 =	vmul.f32 v35, v7;
	v15 =	vmul.f32 v36, v8;
	_ =	sdelay $0x1  }
0x264: {  	v14 =	vmul.f32 v37, v9;
	v39 =	vmul.f32 v38, v10;
	v13 =	vadd.f32 v15, v13;
	_ =	sdelay $0x1  }
0x265: {  	v40 =	vld [tilespmem:s21+$0xC70];
	v14 =	vadd.f32 v39, v14;
	[tilespmem:s21+$0x10C60] =	vst v13  }
0x266: {  	v41 =	vld [tilespmem:s18+$0xC70]  }
0x267: {  	v42 =	vld [tilespmem:s31+$0xC70];
	[tilespmem:s31+$0x10C60] =	vst v14  }
0x268: {  	v43 =	vld [tilespmem:s17+$0xC70];
	_ =	sdelay $0x2  }
0x269: {  	v13 =	vmul.f32 v40, v7;
	v15 =	vmul.f32 v41, v8;
	_ =	sdelay $0x1  }
0x26a: {  	v14 =	vmul.f32 v42, v9;
	v44 =	vmul.f32 v43, v10;
	v13 =	vadd.f32 v15, v13;
	_ =	sdelay $0x1  }
0x26b: {  	v45 =	vld [tilespmem:s21+$0x1000];
	v14 =	vadd.f32 v44, v14;
	[tilespmem:s21+$0x10C70] =	vst v13  }
0x26c: {  	v46 =	vld [tilespmem:s18+$0x1000]  }
0x26d: {  	v47 =	vld [tilespmem:s31+$0x1000];
	[tilespmem:s31+$0x10C70] =	vst v14  }
0x26e: {  	v48 =	vld [tilespmem:s17+$0x1000];
	_ =	sdelay $0x2  }
0x26f: {  	v13 =	vmul.f32 v45, v7;
	v15 =	vmul.f32 v46, v8;
	_ =	sdelay $0x1  }
0x270: {  	v14 =	vmul.f32 v47, v9;
	v49 =	vmul.f32 v48, v10;
	v13 =	vadd.f32 v15, v13;
	_ =	sdelay $0x1  }
0x271: {  	v50 =	vld [tilespmem:s21+$0x1010];
	v14 =	vadd.f32 v49, v14;
	[tilespmem:s21+$0x11000] =	vst v13  }
0x272: {  	v51 =	vld [tilespmem:s18+$0x1010]  }
0x273: {  	v52 =	vld [tilespmem:s31+$0x1010];
	[tilespmem:s31+$0x11000] =	vst v14  }
0x274: {  	v53 =	vld [tilespmem:s17+$0x1010]  }
0x275: {  	v11 =	vmul.f32 v11, v5;
	v12 =	vmul.f32 v12, v6;
	_ =	sdelay $0x1  }
0x276: {  	v11 =	vadd.f32 v12, v11;
	v54 =	vmul.f32 v50, v7;
	v55 =	vmul.f32 v51, v8;
	_ =	sdelay $0x1  }
0x277: {  	[tilespmem:s19+$0x11010] =	vst v11;
	v57 =	vmul.f32 v52, v9;
	v56 =	vld [tilespmem:s19+$0x1020];
	v58 =	vmul.f32 v53, v10;
	v12 =	vadd.f32 v55, v54  }
0x278: {  	v59 =	vld [tilespmem:s13+$0x1020]  }
0x279: {  	v60 =	vld [tilespmem:s21+$0x1020];
	v13 =	vadd.f32 v58, v57;
	[tilespmem:s21+$0x11010] =	vst v12  }
0x27a: {  	v61 =	vld [tilespmem:s18+$0x1020]  }
0x27b: {  	v62 =	vld [tilespmem:s31+$0x1020];
	[tilespmem:s31+$0x11010] =	vst v13  }
0x27c: {  	v63 =	vld [tilespmem:s17+$0x1020]  }
0x27d: {  	v11 =	vmul.f32 v56, v5;
	v15 =	vmul.f32 v59, v6;
	_ =	sdelay $0x1  }
0x27e: {  	v11 =	vadd.f32 v15, v11;
	v12 =	vmul.f32 v60, v7;
	v14 =	vmul.f32 v61, v8;
	_ =	sdelay $0x1  }
0x27f: {  	v20 =	vld [tilespmem:s19+$0x1030];
	[tilespmem:s19+$0x11020] =	vst v11;
	v13 =	vmul.f32 v62, v9;
	v21 =	vmul.f32 v63, v10;
	v12 =	vadd.f32 v14, v12  }
0x280: {  	v22 =	vld [tilespmem:s13+$0x1030]  }
0x281: {  	v23 =	vld [tilespmem:s21+$0x1030];
	v13 =	vadd.f32 v21, v13;
	[tilespmem:s21+$0x11020] =	vst v12  }
0x282: {  	v24 =	vld [tilespmem:s18+$0x1030]  }
0x283: {  	v25 =	vld [tilespmem:s31+$0x1030];
	[tilespmem:s31+$0x11020] =	vst v13  }
0x284: {  	v26 =	vld [tilespmem:s17+$0x1030]  }
0x285: {  	v11 =	vmul.f32 v20, v5;
	v15 =	vmul.f32 v22, v6;
	_ =	sdelay $0x1  }
0x286: {  	v11 =	vadd.f32 v15, v11;
	v12 =	vmul.f32 v23, v7;
	v14 =	vmul.f32 v24, v8;
	_ =	sdelay $0x1  }
0x287: {  	v27 =	vld [tilespmem:s19+$0x1040];
	[tilespmem:s19+$0x11030] =	vst v11;
	v13 =	vmul.f32 v25, v9;
	v28 =	vmul.f32 v26, v10;
	v12 =	vadd.f32 v14, v12  }
0x288: {  	v29 =	vld [tilespmem:s13+$0x1040]  }
0x289: {  	v30 =	vld [tilespmem:s21+$0x1040];
	v13 =	vadd.f32 v28, v13;
	[tilespmem:s21+$0x11030] =	vst v12  }
0x28a: {  	v31 =	vld [tilespmem:s18+$0x1040]  }
0x28b: {  	v32 =	vld [tilespmem:s31+$0x1040];
	[tilespmem:s31+$0x11030] =	vst v13  }
0x28c: {  	v33 =	vld [tilespmem:s17+$0x1040]  }
0x28d: {  	v11 =	vmul.f32 v27, v5;
	v15 =	vmul.f32 v29, v6;
	_ =	sdelay $0x1  }
0x28e: {  	v11 =	vadd.f32 v15, v11;
	v12 =	vmul.f32 v30, v7;
	v14 =	vmul.f32 v31, v8;
	_ =	sdelay $0x1  }
0x28f: {  	v34 =	vld [tilespmem:s19+$0x1050];
	[tilespmem:s19+$0x11040] =	vst v11;
	v13 =	vmul.f32 v32, v9;
	v35 =	vmul.f32 v33, v10;
	v12 =	vadd.f32 v14, v12  }
0x290: {  	v36 =	vld [tilespmem:s13+$0x1050]  }
0x291: {  	v37 =	vld [tilespmem:s21+$0x1050];
	v13 =	vadd.f32 v35, v13;
	[tilespmem:s21+$0x11040] =	vst v12  }
0x292: {  	v38 =	vld [tilespmem:s18+$0x1050]  }
0x293: {  	v39 =	vld [tilespmem:s31+$0x1050];
	[tilespmem:s31+$0x11040] =	vst v13  }
0x294: {  	v40 =	vld [tilespmem:s17+$0x1050]  }
0x295: {  	v11 =	vmul.f32 v34, v5;
	v15 =	vmul.f32 v36, v6;
	_ =	sdelay $0x1  }
0x296: {  	v11 =	vadd.f32 v15, v11;
	v12 =	vmul.f32 v37, v7;
	v14 =	vmul.f32 v38, v8;
	_ =	sdelay $0x1  }
0x297: {  	v41 =	vld [tilespmem:s19+$0x1060];
	[tilespmem:s19+$0x11050] =	vst v11;
	v13 =	vmul.f32 v39, v9;
	v42 =	vmul.f32 v40, v10;
	v12 =	vadd.f32 v14, v12  }
0x298: {  	v43 =	vld [tilespmem:s13+$0x1060]  }
0x299: {  	v44 =	vld [tilespmem:s21+$0x1060];
	v13 =	vadd.f32 v42, v13;
	[tilespmem:s21+$0x11050] =	vst v12  }
0x29a: {  	v45 =	vld [tilespmem:s18+$0x1060]  }
0x29b: {  	v46 =	vld [tilespmem:s31+$0x1060];
	[tilespmem:s31+$0x11050] =	vst v13  }
0x29c: {  	v47 =	vld [tilespmem:s17+$0x1060]  }
0x29d: {  	v11 =	vmul.f32 v41, v5;
	v15 =	vmul.f32 v43, v6;
	_ =	sdelay $0x1  }
0x29e: {  	v11 =	vadd.f32 v15, v11;
	v12 =	vmul.f32 v44, v7;
	v14 =	vmul.f32 v45, v8;
	_ =	sdelay $0x1  }
0x29f: {  	v48 =	vld [tilespmem:s19+$0x1070];
	[tilespmem:s19+$0x11060] =	vst v11;
	v13 =	vmul.f32 v46, v9;
	v49 =	vmul.f32 v47, v10;
	v12 =	vadd.f32 v14, v12  }
0x2a0: {  	v50 =	vld [tilespmem:s13+$0x1070]  }
0x2a1: {  	v51 =	vld [tilespmem:s21+$0x1070];
	v13 =	vadd.f32 v49, v13;
	[tilespmem:s21+$0x11060] =	vst v12  }
0x2a2: {  	v52 =	vld [tilespmem:s18+$0x1070]  }
0x2a3: {  	v53 =	vld [tilespmem:s31+$0x1070];
	[tilespmem:s31+$0x11060] =	vst v13  }
0x2a4: {  	v54 =	vld [tilespmem:s17+$0x1070]  }
0x2a5: {  	s25 =	sand.u32 $0x7, s16;
	v11 =	vmul.f32 v48, v5;
	v15 =	vmul.f32 v50, v6  }
0x2a6: {  	s20 =	sshll.u32 s25, $0x7  }
0x2a7: {  	s28 =	sand.u32 $0x3, s15;
	s22 =	sadd.s32 s20, s7;
	v11 =	vadd.f32 v15, v11;
	v12 =	vmul.f32 v51, v7;
	v14 =	vmul.f32 v52, v8  }
0x2a8: {  	s24 =	sshll.u32 s28, $0x8;
	s20 =	sadd.s32 $0x80, s22  }
0x2a9: {  	s24 =	sadd.s32 s24, s7;
	s25 =	sor.u32 $0x1000, s20;
	v56 =	vmul.f32 v53, v9;
	[tilespmem:s19+$0x11070] =	vst v11;
	v57 =	vmul.f32 v54, v10;
	v55 =	vadd.f32 v14, v12  }
0x2aa: {  	s19 =	sadd.s32 $0x100, s24;
	v58 =	vld [tilespmem:s25+$0x400]  }
0x2ab: {  	v59 =	vld [tilespmem:s13+$0x1400];
	s28 =	sor.u32 $0x1000, s19;
	v60 =	vadd.f32 v57, v56;
	[tilespmem:s21+$0x11070] =	vst v55  }
0x2ac: {  	v61 =	vld [tilespmem:s28+$0x400]  }
0x2ad: {  	s21 =	sadd.s32 $0x180, s22;
	[tilespmem:s31+$0x11070] =	vst v60;
	v62 =	vld [tilespmem:s18+$0x1400]  }
0x2ae: {  	s31 =	sor.u32 $0x1000, s21;
	v63 =	vld [tilespmem:s17+$0x1400]  }
0x2af: {  	v11 =	vld [tilespmem:s31+$0x400]  }
0x2b0: {  	v15 =	vmul.f32 v59, v6;
	v14 =	vmul.f32 v58, v5;
	_ =	sdelay $0x1  }
0x2b1: {  	v14 =	vadd.f32 v15, v14;
	v12 =	vmul.f32 v61, v7;
	v13 =	vmul.f32 v62, v8;
	_ =	sdelay $0x1  }
0x2b2: {  	[tilespmem:s25+$0x10400] =	vst v14;
	s25 =	sor.u32 $0x1010, s20;
	v20 =	vmul.f32 v63, v10;
	v11 =	vmul.f32 v11, v9;
	v12 =	vadd.f32 v13, v12  }
0x2b3: {  	v14 =	vld [tilespmem:s25+$0x400]  }
0x2b4: {  	v21 =	vld [tilespmem:s13+$0x1410];
	v11 =	vadd.f32 v20, v11;
	[tilespmem:s28+$0x10400] =	vst v12;
	s28 =	sor.u32 $0x1010, s19  }
0x2b5: {  	v12 =	vld [tilespmem:s28+$0x400]  }
0x2b6: {  	v22 =	vld [tilespmem:s18+$0x1410];
	[tilespmem:s31+$0x10400] =	vst v11;
	s31 =	sor.u32 $0x1010, s21  }
0x2b7: {  	v11 =	vld [tilespmem:s31+$0x400]  }
0x2b8: {  	v23 =	vld [tilespmem:s17+$0x1410]  }
0x2b9: {  	v14 =	vmul.f32 v14, v5;
	v15 =	vmul.f32 v21, v6;
	_ =	sdelay $0x1  }
0x2ba: {  	v14 =	vadd.f32 v15, v14;
	v12 =	vmul.f32 v12, v7;
	v13 =	vmul.f32 v22, v8;
	_ =	sdelay $0x1  }
0x2bb: {  	[tilespmem:s25+$0x10400] =	vst v14;
	s25 =	sor.u32 $0x1020, s20;
	v11 =	vmul.f32 v11, v9;
	v24 =	vmul.f32 v23, v10;
	v12 =	vadd.f32 v13, v12  }
0x2bc: {  	v14 =	vld [tilespmem:s25+$0x400]  }
0x2bd: {  	v25 =	vld [tilespmem:s13+$0x1420];
	v11 =	vadd.f32 v24, v11;
	[tilespmem:s28+$0x10400] =	vst v12;
	s28 =	sor.u32 $0x1020, s19  }
0x2be: {  	v12 =	vld [tilespmem:s28+$0x400]  }
0x2bf: {  	v26 =	vld [tilespmem:s18+$0x1420];
	[tilespmem:s31+$0x10400] =	vst v11;
	s31 =	sor.u32 $0x1020, s21  }
0x2c0: {  	v11 =	vld [tilespmem:s31+$0x400]  }
0x2c1: {  	v27 =	vld [tilespmem:s17+$0x1420]  }
0x2c2: {  	v14 =	vmul.f32 v14, v5;
	v15 =	vmul.f32 v25, v6;
	_ =	sdelay $0x1  }
0x2c3: {  	v14 =	vadd.f32 v15, v14;
	v12 =	vmul.f32 v12, v7;
	v13 =	vmul.f32 v26, v8;
	_ =	sdelay $0x1  }
0x2c4: {  	[tilespmem:s25+$0x10400] =	vst v14;
	s25 =	sor.u32 $0x1030, s20;
	v11 =	vmul.f32 v11, v9;
	v28 =	vmul.f32 v27, v10;
	v12 =	vadd.f32 v13, v12  }
0x2c5: {  	v14 =	vld [tilespmem:s25+$0x400]  }
0x2c6: {  	v29 =	vld [tilespmem:s13+$0x1430];
	v11 =	vadd.f32 v28, v11;
	[tilespmem:s28+$0x10400] =	vst v12;
	s28 =	sor.u32 $0x1030, s19  }
0x2c7: {  	v12 =	vld [tilespmem:s28+$0x400]  }
0x2c8: {  	v30 =	vld [tilespmem:s18+$0x1430];
	[tilespmem:s31+$0x10400] =	vst v11;
	s31 =	sor.u32 $0x1030, s21  }
0x2c9: {  	v11 =	vld [tilespmem:s31+$0x400]  }
0x2ca: {  	v31 =	vld [tilespmem:s17+$0x1430]  }
0x2cb: {  	v14 =	vmul.f32 v14, v5;
	v15 =	vmul.f32 v29, v6;
	_ =	sdelay $0x1  }
0x2cc: {  	v14 =	vadd.f32 v15, v14;
	v12 =	vmul.f32 v12, v7;
	v13 =	vmul.f32 v30, v8;
	_ =	sdelay $0x1  }
0x2cd: {  	[tilespmem:s25+$0x10400] =	vst v14;
	s25 =	sor.u32 $0x1040, s20;
	v11 =	vmul.f32 v11, v9;
	v32 =	vmul.f32 v31, v10;
	v12 =	vadd.f32 v13, v12  }
0x2ce: {  	v14 =	vld [tilespmem:s25+$0x400]  }
0x2cf: {  	v33 =	vld [tilespmem:s13+$0x1440];
	v11 =	vadd.f32 v32, v11;
	[tilespmem:s28+$0x10400] =	vst v12;
	s28 =	sor.u32 $0x1040, s19  }
0x2d0: {  	v12 =	vld [tilespmem:s28+$0x400]  }
0x2d1: {  	v34 =	vld [tilespmem:s18+$0x1440];
	[tilespmem:s31+$0x10400] =	vst v11;
	s31 =	sor.u32 $0x1040, s21  }
0x2d2: {  	v11 =	vld [tilespmem:s31+$0x400]  }
0x2d3: {  	v35 =	vld [tilespmem:s17+$0x1440]  }
0x2d4: {  	v14 =	vmul.f32 v14, v5;
	v15 =	vmul.f32 v33, v6;
	_ =	sdelay $0x1  }
0x2d5: {  	v14 =	vadd.f32 v15, v14;
	v12 =	vmul.f32 v12, v7;
	v13 =	vmul.f32 v34, v8;
	_ =	sdelay $0x1  }
0x2d6: {  	[tilespmem:s25+$0x10400] =	vst v14;
	s25 =	sor.u32 $0x1050, s20;
	v11 =	vmul.f32 v11, v9;
	v36 =	vmul.f32 v35, v10;
	v12 =	vadd.f32 v13, v12  }
0x2d7: {  	v14 =	vld [tilespmem:s25+$0x400]  }
0x2d8: {  	v37 =	vld [tilespmem:s13+$0x1450];
	v11 =	vadd.f32 v36, v11;
	[tilespmem:s28+$0x10400] =	vst v12;
	s28 =	sor.u32 $0x1050, s19  }
0x2d9: {  	v12 =	vld [tilespmem:s28+$0x400]  }
0x2da: {  	v38 =	vld [tilespmem:s18+$0x1450];
	[tilespmem:s31+$0x10400] =	vst v11;
	s31 =	sor.u32 $0x1050, s21  }
0x2db: {  	v11 =	vld [tilespmem:s31+$0x400]  }
0x2dc: {  	v39 =	vld [tilespmem:s17+$0x1450]  }
0x2dd: {  	v14 =	vmul.f32 v14, v5;
	v15 =	vmul.f32 v37, v6;
	_ =	sdelay $0x1  }
0x2de: {  	v14 =	vadd.f32 v15, v14;
	v12 =	vmul.f32 v12, v7;
	v13 =	vmul.f32 v38, v8;
	_ =	sdelay $0x1  }
0x2df: {  	[tilespmem:s25+$0x10400] =	vst v14;
	s25 =	sor.u32 $0x1060, s20;
	v11 =	vmul.f32 v11, v9;
	v40 =	vmul.f32 v39, v10;
	v12 =	vadd.f32 v13, v12  }
0x2e0: {  	v14 =	vld [tilespmem:s25+$0x400]  }
0x2e1: {  	v41 =	vld [tilespmem:s13+$0x1460];
	v11 =	vadd.f32 v40, v11;
	[tilespmem:s28+$0x10400] =	vst v12;
	s28 =	sor.u32 $0x1060, s19  }
0x2e2: {  	v12 =	vld [tilespmem:s28+$0x400]  }
0x2e3: {  	v42 =	vld [tilespmem:s18+$0x1460];
	[tilespmem:s31+$0x10400] =	vst v11;
	s31 =	sor.u32 $0x1060, s21  }
0x2e4: {  	v11 =	vld [tilespmem:s31+$0x400]  }
0x2e5: {  	v43 =	vld [tilespmem:s17+$0x1460]  }
0x2e6: {  	v14 =	vmul.f32 v14, v5;
	v15 =	vmul.f32 v41, v6;
	_ =	sdelay $0x1  }
0x2e7: {  	v14 =	vadd.f32 v15, v14;
	v12 =	vmul.f32 v12, v7;
	v13 =	vmul.f32 v42, v8;
	_ =	sdelay $0x1  }
0x2e8: {  	[tilespmem:s25+$0x10400] =	vst v14;
	s25 =	sor.u32 $0x1070, s20;
	v11 =	vmul.f32 v11, v9;
	v44 =	vmul.f32 v43, v10;
	v12 =	vadd.f32 v13, v12  }
0x2e9: {  	v14 =	vld [tilespmem:s25+$0x400]  }
0x2ea: {  	v45 =	vld [tilespmem:s13+$0x1470];
	v11 =	vadd.f32 v44, v11;
	[tilespmem:s28+$0x10400] =	vst v12;
	s28 =	sor.u32 $0x1070, s19  }
0x2eb: {  	v12 =	vld [tilespmem:s28+$0x400]  }
0x2ec: {  	v46 =	vld [tilespmem:s18+$0x1470];
	[tilespmem:s31+$0x10400] =	vst v11;
	s31 =	sor.u32 $0x1070, s21  }
0x2ed: {  	v11 =	vld [tilespmem:s31+$0x400]  }
0x2ee: {  	v47 =	vld [tilespmem:s17+$0x1470]  }
0x2ef: {  	v14 =	vmul.f32 v14, v5;
	v15 =	vmul.f32 v45, v6;
	_ =	sdelay $0x1  }
0x2f0: {  	v14 =	vadd.f32 v15, v14;
	v12 =	vmul.f32 v12, v7;
	v13 =	vmul.f32 v46, v8  }
0x2f1: {  	s23 =	sadd.s32 $0x4480, s22  }
0x2f2: {  	[tilespmem:s25+$0x10400] =	vst v14;
	s25 =	sor.u32 $0x1400, s23;
	v11 =	vmul.f32 v11, v9;
	v48 =	vmul.f32 v47, v10;
	v12 =	vadd.f32 v13, v12  }
0x2f3: {  	v14 =	vld [tilespmem:s25+$0x400];
	s25 =	sor.u32 $0x1400, s20  }
0x2f4: {  	v49 =	vld [tilespmem:s25+$0x400];
	v11 =	vadd.f32 v48, v11;
	[tilespmem:s28+$0x10400] =	vst v12;
	s28 =	sor.u32 $0x1400, s19  }
0x2f5: {  	v12 =	vld [tilespmem:s28+$0x400]  }
0x2f6: {  	v50 =	vld [tilespmem:s18+$0x1800];
	[tilespmem:s31+$0x10400] =	vst v11;
	s31 =	sor.u32 $0x1400, s21  }
0x2f7: {  	v11 =	vld [tilespmem:s31+$0x400]  }
0x2f8: {  	v51 =	vld [tilespmem:s17+$0x1800]  }
0x2f9: {  	v14 =	vmul.f32 v14, v6;
	v15 =	vmul.f32 v49, v5;
	_ =	sdelay $0x1  }
0x2fa: {  	v14 =	vadd.f32 v14, v15;
	v12 =	vmul.f32 v12, v7;
	v13 =	vmul.f32 v50, v8;
	_ =	sdelay $0x1  }
0x2fb: {  	[tilespmem:s25+$0x10400] =	vst v14;
	s25 =	sor.u32 $0x1410, s23;
	v11 =	vmul.f32 v11, v9;
	v52 =	vmul.f32 v51, v10;
	v12 =	vadd.f32 v13, v12  }
0x2fc: {  	v14 =	vld [tilespmem:s25+$0x400];
	s25 =	sor.u32 $0x1410, s20  }
0x2fd: {  	v53 =	vld [tilespmem:s25+$0x400];
	v11 =	vadd.f32 v52, v11;
	[tilespmem:s28+$0x10400] =	vst v12;
	s28 =	sor.u32 $0x1410, s19  }
0x2fe: {  	v12 =	vld [tilespmem:s28+$0x400]  }
0x2ff: {  	v54 =	vld [tilespmem:s18+$0x1810];
	[tilespmem:s31+$0x10400] =	vst v11;
	s31 =	sor.u32 $0x1410, s21  }
0x300: {  	v11 =	vld [tilespmem:s31+$0x400]  }
0x301: {  	v55 =	vld [tilespmem:s17+$0x1810]  }
0x302: {  	v14 =	vmul.f32 v14, v6;
	v15 =	vmul.f32 v53, v5;
	_ =	sdelay $0x1  }
0x303: {  	v14 =	vadd.f32 v14, v15;
	v12 =	vmul.f32 v12, v7;
	v13 =	vmul.f32 v54, v8;
	_ =	sdelay $0x1  }
0x304: {  	[tilespmem:s25+$0x10400] =	vst v14;
	s25 =	sor.u32 $0x1420, s23;
	v11 =	vmul.f32 v11, v9;
	v56 =	vmul.f32 v55, v10;
	v12 =	vadd.f32 v13, v12  }
0x305: {  	v14 =	vld [tilespmem:s25+$0x400];
	s25 =	sor.u32 $0x1420, s20  }
0x306: {  	v57 =	vld [tilespmem:s25+$0x400];
	v11 =	vadd.f32 v56, v11;
	[tilespmem:s28+$0x10400] =	vst v12;
	s28 =	sor.u32 $0x1420, s19  }
0x307: {  	v12 =	vld [tilespmem:s28+$0x400]  }
0x308: {  	v58 =	vld [tilespmem:s18+$0x1820];
	[tilespmem:s31+$0x10400] =	vst v11;
	s31 =	sor.u32 $0x1420, s21  }
0x309: {  	v11 =	vld [tilespmem:s31+$0x400]  }
0x30a: {  	v59 =	vld [tilespmem:s17+$0x1820]  }
0x30b: {  	v14 =	vmul.f32 v14, v6;
	v15 =	vmul.f32 v57, v5;
	_ =	sdelay $0x1  }
0x30c: {  	v14 =	vadd.f32 v14, v15;
	v12 =	vmul.f32 v12, v7;
	v13 =	vmul.f32 v58, v8;
	_ =	sdelay $0x1  }
0x30d: {  	[tilespmem:s25+$0x10400] =	vst v14;
	s25 =	sor.u32 $0x1430, s23;
	v11 =	vmul.f32 v11, v9;
	v60 =	vmul.f32 v59, v10;
	v12 =	vadd.f32 v13, v12  }
0x30e: {  	v14 =	vld [tilespmem:s25+$0x400];
	s25 =	sor.u32 $0x1430, s20  }
0x30f: {  	v61 =	vld [tilespmem:s25+$0x400];
	v11 =	vadd.f32 v60, v11;
	[tilespmem:s28+$0x10400] =	vst v12;
	s28 =	sor.u32 $0x1430, s19  }
0x310: {  	v12 =	vld [tilespmem:s28+$0x400]  }
0x311: {  	v62 =	vld [tilespmem:s18+$0x1830];
	[tilespmem:s31+$0x10400] =	vst v11;
	s31 =	sor.u32 $0x1430, s21  }
0x312: {  	v11 =	vld [tilespmem:s31+$0x400]  }
0x313: {  	v63 =	vld [tilespmem:s17+$0x1830]  }
0x314: {  	v14 =	vmul.f32 v14, v6;
	v15 =	vmul.f32 v61, v5;
	_ =	sdelay $0x1  }
0x315: {  	v14 =	vadd.f32 v14, v15;
	v12 =	vmul.f32 v12, v7;
	v13 =	vmul.f32 v62, v8;
	_ =	sdelay $0x1  }
0x316: {  	[tilespmem:s25+$0x10400] =	vst v14;
	s25 =	sor.u32 $0x1440, s23;
	v11 =	vmul.f32 v11, v9;
	v20 =	vmul.f32 v63, v10;
	v12 =	vadd.f32 v13, v12  }
0x317: {  	v14 =	vld [tilespmem:s25+$0x400];
	s25 =	sor.u32 $0x1440, s20  }
0x318: {  	v21 =	vld [tilespmem:s25+$0x400];
	v11 =	vadd.f32 v20, v11;
	[tilespmem:s28+$0x10400] =	vst v12;
	s28 =	sor.u32 $0x1440, s19  }
0x319: {  	v12 =	vld [tilespmem:s28+$0x400]  }
0x31a: {  	v22 =	vld [tilespmem:s18+$0x1840];
	[tilespmem:s31+$0x10400] =	vst v11;
	s31 =	sor.u32 $0x1440, s21  }
0x31b: {  	v11 =	vld [tilespmem:s31+$0x400]  }
0x31c: {  	v23 =	vld [tilespmem:s17+$0x1840]  }
0x31d: {  	v14 =	vmul.f32 v14, v6;
	v15 =	vmul.f32 v21, v5;
	_ =	sdelay $0x1  }
0x31e: {  	v14 =	vadd.f32 v14, v15;
	v12 =	vmul.f32 v12, v7;
	v13 =	vmul.f32 v22, v8;
	_ =	sdelay $0x1  }
0x31f: {  	[tilespmem:s25+$0x10400] =	vst v14;
	s25 =	sor.u32 $0x1450, s23;
	v11 =	vmul.f32 v11, v9;
	v24 =	vmul.f32 v23, v10;
	v12 =	vadd.f32 v13, v12  }
0x320: {  	v14 =	vld [tilespmem:s25+$0x400];
	s25 =	sor.u32 $0x1450, s20  }
0x321: {  	v25 =	vld [tilespmem:s25+$0x400];
	v11 =	vadd.f32 v24, v11;
	[tilespmem:s28+$0x10400] =	vst v12;
	s28 =	sor.u32 $0x1450, s19  }
0x322: {  	v12 =	vld [tilespmem:s28+$0x400]  }
0x323: {  	v26 =	vld [tilespmem:s18+$0x1850];
	[tilespmem:s31+$0x10400] =	vst v11;
	s31 =	sor.u32 $0x1450, s21  }
0x324: {  	v11 =	vld [tilespmem:s31+$0x400]  }
0x325: {  	v27 =	vld [tilespmem:s17+$0x1850]  }
0x326: {  	v14 =	vmul.f32 v14, v6;
	v15 =	vmul.f32 v25, v5;
	_ =	sdelay $0x1  }
0x327: {  	v14 =	vadd.f32 v14, v15;
	v12 =	vmul.f32 v12, v7;
	v13 =	vmul.f32 v26, v8;
	_ =	sdelay $0x1  }
0x328: {  	v11 =	vmul.f32 v11, v9;
	v28 =	vmul.f32 v27, v10;
	[tilespmem:s25+$0x10400] =	vst v14;
	s25 =	sor.u32 $0x1460, s23;
	v12 =	vadd.f32 v13, v12  }
0x329: {  	v14 =	vld [tilespmem:s25+$0x400];
	s25 =	sor.u32 $0x1460, s20  }
0x32a: {  	v11 =	vadd.f32 v28, v11;
	v29 =	vld [tilespmem:s25+$0x400];
	[tilespmem:s28+$0x10400] =	vst v12;
	s28 =	sor.u32 $0x1460, s19  }
0x32b: {  	v12 =	vld [tilespmem:s28+$0x400]  }
0x32c: {  	v30 =	vld [tilespmem:s18+$0x1860];
	[tilespmem:s31+$0x10400] =	vst v11;
	s31 =	sor.u32 $0x1460, s21  }
0x32d: {  	v11 =	vld [tilespmem:s31+$0x400]  }
0x32e: {  	v31 =	vld [tilespmem:s17+$0x1860]  }
0x32f: {  	v14 =	vmul.f32 v14, v6;
	v15 =	vmul.f32 v29, v5;
	_ =	sdelay $0x1  }
0x330: {  	v12 =	vmul.f32 v12, v7;
	v13 =	vmul.f32 v30, v8;
	v14 =	vadd.f32 v14, v15;
	_ =	sdelay $0x1  }
0x331: {  	v11 =	vmul.f32 v11, v9;
	v32 =	vmul.f32 v31, v10;
	v12 =	vadd.f32 v13, v12;
	[tilespmem:s25+$0x10400] =	vst v14;
	s25 =	sor.u32 $0x1470, s23  }
0x332: {  	v14 =	vld [tilespmem:s25+$0x400];
	s25 =	sor.u32 $0x1470, s20  }
0x333: {  	v11 =	vadd.f32 v32, v11;
	[tilespmem:s28+$0x10400] =	vst v12;
	v33 =	vld [tilespmem:s25+$0x400]  }
0x334: {  	s28 =	sor.u32 $0x1470, s19;
	v34 =	vld [tilespmem:s18+$0x1870]  }
0x335: {  	v35 =	vld [tilespmem:s28+$0x400];
	[tilespmem:s31+$0x10400] =	vst v11;
	s31 =	sor.u32 $0x1470, s21  }
0x336: {  	v11 =	vld [tilespmem:s31+$0x400]  }
0x337: {  	v36 =	vld [tilespmem:s17+$0x1870];
	_ =	sdelay $0x2  }
0x338: {  	v14 =	vmul.f32 v14, v6;
	v12 =	vmul.f32 v33, v5  }
0x339: {  	v37 =	vmul.f32 v35, v7;
	v13 =	vmul.f32 v34, v8  }
0x33a: {  	v11 =	vmul.f32 v11, v9;
	v39 =	vmul.f32 v36, v10;
	v12 =	vadd.f32 v14, v12  }
0x33b: {  	v38 =	vadd.f32 v13, v37  }
0x33c: {  	v11 =	vadd.f32 v39, v11;
	[tilespmem:s25+$0x10400] =	vst v12;
	s25 =	sor.u32 $0x1800, s20  }
0x33d: {  	[tilespmem:s28+$0x10400] =	vst v38;
	v40 =	vld [tilespmem:s25+$0x400]  }
0x33e: {  	s28 =	sor.u32 $0x1800, s21;
	v41 =	vld [tilespmem:s13+$0x1C00];
	[tilespmem:s31+$0x10400] =	vst v11  }
0x33f: {  	s18 =	sadd.s32 $0x4900, s24;
	v11 =	vld [tilespmem:s28+$0x400]  }
0x340: {  	s24 =	sor.u32 $0x1800, s18;
	v43 =	vld [tilespmem:s17+$0x1C00]  }
0x341: {  	v12 =	vld [tilespmem:s24+$0x400];
	s24 =	sor.u32 $0x1800, s19  }
0x342: {  	v42 =	vld [tilespmem:s24+$0x400]  }
0x343: {  	v14 =	vmul.f32 v40, v5;
	v15 =	vmul.f32 v41, v6;
	_ =	sdelay $0x1  }
0x344: {  	v11 =	vmul.f32 v11, v9;
	v44 =	vmul.f32 v43, v10;
	v14 =	vadd.f32 v15, v14;
	_ =	sdelay $0x1  }
0x345: {  	v12 =	vmul.f32 v12, v8;
	v13 =	vmul.f32 v42, v7;
	v11 =	vadd.f32 v44, v11;
	[tilespmem:s25+$0x10400] =	vst v14;
	s25 =	sor.u32 $0x1810, s20  }
0x346: {  	v14 =	vld [tilespmem:s25+$0x400]  }
0x347: {  	v12 =	vadd.f32 v12, v13;
	v45 =	vld [tilespmem:s13+$0x1C10];
	[tilespmem:s28+$0x10400] =	vst v11;
	s28 =	sor.u32 $0x1810, s21  }
0x348: {  	v11 =	vld [tilespmem:s28+$0x400]  }
0x349: {  	s31 =	sor.u32 $0x1810, s18;
	[tilespmem:s24+$0x10400] =	vst v12;
	v47 =	vld [tilespmem:s17+$0x1C10]  }
0x34a: {  	v12 =	vld [tilespmem:s31+$0x400];
	s31 =	sor.u32 $0x1810, s19  }
0x34b: {  	v46 =	vld [tilespmem:s31+$0x400]  }
0x34c: {  	v14 =	vmul.f32 v14, v5;
	v15 =	vmul.f32 v45, v6;
	_ =	sdelay $0x1  }
0x34d: {  	v11 =	vmul.f32 v11, v9;
	v48 =	vmul.f32 v47, v10;
	v14 =	vadd.f32 v15, v14;
	_ =	sdelay $0x1  }
0x34e: {  	v12 =	vmul.f32 v12, v8;
	v13 =	vmul.f32 v46, v7;
	v11 =	vadd.f32 v48, v11;
	[tilespmem:s25+$0x10400] =	vst v14;
	s25 =	sor.u32 $0x1820, s20  }
0x34f: {  	v14 =	vld [tilespmem:s25+$0x400]  }
0x350: {  	v12 =	vadd.f32 v12, v13;
	v49 =	vld [tilespmem:s13+$0x1C20];
	[tilespmem:s28+$0x10400] =	vst v11;
	s28 =	sor.u32 $0x1820, s21  }
0x351: {  	v11 =	vld [tilespmem:s28+$0x400]  }
0x352: {  	[tilespmem:s31+$0x10400] =	vst v12;
	s31 =	sor.u32 $0x1820, s18;
	v51 =	vld [tilespmem:s17+$0x1C20]  }
0x353: {  	v12 =	vld [tilespmem:s31+$0x400];
	s31 =	sor.u32 $0x1820, s19  }
0x354: {  	v50 =	vld [tilespmem:s31+$0x400]  }
0x355: {  	v14 =	vmul.f32 v14, v5;
	v15 =	vmul.f32 v49, v6;
	_ =	sdelay $0x1  }
0x356: {  	v11 =	vmul.f32 v11, v9;
	v52 =	vmul.f32 v51, v10;
	v14 =	vadd.f32 v15, v14;
	_ =	sdelay $0x1  }
0x357: {  	v12 =	vmul.f32 v12, v8;
	v13 =	vmul.f32 v50, v7;
	v11 =	vadd.f32 v52, v11;
	[tilespmem:s25+$0x10400] =	vst v14;
	s25 =	sor.u32 $0x1830, s20  }
0x358: {  	v14 =	vld [tilespmem:s25+$0x400]  }
0x359: {  	v12 =	vadd.f32 v12, v13;
	v53 =	vld [tilespmem:s13+$0x1C30];
	[tilespmem:s28+$0x10400] =	vst v11;
	s28 =	sor.u32 $0x1830, s21  }
0x35a: {  	v11 =	vld [tilespmem:s28+$0x400]  }
0x35b: {  	v55 =	vld [tilespmem:s17+$0x1C30];
	[tilespmem:s31+$0x10400] =	vst v12;
	s31 =	sor.u32 $0x1830, s18  }
0x35c: {  	v12 =	vld [tilespmem:s31+$0x400];
	s31 =	sor.u32 $0x1830, s19  }
0x35d: {  	v54 =	vld [tilespmem:s31+$0x400]  }
0x35e: {  	v14 =	vmul.f32 v14, v5;
	v15 =	vmul.f32 v53, v6;
	_ =	sdelay $0x1  }
0x35f: {  	v11 =	vmul.f32 v11, v9;
	v56 =	vmul.f32 v55, v10;
	v14 =	vadd.f32 v15, v14;
	_ =	sdelay $0x1  }
0x360: {  	v12 =	vmul.f32 v12, v8;
	v11 =	vadd.f32 v56, v11;
	v13 =	vmul.f32 v54, v7;
	[tilespmem:s25+$0x10400] =	vst v14;
	s25 =	sor.u32 $0x1840, s20  }
0x361: {  	v14 =	vld [tilespmem:s25+$0x400]  }
0x362: {  	v57 =	vld [tilespmem:s13+$0x1C40];
	[tilespmem:s28+$0x10400] =	vst v11;
	s28 =	sor.u32 $0x1840, s21;
	v12 =	vadd.f32 v12, v13  }
0x363: {  	v11 =	vld [tilespmem:s28+$0x400]  }
0x364: {  	v59 =	vld [tilespmem:s17+$0x1C40];
	[tilespmem:s31+$0x10400] =	vst v12;
	s31 =	sor.u32 $0x1840, s18  }
0x365: {  	v12 =	vld [tilespmem:s31+$0x400];
	s31 =	sor.u32 $0x1840, s19  }
0x366: {  	v58 =	vld [tilespmem:s31+$0x400]  }
0x367: {  	v14 =	vmul.f32 v14, v5;
	v15 =	vmul.f32 v57, v6;
	_ =	sdelay $0x1  }
0x368: {  	v11 =	vmul.f32 v11, v9;
	v60 =	vmul.f32 v59, v10;
	v14 =	vadd.f32 v15, v14;
	_ =	sdelay $0x1  }
0x369: {  	v11 =	vadd.f32 v60, v11;
	v12 =	vmul.f32 v12, v8;
	[tilespmem:s25+$0x10400] =	vst v14;
	s25 =	sor.u32 $0x1850, s20;
	v13 =	vmul.f32 v58, v7  }
0x36a: {  	v14 =	vld [tilespmem:s25+$0x400]  }
0x36b: {  	v61 =	vld [tilespmem:s13+$0x1C50];
	[tilespmem:s28+$0x10400] =	vst v11;
	s28 =	sor.u32 $0x1850, s21;
	v12 =	vadd.f32 v12, v13  }
0x36c: {  	v11 =	vld [tilespmem:s28+$0x400]  }
0x36d: {  	v63 =	vld [tilespmem:s17+$0x1C50];
	[tilespmem:s31+$0x10400] =	vst v12;
	s31 =	sor.u32 $0x1850, s18  }
0x36e: {  	v12 =	vld [tilespmem:s31+$0x400];
	s31 =	sor.u32 $0x1850, s19  }
0x36f: {  	v62 =	vld [tilespmem:s31+$0x400]  }
0x370: {  	v14 =	vmul.f32 v14, v5;
	v15 =	vmul.f32 v61, v6;
	_ =	sdelay $0x1  }
0x371: {  	v11 =	vmul.f32 v11, v9;
	v20 =	vmul.f32 v63, v10;
	v14 =	vadd.f32 v15, v14;
	_ =	sdelay $0x1  }
0x372: {  	v11 =	vadd.f32 v20, v11;
	[tilespmem:s25+$0x10400] =	vst v14;
	s25 =	sor.u32 $0x1860, s20;
	v12 =	vmul.f32 v12, v8;
	v13 =	vmul.f32 v62, v7  }
0x373: {  	v14 =	vld [tilespmem:s25+$0x400]  }
0x374: {  	v21 =	vld [tilespmem:s13+$0x1C60];
	[tilespmem:s28+$0x10400] =	vst v11;
	s28 =	sor.u32 $0x1860, s21;
	v12 =	vadd.f32 v12, v13  }
0x375: {  	v11 =	vld [tilespmem:s28+$0x400]  }
0x376: {  	v23 =	vld [tilespmem:s17+$0x1C60];
	[tilespmem:s31+$0x10400] =	vst v12;
	s31 =	sor.u32 $0x1860, s18  }
0x377: {  	v12 =	vld [tilespmem:s31+$0x400];
	s31 =	sor.u32 $0x1860, s19  }
0x378: {  	v22 =	vld [tilespmem:s31+$0x400]  }
0x379: {  	v14 =	vmul.f32 v14, v5;
	v15 =	vmul.f32 v21, v6;
	_ =	sdelay $0x1  }
0x37a: {  	v11 =	vmul.f32 v11, v9;
	v24 =	vmul.f32 v23, v10;
	v14 =	vadd.f32 v15, v14;
	_ =	sdelay $0x1  }
0x37b: {  	v11 =	vadd.f32 v24, v11;
	[tilespmem:s25+$0x10400] =	vst v14;
	v12 =	vmul.f32 v12, v8;
	v13 =	vmul.f32 v22, v7  }
0x37c: {  	v14 =	vld [tilespmem:s13+$0x1C70];
	s13 =	sor.u32 $0x1870, s20  }
0x37d: {  	[tilespmem:s28+$0x10400] =	vst v11;
	v25 =	vld [tilespmem:s13+$0x400];
	v12 =	vadd.f32 v12, v13  }
0x37e: {  	v27 =	vld [tilespmem:s17+$0x1C70];
	s17 =	sor.u32 $0x1870, s21  }
0x37f: {  	s25 =	sor.u32 $0x1870, s18;
	v28 =	vld [tilespmem:s17+$0x400];
	[tilespmem:s31+$0x10400] =	vst v12  }
0x380: {  	s31 =	sor.u32 $0x1870, s19;
	v12 =	vld [tilespmem:s25+$0x400]  }
0x381: {  	v26 =	vld [tilespmem:s31+$0x400]  }
0x382: {  	v14 =	vmul.f32 v14, v6;
	v15 =	vmul.f32 v25, v5;
	_ =	sdelay $0x1  }
0x383: {  	v13 =	vmul.f32 v27, v10;
	v29 =	vmul.f32 v28, v9;
	v14 =	vadd.f32 v14, v15;
	_ =	sdelay $0x1  }
0x384: {  	s25 =	sor.u32 $0x1C00, s23;
	v31 =	vadd.f32 v13, v29;
	[tilespmem:s13+$0x10400] =	vst v14;
	v11 =	vmul.f32 v26, v7;
	v12 =	vmul.f32 v12, v8  }
0x385: {  	v14 =	vld [tilespmem:s25+$0x400];
	s25 =	sor.u32 $0x1C00, s20  }
0x386: {  	s13 =	sadd.s32 $0x4D80, s22;
	[tilespmem:s17+$0x10400] =	vst v31;
	s17 =	sor.u32 $0x1C00, s21;
	v30 =	vld [tilespmem:s25+$0x400];
	v11 =	vadd.f32 v12, v11  }
0x387: {  	s22 =	sor.u32 $0x1C00, s13;
	v34 =	vld [tilespmem:s17+$0x400]  }
0x388: {  	s28 =	sor.u32 $0x1C00, s18;
	[tilespmem:s31+$0x10400] =	vst v11;
	v11 =	vld [tilespmem:s22+$0x400]  }
0x389: {  	s31 =	sor.u32 $0x1C00, s19;
	v32 =	vld [tilespmem:s28+$0x400]  }
0x38a: {  	v33 =	vld [tilespmem:s31+$0x400]  }
0x38b: {  	v14 =	vmul.f32 v14, v6;
	v15 =	vmul.f32 v30, v5;
	_ =	sdelay $0x1  }
0x38c: {  	v35 =	vmul.f32 v34, v9;
	v14 =	vadd.f32 v14, v15;
	v11 =	vmul.f32 v11, v10;
	_ =	sdelay $0x1  }
0x38d: {  	s28 =	sor.u32 $0x1C10, s23;
	[tilespmem:s25+$0x10400] =	vst v14;
	v13 =	vmul.f32 v33, v7;
	v12 =	vmul.f32 v32, v8;
	v11 =	vadd.f32 v11, v35  }
0x38e: {  	s22 =	sor.u32 $0x1C10, s20;
	v14 =	vld [tilespmem:s28+$0x400]  }
0x38f: {  	s25 =	sor.u32 $0x1C10, s13;
	v36 =	vld [tilespmem:s22+$0x400];
	v12 =	vadd.f32 v12, v13;
	[tilespmem:s17+$0x10400] =	vst v11  }
0x390: {  	s28 =	sor.u32 $0x1C10, s21;
	v11 =	vld [tilespmem:s25+$0x400]  }
0x391: {  	[tilespmem:s31+$0x10400] =	vst v12;
	s31 =	sor.u32 $0x1C10, s18;
	v38 =	vld [tilespmem:s28+$0x400]  }
0x392: {  	s24 =	sor.u32 $0x1C10, s19;
	v12 =	vld [tilespmem:s31+$0x400]  }
0x393: {  	v37 =	vld [tilespmem:s24+$0x400]  }
0x394: {  	v15 =	vmul.f32 v36, v5;
	v14 =	vmul.f32 v14, v6;
	_ =	sdelay $0x1  }
0x395: {  	v14 =	vadd.f32 v14, v15;
	v39 =	vmul.f32 v38, v9;
	v11 =	vmul.f32 v11, v10;
	_ =	sdelay $0x1  }
0x396: {  	s31 =	sor.u32 $0x1C20, s23;
	[tilespmem:s22+$0x10400] =	vst v14;
	v13 =	vmul.f32 v37, v7;
	v12 =	vmul.f32 v12, v8;
	v11 =	vadd.f32 v11, v39  }
0x397: {  	s22 =	sor.u32 $0x1C20, s20;
	v14 =	vld [tilespmem:s31+$0x400]  }
0x398: {  	v40 =	vld [tilespmem:s22+$0x400];
	v12 =	vadd.f32 v12, v13;
	[tilespmem:s28+$0x10400] =	vst v11;
	s28 =	sor.u32 $0x1C20, s13  }
0x399: {  	s31 =	sor.u32 $0x1C20, s21;
	v11 =	vld [tilespmem:s28+$0x400]  }
0x39a: {  	s25 =	sor.u32 $0x1C20, s18;
	[tilespmem:s24+$0x10400] =	vst v12;
	v42 =	vld [tilespmem:s31+$0x400]  }
0x39b: {  	s24 =	sor.u32 $0x1C20, s19;
	v12 =	vld [tilespmem:s25+$0x400]  }
0x39c: {  	v41 =	vld [tilespmem:s24+$0x400]  }
0x39d: {  	v15 =	vmul.f32 v40, v5;
	v14 =	vmul.f32 v14, v6;
	_ =	sdelay $0x1  }
0x39e: {  	v14 =	vadd.f32 v14, v15;
	v43 =	vmul.f32 v42, v9;
	v11 =	vmul.f32 v11, v10;
	_ =	sdelay $0x1  }
0x39f: {  	s25 =	sor.u32 $0x1C30, s23;
	[tilespmem:s22+$0x10400] =	vst v14;
	v13 =	vmul.f32 v41, v7;
	v12 =	vmul.f32 v12, v8;
	v11 =	vadd.f32 v11, v43  }
0x3a0: {  	s22 =	sor.u32 $0x1C30, s20;
	v14 =	vld [tilespmem:s25+$0x400]  }
0x3a1: {  	v44 =	vld [tilespmem:s22+$0x400];
	v12 =	vadd.f32 v12, v13;
	[tilespmem:s31+$0x10400] =	vst v11;
	s31 =	sor.u32 $0x1C30, s13  }
0x3a2: {  	s25 =	sor.u32 $0x1C30, s21;
	v11 =	vld [tilespmem:s31+$0x400]  }
0x3a3: {  	s28 =	sor.u32 $0x1C30, s18;
	[tilespmem:s24+$0x10400] =	vst v12;
	v46 =	vld [tilespmem:s25+$0x400]  }
0x3a4: {  	s24 =	sor.u32 $0x1C30, s19;
	v12 =	vld [tilespmem:s28+$0x400]  }
0x3a5: {  	v45 =	vld [tilespmem:s24+$0x400]  }
0x3a6: {  	v15 =	vmul.f32 v44, v5;
	v14 =	vmul.f32 v14, v6;
	_ =	sdelay $0x1  }
0x3a7: {  	v14 =	vadd.f32 v14, v15;
	v47 =	vmul.f32 v46, v9;
	v11 =	vmul.f32 v11, v10;
	_ =	sdelay $0x1  }
0x3a8: {  	s28 =	sor.u32 $0x1C40, s23;
	[tilespmem:s22+$0x10400] =	vst v14;
	v13 =	vmul.f32 v45, v7;
	v12 =	vmul.f32 v12, v8;
	v11 =	vadd.f32 v11, v47  }
0x3a9: {  	s22 =	sor.u32 $0x1C40, s20;
	v14 =	vld [tilespmem:s28+$0x400]  }
0x3aa: {  	v48 =	vld [tilespmem:s22+$0x400];
	v12 =	vadd.f32 v12, v13;
	[tilespmem:s25+$0x10400] =	vst v11;
	s25 =	sor.u32 $0x1C40, s13  }
0x3ab: {  	s28 =	sor.u32 $0x1C40, s21;
	v11 =	vld [tilespmem:s25+$0x400]  }
0x3ac: {  	s31 =	sor.u32 $0x1C40, s18;
	[tilespmem:s24+$0x10400] =	vst v12;
	v50 =	vld [tilespmem:s28+$0x400]  }
0x3ad: {  	s24 =	sor.u32 $0x1C40, s19;
	v12 =	vld [tilespmem:s31+$0x400]  }
0x3ae: {  	v49 =	vld [tilespmem:s24+$0x400]  }
0x3af: {  	v15 =	vmul.f32 v48, v5;
	v14 =	vmul.f32 v14, v6;
	_ =	sdelay $0x1  }
0x3b0: {  	v14 =	vadd.f32 v14, v15;
	v51 =	vmul.f32 v50, v9;
	v11 =	vmul.f32 v11, v10;
	_ =	sdelay $0x1  }
0x3b1: {  	s31 =	sor.u32 $0x1C50, s23;
	[tilespmem:s22+$0x10400] =	vst v14;
	v13 =	vmul.f32 v49, v7;
	v12 =	vmul.f32 v12, v8;
	v11 =	vadd.f32 v11, v51  }
0x3b2: {  	s22 =	sor.u32 $0x1C50, s20;
	v14 =	vld [tilespmem:s31+$0x400]  }
0x3b3: {  	v52 =	vld [tilespmem:s22+$0x400];
	v12 =	vadd.f32 v12, v13;
	[tilespmem:s28+$0x10400] =	vst v11;
	s28 =	sor.u32 $0x1C50, s13  }
0x3b4: {  	s31 =	sor.u32 $0x1C50, s21;
	v11 =	vld [tilespmem:s28+$0x400]  }
0x3b5: {  	s25 =	sor.u32 $0x1C50, s18;
	[tilespmem:s24+$0x10400] =	vst v12;
	v54 =	vld [tilespmem:s31+$0x400]  }
0x3b6: {  	s24 =	sor.u32 $0x1C50, s19;
	v12 =	vld [tilespmem:s25+$0x400]  }
0x3b7: {  	v53 =	vld [tilespmem:s24+$0x400]  }
0x3b8: {  	v15 =	vmul.f32 v52, v5;
	v14 =	vmul.f32 v14, v6;
	_ =	sdelay $0x1  }
0x3b9: {  	v14 =	vadd.f32 v14, v15;
	v55 =	vmul.f32 v54, v9;
	v11 =	vmul.f32 v11, v10;
	_ =	sdelay $0x1  }
0x3ba: {  	s25 =	sor.u32 $0x1C60, s23;
	[tilespmem:s22+$0x10400] =	vst v14;
	v13 =	vmul.f32 v53, v7;
	v12 =	vmul.f32 v12, v8;
	v11 =	vadd.f32 v11, v55  }
0x3bb: {  	s22 =	sor.u32 $0x1C60, s20;
	v14 =	vld [tilespmem:s25+$0x400]  }
0x3bc: {  	v56 =	vld [tilespmem:s22+$0x400];
	v12 =	vadd.f32 v12, v13;
	[tilespmem:s31+$0x10400] =	vst v11;
	s31 =	sor.u32 $0x1C60, s13  }
0x3bd: {  	s25 =	sor.u32 $0x1C60, s21;
	v11 =	vld [tilespmem:s31+$0x400]  }
0x3be: {  	s28 =	sor.u32 $0x1C60, s18;
	[tilespmem:s24+$0x10400] =	vst v12;
	v58 =	vld [tilespmem:s25+$0x400]  }
0x3bf: {  	s24 =	sor.u32 $0x1C60, s19;
	v12 =	vld [tilespmem:s28+$0x400]  }
0x3c0: {  	v57 =	vld [tilespmem:s24+$0x400]  }
0x3c1: {  	v15 =	vmul.f32 v56, v5;
	v14 =	vmul.f32 v14, v6;
	_ =	sdelay $0x1  }
0x3c2: {  	v14 =	vadd.f32 v14, v15;
	v59 =	vmul.f32 v58, v9;
	v11 =	vmul.f32 v11, v10;
	_ =	sdelay $0x1  }
0x3c3: {  	s20 =	sor.u32 $0x1C70, s20;
	[tilespmem:s22+$0x10400] =	vst v14;
	v13 =	vmul.f32 v57, v7;
	v12 =	vmul.f32 v12, v8;
	v11 =	vadd.f32 v11, v59  }
0x3c4: {  	s28 =	sor.u32 $0x1C70, s23;
	v14 =	vld [tilespmem:s20+$0x400]  }
0x3c5: {  	s31 =	sor.u32 $0x1C70, s21;
	v60 =	vld [tilespmem:s28+$0x400];
	v12 =	vadd.f32 v12, v13;
	[tilespmem:s25+$0x10400] =	vst v11  }
0x3c6: {  	s13 =	sor.u32 $0x1C70, s13;
	v11 =	vld [tilespmem:s31+$0x400]  }
0x3c7: {  	s19 =	sor.u32 $0x1C70, s19;
	[tilespmem:s24+$0x10400] =	vst v12;
	v62 =	vld [tilespmem:s13+$0x400]  }
0x3c8: {  	s18 =	sor.u32 $0x1C70, s18;
	v12 =	vld [tilespmem:s19+$0x400]  }
0x3c9: {  	v61 =	vld [tilespmem:s18+$0x400];
	_ =	sdelay $0x1  }
0x3ca: {  	v5 =	vmul.f32 v14, v5;
	v6 =	vmul.f32 v60, v6;
	_ =	sdelay $0x1  }
0x3cb: {  	p2 =	slt.u32 s9, $0xC;
	v5 =	vadd.f32 v6, v5;
	v6 =	vmul.f32 v11, v9;
	v63 =	vmul.f32 v62, v10  }
.Ltmp0:
0x3cc: {  	v7 =	vmul.f32 v12, v7;
	v8 =	vmul.f32 v61, v8;
	(pc) =	sbr.rel @p2 .LBB2_3-.Ltmp0, $4  }
0x3cd: {  	[tilespmem:s20+$0x10400] =	vst v5;
	v5 =	vadd.f32 v63, v6  }
0x3ce: {  	p1 =	por !p1, !p1;
	v7 =	vadd.f32 v8, v7  }
0x3cf: {  	s6 =	sadd.s32 $0x1200, s6;
	s9 =	sadd.s32 $0x4, s9;
	s8 =	sadd.s32 $0x200, s8;
	[tilespmem:s31+$0x10400] =	vst v5  }
0x3d0: {  	s15 =	sadd.s32 $0x2, s15;
	s16 =	sadd.s32 $0x4, s16;
	s7 =	sadd.s32 $0x1000, s7;
	[tilespmem:s19+$0x10400] =	vst v7  }
0x3d1: {  	p1 =	sne.s32 s0, $0x7  }
.Ltmp1:
0x3d2: {  	_ = 	snop;
	(pc) =	sbr.rel @p1 .LBB2_6-.Ltmp1, $4  }
0x3d3: {  	s6 =	sadd.s32 s5, s14  }
0x3d4: {  	s6 =	sshll.u32 s6, $0x7  }
0x3d5: {  	s7 =	simm.s32 $0x10400;
	s6 =	sadd.s32 s3, s6  }
0x3d6: {  	[hbm4b:s6+s4] =	stream.linear.scatter [tilespmem:s7], [sflag:$0x4], $0x4000, $0x38;
	[tilespmem:$0x18400] =	vst v63  }
.Ltmp2:
0x3d7: {  	(pc) =	sbr.rel .LBB2_7-.Ltmp2, $4  }
0x3d8: {  	_ = 	snop  }
0x3d9: {  	_ =	swait.ge [sflag:s29], $0x8000  }
0x3da: {  	[sflag:s29] =	ssyncset.done $0x0  }
0x3db: {  	[sflag:s29] =	ssyncadd.s32 $0xFFFF8000  }
.LBB2_6:
0x3dc: {  	v3 =	vld [tilespmem:s14+$0x20];
	_ =	sdelay $0x4  }
0x3dd: {  	v4 =	vshll.u32 v3, $0x3  }
0x3de: {  	v3 =	vand.u32 $0x7, v3;
	v4 =	vand.u32 $0xFFFFFFC0, v4  }
0x3df: {  	v3 =	vor.u32 v3, v4  }
0x3e0: {  	v4 =	vperm.xlane v3, v0;
	_ =	sdelay $0x1  }
0x3e1: {  	v4 =	vadd.s32 v1, v4;
	_ =	sdelay $0x3  }
0x3e2: {  	s6 =	simm.s32 $0x400  }
0x3e3: {  	[tilespmem:s6], [sflag:$0x2] =	stream.indirect_vreg.gather [hbm4b:s2+s4], $0x80, v4, vm0, $0xb8;
	[tilespmem:$0x18400] =	vst v63  }
0x3e4: {  	s9 =	simm.s32 $0xC00;
	v3 =	vperm.xlane v3, v2  }
0x3e5: {  	[tilespmem:s9], [sflag:$0x2] =	stream.indirect_vreg.gather [hbm4b:s10+s4], $0x80, v4, vm0, $0xb8;
	[tilespmem:$0x18400] =	vst v63  }
0x3e6: {  	s13 =	simm.s32 $0x1400;
	v3 =	vadd.s32 v1, v3  }
0x3e7: {  	[tilespmem:s13], [sflag:$0x2] =	stream.indirect_vreg.gather [hbm4b:s11+s4], $0x80, v4, vm0, $0xb8;
	[tilespmem:$0x18400] =	vst v63  }
0x3e8: {  	s15 =	simm.s32 $0x1C00  }
0x3e9: {  	[tilespmem:s15], [sflag:$0x2] =	stream.indirect_vreg.gather [hbm4b:s12+s4], $0x80, v4, vm0, $0xb8;
	[tilespmem:$0x18400] =	vst v63  }
0x3ea: {  	s16 =	simm.s32 $0x2400  }
0x3eb: {  	[tilespmem:s16], [sflag:$0x2] =	stream.indirect_vreg.gather [hbm4b:s2+s4], $0x80, v3, vm0, $0xb8;
	[tilespmem:$0x18400] =	vst v63  }
0x3ec: {  	s17 =	simm.s32 $0x2C00  }
0x3ed: {  	[tilespmem:s17], [sflag:$0x2] =	stream.indirect_vreg.gather [hbm4b:s10+s4], $0x80, v3, vm0, $0xb8;
	[tilespmem:$0x18400] =	vst v63  }
0x3ee: {  	s18 =	simm.s32 $0x3400  }
0x3ef: {  	[tilespmem:s18], [sflag:$0x2] =	stream.indirect_vreg.gather [hbm4b:s11+s4], $0x80, v3, vm0, $0xb8;
	[tilespmem:$0x18400] =	vst v63  }
0x3f0: {  	s19 =	simm.s32 $0x3C00  }
0x3f1: {  	[tilespmem:s19], [sflag:$0x2] =	stream.indirect_vreg.gather [hbm4b:s12+s4], $0x80, v3, vm0, $0xb8;
	[tilespmem:$0x18400] =	vst v63  }
0x3f2: {  	v3 =	vld [tilespmem:s14+$0x120];
	_ =	sdelay $0x4  }
0x3f3: {  	v63 =	vshll.u32 v3, $0x3  }
0x3f4: {  	v3 =	vand.u32 $0x7, v3;
	v4 =	vand.u32 $0xFFFFFFC0, v63  }
0x3f5: {  	v3 =	vor.u32 v3, v4  }
0x3f6: {  	v4 =	vperm.xlane v3, v0;
	_ =	sdelay $0x1  }
0x3f7: {  	v4 =	vadd.s32 v1, v4;
	_ =	sdelay $0x3  }
0x3f8: {  	s20 =	simm.s32 $0x4400  }
0x3f9: {  	[tilespmem:s20], [sflag:$0x2] =	stream.indirect_vreg.gather [hbm4b:s2+s4], $0x80, v4, vm0, $0xb8;
	[tilespmem:$0x18400] =	vst v63  }
0x3fa: {  	s21 =	simm.s32 $0x4C00;
	v3 =	vperm.xlane v3, v2  }
0x3fb: {  	[tilespmem:s21], [sflag:$0x2] =	stream.indirect_vreg.gather [hbm4b:s10+s4], $0x80, v4, vm0, $0xb8;
	[tilespmem:$0x18400] =	vst v63  }
0x3fc: {  	s22 =	simm.s32 $0x5400;
	v3 =	vadd.s32 v1, v3  }
0x3fd: {  	[tilespmem:s22], [sflag:$0x2] =	stream.indirect_vreg.gather [hbm4b:s11+s4], $0x80, v4, vm0, $0xb8;
	[tilespmem:$0x18400] =	vst v63  }
0x3fe: {  	s23 =	simm.s32 $0x5C00  }
0x3ff: {  	[tilespmem:s23], [sflag:$0x2] =	stream.indirect_vreg.gather [hbm4b:s12+s4], $0x80, v4, vm0, $0xb8;
	[tilespmem:$0x18400] =	vst v63  }
0x400: {  	s24 =	simm.s32 $0x6400  }
0x401: {  	[tilespmem:s24], [sflag:$0x2] =	stream.indirect_vreg.gather [hbm4b:s2+s4], $0x80, v3, vm0, $0xb8;
	[tilespmem:$0x18400] =	vst v63  }
0x402: {  	s25 =	simm.s32 $0x6C00  }
0x403: {  	[tilespmem:s25], [sflag:$0x2] =	stream.indirect_vreg.gather [hbm4b:s10+s4], $0x80, v3, vm0, $0xb8;
	[tilespmem:$0x18400] =	vst v63  }
0x404: {  	s28 =	simm.s32 $0x7400  }
0x405: {  	[tilespmem:s28], [sflag:$0x2] =	stream.indirect_vreg.gather [hbm4b:s11+s4], $0x80, v3, vm0, $0xb8;
	[tilespmem:$0x18400] =	vst v63  }
.Ltmp3:
0x406: {  	s31 =	simm.s32 $0x7C00;
	(pc) =	sbr.rel @p0 .LBB2_8-.Ltmp3, $4  }
0x407: {  	[tilespmem:s31], [sflag:$0x2] =	stream.indirect_vreg.gather [hbm4b:s12+s4], $0x80, v3, vm0, $0xb8;
	[tilespmem:$0x18400] =	vst v63  }
0x408: {  	_ =	swait.ge [sflag:s29], $0x8000  }
0x409: {  	[sflag:s29] =	ssyncset.done $0x0  }
0x40a: {  	[sflag:s29] =	ssyncadd.s32 $0xFFFF8000  }
.LBB2_7:
0x40b: {  	_ =	swait.ge [sflag:s30], $0x4000  }
0x40c: {  	[sflag:s30] =	ssyncset.done $0x0  }
0x40d: {  	[sflag:s30] =	ssyncadd.s32 $0xFFFFC000  }
.LBB2_8:
0x40e: {  	s14 =	simm.s32 $0x0  }
0x40f: {  	v3 =	vld [tilespmem:s1+$0x200];
	p0 =	por $0x0, $0x0;
	s15 =	simm.s32 $0x0;
	s6 =	simm.s32 $0x0  }
0x410: {  	v4 =	vld [tilespmem:s1+$0x300];
	s7 =	simm.s32 $0x0;
	s8 =	simm.s32 $0x0;
	s9 =	simm.s32 $0x0  }
.LBB2_9:
0x411: {  	s16 =	sand.u32 $0x2000, s7;
	s13 =	sand.u32 $0x200, s8  }
0x412: {  	s13 =	sor.u32 s13, s16  }
0x413: {  	v5 =	vld [tilespmem:s13+$0x8400]  }
0x414: {  	v6 =	vld [tilespmem:s13+$0xC400]  }
0x415: {  	v9 =	vld [tilespmem:s13+$0x8410]  }
0x416: {  	v10 =	vld [tilespmem:s13+$0xC410]  }
0x417: {  	v11 =	vld [tilespmem:s13+$0x8420]  }
0x418: {  	v12 =	vld [tilespmem:s13+$0xC420]  }
0x419: {  	v13 =	vld [tilespmem:s13+$0x8430]  }
0x41a: {  	v7 =	vmov s9;
	v14 =	vld [tilespmem:s13+$0xC430]  }
0x41b: {  	v7 =	vand.u32 $0xF, v7;
	v15 =	vld [tilespmem:s13+$0x8440]  }
0x41c: {  	v8 =	vbroadcast v7, $0x0;
	v16 =	vld [tilespmem:s13+$0xC440]  }
0x41d: {  	v17 =	vld [tilespmem:s13+$0x8450]  }
0x41e: {  	v18 =	vld [tilespmem:s13+$0xC450];
	v7 =	vperm.xlane v3, v8;
	v8 =	vperm.xlane v4, v8  }
0x41f: {  	v19 =	vld [tilespmem:s13+$0x8460]  }
0x420: {  	v20 =	vld [tilespmem:s13+$0xC460];
	v5 =	vmul.f32 v5, v7;
	v6 =	vmul.f32 v6, v8  }
0x421: {  	v21 =	vld [tilespmem:s13+$0x8470];
	v9 =	vmul.f32 v9, v7;
	v10 =	vmul.f32 v10, v8  }
0x422: {  	v60 =	vld [tilespmem:s13+$0xC470];
	v59 =	vmul.f32 v12, v8;
	v5 =	vadd.f32 v6, v5;
	v6 =	vmul.f32 v11, v7  }
0x423: {  	v61 =	vmul.f32 v13, v7;
	v62 =	vmul.f32 v14, v8;
	v9 =	vadd.f32 v10, v9  }
0x424: {  	v63 =	vmul.f32 v16, v8;
	[tilespmem:s13+$0x14400] =	vst v5;
	v5 =	vadd.f32 v59, v6;
	v6 =	vmul.f32 v15, v7  }
0x425: {  	v22 =	vmul.f32 v17, v7;
	v23 =	vmul.f32 v18, v8;
	v16 =	vadd.f32 v62, v61;
	[tilespmem:s13+$0x14410] =	vst v9  }
0x426: {  	v24 =	vmul.f32 v20, v8;
	[tilespmem:s13+$0x14420] =	vst v5;
	v5 =	vadd.f32 v63, v6;
	v6 =	vmul.f32 v19, v7  }
0x427: {  	v26 =	vmul.f32 v21, v7;
	v12 =	vmul.f32 v60, v8;
	v25 =	vadd.f32 v23, v22;
	[tilespmem:s13+$0x14430] =	vst v16  }
0x428: {  	[tilespmem:s13+$0x14440] =	vst v5;
	v5 =	vadd.f32 v24, v6  }
0x429: {  	s17 =	sand.u32 $0xFFFFE000, s7;
	[tilespmem:s13+$0x14450] =	vst v25;
	v6 =	vadd.f32 v12, v26  }
0x42a: {  	s17 =	sadd.s32 s17, s8;
	[tilespmem:s13+$0x14460] =	vst v5  }
0x42b: {  	s18 =	sor.u32 $0x4400, s17;
	[tilespmem:s13+$0x14470] =	vst v6;
	v5 =	vld [tilespmem:s13+$0x8800]  }
0x42c: {  	v6 =	vld [tilespmem:s18+$0x8400];
	_ =	sdelay $0x4  }
0x42d: {  	v5 =	vmul.f32 v5, v7;
	v6 =	vmul.f32 v6, v8;
	_ =	sdelay $0x1  }
0x42e: {  	v5 =	vadd.f32 v6, v5;
	_ =	sdelay $0x1  }
0x42f: {  	[tilespmem:s13+$0x14800] =	vst v5;
	v5 =	vld [tilespmem:s13+$0x8810]  }
0x430: {  	v6 =	vld [tilespmem:s18+$0x8410];
	_ =	sdelay $0x4  }
0x431: {  	v5 =	vmul.f32 v5, v7;
	v6 =	vmul.f32 v6, v8;
	_ =	sdelay $0x1  }
0x432: {  	v5 =	vadd.f32 v6, v5;
	_ =	sdelay $0x1  }
0x433: {  	[tilespmem:s13+$0x14810] =	vst v5;
	v5 =	vld [tilespmem:s13+$0x8820]  }
0x434: {  	v6 =	vld [tilespmem:s18+$0x8420];
	_ =	sdelay $0x4  }
0x435: {  	v5 =	vmul.f32 v5, v7;
	v6 =	vmul.f32 v6, v8;
	_ =	sdelay $0x1  }
0x436: {  	v5 =	vadd.f32 v6, v5;
	_ =	sdelay $0x1  }
0x437: {  	[tilespmem:s13+$0x14820] =	vst v5;
	v5 =	vld [tilespmem:s13+$0x8830]  }
0x438: {  	v6 =	vld [tilespmem:s18+$0x8430];
	_ =	sdelay $0x4  }
0x439: {  	v5 =	vmul.f32 v5, v7;
	v6 =	vmul.f32 v6, v8;
	_ =	sdelay $0x1  }
0x43a: {  	v5 =	vadd.f32 v6, v5;
	_ =	sdelay $0x1  }
0x43b: {  	[tilespmem:s13+$0x14830] =	vst v5;
	v5 =	vld [tilespmem:s13+$0x8840]  }
0x43c: {  	v6 =	vld [tilespmem:s18+$0x8440];
	_ =	sdelay $0x4  }
0x43d: {  	v5 =	vmul.f32 v5, v7;
	v6 =	vmul.f32 v6, v8;
	_ =	sdelay $0x1  }
0x43e: {  	v5 =	vadd.f32 v6, v5;
	_ =	sdelay $0x1  }
0x43f: {  	[tilespmem:s13+$0x14840] =	vst v5;
	v5 =	vld [tilespmem:s13+$0x8850]  }
0x440: {  	v6 =	vld [tilespmem:s18+$0x8450];
	_ =	sdelay $0x4  }
0x441: {  	v5 =	vmul.f32 v5, v7;
	v6 =	vmul.f32 v6, v8;
	_ =	sdelay $0x1  }
0x442: {  	v5 =	vadd.f32 v6, v5;
	_ =	sdelay $0x1  }
0x443: {  	[tilespmem:s13+$0x14850] =	vst v5;
	v5 =	vld [tilespmem:s13+$0x8860]  }
0x444: {  	v6 =	vld [tilespmem:s18+$0x8460]  }
0x445: {  	v27 =	vld [tilespmem:s13+$0x8C00]  }
0x446: {  	v28 =	vld [tilespmem:s13+$0xCC00]  }
0x447: {  	v29 =	vld [tilespmem:s13+$0x8C10]  }
0x448: {  	v30 =	vld [tilespmem:s13+$0xCC10]  }
0x449: {  	v31 =	vld [tilespmem:s13+$0x8C20];
	v5 =	vmul.f32 v5, v7;
	v6 =	vmul.f32 v6, v8  }
0x44a: {  	v32 =	vld [tilespmem:s13+$0xCC20]  }
0x44b: {  	v33 =	vld [tilespmem:s13+$0x8C30];
	v5 =	vadd.f32 v6, v5  }
0x44c: {  	v34 =	vld [tilespmem:s13+$0xCC30]  }
0x44d: {  	[tilespmem:s13+$0x14860] =	vst v5;
	v5 =	vld [tilespmem:s13+$0x8870]  }
0x44e: {  	v6 =	vld [tilespmem:s18+$0x8470]  }
0x44f: {  	v35 =	vld [tilespmem:s13+$0x8C40]  }
0x450: {  	v36 =	vld [tilespmem:s13+$0xCC40]  }
0x451: {  	v37 =	vld [tilespmem:s13+$0x8C50]  }
0x452: {  	v38 =	vld [tilespmem:s13+$0xCC50]  }
0x453: {  	v39 =	vld [tilespmem:s13+$0x8C60];
	v5 =	vmul.f32 v5, v7;
	v6 =	vmul.f32 v6, v8  }
0x454: {  	v41 =	vld [tilespmem:s13+$0x8C70];
	v10 =	vmul.f32 v28, v8;
	v9 =	vmul.f32 v27, v7  }
0x455: {  	v40 =	vmul.f32 v30, v8;
	v22 =	vld [tilespmem:s13+$0xCC60];
	v5 =	vadd.f32 v6, v5;
	v6 =	vmul.f32 v29, v7  }
0x456: {  	v44 =	vld [tilespmem:s13+$0xCC70];
	v42 =	vmul.f32 v31, v7;
	v43 =	vmul.f32 v32, v8;
	v9 =	vadd.f32 v10, v9  }
0x457: {  	v45 =	vmul.f32 v34, v8;
	[tilespmem:s13+$0x14870] =	vst v5;
	v5 =	vadd.f32 v40, v6;
	v6 =	vmul.f32 v33, v7  }
0x458: {  	v47 =	vmul.f32 v35, v7;
	v48 =	vmul.f32 v36, v8;
	v46 =	vadd.f32 v43, v42;
	[tilespmem:s13+$0x14C00] =	vst v9  }
0x459: {  	v49 =	vmul.f32 v38, v8;
	[tilespmem:s13+$0x14C10] =	vst v5;
	v5 =	vadd.f32 v45, v6;
	v6 =	vmul.f32 v37, v7  }
0x45a: {  	v51 =	vmul.f32 v39, v7;
	v50 =	vadd.f32 v48, v47;
	v52 =	vmul.f32 v22, v8;
	[tilespmem:s13+$0x14C20] =	vst v46  }
0x45b: {  	v53 =	vmul.f32 v44, v8;
	[tilespmem:s13+$0x14C30] =	vst v5;
	v5 =	vadd.f32 v49, v6;
	v6 =	vmul.f32 v41, v7  }
0x45c: {  	v54 =	vadd.f32 v52, v51;
	[tilespmem:s13+$0x14C40] =	vst v50  }
0x45d: {  	[tilespmem:s13+$0x14C50] =	vst v5;
	v5 =	vadd.f32 v53, v6  }
0x45e: {  	[tilespmem:s13+$0x14C60] =	vst v54  }
0x45f: {  	s17 =	sor.u32 $0x4C00, s17;
	[tilespmem:s13+$0x14C70] =	vst v5;
	v5 =	vld [tilespmem:s13+$0x9000]  }
0x460: {  	v6 =	vld [tilespmem:s17+$0x8400];
	_ =	sdelay $0x4  }
0x461: {  	v5 =	vmul.f32 v5, v7;
	v6 =	vmul.f32 v6, v8;
	_ =	sdelay $0x1  }
0x462: {  	v5 =	vadd.f32 v6, v5;
	_ =	sdelay $0x1  }
0x463: {  	[tilespmem:s13+$0x15000] =	vst v5;
	v5 =	vld [tilespmem:s13+$0x9010]  }
0x464: {  	v6 =	vld [tilespmem:s17+$0x8410];
	_ =	sdelay $0x4  }
0x465: {  	v5 =	vmul.f32 v5, v7;
	v6 =	vmul.f32 v6, v8;
	_ =	sdelay $0x1  }
0x466: {  	v5 =	vadd.f32 v6, v5;
	_ =	sdelay $0x1  }
0x467: {  	[tilespmem:s13+$0x15010] =	vst v5;
	v5 =	vld [tilespmem:s13+$0x9020]  }
0x468: {  	v6 =	vld [tilespmem:s17+$0x8420];
	_ =	sdelay $0x4  }
0x469: {  	v5 =	vmul.f32 v5, v7;
	v6 =	vmul.f32 v6, v8;
	_ =	sdelay $0x1  }
0x46a: {  	v5 =	vadd.f32 v6, v5;
	_ =	sdelay $0x1  }
0x46b: {  	[tilespmem:s13+$0x15020] =	vst v5;
	v5 =	vld [tilespmem:s13+$0x9030]  }
0x46c: {  	v6 =	vld [tilespmem:s17+$0x8430];
	_ =	sdelay $0x4  }
0x46d: {  	v5 =	vmul.f32 v5, v7;
	v6 =	vmul.f32 v6, v8;
	_ =	sdelay $0x1  }
0x46e: {  	v5 =	vadd.f32 v6, v5;
	_ =	sdelay $0x1  }
0x46f: {  	[tilespmem:s13+$0x15030] =	vst v5;
	v5 =	vld [tilespmem:s13+$0x9040]  }
0x470: {  	v6 =	vld [tilespmem:s17+$0x8440];
	_ =	sdelay $0x4  }
0x471: {  	v5 =	vmul.f32 v5, v7;
	v6 =	vmul.f32 v6, v8;
	_ =	sdelay $0x1  }
0x472: {  	v5 =	vadd.f32 v6, v5;
	_ =	sdelay $0x1  }
0x473: {  	[tilespmem:s13+$0x15040] =	vst v5;
	v5 =	vld [tilespmem:s13+$0x9050]  }
0x474: {  	v6 =	vld [tilespmem:s17+$0x8450];
	_ =	sdelay $0x4  }
0x475: {  	v5 =	vmul.f32 v5, v7;
	v6 =	vmul.f32 v6, v8;
	_ =	sdelay $0x1  }
0x476: {  	v5 =	vadd.f32 v6, v5;
	_ =	sdelay $0x1  }
0x477: {  	[tilespmem:s13+$0x15050] =	vst v5;
	v5 =	vld [tilespmem:s13+$0x9060]  }
0x478: {  	v6 =	vld [tilespmem:s17+$0x8460];
	_ =	sdelay $0x4  }
0x479: {  	v5 =	vmul.f32 v5, v7;
	v6 =	vmul.f32 v6, v8;
	_ =	sdelay $0x1  }
0x47a: {  	v5 =	vadd.f32 v6, v5;
	_ =	sdelay $0x1  }
0x47b: {  	[tilespmem:s13+$0x15060] =	vst v5;
	v5 =	vld [tilespmem:s13+$0x9070]  }
0x47c: {  	v6 =	vld [tilespmem:s17+$0x8470];
	_ =	sdelay $0x4  }
0x47d: {  	s17 =	simm.s32 $0x1;
	v5 =	vmul.f32 v5, v7;
	v6 =	vmul.f32 v6, v8  }
0x47e: {  	s17 =	simm.s32 @!p0 $0x0  }
0x47f: {  	s17 =	sshll.u32 s17, $0x9;
	v5 =	vadd.f32 v6, v5  }
0x480: {  	s17 =	sadd.s32 s17, s7  }
0x481: {  	s23 =	sor.u32 $0x1000, s17;
	[tilespmem:s13+$0x15070] =	vst v5  }
0x482: {  	s24 =	sor.u32 $0x5000, s17;
	v5 =	vld [tilespmem:s23+$0x8400]  }
0x483: {  	v6 =	vld [tilespmem:s24+$0x8400];
	_ =	sdelay $0x4  }
0x484: {  	v5 =	vmul.f32 v5, v7;
	v6 =	vmul.f32 v6, v8;
	_ =	sdelay $0x1  }
0x485: {  	v5 =	vadd.f32 v6, v5;
	_ =	sdelay $0x1  }
0x486: {  	s25 =	sor.u32 $0x1010, s17;
	[tilespmem:s23+$0x14400] =	vst v5  }
0x487: {  	v5 =	vld [tilespmem:s25+$0x8400]  }
0x488: {  	v6 =	vld [tilespmem:s24+$0x8410];
	_ =	sdelay $0x4  }
0x489: {  	v5 =	vmul.f32 v5, v7;
	v6 =	vmul.f32 v6, v8;
	_ =	sdelay $0x1  }
0x48a: {  	v5 =	vadd.f32 v6, v5;
	_ =	sdelay $0x1  }
0x48b: {  	s28 =	sor.u32 $0x1020, s17;
	[tilespmem:s25+$0x14400] =	vst v5  }
0x48c: {  	v5 =	vld [tilespmem:s28+$0x8400]  }
0x48d: {  	v6 =	vld [tilespmem:s24+$0x8420];
	_ =	sdelay $0x4  }
0x48e: {  	v5 =	vmul.f32 v5, v7;
	v6 =	vmul.f32 v6, v8;
	_ =	sdelay $0x1  }
0x48f: {  	v5 =	vadd.f32 v6, v5;
	_ =	sdelay $0x1  }
0x490: {  	s31 =	sor.u32 $0x1030, s17;
	[tilespmem:s28+$0x14400] =	vst v5  }
0x491: {  	v5 =	vld [tilespmem:s31+$0x8400]  }
0x492: {  	v6 =	vld [tilespmem:s24+$0x8430];
	_ =	sdelay $0x4  }
0x493: {  	v5 =	vmul.f32 v5, v7;
	v6 =	vmul.f32 v6, v8;
	_ =	sdelay $0x1  }
0x494: {  	v5 =	vadd.f32 v6, v5;
	_ =	sdelay $0x1  }
0x495: {  	s19 =	sor.u32 $0x1040, s17;
	[tilespmem:s31+$0x14400] =	vst v5  }
0x496: {  	v5 =	vld [tilespmem:s19+$0x8400]  }
0x497: {  	v6 =	vld [tilespmem:s24+$0x8440];
	_ =	sdelay $0x4  }
0x498: {  	v5 =	vmul.f32 v5, v7;
	v6 =	vmul.f32 v6, v8;
	_ =	sdelay $0x1  }
0x499: {  	v5 =	vadd.f32 v6, v5;
	_ =	sdelay $0x1  }
0x49a: {  	s20 =	sor.u32 $0x1050, s17;
	[tilespmem:s19+$0x14400] =	vst v5  }
0x49b: {  	v5 =	vld [tilespmem:s20+$0x8400]  }
0x49c: {  	v6 =	vld [tilespmem:s24+$0x8450];
	_ =	sdelay $0x4  }
0x49d: {  	v5 =	vmul.f32 v5, v7;
	v6 =	vmul.f32 v6, v8;
	_ =	sdelay $0x1  }
0x49e: {  	v5 =	vadd.f32 v6, v5;
	_ =	sdelay $0x1  }
0x49f: {  	s21 =	sor.u32 $0x1060, s17;
	[tilespmem:s20+$0x14400] =	vst v5  }
0x4a0: {  	v5 =	vld [tilespmem:s21+$0x8400]  }
0x4a1: {  	v6 =	vld [tilespmem:s24+$0x8460];
	_ =	sdelay $0x4  }
0x4a2: {  	v5 =	vmul.f32 v5, v7;
	v6 =	vmul.f32 v6, v8;
	_ =	sdelay $0x1  }
0x4a3: {  	v5 =	vadd.f32 v6, v5;
	_ =	sdelay $0x1  }
0x4a4: {  	s22 =	sor.u32 $0x1070, s17;
	[tilespmem:s21+$0x14400] =	vst v5  }
0x4a5: {  	v5 =	vld [tilespmem:s22+$0x8400]  }
0x4a6: {  	v6 =	vld [tilespmem:s24+$0x8470];
	_ =	sdelay $0x4  }
0x4a7: {  	v5 =	vmul.f32 v5, v7;
	v6 =	vmul.f32 v6, v8;
	_ =	sdelay $0x1  }
0x4a8: {  	v5 =	vadd.f32 v6, v5;
	_ =	sdelay $0x1  }
0x4a9: {  	s23 =	sor.u32 $0x1400, s17;
	[tilespmem:s22+$0x14400] =	vst v5  }
0x4aa: {  	s19 =	sor.u32 $0x5400, s6;
	v5 =	vld [tilespmem:s23+$0x8400]  }
0x4ab: {  	v6 =	vld [tilespmem:s19+$0x8400];
	_ =	sdelay $0x4  }
0x4ac: {  	v5 =	vmul.f32 v5, v7;
	v6 =	vmul.f32 v6, v8;
	_ =	sdelay $0x1  }
0x4ad: {  	v5 =	vadd.f32 v6, v5;
	_ =	sdelay $0x1  }
0x4ae: {  	s20 =	sor.u32 $0x1410, s17;
	[tilespmem:s23+$0x14400] =	vst v5  }
0x4af: {  	v5 =	vld [tilespmem:s20+$0x8400]  }
0x4b0: {  	v6 =	vld [tilespmem:s19+$0x8410];
	_ =	sdelay $0x2  }
0x4b1: {  	s25 =	sadd.s32 $0x80, s8  }
0x4b2: {  	s18 =	sand.u32 $0x280, s25  }
0x4b3: {  	s18 =	sor.u32 s16, s18;
	s21 =	sadd.s32 $0x4400, s7;
	s22 =	sadd.s32 $0x880, s8;
	v5 =	vmul.f32 v5, v7;
	v6 =	vmul.f32 v6, v8  }
0x4b4: {  	s24 =	sadd.s32 $0x1, s9;
	s21 =	sand.u32 $0x6000, s21;
	s22 =	sand.u32 $0x280, s22  }
0x4b5: {  	v55 =	vld [tilespmem:s18+$0x8400];
	s13 =	sor.u32 s22, s21;
	v5 =	vadd.f32 v6, v5;
	v6 =	vmov s24  }
0x4b6: {  	v56 =	vld [tilespmem:s13+$0x8400];
	v6 =	vand.u32 $0xF, v6  }
0x4b7: {  	v6 =	vbroadcast v6, $0x0;
	_ =	sdelay $0x1  }
0x4b8: {  	[tilespmem:s20+$0x14400] =	vst v5;
	v5 =	vperm.xlane v3, v6;
	v6 =	vperm.xlane v4, v6  }
0x4b9: {  	s28 =	sor.u32 $0x1420, s17  }
0x4ba: {  	v57 =	vld [tilespmem:s28+$0x8400];
	v9 =	vmul.f32 v55, v5;
	v10 =	vmul.f32 v56, v6  }
0x4bb: {  	v58 =	vld [tilespmem:s19+$0x8420]  }
0x4bc: {  	v9 =	vadd.f32 v10, v9;
	_ =	sdelay $0x1  }
0x4bd: {  	v61 =	vld [tilespmem:s18+$0x8410];
	[tilespmem:s18+$0x14400] =	vst v9  }
0x4be: {  	v62 =	vld [tilespmem:s13+$0x8410]  }
0x4bf: {  	v59 =	vmul.f32 v57, v7;
	v60 =	vmul.f32 v58, v8;
	_ =	sdelay $0x1  }
0x4c0: {  	v10 =	vadd.f32 v60, v59;
	_ =	sdelay $0x1  }
0x4c1: {  	s31 =	sor.u32 $0x1430, s17;
	v9 =	vmul.f32 v61, v5;
	[tilespmem:s28+$0x14400] =	vst v10;
	v11 =	vmul.f32 v62, v6  }
0x4c2: {  	v10 =	vld [tilespmem:s31+$0x8400]  }
0x4c3: {  	v63 =	vld [tilespmem:s19+$0x8430];
	v9 =	vadd.f32 v11, v9;
	_ =	sdelay $0x1  }
0x4c4: {  	v17 =	vld [tilespmem:s18+$0x8420];
	[tilespmem:s18+$0x14410] =	vst v9  }
0x4c5: {  	v18 =	vld [tilespmem:s13+$0x8420];
	_ =	sdelay $0x1  }
0x4c6: {  	v10 =	vmul.f32 v10, v7;
	v16 =	vmul.f32 v63, v8;
	_ =	sdelay $0x1  }
0x4c7: {  	v10 =	vadd.f32 v16, v10  }
0x4c8: {  	v9 =	vmul.f32 v17, v5;
	v12 =	vmul.f32 v18, v6  }
0x4c9: {  	s21 =	sor.u32 $0x1440, s17;
	[tilespmem:s31+$0x14400] =	vst v10  }
0x4ca: {  	v10 =	vld [tilespmem:s21+$0x8400];
	v9 =	vadd.f32 v12, v9  }
0x4cb: {  	v19 =	vld [tilespmem:s19+$0x8440]  }
0x4cc: {  	v20 =	vld [tilespmem:s18+$0x8430];
	[tilespmem:s18+$0x14420] =	vst v9  }
0x4cd: {  	v21 =	vld [tilespmem:s13+$0x8430];
	_ =	sdelay $0x2  }
0x4ce: {  	v10 =	vmul.f32 v10, v7;
	v11 =	vmul.f32 v19, v8;
	_ =	sdelay $0x1  }
0x4cf: {  	v10 =	vadd.f32 v11, v10;
	v9 =	vmul.f32 v20, v5;
	v22 =	vmul.f32 v21, v6;
	_ =	sdelay $0x1  }
0x4d0: {  	v24 =	vld [tilespmem:s18+$0x8440];
	s22 =	sor.u32 $0x1450, s17;
	[tilespmem:s21+$0x14400] =	vst v10;
	v9 =	vadd.f32 v22, v9  }
0x4d1: {  	v10 =	vld [tilespmem:s22+$0x8400]  }
0x4d2: {  	v23 =	vld [tilespmem:s19+$0x8450];
	[tilespmem:s18+$0x14430] =	vst v9  }
0x4d3: {  	v25 =	vld [tilespmem:s13+$0x8440];
	_ =	sdelay $0x3  }
0x4d4: {  	v10 =	vmul.f32 v10, v7;
	v12 =	vmul.f32 v23, v8  }
0x4d5: {  	v9 =	vmul.f32 v24, v5;
	v26 =	vmul.f32 v25, v6  }
0x4d6: {  	v10 =	vadd.f32 v12, v10  }
0x4d7: {  	v9 =	vadd.f32 v26, v9  }
0x4d8: {  	v29 =	vld [tilespmem:s18+$0x8450];
	s23 =	sor.u32 $0x1460, s17;
	[tilespmem:s22+$0x14400] =	vst v10  }
0x4d9: {  	v27 =	vld [tilespmem:s23+$0x8400];
	[tilespmem:s18+$0x14440] =	vst v9  }
0x4da: {  	v30 =	vld [tilespmem:s13+$0x8450]  }
0x4db: {  	v28 =	vld [tilespmem:s19+$0x8460];
	_ =	sdelay $0x3  }
0x4dc: {  	v9 =	vmul.f32 v29, v5;
	v10 =	vmul.f32 v30, v6  }
0x4dd: {  	v11 =	vmul.f32 v27, v7;
	v12 =	vmul.f32 v28, v8  }
0x4de: {  	v9 =	vadd.f32 v10, v9  }
0x4df: {  	v11 =	vadd.f32 v12, v11  }
0x4e0: {  	v32 =	vld [tilespmem:s18+$0x8460];
	[tilespmem:s18+$0x14450] =	vst v9  }
0x4e1: {  	s24 =	sor.u32 $0x1470, s17;
	[tilespmem:s23+$0x14400] =	vst v11;
	v33 =	vld [tilespmem:s13+$0x8460]  }
0x4e2: {  	v11 =	vld [tilespmem:s24+$0x8400]  }
0x4e3: {  	v31 =	vld [tilespmem:s19+$0x8470];
	_ =	sdelay $0x2  }
0x4e4: {  	v9 =	vmul.f32 v32, v5;
	v34 =	vmul.f32 v33, v6;
	_ =	sdelay $0x1  }
0x4e5: {  	v11 =	vmul.f32 v11, v7;
	v10 =	vmul.f32 v31, v8;
	v9 =	vadd.f32 v34, v9;
	_ =	sdelay $0x1  }
0x4e6: {  	v35 =	vld [tilespmem:s18+$0x8470];
	v10 =	vadd.f32 v10, v11;
	[tilespmem:s18+$0x14460] =	vst v9  }
0x4e7: {  	v36 =	vld [tilespmem:s13+$0x8470]  }
0x4e8: {  	s25 =	sor.u32 $0x1800, s17;
	[tilespmem:s24+$0x14400] =	vst v10  }
0x4e9: {  	s19 =	sor.u32 $0x5800, s17;
	v10 =	vld [tilespmem:s25+$0x8400]  }
0x4ea: {  	v37 =	vld [tilespmem:s19+$0x8400];
	_ =	sdelay $0x1  }
0x4eb: {  	v9 =	vmul.f32 v35, v5;
	v11 =	vmul.f32 v36, v6;
	_ =	sdelay $0x1  }
0x4ec: {  	v9 =	vadd.f32 v11, v9  }
0x4ed: {  	v10 =	vmul.f32 v10, v7;
	v12 =	vmul.f32 v37, v8  }
0x4ee: {  	v38 =	vld [tilespmem:s18+$0x8800];
	[tilespmem:s18+$0x14470] =	vst v9  }
0x4ef: {  	v10 =	vadd.f32 v12, v10;
	v39 =	vld [tilespmem:s13+$0x8800];
	_ =	sdelay $0x1  }
0x4f0: {  	s28 =	sor.u32 $0x1810, s17;
	[tilespmem:s25+$0x14400] =	vst v10  }
0x4f1: {  	v40 =	vld [tilespmem:s28+$0x8400]  }
0x4f2: {  	v41 =	vld [tilespmem:s19+$0x8410]  }
0x4f3: {  	v9 =	vmul.f32 v38, v5;
	v10 =	vmul.f32 v39, v6;
	_ =	sdelay $0x1  }
0x4f4: {  	v9 =	vadd.f32 v10, v9;
	_ =	sdelay $0x1  }
0x4f5: {  	v43 =	vld [tilespmem:s18+$0x8810];
	v11 =	vmul.f32 v40, v7;
	v12 =	vmul.f32 v41, v8;
	[tilespmem:s18+$0x14800] =	vst v9  }
0x4f6: {  	v44 =	vld [tilespmem:s13+$0x8810]  }
0x4f7: {  	v42 =	vadd.f32 v12, v11;
	_ =	sdelay $0x1  }
0x4f8: {  	[tilespmem:s28+$0x14400] =	vst v42  }
0x4f9: {  	s31 =	sor.u32 $0x1820, s17;
	v45 =	vld [tilespmem:s19+$0x8420]  }
0x4fa: {  	v10 =	vld [tilespmem:s31+$0x8400];
	v9 =	vmul.f32 v43, v5;
	v11 =	vmul.f32 v44, v6;
	_ =	sdelay $0x1  }
0x4fb: {  	v9 =	vadd.f32 v11, v9;
	_ =	sdelay $0x1  }
0x4fc: {  	v47 =	vld [tilespmem:s18+$0x8820];
	[tilespmem:s18+$0x14810] =	vst v9  }
0x4fd: {  	v46 =	vmul.f32 v45, v8;
	v10 =	vmul.f32 v10, v7;
	v48 =	vld [tilespmem:s13+$0x8820];
	_ =	sdelay $0x1  }
0x4fe: {  	v10 =	vadd.f32 v46, v10;
	_ =	sdelay $0x1  }
0x4ff: {  	s21 =	sor.u32 $0x1830, s17;
	[tilespmem:s31+$0x14400] =	vst v10  }
0x500: {  	v10 =	vld [tilespmem:s21+$0x8400];
	v9 =	vmul.f32 v47, v5;
	v11 =	vmul.f32 v48, v6  }
0x501: {  	v49 =	vld [tilespmem:s19+$0x8430]  }
0x502: {  	v9 =	vadd.f32 v11, v9;
	_ =	sdelay $0x1  }
0x503: {  	v51 =	vld [tilespmem:s18+$0x8830];
	[tilespmem:s18+$0x14820] =	vst v9  }
0x504: {  	v52 =	vld [tilespmem:s13+$0x8830]  }
0x505: {  	v10 =	vmul.f32 v10, v7;
	v50 =	vmul.f32 v49, v8;
	_ =	sdelay $0x1  }
0x506: {  	v10 =	vadd.f32 v50, v10;
	_ =	sdelay $0x1  }
0x507: {  	s22 =	sor.u32 $0x1840, s17;
	[tilespmem:s21+$0x14400] =	vst v10;
	v9 =	vmul.f32 v51, v5;
	v12 =	vmul.f32 v52, v6  }
0x508: {  	v10 =	vld [tilespmem:s22+$0x8400]  }
0x509: {  	v53 =	vld [tilespmem:s19+$0x8440];
	v9 =	vadd.f32 v12, v9;
	_ =	sdelay $0x1  }
0x50a: {  	v54 =	vld [tilespmem:s18+$0x8840];
	[tilespmem:s18+$0x14830] =	vst v9  }
0x50b: {  	v55 =	vld [tilespmem:s13+$0x8840];
	_ =	sdelay $0x1  }
0x50c: {  	v10 =	vmul.f32 v10, v7;
	v11 =	vmul.f32 v53, v8;
	_ =	sdelay $0x1  }
0x50d: {  	v10 =	vadd.f32 v11, v10  }
0x50e: {  	v9 =	vmul.f32 v54, v5;
	v56 =	vmul.f32 v55, v6  }
0x50f: {  	s23 =	sor.u32 $0x1850, s17;
	[tilespmem:s22+$0x14400] =	vst v10  }
0x510: {  	v10 =	vld [tilespmem:s23+$0x8400];
	v9 =	vadd.f32 v56, v9  }
0x511: {  	v57 =	vld [tilespmem:s19+$0x8450]  }
0x512: {  	v58 =	vld [tilespmem:s18+$0x8850];
	[tilespmem:s18+$0x14840] =	vst v9  }
0x513: {  	v59 =	vld [tilespmem:s13+$0x8850];
	_ =	sdelay $0x2  }
0x514: {  	v10 =	vmul.f32 v10, v7;
	v12 =	vmul.f32 v57, v8;
	_ =	sdelay $0x1  }
0x515: {  	v10 =	vadd.f32 v12, v10;
	v9 =	vmul.f32 v58, v5;
	v60 =	vmul.f32 v59, v6;
	_ =	sdelay $0x1  }
0x516: {  	v63 =	vld [tilespmem:s18+$0x8860];
	s24 =	sor.u32 $0x1860, s17;
	[tilespmem:s23+$0x14400] =	vst v10;
	v9 =	vadd.f32 v60, v9  }
0x517: {  	v61 =	vld [tilespmem:s24+$0x8400]  }
0x518: {  	v62 =	vld [tilespmem:s19+$0x8460];
	[tilespmem:s18+$0x14850] =	vst v9  }
0x519: {  	v16 =	vld [tilespmem:s13+$0x8860];
	_ =	sdelay $0x3  }
0x51a: {  	v11 =	vmul.f32 v61, v7;
	v12 =	vmul.f32 v62, v8  }
0x51b: {  	v9 =	vmul.f32 v63, v5;
	v10 =	vmul.f32 v16, v6  }
0x51c: {  	v11 =	vadd.f32 v12, v11  }
0x51d: {  	v9 =	vadd.f32 v10, v9  }
0x51e: {  	v18 =	vld [tilespmem:s18+$0x8870];
	s25 =	sor.u32 $0x1870, s17;
	[tilespmem:s24+$0x14400] =	vst v11  }
0x51f: {  	v11 =	vld [tilespmem:s25+$0x8400];
	[tilespmem:s18+$0x14860] =	vst v9  }
0x520: {  	v19 =	vld [tilespmem:s13+$0x8870]  }
0x521: {  	v17 =	vld [tilespmem:s19+$0x8470];
	_ =	sdelay $0x3  }
0x522: {  	v9 =	vmul.f32 v18, v5;
	v20 =	vmul.f32 v19, v6  }
0x523: {  	v11 =	vmul.f32 v11, v7;
	v10 =	vmul.f32 v17, v8  }
0x524: {  	v9 =	vadd.f32 v20, v9  }
0x525: {  	v10 =	vadd.f32 v10, v11  }
0x526: {  	v21 =	vld [tilespmem:s18+$0x8C00];
	[tilespmem:s18+$0x14870] =	vst v9  }
0x527: {  	s28 =	sor.u32 $0x1C00, s17;
	[tilespmem:s25+$0x14400] =	vst v10;
	v22 =	vld [tilespmem:s13+$0x8C00]  }
0x528: {  	s31 =	sor.u32 $0x5C00, s6;
	v10 =	vld [tilespmem:s28+$0x8400]  }
0x529: {  	v23 =	vld [tilespmem:s31+$0x8400];
	_ =	sdelay $0x2  }
0x52a: {  	v9 =	vmul.f32 v21, v5;
	v11 =	vmul.f32 v22, v6;
	_ =	sdelay $0x1  }
0x52b: {  	v10 =	vmul.f32 v10, v7;
	v12 =	vmul.f32 v23, v8;
	v9 =	vadd.f32 v11, v9;
	_ =	sdelay $0x1  }
0x52c: {  	v24 =	vld [tilespmem:s18+$0x8C10];
	v10 =	vadd.f32 v12, v10;
	[tilespmem:s18+$0x14C00] =	vst v9  }
0x52d: {  	v25 =	vld [tilespmem:s13+$0x8C10]  }
0x52e: {  	s21 =	sor.u32 $0x1C10, s17;
	[tilespmem:s28+$0x14400] =	vst v10  }
0x52f: {  	v26 =	vld [tilespmem:s21+$0x8400]  }
0x530: {  	v27 =	vld [tilespmem:s31+$0x8410];
	_ =	sdelay $0x1  }
0x531: {  	v9 =	vmul.f32 v24, v5;
	v10 =	vmul.f32 v25, v6;
	_ =	sdelay $0x1  }
0x532: {  	v9 =	vadd.f32 v10, v9  }
0x533: {  	v11 =	vmul.f32 v26, v7;
	v12 =	vmul.f32 v27, v8  }
0x534: {  	v29 =	vld [tilespmem:s18+$0x8C20];
	[tilespmem:s18+$0x14C10] =	vst v9  }
0x535: {  	v28 =	vadd.f32 v12, v11;
	v30 =	vld [tilespmem:s13+$0x8C20];
	_ =	sdelay $0x1  }
0x536: {  	[tilespmem:s21+$0x14400] =	vst v28  }
0x537: {  	s22 =	sor.u32 $0x1C20, s17;
	v31 =	vld [tilespmem:s31+$0x8420]  }
0x538: {  	v10 =	vld [tilespmem:s22+$0x8400]  }
0x539: {  	v9 =	vmul.f32 v29, v5;
	v11 =	vmul.f32 v30, v6;
	_ =	sdelay $0x1  }
0x53a: {  	v9 =	vadd.f32 v11, v9;
	_ =	sdelay $0x1  }
0x53b: {  	v33 =	vld [tilespmem:s18+$0x8C30];
	v32 =	vmul.f32 v31, v8;
	v10 =	vmul.f32 v10, v7;
	[tilespmem:s18+$0x14C20] =	vst v9  }
0x53c: {  	v34 =	vld [tilespmem:s13+$0x8C30]  }
0x53d: {  	v10 =	vadd.f32 v32, v10;
	_ =	sdelay $0x1  }
0x53e: {  	s23 =	sor.u32 $0x1C30, s17;
	[tilespmem:s22+$0x14400] =	vst v10  }
0x53f: {  	v10 =	vld [tilespmem:s23+$0x8400]  }
0x540: {  	v35 =	vld [tilespmem:s31+$0x8430];
	v9 =	vmul.f32 v33, v5;
	v11 =	vmul.f32 v34, v6;
	_ =	sdelay $0x1  }
0x541: {  	v9 =	vadd.f32 v11, v9;
	_ =	sdelay $0x1  }
0x542: {  	v37 =	vld [tilespmem:s18+$0x8C40];
	[tilespmem:s18+$0x14C30] =	vst v9  }
0x543: {  	v10 =	vmul.f32 v10, v7;
	v36 =	vmul.f32 v35, v8;
	v38 =	vld [tilespmem:s13+$0x8C40];
	_ =	sdelay $0x1  }
0x544: {  	v10 =	vadd.f32 v36, v10;
	_ =	sdelay $0x1  }
0x545: {  	s24 =	sor.u32 $0x1C40, s17;
	[tilespmem:s23+$0x14400] =	vst v10  }
0x546: {  	v10 =	vld [tilespmem:s24+$0x8400];
	v9 =	vmul.f32 v37, v5;
	v12 =	vmul.f32 v38, v6  }
0x547: {  	v39 =	vld [tilespmem:s31+$0x8440]  }
0x548: {  	v9 =	vadd.f32 v12, v9;
	_ =	sdelay $0x1  }
0x549: {  	v40 =	vld [tilespmem:s18+$0x8C50];
	[tilespmem:s18+$0x14C40] =	vst v9  }
0x54a: {  	v41 =	vld [tilespmem:s13+$0x8C50]  }
0x54b: {  	v10 =	vmul.f32 v10, v7;
	v11 =	vmul.f32 v39, v8;
	_ =	sdelay $0x1  }
0x54c: {  	v10 =	vadd.f32 v11, v10;
	_ =	sdelay $0x1  }
0x54d: {  	s25 =	sor.u32 $0x1C50, s17;
	[tilespmem:s24+$0x14400] =	vst v10;
	v9 =	vmul.f32 v40, v5;
	v42 =	vmul.f32 v41, v6  }
0x54e: {  	v10 =	vld [tilespmem:s25+$0x8400]  }
0x54f: {  	v43 =	vld [tilespmem:s31+$0x8450];
	v9 =	vadd.f32 v42, v9;
	_ =	sdelay $0x1  }
0x550: {  	v44 =	vld [tilespmem:s18+$0x8C60];
	[tilespmem:s18+$0x14C50] =	vst v9  }
0x551: {  	v45 =	vld [tilespmem:s13+$0x8C60];
	_ =	sdelay $0x1  }
0x552: {  	v10 =	vmul.f32 v10, v7;
	v12 =	vmul.f32 v43, v8;
	_ =	sdelay $0x1  }
0x553: {  	v10 =	vadd.f32 v12, v10  }
0x554: {  	v9 =	vmul.f32 v44, v5;
	v46 =	vmul.f32 v45, v6  }
0x555: {  	s28 =	sor.u32 $0x1C60, s17;
	[tilespmem:s25+$0x14400] =	vst v10  }
0x556: {  	v47 =	vld [tilespmem:s28+$0x8400];
	v9 =	vadd.f32 v46, v9  }
0x557: {  	v48 =	vld [tilespmem:s31+$0x8460]  }
0x558: {  	v49 =	vld [tilespmem:s18+$0x8C70];
	[tilespmem:s18+$0x14C60] =	vst v9  }
0x559: {  	v50 =	vld [tilespmem:s13+$0x8C70];
	_ =	sdelay $0x2  }
0x55a: {  	v11 =	vmul.f32 v47, v7;
	v12 =	vmul.f32 v48, v8;
	_ =	sdelay $0x1  }
0x55b: {  	v11 =	vadd.f32 v12, v11;
	v9 =	vmul.f32 v49, v5;
	v10 =	vmul.f32 v50, v6;
	_ =	sdelay $0x1  }
0x55c: {  	v52 =	vld [tilespmem:s18+$0x9000];
	s17 =	sor.u32 $0x1C70, s17;
	[tilespmem:s28+$0x14400] =	vst v11;
	v9 =	vadd.f32 v10, v9  }
0x55d: {  	v11 =	vld [tilespmem:s17+$0x8400]  }
0x55e: {  	v51 =	vld [tilespmem:s31+$0x8470];
	[tilespmem:s18+$0x14C70] =	vst v9  }
0x55f: {  	v53 =	vld [tilespmem:s13+$0x9000];
	_ =	sdelay $0x3  }
0x560: {  	v7 =	vmul.f32 v11, v7;
	v8 =	vmul.f32 v51, v8  }
0x561: {  	v9 =	vmul.f32 v52, v5;
	v54 =	vmul.f32 v53, v6  }
0x562: {  	s22 =	sadd.s32 $0x100, s8;
	v7 =	vadd.f32 v8, v7  }
0x563: {  	s19 =	sand.u32 $0x300, s22;
	v55 =	vadd.f32 v54, v9  }
0x564: {  	s22 =	sadd.s32 $0x180, s8;
	s20 =	sor.u32 s16, s19;
	s23 =	sadd.s32 $0x4800, s7;
	[tilespmem:s17+$0x14400] =	vst v7  }
0x565: {  	s21 =	sand.u32 $0x380, s22;
	s24 =	sadd.s32 $0x900, s8;
	s25 =	sand.u32 $0x6000, s23;
	v11 =	vld [tilespmem:s18+$0x9010];
	[tilespmem:s18+$0x15000] =	vst v55  }
0x566: {  	s23 =	sadd.s32 $0x4C00, s7;
	s28 =	sand.u32 $0x300, s24;
	s31 =	sadd.s32 $0x2, s9;
	v12 =	vld [tilespmem:s13+$0x9010]  }
0x567: {  	s24 =	sadd.s32 $0x980, s8;
	v7 =	vmov s31;
	s17 =	sor.u32 s28, s25;
	s31 =	sadd.s32 $0x3, s9;
	v56 =	vld [tilespmem:s20+$0x8400]  }
0x568: {  	s22 =	sor.u32 s16, s21;
	s23 =	sand.u32 $0x6000, s23;
	s24 =	sand.u32 $0x380, s24;
	v7 =	vand.u32 $0xF, v7;
	v59 =	vmov s31;
	v57 =	vld [tilespmem:s17+$0x8400]  }
0x569: {  	s16 =	sor.u32 s24, s23;
	v58 =	vbroadcast v7, $0x0;
	v13 =	vand.u32 $0xF, v59;
	v60 =	vld [tilespmem:s22+$0x8400]  }
0x56a: {  	v13 =	vbroadcast v13, $0x0;
	v61 =	vld [tilespmem:s16+$0x8400]  }
0x56b: {  	v7 =	vperm.xlane v3, v58;
	v8 =	vperm.xlane v4, v58  }
0x56c: {  	v10 =	vperm.xlane v4, v13;
	v9 =	vperm.xlane v3, v13  }
0x56d: {  	v62 =	vmul.f32 v56, v7;
	v63 =	vmul.f32 v57, v8;
	_ =	sdelay $0x1  }
0x56e: {  	v14 =	vmul.f32 v60, v9;
	v15 =	vmul.f32 v61, v10;
	v19 =	vadd.f32 v63, v62;
	_ =	sdelay $0x1  }
0x56f: {  	v20 =	vld [tilespmem:s20+$0x8410];
	v14 =	vadd.f32 v15, v14;
	[tilespmem:s20+$0x14400] =	vst v19  }
0x570: {  	v21 =	vld [tilespmem:s17+$0x8410]  }
0x571: {  	v22 =	vld [tilespmem:s22+$0x8410];
	[tilespmem:s22+$0x14400] =	vst v14  }
0x572: {  	v23 =	vld [tilespmem:s16+$0x8410];
	_ =	sdelay $0x2  }
0x573: {  	v13 =	vmul.f32 v20, v7;
	v15 =	vmul.f32 v21, v8;
	_ =	sdelay $0x1  }
0x574: {  	v14 =	vmul.f32 v22, v9;
	v24 =	vmul.f32 v23, v10;
	v13 =	vadd.f32 v15, v13;
	_ =	sdelay $0x1  }
0x575: {  	v25 =	vld [tilespmem:s20+$0x8420];
	v14 =	vadd.f32 v24, v14;
	[tilespmem:s20+$0x14410] =	vst v13  }
0x576: {  	v26 =	vld [tilespmem:s17+$0x8420]  }
0x577: {  	v27 =	vld [tilespmem:s22+$0x8420];
	[tilespmem:s22+$0x14410] =	vst v14  }
0x578: {  	v28 =	vld [tilespmem:s16+$0x8420];
	_ =	sdelay $0x2  }
0x579: {  	v13 =	vmul.f32 v25, v7;
	v15 =	vmul.f32 v26, v8;
	_ =	sdelay $0x1  }
0x57a: {  	v14 =	vmul.f32 v27, v9;
	v29 =	vmul.f32 v28, v10;
	v13 =	vadd.f32 v15, v13;
	_ =	sdelay $0x1  }
0x57b: {  	v30 =	vld [tilespmem:s20+$0x8430];
	v14 =	vadd.f32 v29, v14;
	[tilespmem:s20+$0x14420] =	vst v13  }
0x57c: {  	v31 =	vld [tilespmem:s17+$0x8430]  }
0x57d: {  	v32 =	vld [tilespmem:s22+$0x8430];
	[tilespmem:s22+$0x14420] =	vst v14  }
0x57e: {  	v33 =	vld [tilespmem:s16+$0x8430];
	_ =	sdelay $0x2  }
0x57f: {  	v13 =	vmul.f32 v30, v7;
	v15 =	vmul.f32 v31, v8;
	_ =	sdelay $0x1  }
0x580: {  	v14 =	vmul.f32 v32, v9;
	v34 =	vmul.f32 v33, v10;
	v13 =	vadd.f32 v15, v13;
	_ =	sdelay $0x1  }
0x581: {  	v35 =	vld [tilespmem:s20+$0x8440];
	v14 =	vadd.f32 v34, v14;
	[tilespmem:s20+$0x14430] =	vst v13  }
0x582: {  	v36 =	vld [tilespmem:s17+$0x8440]  }
0x583: {  	v37 =	vld [tilespmem:s22+$0x8440];
	[tilespmem:s22+$0x14430] =	vst v14  }
0x584: {  	v38 =	vld [tilespmem:s16+$0x8440];
	_ =	sdelay $0x2  }
0x585: {  	v13 =	vmul.f32 v35, v7;
	v15 =	vmul.f32 v36, v8;
	_ =	sdelay $0x1  }
0x586: {  	v14 =	vmul.f32 v37, v9;
	v39 =	vmul.f32 v38, v10;
	v13 =	vadd.f32 v15, v13;
	_ =	sdelay $0x1  }
0x587: {  	v40 =	vld [tilespmem:s20+$0x8450];
	v14 =	vadd.f32 v39, v14;
	[tilespmem:s20+$0x14440] =	vst v13  }
0x588: {  	v41 =	vld [tilespmem:s17+$0x8450]  }
0x589: {  	v42 =	vld [tilespmem:s22+$0x8450];
	[tilespmem:s22+$0x14440] =	vst v14  }
0x58a: {  	v43 =	vld [tilespmem:s16+$0x8450];
	_ =	sdelay $0x2  }
0x58b: {  	v13 =	vmul.f32 v40, v7;
	v15 =	vmul.f32 v41, v8;
	_ =	sdelay $0x1  }
0x58c: {  	v14 =	vmul.f32 v42, v9;
	v44 =	vmul.f32 v43, v10;
	v13 =	vadd.f32 v15, v13;
	_ =	sdelay $0x1  }
0x58d: {  	v45 =	vld [tilespmem:s20+$0x8460];
	v14 =	vadd.f32 v44, v14;
	[tilespmem:s20+$0x14450] =	vst v13  }
0x58e: {  	v46 =	vld [tilespmem:s17+$0x8460]  }
0x58f: {  	v47 =	vld [tilespmem:s22+$0x8460];
	[tilespmem:s22+$0x14450] =	vst v14  }
0x590: {  	v48 =	vld [tilespmem:s16+$0x8460];
	_ =	sdelay $0x2  }
0x591: {  	v13 =	vmul.f32 v45, v7;
	v15 =	vmul.f32 v46, v8;
	_ =	sdelay $0x1  }
0x592: {  	v14 =	vmul.f32 v47, v9;
	v49 =	vmul.f32 v48, v10;
	v13 =	vadd.f32 v15, v13;
	_ =	sdelay $0x1  }
0x593: {  	v50 =	vld [tilespmem:s20+$0x8470];
	v14 =	vadd.f32 v49, v14;
	[tilespmem:s20+$0x14460] =	vst v13  }
0x594: {  	v51 =	vld [tilespmem:s17+$0x8470]  }
0x595: {  	v52 =	vld [tilespmem:s22+$0x8470];
	[tilespmem:s22+$0x14460] =	vst v14  }
0x596: {  	v53 =	vld [tilespmem:s16+$0x8470];
	_ =	sdelay $0x2  }
0x597: {  	v13 =	vmul.f32 v50, v7;
	v15 =	vmul.f32 v51, v8;
	_ =	sdelay $0x1  }
0x598: {  	v14 =	vmul.f32 v52, v9;
	v54 =	vmul.f32 v53, v10;
	v13 =	vadd.f32 v15, v13;
	_ =	sdelay $0x1  }
0x599: {  	v55 =	vld [tilespmem:s20+$0x8800];
	v14 =	vadd.f32 v54, v14;
	[tilespmem:s20+$0x14470] =	vst v13  }
0x59a: {  	v56 =	vld [tilespmem:s17+$0x8800]  }
0x59b: {  	v57 =	vld [tilespmem:s22+$0x8800];
	[tilespmem:s22+$0x14470] =	vst v14  }
0x59c: {  	v58 =	vld [tilespmem:s16+$0x8800];
	_ =	sdelay $0x2  }
0x59d: {  	v13 =	vmul.f32 v55, v7;
	v15 =	vmul.f32 v56, v8;
	_ =	sdelay $0x1  }
0x59e: {  	v14 =	vmul.f32 v57, v9;
	v59 =	vmul.f32 v58, v10;
	v13 =	vadd.f32 v15, v13;
	_ =	sdelay $0x1  }
0x59f: {  	v60 =	vld [tilespmem:s20+$0x8810];
	v14 =	vadd.f32 v59, v14;
	[tilespmem:s20+$0x14800] =	vst v13  }
0x5a0: {  	v61 =	vld [tilespmem:s17+$0x8810]  }
0x5a1: {  	v62 =	vld [tilespmem:s22+$0x8810];
	[tilespmem:s22+$0x14800] =	vst v14  }
0x5a2: {  	v63 =	vld [tilespmem:s16+$0x8810];
	_ =	sdelay $0x2  }
0x5a3: {  	v13 =	vmul.f32 v60, v7;
	v15 =	vmul.f32 v61, v8;
	_ =	sdelay $0x1  }
0x5a4: {  	v14 =	vmul.f32 v62, v9;
	v19 =	vmul.f32 v63, v10;
	v13 =	vadd.f32 v15, v13;
	_ =	sdelay $0x1  }
0x5a5: {  	v20 =	vld [tilespmem:s20+$0x8820];
	v14 =	vadd.f32 v19, v14;
	[tilespmem:s20+$0x14810] =	vst v13  }
0x5a6: {  	v21 =	vld [tilespmem:s17+$0x8820]  }
0x5a7: {  	v22 =	vld [tilespmem:s22+$0x8820];
	[tilespmem:s22+$0x14810] =	vst v14  }
0x5a8: {  	v23 =	vld [tilespmem:s16+$0x8820];
	_ =	sdelay $0x2  }
0x5a9: {  	v13 =	vmul.f32 v20, v7;
	v15 =	vmul.f32 v21, v8;
	_ =	sdelay $0x1  }
0x5aa: {  	v14 =	vmul.f32 v22, v9;
	v24 =	vmul.f32 v23, v10;
	v13 =	vadd.f32 v15, v13;
	_ =	sdelay $0x1  }
0x5ab: {  	v25 =	vld [tilespmem:s20+$0x8830];
	v14 =	vadd.f32 v24, v14;
	[tilespmem:s20+$0x14820] =	vst v13  }
0x5ac: {  	v26 =	vld [tilespmem:s17+$0x8830]  }
0x5ad: {  	v27 =	vld [tilespmem:s22+$0x8830];
	[tilespmem:s22+$0x14820] =	vst v14  }
0x5ae: {  	v28 =	vld [tilespmem:s16+$0x8830];
	_ =	sdelay $0x2  }
0x5af: {  	v13 =	vmul.f32 v25, v7;
	v15 =	vmul.f32 v26, v8;
	_ =	sdelay $0x1  }
0x5b0: {  	v14 =	vmul.f32 v27, v9;
	v29 =	vmul.f32 v28, v10;
	v13 =	vadd.f32 v15, v13;
	_ =	sdelay $0x1  }
0x5b1: {  	v30 =	vld [tilespmem:s20+$0x8840];
	v14 =	vadd.f32 v29, v14;
	[tilespmem:s20+$0x14830] =	vst v13  }
0x5b2: {  	v31 =	vld [tilespmem:s17+$0x8840]  }
0x5b3: {  	v32 =	vld [tilespmem:s22+$0x8840];
	[tilespmem:s22+$0x14830] =	vst v14  }
0x5b4: {  	v33 =	vld [tilespmem:s16+$0x8840];
	_ =	sdelay $0x2  }
0x5b5: {  	v13 =	vmul.f32 v30, v7;
	v15 =	vmul.f32 v31, v8;
	_ =	sdelay $0x1  }
0x5b6: {  	v14 =	vmul.f32 v32, v9;
	v34 =	vmul.f32 v33, v10;
	v13 =	vadd.f32 v15, v13;
	_ =	sdelay $0x1  }
0x5b7: {  	v35 =	vld [tilespmem:s20+$0x8850];
	v14 =	vadd.f32 v34, v14;
	[tilespmem:s20+$0x14840] =	vst v13  }
0x5b8: {  	v36 =	vld [tilespmem:s17+$0x8850]  }
0x5b9: {  	v37 =	vld [tilespmem:s22+$0x8850];
	[tilespmem:s22+$0x14840] =	vst v14  }
0x5ba: {  	v38 =	vld [tilespmem:s16+$0x8850];
	_ =	sdelay $0x2  }
0x5bb: {  	v13 =	vmul.f32 v35, v7;
	v15 =	vmul.f32 v36, v8;
	_ =	sdelay $0x1  }
0x5bc: {  	v14 =	vmul.f32 v37, v9;
	v39 =	vmul.f32 v38, v10;
	v13 =	vadd.f32 v15, v13;
	_ =	sdelay $0x1  }
0x5bd: {  	v40 =	vld [tilespmem:s20+$0x8860];
	v14 =	vadd.f32 v39, v14;
	[tilespmem:s20+$0x14850] =	vst v13  }
0x5be: {  	v41 =	vld [tilespmem:s17+$0x8860]  }
0x5bf: {  	v42 =	vld [tilespmem:s22+$0x8860];
	[tilespmem:s22+$0x14850] =	vst v14  }
0x5c0: {  	v43 =	vld [tilespmem:s16+$0x8860];
	_ =	sdelay $0x2  }
0x5c1: {  	v13 =	vmul.f32 v40, v7;
	v15 =	vmul.f32 v41, v8;
	_ =	sdelay $0x1  }
0x5c2: {  	v14 =	vmul.f32 v42, v9;
	v44 =	vmul.f32 v43, v10;
	v13 =	vadd.f32 v15, v13;
	_ =	sdelay $0x1  }
0x5c3: {  	v45 =	vld [tilespmem:s20+$0x8870];
	v14 =	vadd.f32 v44, v14;
	[tilespmem:s20+$0x14860] =	vst v13  }
0x5c4: {  	v46 =	vld [tilespmem:s17+$0x8870]  }
0x5c5: {  	v47 =	vld [tilespmem:s22+$0x8870];
	[tilespmem:s22+$0x14860] =	vst v14  }
0x5c6: {  	v48 =	vld [tilespmem:s16+$0x8870];
	_ =	sdelay $0x2  }
0x5c7: {  	v13 =	vmul.f32 v45, v7;
	v15 =	vmul.f32 v46, v8;
	_ =	sdelay $0x1  }
0x5c8: {  	v14 =	vmul.f32 v47, v9;
	v49 =	vmul.f32 v48, v10;
	v13 =	vadd.f32 v15, v13;
	_ =	sdelay $0x1  }
0x5c9: {  	v50 =	vld [tilespmem:s20+$0x8C00];
	v14 =	vadd.f32 v49, v14;
	[tilespmem:s20+$0x14870] =	vst v13  }
0x5ca: {  	v51 =	vld [tilespmem:s17+$0x8C00]  }
0x5cb: {  	v52 =	vld [tilespmem:s22+$0x8C00];
	[tilespmem:s22+$0x14870] =	vst v14  }
0x5cc: {  	v53 =	vld [tilespmem:s16+$0x8C00];
	_ =	sdelay $0x2  }
0x5cd: {  	v13 =	vmul.f32 v50, v7;
	v15 =	vmul.f32 v51, v8;
	_ =	sdelay $0x1  }
0x5ce: {  	v14 =	vmul.f32 v52, v9;
	v54 =	vmul.f32 v53, v10;
	v13 =	vadd.f32 v15, v13;
	_ =	sdelay $0x1  }
0x5cf: {  	v55 =	vld [tilespmem:s20+$0x8C10];
	v14 =	vadd.f32 v54, v14;
	[tilespmem:s20+$0x14C00] =	vst v13  }
0x5d0: {  	v56 =	vld [tilespmem:s17+$0x8C10]  }
0x5d1: {  	v57 =	vld [tilespmem:s22+$0x8C10];
	[tilespmem:s22+$0x14C00] =	vst v14  }
0x5d2: {  	v58 =	vld [tilespmem:s16+$0x8C10];
	_ =	sdelay $0x2  }
0x5d3: {  	v13 =	vmul.f32 v55, v7;
	v15 =	vmul.f32 v56, v8;
	_ =	sdelay $0x1  }
0x5d4: {  	v14 =	vmul.f32 v57, v9;
	v59 =	vmul.f32 v58, v10;
	v13 =	vadd.f32 v15, v13;
	_ =	sdelay $0x1  }
0x5d5: {  	v60 =	vld [tilespmem:s20+$0x8C20];
	v14 =	vadd.f32 v59, v14;
	[tilespmem:s20+$0x14C10] =	vst v13  }
0x5d6: {  	v61 =	vld [tilespmem:s17+$0x8C20]  }
0x5d7: {  	v62 =	vld [tilespmem:s22+$0x8C20];
	[tilespmem:s22+$0x14C10] =	vst v14  }
0x5d8: {  	v63 =	vld [tilespmem:s16+$0x8C20];
	_ =	sdelay $0x2  }
0x5d9: {  	v13 =	vmul.f32 v60, v7;
	v15 =	vmul.f32 v61, v8;
	_ =	sdelay $0x1  }
0x5da: {  	v14 =	vmul.f32 v62, v9;
	v19 =	vmul.f32 v63, v10;
	v13 =	vadd.f32 v15, v13;
	_ =	sdelay $0x1  }
0x5db: {  	v20 =	vld [tilespmem:s20+$0x8C30];
	v14 =	vadd.f32 v19, v14;
	[tilespmem:s20+$0x14C20] =	vst v13  }
0x5dc: {  	v21 =	vld [tilespmem:s17+$0x8C30]  }
0x5dd: {  	v22 =	vld [tilespmem:s22+$0x8C30];
	[tilespmem:s22+$0x14C20] =	vst v14  }
0x5de: {  	v23 =	vld [tilespmem:s16+$0x8C30];
	_ =	sdelay $0x2  }
0x5df: {  	v13 =	vmul.f32 v20, v7;
	v15 =	vmul.f32 v21, v8;
	_ =	sdelay $0x1  }
0x5e0: {  	v14 =	vmul.f32 v22, v9;
	v24 =	vmul.f32 v23, v10;
	v13 =	vadd.f32 v15, v13;
	_ =	sdelay $0x1  }
0x5e1: {  	v25 =	vld [tilespmem:s20+$0x8C40];
	v14 =	vadd.f32 v24, v14;
	[tilespmem:s20+$0x14C30] =	vst v13  }
0x5e2: {  	v26 =	vld [tilespmem:s17+$0x8C40]  }
0x5e3: {  	v27 =	vld [tilespmem:s22+$0x8C40];
	[tilespmem:s22+$0x14C30] =	vst v14  }
0x5e4: {  	v28 =	vld [tilespmem:s16+$0x8C40];
	_ =	sdelay $0x2  }
0x5e5: {  	v13 =	vmul.f32 v25, v7;
	v15 =	vmul.f32 v26, v8;
	_ =	sdelay $0x1  }
0x5e6: {  	v14 =	vmul.f32 v27, v9;
	v29 =	vmul.f32 v28, v10;
	v13 =	vadd.f32 v15, v13;
	_ =	sdelay $0x1  }
0x5e7: {  	v30 =	vld [tilespmem:s20+$0x8C50];
	v14 =	vadd.f32 v29, v14;
	[tilespmem:s20+$0x14C40] =	vst v13  }
0x5e8: {  	v31 =	vld [tilespmem:s17+$0x8C50]  }
0x5e9: {  	v32 =	vld [tilespmem:s22+$0x8C50];
	[tilespmem:s22+$0x14C40] =	vst v14  }
0x5ea: {  	v33 =	vld [tilespmem:s16+$0x8C50];
	_ =	sdelay $0x2  }
0x5eb: {  	v13 =	vmul.f32 v30, v7;
	v15 =	vmul.f32 v31, v8;
	_ =	sdelay $0x1  }
0x5ec: {  	v14 =	vmul.f32 v32, v9;
	v34 =	vmul.f32 v33, v10;
	v13 =	vadd.f32 v15, v13;
	_ =	sdelay $0x1  }
0x5ed: {  	v35 =	vld [tilespmem:s20+$0x8C60];
	v14 =	vadd.f32 v34, v14;
	[tilespmem:s20+$0x14C50] =	vst v13  }
0x5ee: {  	v36 =	vld [tilespmem:s17+$0x8C60]  }
0x5ef: {  	v37 =	vld [tilespmem:s22+$0x8C60];
	[tilespmem:s22+$0x14C50] =	vst v14  }
0x5f0: {  	v38 =	vld [tilespmem:s16+$0x8C60];
	_ =	sdelay $0x2  }
0x5f1: {  	v13 =	vmul.f32 v35, v7;
	v15 =	vmul.f32 v36, v8;
	_ =	sdelay $0x1  }
0x5f2: {  	v14 =	vmul.f32 v37, v9;
	v39 =	vmul.f32 v38, v10;
	v13 =	vadd.f32 v15, v13;
	_ =	sdelay $0x1  }
0x5f3: {  	v40 =	vld [tilespmem:s20+$0x8C70];
	v14 =	vadd.f32 v39, v14;
	[tilespmem:s20+$0x14C60] =	vst v13  }
0x5f4: {  	v41 =	vld [tilespmem:s17+$0x8C70]  }
0x5f5: {  	v42 =	vld [tilespmem:s22+$0x8C70];
	[tilespmem:s22+$0x14C60] =	vst v14  }
0x5f6: {  	v43 =	vld [tilespmem:s16+$0x8C70];
	_ =	sdelay $0x2  }
0x5f7: {  	v13 =	vmul.f32 v40, v7;
	v15 =	vmul.f32 v41, v8;
	_ =	sdelay $0x1  }
0x5f8: {  	v14 =	vmul.f32 v42, v9;
	v44 =	vmul.f32 v43, v10;
	v13 =	vadd.f32 v15, v13;
	_ =	sdelay $0x1  }
0x5f9: {  	v45 =	vld [tilespmem:s20+$0x9000];
	v14 =	vadd.f32 v44, v14;
	[tilespmem:s20+$0x14C70] =	vst v13  }
0x5fa: {  	v46 =	vld [tilespmem:s17+$0x9000]  }
0x5fb: {  	v47 =	vld [tilespmem:s22+$0x9000];
	[tilespmem:s22+$0x14C70] =	vst v14  }
0x5fc: {  	v48 =	vld [tilespmem:s16+$0x9000];
	_ =	sdelay $0x2  }
0x5fd: {  	v13 =	vmul.f32 v45, v7;
	v15 =	vmul.f32 v46, v8;
	_ =	sdelay $0x1  }
0x5fe: {  	v14 =	vmul.f32 v47, v9;
	v49 =	vmul.f32 v48, v10;
	v13 =	vadd.f32 v15, v13;
	_ =	sdelay $0x1  }
0x5ff: {  	v50 =	vld [tilespmem:s20+$0x9010];
	v14 =	vadd.f32 v49, v14;
	[tilespmem:s20+$0x15000] =	vst v13  }
0x600: {  	v51 =	vld [tilespmem:s17+$0x9010]  }
0x601: {  	v52 =	vld [tilespmem:s22+$0x9010];
	[tilespmem:s22+$0x15000] =	vst v14  }
0x602: {  	v53 =	vld [tilespmem:s16+$0x9010]  }
0x603: {  	v11 =	vmul.f32 v11, v5;
	v12 =	vmul.f32 v12, v6;
	_ =	sdelay $0x1  }
0x604: {  	v11 =	vadd.f32 v12, v11;
	v54 =	vmul.f32 v50, v7;
	v55 =	vmul.f32 v51, v8;
	_ =	sdelay $0x1  }
0x605: {  	[tilespmem:s18+$0x15010] =	vst v11;
	v57 =	vmul.f32 v52, v9;
	v56 =	vld [tilespmem:s18+$0x9020];
	v58 =	vmul.f32 v53, v10;
	v12 =	vadd.f32 v55, v54  }
0x606: {  	v59 =	vld [tilespmem:s13+$0x9020]  }
0x607: {  	v60 =	vld [tilespmem:s20+$0x9020];
	v13 =	vadd.f32 v58, v57;
	[tilespmem:s20+$0x15010] =	vst v12  }
0x608: {  	v61 =	vld [tilespmem:s17+$0x9020]  }
0x609: {  	v62 =	vld [tilespmem:s22+$0x9020];
	[tilespmem:s22+$0x15010] =	vst v13  }
0x60a: {  	v63 =	vld [tilespmem:s16+$0x9020]  }
0x60b: {  	v11 =	vmul.f32 v56, v5;
	v15 =	vmul.f32 v59, v6;
	_ =	sdelay $0x1  }
0x60c: {  	v11 =	vadd.f32 v15, v11;
	v12 =	vmul.f32 v60, v7;
	v14 =	vmul.f32 v61, v8;
	_ =	sdelay $0x1  }
0x60d: {  	v20 =	vld [tilespmem:s18+$0x9030];
	[tilespmem:s18+$0x15020] =	vst v11;
	v13 =	vmul.f32 v62, v9;
	v21 =	vmul.f32 v63, v10;
	v12 =	vadd.f32 v14, v12  }
0x60e: {  	v22 =	vld [tilespmem:s13+$0x9030]  }
0x60f: {  	v23 =	vld [tilespmem:s20+$0x9030];
	v13 =	vadd.f32 v21, v13;
	[tilespmem:s20+$0x15020] =	vst v12  }
0x610: {  	v24 =	vld [tilespmem:s17+$0x9030]  }
0x611: {  	v25 =	vld [tilespmem:s22+$0x9030];
	[tilespmem:s22+$0x15020] =	vst v13  }
0x612: {  	v26 =	vld [tilespmem:s16+$0x9030]  }
0x613: {  	v11 =	vmul.f32 v20, v5;
	v15 =	vmul.f32 v22, v6;
	_ =	sdelay $0x1  }
0x614: {  	v11 =	vadd.f32 v15, v11;
	v12 =	vmul.f32 v23, v7;
	v14 =	vmul.f32 v24, v8;
	_ =	sdelay $0x1  }
0x615: {  	v27 =	vld [tilespmem:s18+$0x9040];
	[tilespmem:s18+$0x15030] =	vst v11;
	v13 =	vmul.f32 v25, v9;
	v28 =	vmul.f32 v26, v10;
	v12 =	vadd.f32 v14, v12  }
0x616: {  	v29 =	vld [tilespmem:s13+$0x9040]  }
0x617: {  	v30 =	vld [tilespmem:s20+$0x9040];
	v13 =	vadd.f32 v28, v13;
	[tilespmem:s20+$0x15030] =	vst v12  }
0x618: {  	v31 =	vld [tilespmem:s17+$0x9040]  }
0x619: {  	v32 =	vld [tilespmem:s22+$0x9040];
	[tilespmem:s22+$0x15030] =	vst v13  }
0x61a: {  	v33 =	vld [tilespmem:s16+$0x9040]  }
0x61b: {  	v11 =	vmul.f32 v27, v5;
	v15 =	vmul.f32 v29, v6;
	_ =	sdelay $0x1  }
0x61c: {  	v11 =	vadd.f32 v15, v11;
	v12 =	vmul.f32 v30, v7;
	v14 =	vmul.f32 v31, v8;
	_ =	sdelay $0x1  }
0x61d: {  	v34 =	vld [tilespmem:s18+$0x9050];
	[tilespmem:s18+$0x15040] =	vst v11;
	v13 =	vmul.f32 v32, v9;
	v35 =	vmul.f32 v33, v10;
	v12 =	vadd.f32 v14, v12  }
0x61e: {  	v36 =	vld [tilespmem:s13+$0x9050]  }
0x61f: {  	v37 =	vld [tilespmem:s20+$0x9050];
	v13 =	vadd.f32 v35, v13;
	[tilespmem:s20+$0x15040] =	vst v12  }
0x620: {  	v38 =	vld [tilespmem:s17+$0x9050]  }
0x621: {  	v39 =	vld [tilespmem:s22+$0x9050];
	[tilespmem:s22+$0x15040] =	vst v13  }
0x622: {  	v40 =	vld [tilespmem:s16+$0x9050]  }
0x623: {  	v11 =	vmul.f32 v34, v5;
	v15 =	vmul.f32 v36, v6;
	_ =	sdelay $0x1  }
0x624: {  	v11 =	vadd.f32 v15, v11;
	v12 =	vmul.f32 v37, v7;
	v14 =	vmul.f32 v38, v8;
	_ =	sdelay $0x1  }
0x625: {  	v41 =	vld [tilespmem:s18+$0x9060];
	[tilespmem:s18+$0x15050] =	vst v11;
	v13 =	vmul.f32 v39, v9;
	v42 =	vmul.f32 v40, v10;
	v12 =	vadd.f32 v14, v12  }
0x626: {  	v43 =	vld [tilespmem:s13+$0x9060]  }
0x627: {  	v44 =	vld [tilespmem:s20+$0x9060];
	v13 =	vadd.f32 v42, v13;
	[tilespmem:s20+$0x15050] =	vst v12  }
0x628: {  	v45 =	vld [tilespmem:s17+$0x9060]  }
0x629: {  	v46 =	vld [tilespmem:s22+$0x9060];
	[tilespmem:s22+$0x15050] =	vst v13  }
0x62a: {  	v47 =	vld [tilespmem:s16+$0x9060]  }
0x62b: {  	v11 =	vmul.f32 v41, v5;
	v15 =	vmul.f32 v43, v6;
	_ =	sdelay $0x1  }
0x62c: {  	v11 =	vadd.f32 v15, v11;
	v12 =	vmul.f32 v44, v7;
	v14 =	vmul.f32 v45, v8;
	_ =	sdelay $0x1  }
0x62d: {  	v48 =	vld [tilespmem:s18+$0x9070];
	[tilespmem:s18+$0x15060] =	vst v11;
	v13 =	vmul.f32 v46, v9;
	v49 =	vmul.f32 v47, v10;
	v12 =	vadd.f32 v14, v12  }
0x62e: {  	v50 =	vld [tilespmem:s13+$0x9070]  }
0x62f: {  	v51 =	vld [tilespmem:s20+$0x9070];
	v13 =	vadd.f32 v49, v13;
	[tilespmem:s20+$0x15060] =	vst v12  }
0x630: {  	v52 =	vld [tilespmem:s17+$0x9070]  }
0x631: {  	v53 =	vld [tilespmem:s22+$0x9070];
	[tilespmem:s22+$0x15060] =	vst v13  }
0x632: {  	v54 =	vld [tilespmem:s16+$0x9070]  }
0x633: {  	s25 =	sand.u32 $0x7, s15;
	v11 =	vmul.f32 v48, v5;
	v15 =	vmul.f32 v50, v6  }
0x634: {  	s19 =	sshll.u32 s25, $0x7  }
0x635: {  	s28 =	sand.u32 $0x3, s14;
	s21 =	sadd.s32 s19, s7;
	v11 =	vadd.f32 v15, v11;
	v12 =	vmul.f32 v51, v7;
	v14 =	vmul.f32 v52, v8  }
0x636: {  	s23 =	sshll.u32 s28, $0x8;
	s19 =	sadd.s32 $0x80, s21  }
0x637: {  	s23 =	sadd.s32 s23, s7;
	s31 =	sor.u32 $0x1000, s19;
	v56 =	vmul.f32 v53, v9;
	[tilespmem:s18+$0x15070] =	vst v11;
	v57 =	vmul.f32 v54, v10;
	v55 =	vadd.f32 v14, v12  }
0x638: {  	s18 =	sadd.s32 $0x100, s23;
	v58 =	vld [tilespmem:s31+$0x8400]  }
0x639: {  	v59 =	vld [tilespmem:s13+$0x9400];
	s25 =	sor.u32 $0x1000, s18;
	v60 =	vadd.f32 v57, v56;
	[tilespmem:s20+$0x15070] =	vst v55  }
0x63a: {  	v61 =	vld [tilespmem:s25+$0x8400]  }
0x63b: {  	s20 =	sadd.s32 $0x180, s21;
	[tilespmem:s22+$0x15070] =	vst v60;
	v62 =	vld [tilespmem:s17+$0x9400]  }
0x63c: {  	s28 =	sor.u32 $0x1000, s20;
	v63 =	vld [tilespmem:s16+$0x9400]  }
0x63d: {  	v11 =	vld [tilespmem:s28+$0x8400]  }
0x63e: {  	v15 =	vmul.f32 v59, v6;
	v14 =	vmul.f32 v58, v5;
	_ =	sdelay $0x1  }
0x63f: {  	v14 =	vadd.f32 v15, v14;
	v12 =	vmul.f32 v61, v7;
	v13 =	vmul.f32 v62, v8;
	_ =	sdelay $0x1  }
0x640: {  	[tilespmem:s31+$0x14400] =	vst v14;
	s31 =	sor.u32 $0x1010, s19;
	v20 =	vmul.f32 v63, v10;
	v11 =	vmul.f32 v11, v9;
	v12 =	vadd.f32 v13, v12  }
0x641: {  	v14 =	vld [tilespmem:s31+$0x8400]  }
0x642: {  	v21 =	vld [tilespmem:s13+$0x9410];
	v11 =	vadd.f32 v20, v11;
	[tilespmem:s25+$0x14400] =	vst v12;
	s25 =	sor.u32 $0x1010, s18  }
0x643: {  	v12 =	vld [tilespmem:s25+$0x8400]  }
0x644: {  	v22 =	vld [tilespmem:s17+$0x9410];
	[tilespmem:s28+$0x14400] =	vst v11;
	s28 =	sor.u32 $0x1010, s20  }
0x645: {  	v11 =	vld [tilespmem:s28+$0x8400]  }
0x646: {  	v23 =	vld [tilespmem:s16+$0x9410]  }
0x647: {  	v14 =	vmul.f32 v14, v5;
	v15 =	vmul.f32 v21, v6;
	_ =	sdelay $0x1  }
0x648: {  	v14 =	vadd.f32 v15, v14;
	v12 =	vmul.f32 v12, v7;
	v13 =	vmul.f32 v22, v8;
	_ =	sdelay $0x1  }
0x649: {  	[tilespmem:s31+$0x14400] =	vst v14;
	s31 =	sor.u32 $0x1020, s19;
	v11 =	vmul.f32 v11, v9;
	v24 =	vmul.f32 v23, v10;
	v12 =	vadd.f32 v13, v12  }
0x64a: {  	v14 =	vld [tilespmem:s31+$0x8400]  }
0x64b: {  	v25 =	vld [tilespmem:s13+$0x9420];
	v11 =	vadd.f32 v24, v11;
	[tilespmem:s25+$0x14400] =	vst v12;
	s25 =	sor.u32 $0x1020, s18  }
0x64c: {  	v12 =	vld [tilespmem:s25+$0x8400]  }
0x64d: {  	v26 =	vld [tilespmem:s17+$0x9420];
	[tilespmem:s28+$0x14400] =	vst v11;
	s28 =	sor.u32 $0x1020, s20  }
0x64e: {  	v11 =	vld [tilespmem:s28+$0x8400]  }
0x64f: {  	v27 =	vld [tilespmem:s16+$0x9420]  }
0x650: {  	v14 =	vmul.f32 v14, v5;
	v15 =	vmul.f32 v25, v6;
	_ =	sdelay $0x1  }
0x651: {  	v14 =	vadd.f32 v15, v14;
	v12 =	vmul.f32 v12, v7;
	v13 =	vmul.f32 v26, v8;
	_ =	sdelay $0x1  }
0x652: {  	[tilespmem:s31+$0x14400] =	vst v14;
	s31 =	sor.u32 $0x1030, s19;
	v11 =	vmul.f32 v11, v9;
	v28 =	vmul.f32 v27, v10;
	v12 =	vadd.f32 v13, v12  }
0x653: {  	v14 =	vld [tilespmem:s31+$0x8400]  }
0x654: {  	v29 =	vld [tilespmem:s13+$0x9430];
	v11 =	vadd.f32 v28, v11;
	[tilespmem:s25+$0x14400] =	vst v12;
	s25 =	sor.u32 $0x1030, s18  }
0x655: {  	v12 =	vld [tilespmem:s25+$0x8400]  }
0x656: {  	v30 =	vld [tilespmem:s17+$0x9430];
	[tilespmem:s28+$0x14400] =	vst v11;
	s28 =	sor.u32 $0x1030, s20  }
0x657: {  	v11 =	vld [tilespmem:s28+$0x8400]  }
0x658: {  	v31 =	vld [tilespmem:s16+$0x9430]  }
0x659: {  	v14 =	vmul.f32 v14, v5;
	v15 =	vmul.f32 v29, v6;
	_ =	sdelay $0x1  }
0x65a: {  	v14 =	vadd.f32 v15, v14;
	v12 =	vmul.f32 v12, v7;
	v13 =	vmul.f32 v30, v8;
	_ =	sdelay $0x1  }
0x65b: {  	[tilespmem:s31+$0x14400] =	vst v14;
	s31 =	sor.u32 $0x1040, s19;
	v11 =	vmul.f32 v11, v9;
	v32 =	vmul.f32 v31, v10;
	v12 =	vadd.f32 v13, v12  }
0x65c: {  	v14 =	vld [tilespmem:s31+$0x8400]  }
0x65d: {  	v33 =	vld [tilespmem:s13+$0x9440];
	v11 =	vadd.f32 v32, v11;
	[tilespmem:s25+$0x14400] =	vst v12;
	s25 =	sor.u32 $0x1040, s18  }
0x65e: {  	v12 =	vld [tilespmem:s25+$0x8400]  }
0x65f: {  	v34 =	vld [tilespmem:s17+$0x9440];
	[tilespmem:s28+$0x14400] =	vst v11;
	s28 =	sor.u32 $0x1040, s20  }
0x660: {  	v11 =	vld [tilespmem:s28+$0x8400]  }
0x661: {  	v35 =	vld [tilespmem:s16+$0x9440]  }
0x662: {  	v14 =	vmul.f32 v14, v5;
	v15 =	vmul.f32 v33, v6;
	_ =	sdelay $0x1  }
0x663: {  	v14 =	vadd.f32 v15, v14;
	v12 =	vmul.f32 v12, v7;
	v13 =	vmul.f32 v34, v8;
	_ =	sdelay $0x1  }
0x664: {  	[tilespmem:s31+$0x14400] =	vst v14;
	s31 =	sor.u32 $0x1050, s19;
	v11 =	vmul.f32 v11, v9;
	v36 =	vmul.f32 v35, v10;
	v12 =	vadd.f32 v13, v12  }
0x665: {  	v14 =	vld [tilespmem:s31+$0x8400]  }
0x666: {  	v37 =	vld [tilespmem:s13+$0x9450];
	v11 =	vadd.f32 v36, v11;
	[tilespmem:s25+$0x14400] =	vst v12;
	s25 =	sor.u32 $0x1050, s18  }
0x667: {  	v12 =	vld [tilespmem:s25+$0x8400]  }
0x668: {  	v38 =	vld [tilespmem:s17+$0x9450];
	[tilespmem:s28+$0x14400] =	vst v11;
	s28 =	sor.u32 $0x1050, s20  }
0x669: {  	v11 =	vld [tilespmem:s28+$0x8400]  }
0x66a: {  	v39 =	vld [tilespmem:s16+$0x9450]  }
0x66b: {  	v14 =	vmul.f32 v14, v5;
	v15 =	vmul.f32 v37, v6;
	_ =	sdelay $0x1  }
0x66c: {  	v14 =	vadd.f32 v15, v14;
	v12 =	vmul.f32 v12, v7;
	v13 =	vmul.f32 v38, v8;
	_ =	sdelay $0x1  }
0x66d: {  	[tilespmem:s31+$0x14400] =	vst v14;
	s31 =	sor.u32 $0x1060, s19;
	v11 =	vmul.f32 v11, v9;
	v40 =	vmul.f32 v39, v10;
	v12 =	vadd.f32 v13, v12  }
0x66e: {  	v14 =	vld [tilespmem:s31+$0x8400]  }
0x66f: {  	v41 =	vld [tilespmem:s13+$0x9460];
	v11 =	vadd.f32 v40, v11;
	[tilespmem:s25+$0x14400] =	vst v12;
	s25 =	sor.u32 $0x1060, s18  }
0x670: {  	v12 =	vld [tilespmem:s25+$0x8400]  }
0x671: {  	v42 =	vld [tilespmem:s17+$0x9460];
	[tilespmem:s28+$0x14400] =	vst v11;
	s28 =	sor.u32 $0x1060, s20  }
0x672: {  	v11 =	vld [tilespmem:s28+$0x8400]  }
0x673: {  	v43 =	vld [tilespmem:s16+$0x9460]  }
0x674: {  	v14 =	vmul.f32 v14, v5;
	v15 =	vmul.f32 v41, v6;
	_ =	sdelay $0x1  }
0x675: {  	v14 =	vadd.f32 v15, v14;
	v12 =	vmul.f32 v12, v7;
	v13 =	vmul.f32 v42, v8;
	_ =	sdelay $0x1  }
0x676: {  	[tilespmem:s31+$0x14400] =	vst v14;
	s31 =	sor.u32 $0x1070, s19;
	v11 =	vmul.f32 v11, v9;
	v44 =	vmul.f32 v43, v10;
	v12 =	vadd.f32 v13, v12  }
0x677: {  	v14 =	vld [tilespmem:s31+$0x8400]  }
0x678: {  	v45 =	vld [tilespmem:s13+$0x9470];
	v11 =	vadd.f32 v44, v11;
	[tilespmem:s25+$0x14400] =	vst v12;
	s25 =	sor.u32 $0x1070, s18  }
0x679: {  	v12 =	vld [tilespmem:s25+$0x8400]  }
0x67a: {  	v46 =	vld [tilespmem:s17+$0x9470];
	[tilespmem:s28+$0x14400] =	vst v11;
	s28 =	sor.u32 $0x1070, s20  }
0x67b: {  	v11 =	vld [tilespmem:s28+$0x8400]  }
0x67c: {  	v47 =	vld [tilespmem:s16+$0x9470]  }
0x67d: {  	v14 =	vmul.f32 v14, v5;
	v15 =	vmul.f32 v45, v6;
	_ =	sdelay $0x1  }
0x67e: {  	v14 =	vadd.f32 v15, v14;
	v12 =	vmul.f32 v12, v7;
	v13 =	vmul.f32 v46, v8  }
0x67f: {  	s22 =	sadd.s32 $0x4480, s21  }
0x680: {  	[tilespmem:s31+$0x14400] =	vst v14;
	s31 =	sor.u32 $0x1400, s22;
	v11 =	vmul.f32 v11, v9;
	v48 =	vmul.f32 v47, v10;
	v12 =	vadd.f32 v13, v12  }
0x681: {  	v14 =	vld [tilespmem:s31+$0x8400];
	s31 =	sor.u32 $0x1400, s19  }
0x682: {  	v49 =	vld [tilespmem:s31+$0x8400];
	v11 =	vadd.f32 v48, v11;
	[tilespmem:s25+$0x14400] =	vst v12;
	s25 =	sor.u32 $0x1400, s18  }
0x683: {  	v12 =	vld [tilespmem:s25+$0x8400]  }
0x684: {  	v50 =	vld [tilespmem:s17+$0x9800];
	[tilespmem:s28+$0x14400] =	vst v11;
	s28 =	sor.u32 $0x1400, s20  }
0x685: {  	v11 =	vld [tilespmem:s28+$0x8400]  }
0x686: {  	v51 =	vld [tilespmem:s16+$0x9800]  }
0x687: {  	v14 =	vmul.f32 v14, v6;
	v15 =	vmul.f32 v49, v5;
	_ =	sdelay $0x1  }
0x688: {  	v14 =	vadd.f32 v14, v15;
	v12 =	vmul.f32 v12, v7;
	v13 =	vmul.f32 v50, v8;
	_ =	sdelay $0x1  }
0x689: {  	[tilespmem:s31+$0x14400] =	vst v14;
	s31 =	sor.u32 $0x1410, s22;
	v11 =	vmul.f32 v11, v9;
	v52 =	vmul.f32 v51, v10;
	v12 =	vadd.f32 v13, v12  }
0x68a: {  	v14 =	vld [tilespmem:s31+$0x8400];
	s31 =	sor.u32 $0x1410, s19  }
0x68b: {  	v53 =	vld [tilespmem:s31+$0x8400];
	v11 =	vadd.f32 v52, v11;
	[tilespmem:s25+$0x14400] =	vst v12;
	s25 =	sor.u32 $0x1410, s18  }
0x68c: {  	v12 =	vld [tilespmem:s25+$0x8400]  }
0x68d: {  	v54 =	vld [tilespmem:s17+$0x9810];
	[tilespmem:s28+$0x14400] =	vst v11;
	s28 =	sor.u32 $0x1410, s20  }
0x68e: {  	v11 =	vld [tilespmem:s28+$0x8400]  }
0x68f: {  	v55 =	vld [tilespmem:s16+$0x9810]  }
0x690: {  	v14 =	vmul.f32 v14, v6;
	v15 =	vmul.f32 v53, v5;
	_ =	sdelay $0x1  }
0x691: {  	v14 =	vadd.f32 v14, v15;
	v12 =	vmul.f32 v12, v7;
	v13 =	vmul.f32 v54, v8;
	_ =	sdelay $0x1  }
0x692: {  	[tilespmem:s31+$0x14400] =	vst v14;
	s31 =	sor.u32 $0x1420, s22;
	v11 =	vmul.f32 v11, v9;
	v56 =	vmul.f32 v55, v10;
	v12 =	vadd.f32 v13, v12  }
0x693: {  	v14 =	vld [tilespmem:s31+$0x8400];
	s31 =	sor.u32 $0x1420, s19  }
0x694: {  	v57 =	vld [tilespmem:s31+$0x8400];
	v11 =	vadd.f32 v56, v11;
	[tilespmem:s25+$0x14400] =	vst v12;
	s25 =	sor.u32 $0x1420, s18  }
0x695: {  	v12 =	vld [tilespmem:s25+$0x8400]  }
0x696: {  	v58 =	vld [tilespmem:s17+$0x9820];
	[tilespmem:s28+$0x14400] =	vst v11;
	s28 =	sor.u32 $0x1420, s20  }
0x697: {  	v11 =	vld [tilespmem:s28+$0x8400]  }
0x698: {  	v59 =	vld [tilespmem:s16+$0x9820]  }
0x699: {  	v14 =	vmul.f32 v14, v6;
	v15 =	vmul.f32 v57, v5;
	_ =	sdelay $0x1  }
0x69a: {  	v14 =	vadd.f32 v14, v15;
	v12 =	vmul.f32 v12, v7;
	v13 =	vmul.f32 v58, v8;
	_ =	sdelay $0x1  }
0x69b: {  	[tilespmem:s31+$0x14400] =	vst v14;
	s31 =	sor.u32 $0x1430, s22;
	v11 =	vmul.f32 v11, v9;
	v60 =	vmul.f32 v59, v10;
	v12 =	vadd.f32 v13, v12  }
0x69c: {  	v14 =	vld [tilespmem:s31+$0x8400];
	s31 =	sor.u32 $0x1430, s19  }
0x69d: {  	v61 =	vld [tilespmem:s31+$0x8400];
	v11 =	vadd.f32 v60, v11;
	[tilespmem:s25+$0x14400] =	vst v12;
	s25 =	sor.u32 $0x1430, s18  }
0x69e: {  	v12 =	vld [tilespmem:s25+$0x8400]  }
0x69f: {  	v62 =	vld [tilespmem:s17+$0x9830];
	[tilespmem:s28+$0x14400] =	vst v11;
	s28 =	sor.u32 $0x1430, s20  }
0x6a0: {  	v11 =	vld [tilespmem:s28+$0x8400]  }
0x6a1: {  	v63 =	vld [tilespmem:s16+$0x9830]  }
0x6a2: {  	v14 =	vmul.f32 v14, v6;
	v15 =	vmul.f32 v61, v5;
	_ =	sdelay $0x1  }
0x6a3: {  	v14 =	vadd.f32 v14, v15;
	v12 =	vmul.f32 v12, v7;
	v13 =	vmul.f32 v62, v8;
	_ =	sdelay $0x1  }
0x6a4: {  	[tilespmem:s31+$0x14400] =	vst v14;
	s31 =	sor.u32 $0x1440, s22;
	v11 =	vmul.f32 v11, v9;
	v20 =	vmul.f32 v63, v10;
	v12 =	vadd.f32 v13, v12  }
0x6a5: {  	v14 =	vld [tilespmem:s31+$0x8400];
	s31 =	sor.u32 $0x1440, s19  }
0x6a6: {  	v21 =	vld [tilespmem:s31+$0x8400];
	v11 =	vadd.f32 v20, v11;
	[tilespmem:s25+$0x14400] =	vst v12;
	s25 =	sor.u32 $0x1440, s18  }
0x6a7: {  	v12 =	vld [tilespmem:s25+$0x8400]  }
0x6a8: {  	v22 =	vld [tilespmem:s17+$0x9840];
	[tilespmem:s28+$0x14400] =	vst v11;
	s28 =	sor.u32 $0x1440, s20  }
0x6a9: {  	v11 =	vld [tilespmem:s28+$0x8400]  }
0x6aa: {  	v23 =	vld [tilespmem:s16+$0x9840]  }
0x6ab: {  	v14 =	vmul.f32 v14, v6;
	v15 =	vmul.f32 v21, v5;
	_ =	sdelay $0x1  }
0x6ac: {  	v14 =	vadd.f32 v14, v15;
	v12 =	vmul.f32 v12, v7;
	v13 =	vmul.f32 v22, v8;
	_ =	sdelay $0x1  }
0x6ad: {  	[tilespmem:s31+$0x14400] =	vst v14;
	s31 =	sor.u32 $0x1450, s22;
	v11 =	vmul.f32 v11, v9;
	v24 =	vmul.f32 v23, v10;
	v12 =	vadd.f32 v13, v12  }
0x6ae: {  	v14 =	vld [tilespmem:s31+$0x8400];
	s31 =	sor.u32 $0x1450, s19  }
0x6af: {  	v25 =	vld [tilespmem:s31+$0x8400];
	v11 =	vadd.f32 v24, v11;
	[tilespmem:s25+$0x14400] =	vst v12;
	s25 =	sor.u32 $0x1450, s18  }
0x6b0: {  	v12 =	vld [tilespmem:s25+$0x8400]  }
0x6b1: {  	v26 =	vld [tilespmem:s17+$0x9850];
	[tilespmem:s28+$0x14400] =	vst v11;
	s28 =	sor.u32 $0x1450, s20  }
0x6b2: {  	v11 =	vld [tilespmem:s28+$0x8400]  }
0x6b3: {  	v27 =	vld [tilespmem:s16+$0x9850]  }
0x6b4: {  	v14 =	vmul.f32 v14, v6;
	v15 =	vmul.f32 v25, v5;
	_ =	sdelay $0x1  }
0x6b5: {  	v14 =	vadd.f32 v14, v15;
	v12 =	vmul.f32 v12, v7;
	v13 =	vmul.f32 v26, v8;
	_ =	sdelay $0x1  }
0x6b6: {  	v11 =	vmul.f32 v11, v9;
	v28 =	vmul.f32 v27, v10;
	[tilespmem:s31+$0x14400] =	vst v14;
	s31 =	sor.u32 $0x1460, s22;
	v12 =	vadd.f32 v13, v12  }
0x6b7: {  	v14 =	vld [tilespmem:s31+$0x8400];
	s31 =	sor.u32 $0x1460, s19  }
0x6b8: {  	v11 =	vadd.f32 v28, v11;
	v29 =	vld [tilespmem:s31+$0x8400];
	[tilespmem:s25+$0x14400] =	vst v12;
	s25 =	sor.u32 $0x1460, s18  }
0x6b9: {  	v12 =	vld [tilespmem:s25+$0x8400]  }
0x6ba: {  	v30 =	vld [tilespmem:s17+$0x9860];
	[tilespmem:s28+$0x14400] =	vst v11;
	s28 =	sor.u32 $0x1460, s20  }
0x6bb: {  	v11 =	vld [tilespmem:s28+$0x8400]  }
0x6bc: {  	v31 =	vld [tilespmem:s16+$0x9860]  }
0x6bd: {  	v14 =	vmul.f32 v14, v6;
	v15 =	vmul.f32 v29, v5;
	_ =	sdelay $0x1  }
0x6be: {  	v12 =	vmul.f32 v12, v7;
	v13 =	vmul.f32 v30, v8;
	v14 =	vadd.f32 v14, v15;
	_ =	sdelay $0x1  }
0x6bf: {  	v11 =	vmul.f32 v11, v9;
	v32 =	vmul.f32 v31, v10;
	v12 =	vadd.f32 v13, v12;
	[tilespmem:s31+$0x14400] =	vst v14;
	s31 =	sor.u32 $0x1470, s22  }
0x6c0: {  	s24 =	sor.u32 $0x1470, s19;
	v14 =	vld [tilespmem:s31+$0x8400]  }
0x6c1: {  	v11 =	vadd.f32 v32, v11;
	[tilespmem:s25+$0x14400] =	vst v12;
	v33 =	vld [tilespmem:s24+$0x8400]  }
0x6c2: {  	s31 =	sor.u32 $0x1470, s18;
	v34 =	vld [tilespmem:s17+$0x9870]  }
0x6c3: {  	v35 =	vld [tilespmem:s31+$0x8400];
	[tilespmem:s28+$0x14400] =	vst v11;
	s28 =	sor.u32 $0x1470, s20  }
0x6c4: {  	v11 =	vld [tilespmem:s28+$0x8400]  }
0x6c5: {  	v36 =	vld [tilespmem:s16+$0x9870]  }
0x6c6: {  	v12 =	vmul.f32 v33, v5;
	v14 =	vmul.f32 v14, v6;
	_ =	sdelay $0x1  }
0x6c7: {  	v37 =	vmul.f32 v35, v7;
	v13 =	vmul.f32 v34, v8;
	v12 =	vadd.f32 v14, v12;
	_ =	sdelay $0x1  }
0x6c8: {  	v11 =	vmul.f32 v11, v9;
	v39 =	vmul.f32 v36, v10;
	v38 =	vadd.f32 v13, v37;
	[tilespmem:s24+$0x14400] =	vst v12;
	s24 =	sor.u32 $0x1800, s19  }
0x6c9: {  	s17 =	sadd.s32 $0x4900, s23;
	v40 =	vld [tilespmem:s24+$0x8400]  }
0x6ca: {  	s23 =	sor.u32 $0x1800, s17;
	v11 =	vadd.f32 v39, v11;
	v41 =	vld [tilespmem:s13+$0x9C00];
	[tilespmem:s31+$0x14400] =	vst v38  }
0x6cb: {  	s31 =	sor.u32 $0x1800, s18;
	v12 =	vld [tilespmem:s23+$0x8400]  }
0x6cc: {  	s25 =	sor.u32 $0x1800, s20;
	v42 =	vld [tilespmem:s31+$0x8400];
	[tilespmem:s28+$0x14400] =	vst v11  }
0x6cd: {  	v11 =	vld [tilespmem:s25+$0x8400]  }
0x6ce: {  	v43 =	vld [tilespmem:s16+$0x9C00]  }
0x6cf: {  	v14 =	vmul.f32 v40, v5;
	v15 =	vmul.f32 v41, v6;
	_ =	sdelay $0x1  }
0x6d0: {  	v13 =	vmul.f32 v42, v7;
	v12 =	vmul.f32 v12, v8;
	v14 =	vadd.f32 v15, v14;
	_ =	sdelay $0x1  }
0x6d1: {  	v11 =	vmul.f32 v11, v9;
	v44 =	vmul.f32 v43, v10;
	v12 =	vadd.f32 v12, v13;
	[tilespmem:s24+$0x14400] =	vst v14;
	s24 =	sor.u32 $0x1810, s19  }
0x6d2: {  	v14 =	vld [tilespmem:s24+$0x8400]  }
0x6d3: {  	s28 =	sor.u32 $0x1810, s17;
	v11 =	vadd.f32 v44, v11;
	v45 =	vld [tilespmem:s13+$0x9C10];
	[tilespmem:s31+$0x14400] =	vst v12  }
0x6d4: {  	s31 =	sor.u32 $0x1810, s18;
	v12 =	vld [tilespmem:s28+$0x8400]  }
0x6d5: {  	v46 =	vld [tilespmem:s31+$0x8400];
	[tilespmem:s25+$0x14400] =	vst v11;
	s25 =	sor.u32 $0x1810, s20  }
0x6d6: {  	v11 =	vld [tilespmem:s25+$0x8400]  }
0x6d7: {  	v47 =	vld [tilespmem:s16+$0x9C10]  }
0x6d8: {  	v14 =	vmul.f32 v14, v5;
	v15 =	vmul.f32 v45, v6;
	_ =	sdelay $0x1  }
0x6d9: {  	v13 =	vmul.f32 v46, v7;
	v12 =	vmul.f32 v12, v8;
	v14 =	vadd.f32 v15, v14;
	_ =	sdelay $0x1  }
0x6da: {  	v11 =	vmul.f32 v11, v9;
	v48 =	vmul.f32 v47, v10;
	v12 =	vadd.f32 v12, v13;
	[tilespmem:s24+$0x14400] =	vst v14;
	s24 =	sor.u32 $0x1820, s19  }
0x6db: {  	v14 =	vld [tilespmem:s24+$0x8400]  }
0x6dc: {  	s28 =	sor.u32 $0x1820, s17;
	v11 =	vadd.f32 v48, v11;
	v49 =	vld [tilespmem:s13+$0x9C20];
	[tilespmem:s31+$0x14400] =	vst v12  }
0x6dd: {  	s31 =	sor.u32 $0x1820, s18;
	v12 =	vld [tilespmem:s28+$0x8400]  }
0x6de: {  	v50 =	vld [tilespmem:s31+$0x8400];
	[tilespmem:s25+$0x14400] =	vst v11;
	s25 =	sor.u32 $0x1820, s20  }
0x6df: {  	v11 =	vld [tilespmem:s25+$0x8400]  }
0x6e0: {  	v51 =	vld [tilespmem:s16+$0x9C20]  }
0x6e1: {  	v14 =	vmul.f32 v14, v5;
	v15 =	vmul.f32 v49, v6;
	_ =	sdelay $0x1  }
0x6e2: {  	v13 =	vmul.f32 v50, v7;
	v12 =	vmul.f32 v12, v8;
	v14 =	vadd.f32 v15, v14;
	_ =	sdelay $0x1  }
0x6e3: {  	v11 =	vmul.f32 v11, v9;
	v52 =	vmul.f32 v51, v10;
	v12 =	vadd.f32 v12, v13;
	[tilespmem:s24+$0x14400] =	vst v14;
	s24 =	sor.u32 $0x1830, s19  }
0x6e4: {  	v14 =	vld [tilespmem:s24+$0x8400]  }
0x6e5: {  	s28 =	sor.u32 $0x1830, s17;
	v11 =	vadd.f32 v52, v11;
	v53 =	vld [tilespmem:s13+$0x9C30];
	[tilespmem:s31+$0x14400] =	vst v12  }
0x6e6: {  	s31 =	sor.u32 $0x1830, s18;
	v12 =	vld [tilespmem:s28+$0x8400]  }
0x6e7: {  	v54 =	vld [tilespmem:s31+$0x8400];
	[tilespmem:s25+$0x14400] =	vst v11;
	s25 =	sor.u32 $0x1830, s20  }
0x6e8: {  	v11 =	vld [tilespmem:s25+$0x8400]  }
0x6e9: {  	v55 =	vld [tilespmem:s16+$0x9C30]  }
0x6ea: {  	v14 =	vmul.f32 v14, v5;
	v15 =	vmul.f32 v53, v6;
	_ =	sdelay $0x1  }
0x6eb: {  	v13 =	vmul.f32 v54, v7;
	v12 =	vmul.f32 v12, v8;
	v14 =	vadd.f32 v15, v14;
	_ =	sdelay $0x1  }
0x6ec: {  	v11 =	vmul.f32 v11, v9;
	v56 =	vmul.f32 v55, v10;
	v12 =	vadd.f32 v12, v13;
	[tilespmem:s24+$0x14400] =	vst v14;
	s24 =	sor.u32 $0x1840, s19  }
0x6ed: {  	v14 =	vld [tilespmem:s24+$0x8400]  }
0x6ee: {  	s28 =	sor.u32 $0x1840, s17;
	v11 =	vadd.f32 v56, v11;
	v57 =	vld [tilespmem:s13+$0x9C40];
	[tilespmem:s31+$0x14400] =	vst v12  }
0x6ef: {  	s31 =	sor.u32 $0x1840, s18;
	v12 =	vld [tilespmem:s28+$0x8400]  }
0x6f0: {  	v58 =	vld [tilespmem:s31+$0x8400];
	[tilespmem:s25+$0x14400] =	vst v11;
	s25 =	sor.u32 $0x1840, s20  }
0x6f1: {  	v11 =	vld [tilespmem:s25+$0x8400]  }
0x6f2: {  	v59 =	vld [tilespmem:s16+$0x9C40]  }
0x6f3: {  	v14 =	vmul.f32 v14, v5;
	v15 =	vmul.f32 v57, v6;
	_ =	sdelay $0x1  }
0x6f4: {  	v13 =	vmul.f32 v58, v7;
	v12 =	vmul.f32 v12, v8;
	v14 =	vadd.f32 v15, v14;
	_ =	sdelay $0x1  }
0x6f5: {  	v11 =	vmul.f32 v11, v9;
	v60 =	vmul.f32 v59, v10;
	v12 =	vadd.f32 v12, v13;
	[tilespmem:s24+$0x14400] =	vst v14;
	s24 =	sor.u32 $0x1850, s19  }
0x6f6: {  	v14 =	vld [tilespmem:s24+$0x8400]  }
0x6f7: {  	s28 =	sor.u32 $0x1850, s17;
	v11 =	vadd.f32 v60, v11;
	v61 =	vld [tilespmem:s13+$0x9C50];
	[tilespmem:s31+$0x14400] =	vst v12  }
0x6f8: {  	s31 =	sor.u32 $0x1850, s18;
	v12 =	vld [tilespmem:s28+$0x8400]  }
0x6f9: {  	v62 =	vld [tilespmem:s31+$0x8400];
	[tilespmem:s25+$0x14400] =	vst v11;
	s28 =	sor.u32 $0x1850, s20  }
0x6fa: {  	v11 =	vld [tilespmem:s28+$0x8400]  }
0x6fb: {  	v63 =	vld [tilespmem:s16+$0x9C50]  }
0x6fc: {  	v14 =	vmul.f32 v14, v5;
	v15 =	vmul.f32 v61, v6;
	_ =	sdelay $0x1  }
0x6fd: {  	v13 =	vmul.f32 v62, v7;
	v12 =	vmul.f32 v12, v8;
	v14 =	vadd.f32 v15, v14;
	_ =	sdelay $0x1  }
0x6fe: {  	v11 =	vmul.f32 v11, v9;
	v20 =	vmul.f32 v63, v10;
	v12 =	vadd.f32 v12, v13;
	[tilespmem:s24+$0x14400] =	vst v14;
	s24 =	sor.u32 $0x1860, s19  }
0x6ff: {  	v14 =	vld [tilespmem:s24+$0x8400]  }
0x700: {  	v11 =	vadd.f32 v20, v11;
	v21 =	vld [tilespmem:s13+$0x9C60];
	[tilespmem:s31+$0x14400] =	vst v12;
	s31 =	sor.u32 $0x1860, s17  }
0x701: {  	s23 =	sor.u32 $0x1860, s18;
	v12 =	vld [tilespmem:s31+$0x8400]  }
0x702: {  	v22 =	vld [tilespmem:s23+$0x8400];
	[tilespmem:s28+$0x14400] =	vst v11;
	s28 =	sor.u32 $0x1860, s20  }
0x703: {  	v11 =	vld [tilespmem:s28+$0x8400]  }
0x704: {  	v23 =	vld [tilespmem:s16+$0x9C60]  }
0x705: {  	v14 =	vmul.f32 v14, v5;
	v15 =	vmul.f32 v21, v6;
	_ =	sdelay $0x1  }
0x706: {  	v13 =	vmul.f32 v22, v7;
	v12 =	vmul.f32 v12, v8;
	v14 =	vadd.f32 v15, v14;
	_ =	sdelay $0x1  }
0x707: {  	v11 =	vmul.f32 v11, v9;
	v24 =	vmul.f32 v23, v10;
	v12 =	vadd.f32 v12, v13;
	[tilespmem:s24+$0x14400] =	vst v14  }
0x708: {  	s31 =	sor.u32 $0x1870, s19;
	v14 =	vld [tilespmem:s13+$0x9C70]  }
0x709: {  	s24 =	sor.u32 $0x1870, s17;
	v11 =	vadd.f32 v24, v11;
	v25 =	vld [tilespmem:s31+$0x8400];
	[tilespmem:s23+$0x14400] =	vst v12  }
0x70a: {  	s23 =	sor.u32 $0x1870, s18;
	v12 =	vld [tilespmem:s24+$0x8400]  }
0x70b: {  	[tilespmem:s28+$0x14400] =	vst v11;
	v26 =	vld [tilespmem:s23+$0x8400]  }
0x70c: {  	s28 =	sor.u32 $0x1870, s20;
	v27 =	vld [tilespmem:s16+$0x9C70]  }
0x70d: {  	v28 =	vld [tilespmem:s28+$0x8400]  }
0x70e: {  	v15 =	vmul.f32 v25, v5;
	v14 =	vmul.f32 v14, v6;
	_ =	sdelay $0x1  }
0x70f: {  	v11 =	vmul.f32 v26, v7;
	v12 =	vmul.f32 v12, v8;
	v14 =	vadd.f32 v14, v15;
	_ =	sdelay $0x1  }
0x710: {  	v29 =	vmul.f32 v28, v9;
	v13 =	vmul.f32 v27, v10;
	v11 =	vadd.f32 v12, v11;
	[tilespmem:s31+$0x14400] =	vst v14;
	s31 =	sor.u32 $0x1C00, s22  }
0x711: {  	s24 =	sor.u32 $0x1C00, s19;
	v14 =	vld [tilespmem:s31+$0x8400]  }
0x712: {  	v31 =	vadd.f32 v13, v29;
	v30 =	vld [tilespmem:s24+$0x8400];
	[tilespmem:s23+$0x14400] =	vst v11;
	s23 =	sor.u32 $0x1C00, s17  }
0x713: {  	s25 =	sor.u32 $0x1C00, s18;
	s13 =	sadd.s32 $0x4D80, s21;
	v32 =	vld [tilespmem:s23+$0x8400]  }
0x714: {  	v33 =	vld [tilespmem:s25+$0x8400];
	[tilespmem:s28+$0x14400] =	vst v31;
	s28 =	sor.u32 $0x1C00, s13  }
0x715: {  	s31 =	sor.u32 $0x1C00, s20;
	v11 =	vld [tilespmem:s28+$0x8400]  }
0x716: {  	v34 =	vld [tilespmem:s31+$0x8400]  }
0x717: {  	v15 =	vmul.f32 v30, v5;
	v14 =	vmul.f32 v14, v6;
	_ =	sdelay $0x1  }
0x718: {  	v13 =	vmul.f32 v33, v7;
	v12 =	vmul.f32 v32, v8;
	v14 =	vadd.f32 v14, v15;
	_ =	sdelay $0x1  }
0x719: {  	v35 =	vmul.f32 v34, v9;
	v11 =	vmul.f32 v11, v10;
	v12 =	vadd.f32 v12, v13;
	[tilespmem:s24+$0x14400] =	vst v14;
	s24 =	sor.u32 $0x1C10, s22  }
0x71a: {  	s21 =	sor.u32 $0x1C10, s19;
	v14 =	vld [tilespmem:s24+$0x8400]  }
0x71b: {  	v11 =	vadd.f32 v11, v35;
	v36 =	vld [tilespmem:s21+$0x8400];
	[tilespmem:s25+$0x14400] =	vst v12;
	s25 =	sor.u32 $0x1C10, s17  }
0x71c: {  	s28 =	sor.u32 $0x1C10, s18;
	v12 =	vld [tilespmem:s25+$0x8400]  }
0x71d: {  	v37 =	vld [tilespmem:s28+$0x8400];
	[tilespmem:s31+$0x14400] =	vst v11;
	s31 =	sor.u32 $0x1C10, s13  }
0x71e: {  	s24 =	sor.u32 $0x1C10, s20;
	v11 =	vld [tilespmem:s31+$0x8400]  }
0x71f: {  	v38 =	vld [tilespmem:s24+$0x8400]  }
0x720: {  	v15 =	vmul.f32 v36, v5;
	v14 =	vmul.f32 v14, v6;
	_ =	sdelay $0x1  }
0x721: {  	v13 =	vmul.f32 v37, v7;
	v12 =	vmul.f32 v12, v8;
	v14 =	vadd.f32 v14, v15;
	_ =	sdelay $0x1  }
0x722: {  	s25 =	sor.u32 $0x1C20, s22;
	v39 =	vmul.f32 v38, v9;
	v11 =	vmul.f32 v11, v10;
	v12 =	vadd.f32 v12, v13;
	[tilespmem:s21+$0x14400] =	vst v14  }
0x723: {  	s21 =	sor.u32 $0x1C20, s19;
	v14 =	vld [tilespmem:s25+$0x8400]  }
0x724: {  	v11 =	vadd.f32 v11, v39;
	v40 =	vld [tilespmem:s21+$0x8400];
	[tilespmem:s28+$0x14400] =	vst v12;
	s28 =	sor.u32 $0x1C20, s17  }
0x725: {  	s31 =	sor.u32 $0x1C20, s18;
	v12 =	vld [tilespmem:s28+$0x8400]  }
0x726: {  	v41 =	vld [tilespmem:s31+$0x8400];
	[tilespmem:s24+$0x14400] =	vst v11;
	s24 =	sor.u32 $0x1C20, s13  }
0x727: {  	s25 =	sor.u32 $0x1C20, s20;
	v11 =	vld [tilespmem:s24+$0x8400]  }
0x728: {  	v42 =	vld [tilespmem:s25+$0x8400]  }
0x729: {  	v15 =	vmul.f32 v40, v5;
	v14 =	vmul.f32 v14, v6;
	_ =	sdelay $0x1  }
0x72a: {  	v13 =	vmul.f32 v41, v7;
	v12 =	vmul.f32 v12, v8;
	v14 =	vadd.f32 v14, v15;
	_ =	sdelay $0x1  }
0x72b: {  	s28 =	sor.u32 $0x1C30, s22;
	v43 =	vmul.f32 v42, v9;
	v11 =	vmul.f32 v11, v10;
	v12 =	vadd.f32 v12, v13;
	[tilespmem:s21+$0x14400] =	vst v14  }
0x72c: {  	s21 =	sor.u32 $0x1C30, s19;
	v14 =	vld [tilespmem:s28+$0x8400]  }
0x72d: {  	v11 =	vadd.f32 v11, v43;
	v44 =	vld [tilespmem:s21+$0x8400];
	[tilespmem:s31+$0x14400] =	vst v12;
	s31 =	sor.u32 $0x1C30, s17  }
0x72e: {  	s24 =	sor.u32 $0x1C30, s18;
	v12 =	vld [tilespmem:s31+$0x8400]  }
0x72f: {  	v45 =	vld [tilespmem:s24+$0x8400];
	[tilespmem:s25+$0x14400] =	vst v11;
	s25 =	sor.u32 $0x1C30, s13  }
0x730: {  	s28 =	sor.u32 $0x1C30, s20;
	v11 =	vld [tilespmem:s25+$0x8400]  }
0x731: {  	v46 =	vld [tilespmem:s28+$0x8400]  }
0x732: {  	v15 =	vmul.f32 v44, v5;
	v14 =	vmul.f32 v14, v6;
	_ =	sdelay $0x1  }
0x733: {  	v13 =	vmul.f32 v45, v7;
	v12 =	vmul.f32 v12, v8;
	v14 =	vadd.f32 v14, v15;
	_ =	sdelay $0x1  }
0x734: {  	s31 =	sor.u32 $0x1C40, s22;
	v47 =	vmul.f32 v46, v9;
	v11 =	vmul.f32 v11, v10;
	v12 =	vadd.f32 v12, v13;
	[tilespmem:s21+$0x14400] =	vst v14  }
0x735: {  	s21 =	sor.u32 $0x1C40, s19;
	v14 =	vld [tilespmem:s31+$0x8400]  }
0x736: {  	v11 =	vadd.f32 v11, v47;
	v48 =	vld [tilespmem:s21+$0x8400];
	[tilespmem:s24+$0x14400] =	vst v12;
	s24 =	sor.u32 $0x1C40, s17  }
0x737: {  	s25 =	sor.u32 $0x1C40, s18;
	v12 =	vld [tilespmem:s24+$0x8400]  }
0x738: {  	v49 =	vld [tilespmem:s25+$0x8400];
	[tilespmem:s28+$0x14400] =	vst v11;
	s28 =	sor.u32 $0x1C40, s13  }
0x739: {  	s31 =	sor.u32 $0x1C40, s20;
	v11 =	vld [tilespmem:s28+$0x8400]  }
0x73a: {  	v50 =	vld [tilespmem:s31+$0x8400]  }
0x73b: {  	v15 =	vmul.f32 v48, v5;
	v14 =	vmul.f32 v14, v6;
	_ =	sdelay $0x1  }
0x73c: {  	v13 =	vmul.f32 v49, v7;
	v12 =	vmul.f32 v12, v8;
	v14 =	vadd.f32 v14, v15;
	_ =	sdelay $0x1  }
0x73d: {  	s24 =	sor.u32 $0x1C50, s22;
	v51 =	vmul.f32 v50, v9;
	v11 =	vmul.f32 v11, v10;
	v12 =	vadd.f32 v12, v13;
	[tilespmem:s21+$0x14400] =	vst v14  }
0x73e: {  	s21 =	sor.u32 $0x1C50, s19;
	v14 =	vld [tilespmem:s24+$0x8400]  }
0x73f: {  	v11 =	vadd.f32 v11, v51;
	v52 =	vld [tilespmem:s21+$0x8400];
	[tilespmem:s25+$0x14400] =	vst v12;
	s25 =	sor.u32 $0x1C50, s17  }
0x740: {  	s28 =	sor.u32 $0x1C50, s18;
	v12 =	vld [tilespmem:s25+$0x8400]  }
0x741: {  	v53 =	vld [tilespmem:s28+$0x8400];
	[tilespmem:s31+$0x14400] =	vst v11;
	s31 =	sor.u32 $0x1C50, s13  }
0x742: {  	s24 =	sor.u32 $0x1C50, s20;
	v11 =	vld [tilespmem:s31+$0x8400]  }
0x743: {  	v54 =	vld [tilespmem:s24+$0x8400]  }
0x744: {  	v15 =	vmul.f32 v52, v5;
	v14 =	vmul.f32 v14, v6;
	_ =	sdelay $0x1  }
0x745: {  	v13 =	vmul.f32 v53, v7;
	v12 =	vmul.f32 v12, v8;
	v14 =	vadd.f32 v14, v15;
	_ =	sdelay $0x1  }
0x746: {  	s25 =	sor.u32 $0x1C60, s22;
	v55 =	vmul.f32 v54, v9;
	v11 =	vmul.f32 v11, v10;
	v12 =	vadd.f32 v12, v13;
	[tilespmem:s21+$0x14400] =	vst v14  }
0x747: {  	s21 =	sor.u32 $0x1C60, s19;
	v14 =	vld [tilespmem:s25+$0x8400]  }
0x748: {  	v11 =	vadd.f32 v11, v55;
	v56 =	vld [tilespmem:s21+$0x8400];
	[tilespmem:s28+$0x14400] =	vst v12;
	s28 =	sor.u32 $0x1C60, s17  }
0x749: {  	s31 =	sor.u32 $0x1C60, s18;
	v12 =	vld [tilespmem:s28+$0x8400]  }
0x74a: {  	v57 =	vld [tilespmem:s31+$0x8400];
	[tilespmem:s24+$0x14400] =	vst v11;
	s24 =	sor.u32 $0x1C60, s13  }
0x74b: {  	s25 =	sor.u32 $0x1C60, s20;
	v11 =	vld [tilespmem:s24+$0x8400]  }
0x74c: {  	v58 =	vld [tilespmem:s25+$0x8400]  }
0x74d: {  	v15 =	vmul.f32 v56, v5;
	v14 =	vmul.f32 v14, v6;
	_ =	sdelay $0x1  }
0x74e: {  	v13 =	vmul.f32 v57, v7;
	v12 =	vmul.f32 v12, v8;
	v14 =	vadd.f32 v14, v15;
	_ =	sdelay $0x1  }
0x74f: {  	s19 =	sor.u32 $0x1C70, s19;
	v59 =	vmul.f32 v58, v9;
	v11 =	vmul.f32 v11, v10;
	v12 =	vadd.f32 v12, v13;
	[tilespmem:s21+$0x14400] =	vst v14  }
0x750: {  	s28 =	sor.u32 $0x1C70, s22;
	v14 =	vld [tilespmem:s19+$0x8400]  }
0x751: {  	s18 =	sor.u32 $0x1C70, s18;
	v11 =	vadd.f32 v11, v59;
	v60 =	vld [tilespmem:s28+$0x8400];
	[tilespmem:s31+$0x14400] =	vst v12  }
0x752: {  	s17 =	sor.u32 $0x1C70, s17;
	v12 =	vld [tilespmem:s18+$0x8400]  }
0x753: {  	s31 =	sor.u32 $0x1C70, s20;
	v61 =	vld [tilespmem:s17+$0x8400];
	[tilespmem:s25+$0x14400] =	vst v11  }
0x754: {  	s13 =	sor.u32 $0x1C70, s13;
	v11 =	vld [tilespmem:s31+$0x8400]  }
0x755: {  	v62 =	vld [tilespmem:s13+$0x8400];
	_ =	sdelay $0x2  }
0x756: {  	v5 =	vmul.f32 v14, v5;
	v6 =	vmul.f32 v60, v6  }
0x757: {  	p1 =	slt.u32 s9, $0xC;
	v7 =	vmul.f32 v12, v7;
	v8 =	vmul.f32 v61, v8  }
.Ltmp4:
0x758: {  	v5 =	vadd.f32 v6, v5;
	v6 =	vmul.f32 v11, v9;
	v63 =	vmul.f32 v62, v10;
	(pc) =	sbr.rel @p1 .LBB2_9-.Ltmp4, $4  }
0x759: {  	v7 =	vadd.f32 v8, v7  }
0x75a: {  	p0 =	por !p0, !p0;
	[tilespmem:s19+$0x14400] =	vst v5;
	v5 =	vadd.f32 v63, v6  }
0x75b: {  	s6 =	sadd.s32 $0x1200, s6;
	s8 =	sadd.s32 $0x200, s8;
	s15 =	sadd.s32 $0x4, s15;
	[tilespmem:s18+$0x14400] =	vst v7  }
0x75c: {  	s14 =	sadd.s32 $0x2, s14;
	s9 =	sadd.s32 $0x4, s9;
	s7 =	sadd.s32 $0x1000, s7;
	[tilespmem:s31+$0x14400] =	vst v5  }
0x75d: {  	s0 =	sadd.s32 $0x1, s0  }
0x75e: {  	p0 =	sne.s32 s0, $0x8  }
.Ltmp5:
0x75f: {  	_ = 	snop;
	(pc) =	sbr.rel @p0 .LBB2_2-.Ltmp5, $4  }
0x760: {  	s1 =	sadd.s32 s5, s1  }
0x761: {  	s1 =	sshll.u32 s1, $0x7  }
0x762: {  	s6 =	simm.s32 $0x14400;
	s1 =	sadd.s32 s3, s1  }
0x763: {  	[hbm4b:s1+s4] =	stream.linear.scatter [tilespmem:s6], [sflag:$0x5], $0x4000, $0x38;
	[tilespmem:$0x18400] =	vst v63  }
0x764: {  	s0 =	simm.s32 $0x4  }
0x765: {  	_ =	swait.ge [sflag:s0], $0x4000  }
0x766: {  	[sflag:s0] =	ssyncset.done $0x0  }
0x767: {  	[sflag:s0] =	ssyncadd.s32 $0xFFFFC000  }
0x768: {  	_ =	swait.ge [sflag:s30], $0x4000  }
0x769: {  	s1 =	rddreg [dreg:$0x9]  }
0x76a: {  	s31 =	rddreg [dreg:$0x8];
	s1 =	sadd.s32 $0x1, s1  }
0x76b: {  	p0 =	sne.s32 s1, s31  }
.Ltmp6:
0x76c: {  	_ = 	snop;
	(pc) =	sbr.rel @p0 .LBB2_1-.Ltmp6, $3  }
0x76d: {  	_ =	sdelay $0x1  }
0x76e: {  	[sflag:s30] =	ssyncset.done $0x0  }
0x76f: {  	[sflag:s30] =	ssyncadd.s32 $0xFFFFC000  }
0x770: {  	_ =	sfence.sel $0x180000  }
0x771: {  	[bflag:$0x0] =	sbarrier.arrive $0xFFFF  }
0x772: {  	_ =	strace $0x90000047  }
0x773: {  	s0 =	stileid.u32;
	[bflag:$0x2] =	sbarrier.arrive $0xFFFF  }
0x774: {  	p0 =	sne.s32 s0, $0x0;
	s0 =	rddreg [dreg:$0x3]  }
0x775: {  	s0 =	sadd.s32 @!p0 $0x100000, s0  }
0x776: {  	[sflag:s0] =	ssyncadd.tile.s32 @!p0 $0x1;
	_ =	shalt  }
.Lfunc_end2:
_tile_overlayer_lowered:
.L_overlay_start_2:
0x777: {  	(tag) =	ssettag $0x2  }
0x778: {  	s0 =	rddreg [dreg:$0x0];
	s2 =	stileid.u32  }
0x779: {  	s1 =	rddreg [dreg:$0x1];
	p0 =	sne.s32 s2, $0x0  }
0x77a: {  	s3 =	rddreg [dreg:$0x2];
	[bflag:$0x3] =	sbarrier.arrive $0xFFFF;
	s2 =	simm.s32 @!p0 $0x1C06  }
0x77b: {  	[timem:s3], [sflag:s2] =	dma.local @!p0 [hbm:s0], s1  }
0x77c: {  	s0 =	simm.s32 @!p0 $0x6  }
0x77d: {  	_ =	swait.ge @!p0 [sflag:s0], s1  }
0x77e: {  	s1 =	ssub.s32 @!p0 $0x0, s1;
	[sflag:s0] =	ssyncset.done @!p0 $0x0  }
0x77f: {  	[sflag:s0] =	ssyncadd.s32 @!p0 s1  }
0x780: {  	[bflag:$0x3] =	sbarrier.arrive $0xFFFF  }
0x781: {  	_ =	shalt  }

</sc_bundles>
